<compile_context>
chip_gen: v7x
topology: tpu7x:2x2x1
jax: 0.10.2.dev20260603
libtpu: 0.0.44.dev20260713+nightly
codegen_flags: <defaults>
</compile_context>

<pallas_src>
import jax
import jax.numpy as jnp
from jax import lax
from jax.experimental import pallas as pl
from jax.experimental.pallas import tpu as pltpu
from jax.experimental.pallas import tpu_sc as plsc

N_NODES = 100000
N_DIH = 1600000
N_TYPES = 20
N_BATCH = 1000

NC = 2
NS = 16
NW = NC * NS
L = 16

CHUNK = 512
NSUB = CHUNK // 128
CHUNKS = 98
PER_TILE = CHUNKS * CHUNK
PADN = (NW - 1) * PER_TILE + (CHUNKS + 2) * CHUNK

ACC_SLOTS = 1024
ROW = 16

_f32 = jnp.float32
_i32 = jnp.int32


def _spl_f(v):
    return jnp.full((L,), v, _f32)


def _spl_i(v):
    return jnp.full((L,), v, _i32)


def _rsqrt16(x):
    xi = plsc.bitcast(x, _i32)
    yi = _spl_i(0x5F3759DF) - (xi >> 1)
    y = plsc.bitcast(yi, _f32)
    half_x = _spl_f(0.5) * x
    for _ in range(3):
        y = y * (_spl_f(1.5) - half_x * y * y)
    return y


def _sc_body(nodes, m0, m1, m2, m3, batp, ptab, out,
             map_v, bat_v, pos_v, pidx_v, cos_v, sin_v, par_v, acc_v, eng_v,
             gsem, msem, psem):
    mrows = (m0, m1, m2, m3)
    cid = lax.axis_index("c")
    sid = lax.axis_index("s")
    wid = sid * NC + cid
    tile_base = wid * PER_TILE

    lane = lax.iota(_i32, L)

    def _zero(i, carry):
        acc_v[pl.ds(i * L, L)] = _spl_f(0.0)
        return carry
    lax.fori_loop(0, (L * ACC_SLOTS) // L, _zero, 0)

    MSLOT = 4 * CHUNK
    PSLOT = 4 * CHUNK

    def fire_map(ci, slot):
        base = tile_base + ci * CHUNK
        for j in range(4):
            pltpu.async_copy(mrows[j].at[pl.ds(base, CHUNK)],
                             map_v.at[pl.ds(slot * MSLOT + j * CHUNK, CHUNK)],
                             msem)
        pltpu.async_copy(batp.at[pl.ds(base, CHUNK)],
                         bat_v.at[pl.ds(slot * CHUNK, CHUNK)], msem)

    def drain_map():
        for j in range(4):
            pltpu.make_async_copy(m0.at[pl.ds(0, CHUNK)],
                                  map_v.at[pl.ds(j * CHUNK, CHUNK)],
                                  msem).wait()
        pltpu.make_async_copy(batp.at[pl.ds(0, CHUNK)],
                              bat_v.at[pl.ds(0, CHUNK)], msem).wait()

    def fire_gathers(slot):
        for j in range(4):
            for kk in range(NSUB):
                idx = map_v.at[pl.ds(slot * MSLOT + j * CHUNK + kk * 128, 128)]
                dst = pos_v.at[pl.ds(slot * PSLOT + (j * NSUB + kk) * 128, 128)]
                pltpu.async_copy(nodes.at[idx], dst, gsem)

    def drain_gathers():
        for j in range(4):
            for kk in range(NSUB):
                dst = pos_v.at[pl.ds((j * NSUB + kk) * 128, 128)]
                pltpu.make_async_copy(nodes.at[pl.ds(0, 128)], dst, gsem).wait()

    def _pass_a(kk, pbase):
        def body(g8, carry):
            off = g8 * L
            row = lane + off

            def ld(j, c):
                return plsc.load_gather(
                    pos_v, [pbase + _spl_i((j * NSUB + kk) * 128) + row,
                            _spl_i(c)])

            p = [[ld(j, c) for c in range(3)] for j in range(4)]
            ti = [ld(j, 3).astype(_i32) for j in range(4)]

            b0 = [p[0][c] - p[1][c] for c in range(3)]
            b1 = [p[2][c] - p[1][c] for c in range(3)]
            b2 = [p[3][c] - p[2][c] for c in range(3)]
            s = b1[0] * b1[0] + b1[1] * b1[1] + b1[2] * b1[2]
            d01 = b0[0] * b1[0] + b0[1] * b1[1] + b0[2] * b1[2]
            d21 = b2[0] * b1[0] + b2[1] * b1[1] + b2[2] * b1[2]
            d02 = b0[0] * b2[0] + b0[1] * b2[1] + b0[2] * b2[2]
            crx = b0[1] * b2[2] - b0[2] * b2[1]
            cry = b0[2] * b2[0] - b0[0] * b2[2]
            crz = b0[0] * b2[1] - b0[1] * b2[0]
            tt = b1[0] * crx + b1[1] * cry + b1[2] * crz

            zero = _spl_f(0.0)
            one = _spl_f(1.0)
            szero = s == zero
            rs = _rsqrt16(jnp.where(szero, one, s))
            x = s * d02 - d01 * d21
            y = s * rs * tt
            x = jnp.where(szero, d02, x)
            y = jnp.where(szero, zero, y)
            r2 = x * x + y * y
            r2z = r2 == zero
            inv = _rsqrt16(jnp.where(r2z, one, r2))
            cosv = jnp.where(r2z, one, x * inv)
            sinv = jnp.where(r2z, zero, y * inv)

            goff = kk * 128 + off
            cos_v[pl.ds(goff, L)] = cosv
            sin_v[pl.ds(goff, L)] = sinv

            twenty = _spl_i(N_TYPES)
            pidx = ((ti[0] * twenty + ti[1]) * twenty + ti[2]) * twenty + ti[3]
            pidx_v[kk, pl.ds(off, L)] = pidx
            return carry
        return body

    def _pass_b(kk, bbase):
        def body(g8, carry):
            off = g8 * L
            goff = kk * 128 + off
            row = lane + off + kk * 128
            pr = [plsc.load_gather(par_v, [row, _spl_i(c)]) for c in range(7)]
            cosv = cos_v[pl.ds(goff, L)]
            sinv = sin_v[pl.ds(goff, L)]
            bid = bat_v[pl.ds(bbase + goff, L)]
            one = _spl_f(1.0)
            two = _spl_f(2.0)
            c2 = two * cosv * cosv - one
            s2 = two * sinv * cosv
            dd = two * c2
            c3 = cosv * (dd - one)
            s3 = sinv * (dd + one)
            v = pr[0] - (pr[1] * cosv + pr[2] * sinv + pr[3] * c2 +
                         pr[4] * s2 + pr[5] * c3 + pr[6] * s3)
            addr = lane * _spl_i(ACC_SLOTS) + bid
            plsc.addupdate_scatter(acc_v, [addr], v)
            return carry
        return body

    for j in range(4):
        pltpu.sync_copy(mrows[j].at[pl.ds(tile_base, CHUNK)],
                        map_v.at[pl.ds(j * CHUNK, CHUNK)])
    pltpu.sync_copy(batp.at[pl.ds(tile_base, CHUNK)],
                    bat_v.at[pl.ds(0, CHUNK)])
    fire_gathers(0)
    fire_map(1, 1)

    def loop(i, carry):
        p = i & 1
        q = 1 - p
        drain_gathers()
        drain_map()
        fire_gathers(q)
        pbase = jnp.broadcast_to(p * PSLOT, (L,)).astype(_i32)
        for kk in range(NSUB):
            lax.fori_loop(0, 128 // L, _pass_a(kk, pbase), 0)
            pltpu.async_copy(ptab.at[pidx_v.at[kk]],
                             par_v.at[pl.ds(kk * 128, 128)], psem)
        bbase = p * CHUNK
        for kk in range(NSUB):
            pltpu.make_async_copy(ptab.at[pl.ds(0, 128)],
                                  par_v.at[pl.ds(kk * 128, 128)], psem).wait()
            lax.fori_loop(0, 128 // L, _pass_b(kk, bbase), 0)
        fire_map(i + 2, p)
        return carry
    lax.fori_loop(0, CHUNKS, loop, 0)
    drain_gathers()
    drain_map()

    def _fold(j, carry):
        col = j * L
        v = acc_v[pl.ds(col, L)]
        for r in range(1, L):
            v = v + acc_v[pl.ds(r * ACC_SLOTS + col, L)]
        eng_v[pl.ds(col, L)] = v
        return carry
    lax.fori_loop(0, ACC_SLOTS // L, _fold, 0)

    pltpu.sync_copy(eng_v, out.at[pl.ds(wid * ACC_SLOTS, ACC_SLOTS)])


_sc_kernel = pl.kernel(
    _sc_body,
    out_type=jax.ShapeDtypeStruct((NW * ACC_SLOTS,), _f32),
    mesh=plsc.VectorSubcoreMesh(core_axis_name="c", subcore_axis_name="s"),
    compiler_params=pltpu.CompilerParams(
        needs_layout_passes=False, use_tc_tiling_on_sc=False),
    scratch_types=[
        pltpu.VMEM((2 * 4 * CHUNK,), _i32),
        pltpu.VMEM((2 * CHUNK,), _i32),
        pltpu.VMEM((2 * 4 * CHUNK, ROW), _f32),
        pltpu.VMEM((NSUB, 128), _i32),
        pltpu.VMEM((CHUNK,), _f32),
        pltpu.VMEM((CHUNK,), _f32),
        pltpu.VMEM((CHUNK, ROW), _f32),
        pltpu.VMEM((L * ACC_SLOTS,), _f32),
        pltpu.VMEM((ACC_SLOTS,), _f32),
        pltpu.SemaphoreType.DMA,
        pltpu.SemaphoreType.DMA,
        pltpu.SemaphoreType.DMA,
    ],
)


PK_N_CNT = 3136
PK_N_STRIDE = 3128
PK_P_CNT = 5008
PK_P_STRIDE = 5000
PK_P_HALF = (2512, 2496)


def _pack_body(posf, typ, c0, c1, c2, c3, c4, c5, c6,
               nodes_out, ptab_out,
               posb, typb, packb, cb0, cb1, cb2, cb3, cb4, cb5, cb6, packp,
               sem):
    cid = lax.axis_index("c")
    sid = lax.axis_index("s")
    wid = sid * NC + cid
    lane = lax.iota(_i32, L)

    nbase = jnp.minimum(wid * PK_N_STRIDE, N_NODES - PK_N_CNT)
    pltpu.sync_copy(posf.at[pl.ds(nbase * 3, PK_N_CNT * 3)], posb)
    pltpu.sync_copy(typ.at[pl.ds(nbase, PK_N_CNT)], typb)
    for h in range(2):
        hoff = h * (PK_N_CNT // 2)

        def ngrp(gl, carry):
            lh = lane + gl * L
            src = (lh + hoff) * _spl_i(3)
            for c in range(3):
                v = plsc.load_gather(posb, [src + _spl_i(c)])
                plsc.store_scatter(packb, [lh, _spl_i(c)], v)
            tv = typb[pl.ds(hoff + gl * L, L)].astype(_f32)
            plsc.store_scatter(packb, [lh, _spl_i(3)], tv)
            return carry
        lax.fori_loop(0, PK_N_CNT // 2 // L, ngrp, 0)
        pltpu.sync_copy(
            packb, nodes_out.at[pl.ds(nbase + hoff, PK_N_CNT // 2)])

    pbase = jnp.minimum(wid * PK_P_STRIDE, N_TYPES ** 4 - PK_P_CNT)
    cbs = [cb0, cb1, cb2, cb3, cb4, cb5, cb6]
    planes = [c0, c1, c2, c3, c4, c5, c6]
    for h in range(2):
        hoff = h * PK_P_HALF[0]
        cnt = PK_P_HALF[h]
        for cb, pf in zip(cbs, planes):
            pltpu.sync_copy(pf.at[pl.ds(pbase + hoff, cnt)],
                            cb.at[pl.ds(0, cnt)])

        def pgrp(gl, carry):
            lh = lane + gl * L
            for c in range(7):
                v = cbs[c][pl.ds(gl * L, L)]
                plsc.store_scatter(packp, [lh, _spl_i(c)], v)
            return carry
        lax.fori_loop(0, cnt // L, pgrp, 0)
        pltpu.sync_copy(packp.at[pl.ds(0, cnt)],
                        ptab_out.at[pl.ds(pbase + hoff, cnt)])


_pack_kernel = pl.kernel(
    _pack_body,
    out_type=(jax.ShapeDtypeStruct((N_NODES, ROW), _f32),
              jax.ShapeDtypeStruct((N_TYPES ** 4, ROW), _f32)),
    mesh=plsc.VectorSubcoreMesh(core_axis_name="c", subcore_axis_name="s"),
    compiler_params=pltpu.CompilerParams(
        needs_layout_passes=False, use_tc_tiling_on_sc=False),
    scratch_types=[
        pltpu.VMEM((PK_N_CNT * 3,), _f32),
        pltpu.VMEM((PK_N_CNT,), _i32),
        pltpu.VMEM((PK_N_CNT // 2, ROW), _f32),
    ] + [pltpu.VMEM((PK_P_HALF[0],), _f32)] * 7
    + [
        pltpu.VMEM((PK_P_HALF[0], ROW), _f32),
        pltpu.SemaphoreType.DMA,
    ],
)


def _prep_body(t0, k0, t1, k1, t2, k2, csum, a0, b0, a1, b1, a2, b2):
    csum[...] = k0[...] + k1[...] + k2[...]
    a0[...] = k0[...] * jnp.cos(t0[...])
    b0[...] = k0[...] * jnp.sin(t0[...])
    a1[...] = k1[...] * jnp.cos(t1[...])
    b1[...] = k1[...] * jnp.sin(t1[...])
    a2[...] = k2[...] * jnp.cos(t2[...])
    b2[...] = k2[...] * jnp.sin(t2[...])


def _finish_body(x, o):
    o[...] = jnp.sum(x[...], axis=0)


def kernel(pos, mapping, mapping_batch, atom_types,
           theta_0, k_0, theta_1, k_1, theta_2, k_2):
    ntab = N_TYPES ** 4
    shape2d = (ntab // 128, 128)
    tabs = [a.reshape(shape2d) for a in
            (theta_0, k_0, theta_1, k_1, theta_2, k_2)]
    coef = pl.pallas_call(
        _prep_body,
        out_shape=[jax.ShapeDtypeStruct(shape2d, _f32)] * 7,
    )(*tabs)

    nodes, ptab = _pack_kernel(
        pos.reshape(-1), atom_types, *[c.reshape(-1) for c in coef])

    mpad = [jnp.pad(mapping[j], (0, PADN - N_DIH)) for j in range(4)]
    bpad = jnp.pad(mapping_batch, (0, PADN - N_DIH),
                   constant_values=N_BATCH)
    part = _sc_kernel(nodes, mpad[0], mpad[1], mpad[2], mpad[3], bpad, ptab)

    eng = pl.pallas_call(
        _finish_body,
        out_shape=jax.ShapeDtypeStruct((ACC_SLOTS // 128, 128), _f32),
    )(part.reshape(NW, ACC_SLOTS // 128, 128))
    return eng.reshape(ACC_SLOTS)[:N_BATCH]

# --- scband reference (transcript-rebuilt; emitter-appended) ---
"""Pipeline reference for scband-dihedral-78950088835407 (READ-ONLY COPY).

The authoritative reference and input builder live on the scoring server;
editing this copy changes nothing except your own understanding.
"""

import jax, jax.numpy as jnp
import numpy as np

N_NODES = 100000
N_DIHEDRALS = 1600000
N_TYPES = 20
N_BATCH = 1000


def _compute_dihedrals(pos, mapping):
    p0 = pos[mapping[0]]
    p1 = pos[mapping[1]]
    p2 = pos[mapping[2]]
    p3 = pos[mapping[3]]
    b0 = p0 - p1
    b1 = p2 - p1
    b2 = p3 - p2
    b1n = b1 / (jnp.linalg.norm(b1, axis=-1, keepdims=True) + 1e-12)
    v = b0 - jnp.sum(b0 * b1n, axis=-1, keepdims=True) * b1n
    w = b2 - jnp.sum(b2 * b1n, axis=-1, keepdims=True) * b1n
    x = jnp.sum(v * w, axis=-1)
    y = jnp.sum(jnp.cross(b1n, v) * w, axis=-1)
    return jnp.arctan2(y, x)


def setup_inputs(seed: int = 0) -> dict:
    key = jax.random.key(seed)
    ks = jax.random.split(key, 10)
    pos = jax.random.normal(ks[0], (N_NODES, 3), dtype=jnp.float32) * 5.0
    mapping = jax.random.randint(ks[1], (4, N_DIHEDRALS), 0, N_NODES, dtype=jnp.int64 if jax.config.read('jax_enable_x64') else jnp.int32).astype(jnp.int32)
    mapping_batch = jnp.sort(jax.random.randint(ks[2], (N_DIHEDRALS,), 0, N_BATCH).astype(jnp.int32))
    atom_types = jax.random.randint(ks[3], (N_NODES,), 0, N_TYPES).astype(jnp.int32)
    shp = (N_TYPES, N_TYPES, N_TYPES, N_TYPES)
    theta_0 = jax.random.normal(ks[4], shp, dtype=jnp.float32)
    k_0 = jax.random.uniform(ks[5], shp, dtype=jnp.float32)
    theta_1 = jax.random.normal(ks[6], shp, dtype=jnp.float32)
    k_1 = jax.random.uniform(ks[7], shp, dtype=jnp.float32)
    theta_2 = jax.random.normal(ks[8], shp, dtype=jnp.float32)
    k_2 = jax.random.uniform(ks[9], shp, dtype=jnp.float32)
    return {
        'pos': pos, 'mapping': mapping, 'mapping_batch': mapping_batch,
        'atom_types': atom_types, 'theta_0': theta_0, 'k_0': k_0,
        'theta_1': theta_1, 'k_1': k_1, 'theta_2': theta_2, 'k_2': k_2,
    }


def reference(pos, mapping, mapping_batch, atom_types, theta_0, k_0, theta_1, k_1, theta_2, k_2):
    # interaction types: gather atom type for each of the 4 atoms of each dihedral
    it0 = atom_types[mapping[0]]
    it1 = atom_types[mapping[1]]
    it2 = atom_types[mapping[2]]
    it3 = atom_types[mapping[3]]
    theta = _compute_dihedrals(pos, mapping).flatten()
    t0 = theta_0[it0, it1, it2, it3]
    c0 = k_0[it0, it1, it2, it3]
    t1 = theta_1[it0, it1, it2, it3]
    c1 = k_1[it0, it1, it2, it3]
    t2 = theta_2[it0, it1, it2, it3]
    c2 = k_2[it0, it1, it2, it3]
    V = c0 * (1.0 - jnp.cos(1.0 * theta - t0))
    V = V + c1 * (1.0 - jnp.cos(2.0 * theta - t1))
    V = V + c2 * (1.0 - jnp.cos(3.0 * theta - t2))
    energy = jax.ops.segment_sum(V, mapping_batch, num_segments=N_BATCH)
    return energy

if __name__ == "__main__":
    import jax
    _d = setup_inputs()
    print(jax.jit(kernel)(*tuple(_d.values())))

</pallas_src>

<mosaic_0001>
#map = affine_map<(d0, d1) -> (0)>
#map1 = affine_map<(d0, d1) -> (0, 0)>
module attributes {stable_mosaic.version = 14 : i64} {
  func.func @_pack_body(%arg0: i32, %arg1: i32, %arg2: memref<300000xf32, #tpu.memory_space<hbm>>, %arg3: memref<100000xi32, #tpu.memory_space<hbm>>, %arg4: memref<160000xf32, #tpu.memory_space<hbm>>, %arg5: memref<160000xf32, #tpu.memory_space<hbm>>, %arg6: memref<160000xf32, #tpu.memory_space<hbm>>, %arg7: memref<160000xf32, #tpu.memory_space<hbm>>, %arg8: memref<160000xf32, #tpu.memory_space<hbm>>, %arg9: memref<160000xf32, #tpu.memory_space<hbm>>, %arg10: memref<160000xf32, #tpu.memory_space<hbm>>, %arg11: memref<100000x16xf32, #tpu.memory_space<hbm>>, %arg12: memref<160000x16xf32, #tpu.memory_space<hbm>>, %arg13: memref<9408xf32, #tpu.memory_space<vmem>>, %arg14: memref<3136xi32, #tpu.memory_space<vmem>>, %arg15: memref<1568x16xf32, #tpu.memory_space<vmem>>, %arg16: memref<2512xf32, #tpu.memory_space<vmem>>, %arg17: memref<2512xf32, #tpu.memory_space<vmem>>, %arg18: memref<2512xf32, #tpu.memory_space<vmem>>, %arg19: memref<2512xf32, #tpu.memory_space<vmem>>, %arg20: memref<2512xf32, #tpu.memory_space<vmem>>, %arg21: memref<2512xf32, #tpu.memory_space<vmem>>, %arg22: memref<2512xf32, #tpu.memory_space<vmem>>, %arg23: memref<2512x16xf32, #tpu.memory_space<vmem>>, %arg24: memref<!tpu.dma_semaphore, #tpu.memory_space<semaphore_mem>>) attributes {dimension_semantics = [#tpu.dimension_semantics<core_parallel>, #tpu.dimension_semantics<subcore_parallel>], iteration_bounds = array<i64: 2, 16>, scalar_prefetch = 0 : i64, scratch_operands = 12 : i64, tpu.core_type = #tpu.core_type<sc_vector_subcore>, window_params = [{transform_indices = #map}, {transform_indices = #map}, {transform_indices = #map}, {transform_indices = #map}, {transform_indices = #map}, {transform_indices = #map}, {transform_indices = #map}, {transform_indices = #map}, {transform_indices = #map}, {transform_indices = #map1}, {transform_indices = #map1}]} {
    %mul3A = arith.constant 2 : i32
    %mul3A_0 = arith.muli %arg1, %mul3A : i32
    %add3A = arith.addi %mul3A_0, %arg0 : i32
    %iota3A = tpu.iota {dimensions = array<i32: 0>} : vector<16xi32>
    %mul3A_1 = arith.constant 3128 : i32
    %mul3A_2 = arith.muli %add3A, %mul3A_1 : i32
    %min3A = arith.constant 96864 : i32
    %min3A_3 = arith.minsi %mul3A_2, %min3A : i32
    %mul3A_4 = arith.constant 3 : i32
    %mul3A_5 = arith.muli %min3A_3, %mul3A_4 : i32
    "tpu.region"() ({
      %run_scoped3A = tpu.sem_alloc : memref<!tpu.dma_semaphore, #tpu.memory_space<semaphore_mem>>
      %dma_start3A = tpu.memref_slice %arg2[%mul3A_5] : memref<300000xf32, #tpu.memory_space<hbm>> -> memref<9408xf32, #tpu.memory_space<hbm>>
      %dma_start3A_69 = tpu.memref_slice %arg2[%mul3A_5] : memref<300000xf32, #tpu.memory_space<hbm>> -> memref<9408xf32, #tpu.memory_space<hbm>>
      tpu.enqueue_dma source(%dma_start3A_69 : memref<9408xf32, #tpu.memory_space<hbm>>) target(%arg13 : memref<9408xf32, #tpu.memory_space<vmem>>) target_semaphore(%run_scoped3A : memref<!tpu.dma_semaphore, #tpu.memory_space<semaphore_mem>>)
      %dma_wait3A = tpu.memref_slice %arg2[%mul3A_5] : memref<300000xf32, #tpu.memory_space<hbm>> -> memref<9408xf32, #tpu.memory_space<hbm>>
      %dma_wait3A_70 = tpu.memref_slice %arg2[%mul3A_5] : memref<300000xf32, #tpu.memory_space<hbm>> -> memref<9408xf32, #tpu.memory_space<hbm>>
      tpu.wait_dma2 semaphore(%run_scoped3A : memref<!tpu.dma_semaphore, #tpu.memory_space<semaphore_mem>>) src(%dma_wait3A_70 : memref<9408xf32, #tpu.memory_space<hbm>>) dst(%arg13 : memref<9408xf32, #tpu.memory_space<vmem>>)
      tpu.yield
    }) : () -> ()
    "tpu.region"() ({
      %run_scoped3A = tpu.sem_alloc : memref<!tpu.dma_semaphore, #tpu.memory_space<semaphore_mem>>
      %dma_start3A = tpu.memref_slice %arg3[%min3A_3] : memref<100000xi32, #tpu.memory_space<hbm>> -> memref<3136xi32, #tpu.memory_space<hbm>>
      %dma_start3A_69 = tpu.memref_slice %arg3[%min3A_3] : memref<100000xi32, #tpu.memory_space<hbm>> -> memref<3136xi32, #tpu.memory_space<hbm>>
      tpu.enqueue_dma source(%dma_start3A_69 : memref<3136xi32, #tpu.memory_space<hbm>>) target(%arg14 : memref<3136xi32, #tpu.memory_space<vmem>>) target_semaphore(%run_scoped3A : memref<!tpu.dma_semaphore, #tpu.memory_space<semaphore_mem>>)
      %dma_wait3A = tpu.memref_slice %arg3[%min3A_3] : memref<100000xi32, #tpu.memory_space<hbm>> -> memref<3136xi32, #tpu.memory_space<hbm>>
      %dma_wait3A_70 = tpu.memref_slice %arg3[%min3A_3] : memref<100000xi32, #tpu.memory_space<hbm>> -> memref<3136xi32, #tpu.memory_space<hbm>>
      tpu.wait_dma2 semaphore(%run_scoped3A : memref<!tpu.dma_semaphore, #tpu.memory_space<semaphore_mem>>) src(%dma_wait3A_70 : memref<3136xi32, #tpu.memory_space<hbm>>) dst(%arg14 : memref<3136xi32, #tpu.memory_space<vmem>>)
      tpu.yield
    }) : () -> ()
    %scan3A = arith.constant 0 : i32
    %scan3A_6 = arith.constant 0 : i32
    %scan3A_7 = arith.constant 98 : i32
    %scan3A_8 = arith.addi %scan3A_6, %scan3A_7 : i32
    %scan3A_9 = arith.constant 1 : i32
    scf.for %scan3A_69 = %scan3A_6 to %scan3A_8 step %scan3A_9  : i32 {
      %mul3A_70 = arith.constant 16 : i32
      %mul3A_71 = arith.muli %scan3A_69, %mul3A_70 : i32
      %add3A_72 = vector.broadcast %mul3A_71 : i32 to vector<16xi32>
      %add3A_73 = arith.addi %iota3A, %add3A_72 : vector<16xi32>
      %add3A_74 = arith.constant 0 : i32
      %add3A_75 = vector.broadcast %add3A_74 : i32 to vector<16xi32>
      %add3A_76 = arith.addi %add3A_73, %add3A_75 : vector<16xi32>
      %broadcast_in_dim3A = arith.constant 3 : i32
      %broadcast_in_dim3A_77 = vector.broadcast %broadcast_in_dim3A : i32 to vector<16xi32>
      %mul3A_78 = arith.muli %add3A_76, %broadcast_in_dim3A_77 : vector<16xi32>
      %broadcast_in_dim3A_79 = arith.constant 0 : i32
      %broadcast_in_dim3A_80 = vector.broadcast %broadcast_in_dim3A_79 : i32 to vector<16xi32>
      %add3A_81 = arith.addi %mul3A_78, %broadcast_in_dim3A_80 : vector<16xi32>
      %gather3A = tpu.vector_load_idx %arg13[%add3A_81] : memref<9408xf32, #tpu.memory_space<vmem>>[vector<16xi32>], vector<16xf32>,
      %broadcast_in_dim3A_82 = arith.constant 0 : i32
      %broadcast_in_dim3A_83 = vector.broadcast %broadcast_in_dim3A_82 : i32 to vector<16xi32>
      tpu.vector_store_idx %arg15[%add3A_73, %broadcast_in_dim3A_83], %gather3A : memref<1568x16xf32, #tpu.memory_space<vmem>>[vector<16xi32>, vector<16xi32>], vector<16xf32>,
      %broadcast_in_dim3A_84 = arith.constant 1 : i32
      %broadcast_in_dim3A_85 = vector.broadcast %broadcast_in_dim3A_84 : i32 to vector<16xi32>
      %add3A_86 = arith.addi %mul3A_78, %broadcast_in_dim3A_85 : vector<16xi32>
      %gather3A_87 = tpu.vector_load_idx %arg13[%add3A_86] : memref<9408xf32, #tpu.memory_space<vmem>>[vector<16xi32>], vector<16xf32>,
      %broadcast_in_dim3A_88 = arith.constant 1 : i32
      %broadcast_in_dim3A_89 = vector.broadcast %broadcast_in_dim3A_88 : i32 to vector<16xi32>
      tpu.vector_store_idx %arg15[%add3A_73, %broadcast_in_dim3A_89], %gather3A_87 : memref<1568x16xf32, #tpu.memory_space<vmem>>[vector<16xi32>, vector<16xi32>], vector<16xf32>,
      %broadcast_in_dim3A_90 = arith.constant 2 : i32
      %broadcast_in_dim3A_91 = vector.broadcast %broadcast_in_dim3A_90 : i32 to vector<16xi32>
      %add3A_92 = arith.addi %mul3A_78, %broadcast_in_dim3A_91 : vector<16xi32>
      %gather3A_93 = tpu.vector_load_idx %arg13[%add3A_92] : memref<9408xf32, #tpu.memory_space<vmem>>[vector<16xi32>], vector<16xf32>,
      %broadcast_in_dim3A_94 = arith.constant 2 : i32
      %broadcast_in_dim3A_95 = vector.broadcast %broadcast_in_dim3A_94 : i32 to vector<16xi32>
      tpu.vector_store_idx %arg15[%add3A_73, %broadcast_in_dim3A_95], %gather3A_93 : memref<1568x16xf32, #tpu.memory_space<vmem>>[vector<16xi32>, vector<16xi32>], vector<16xf32>,
      %mul3A_96 = arith.constant 16 : i32
      %mul3A_97 = arith.muli %scan3A_69, %mul3A_96 : i32
      %add3A_98 = arith.constant 0 : i32
      %add3A_99 = arith.addi %add3A_98, %mul3A_97 : i32
      %get3A = arith.index_cast %add3A_99 : i32 to index
      %get3A_100 = tpu.vector_load %arg14[%get3A] {strides = array<i32>} : memref<3136xi32, #tpu.memory_space<vmem>>, vector<16xi32>,
      %convert_element_type3A = arith.sitofp %get3A_100 : vector<16xi32> to vector<16xf32>
      %broadcast_in_dim3A_101 = arith.constant 3 : i32
      %broadcast_in_dim3A_102 = vector.broadcast %broadcast_in_dim3A_101 : i32 to vector<16xi32>
      tpu.vector_store_idx %arg15[%add3A_73, %broadcast_in_dim3A_102], %convert_element_type3A : memref<1568x16xf32, #tpu.memory_space<vmem>>[vector<16xi32>, vector<16xi32>], vector<16xf32>,
    }
    %scan3A_10 = arith.constant 98 : i32
    %add3A_11 = arith.constant 0 : i32
    %add3A_12 = arith.addi %min3A_3, %add3A_11 : i32
    "tpu.region"() ({
      %run_scoped3A = tpu.sem_alloc : memref<!tpu.dma_semaphore, #tpu.memory_space<semaphore_mem>>
      %dma_start3A = arith.constant 0 : i32
      %dma_start3A_69 = tpu.memref_slice %arg11[%add3A_12, %dma_start3A] : memref<100000x16xf32, #tpu.memory_space<hbm>> -> memref<1568x16xf32, #tpu.memory_space<hbm>>
      %dma_start3A_70 = arith.constant 0 : i32
      %dma_start3A_71 = tpu.memref_slice %arg11[%add3A_12, %dma_start3A_70] : memref<100000x16xf32, #tpu.memory_space<hbm>> -> memref<1568x16xf32, #tpu.memory_space<hbm>>
      tpu.enqueue_dma source(%arg15 : memref<1568x16xf32, #tpu.memory_space<vmem>>) target(%dma_start3A_71 : memref<1568x16xf32, #tpu.memory_space<hbm>>) target_semaphore(%run_scoped3A : memref<!tpu.dma_semaphore, #tpu.memory_space<semaphore_mem>>)
      %dma_wait3A = arith.constant 0 : i32
      %dma_wait3A_72 = tpu.memref_slice %arg11[%add3A_12, %dma_wait3A] : memref<100000x16xf32, #tpu.memory_space<hbm>> -> memref<1568x16xf32, #tpu.memory_space<hbm>>
      %dma_wait3A_73 = arith.constant 0 : i32
      %dma_wait3A_74 = tpu.memref_slice %arg11[%add3A_12, %dma_wait3A_73] : memref<100000x16xf32, #tpu.memory_space<hbm>> -> memref<1568x16xf32, #tpu.memory_space<hbm>>
      tpu.wait_dma2 semaphore(%run_scoped3A : memref<!tpu.dma_semaphore, #tpu.memory_space<semaphore_mem>>) src(%arg15 : memref<1568x16xf32, #tpu.memory_space<vmem>>) dst(%dma_wait3A_74 : memref<1568x16xf32, #tpu.memory_space<hbm>>)
      tpu.yield
    }) : () -> ()
    %scan3A_13 = arith.constant 0 : i32
    %scan3A_14 = arith.constant 0 : i32
    %scan3A_15 = arith.constant 98 : i32
    %scan3A_16 = arith.addi %scan3A_14, %scan3A_15 : i32
    %scan3A_17 = arith.constant 1 : i32
    scf.for %scan3A_69 = %scan3A_14 to %scan3A_16 step %scan3A_17  : i32 {
      %mul3A_70 = arith.constant 16 : i32
      %mul3A_71 = arith.muli %scan3A_69, %mul3A_70 : i32
      %add3A_72 = vector.broadcast %mul3A_71 : i32 to vector<16xi32>
      %add3A_73 = arith.addi %iota3A, %add3A_72 : vector<16xi32>
      %add3A_74 = arith.constant 1568 : i32
      %add3A_75 = vector.broadcast %add3A_74 : i32 to vector<16xi32>
      %add3A_76 = arith.addi %add3A_73, %add3A_75 : vector<16xi32>
      %broadcast_in_dim3A = arith.constant 3 : i32
      %broadcast_in_dim3A_77 = vector.broadcast %broadcast_in_dim3A : i32 to vector<16xi32>
      %mul3A_78 = arith.muli %add3A_76, %broadcast_in_dim3A_77 : vector<16xi32>
      %broadcast_in_dim3A_79 = arith.constant 0 : i32
      %broadcast_in_dim3A_80 = vector.broadcast %broadcast_in_dim3A_79 : i32 to vector<16xi32>
      %add3A_81 = arith.addi %mul3A_78, %broadcast_in_dim3A_80 : vector<16xi32>
      %gather3A = tpu.vector_load_idx %arg13[%add3A_81] : memref<9408xf32, #tpu.memory_space<vmem>>[vector<16xi32>], vector<16xf32>,
      %broadcast_in_dim3A_82 = arith.constant 0 : i32
      %broadcast_in_dim3A_83 = vector.broadcast %broadcast_in_dim3A_82 : i32 to vector<16xi32>
      tpu.vector_store_idx %arg15[%add3A_73, %broadcast_in_dim3A_83], %gather3A : memref<1568x16xf32, #tpu.memory_space<vmem>>[vector<16xi32>, vector<16xi32>], vector<16xf32>,
      %broadcast_in_dim3A_84 = arith.constant 1 : i32
      %broadcast_in_dim3A_85 = vector.broadcast %broadcast_in_dim3A_84 : i32 to vector<16xi32>
      %add3A_86 = arith.addi %mul3A_78, %broadcast_in_dim3A_85 : vector<16xi32>
      %gather3A_87 = tpu.vector_load_idx %arg13[%add3A_86] : memref<9408xf32, #tpu.memory_space<vmem>>[vector<16xi32>], vector<16xf32>,
      %broadcast_in_dim3A_88 = arith.constant 1 : i32
      %broadcast_in_dim3A_89 = vector.broadcast %broadcast_in_dim3A_88 : i32 to vector<16xi32>
      tpu.vector_store_idx %arg15[%add3A_73, %broadcast_in_dim3A_89], %gather3A_87 : memref<1568x16xf32, #tpu.memory_space<vmem>>[vector<16xi32>, vector<16xi32>], vector<16xf32>,
      %broadcast_in_dim3A_90 = arith.constant 2 : i32
      %broadcast_in_dim3A_91 = vector.broadcast %broadcast_in_dim3A_90 : i32 to vector<16xi32>
      %add3A_92 = arith.addi %mul3A_78, %broadcast_in_dim3A_91 : vector<16xi32>
      %gather3A_93 = tpu.vector_load_idx %arg13[%add3A_92] : memref<9408xf32, #tpu.memory_space<vmem>>[vector<16xi32>], vector<16xf32>,
      %broadcast_in_dim3A_94 = arith.constant 2 : i32
      %broadcast_in_dim3A_95 = vector.broadcast %broadcast_in_dim3A_94 : i32 to vector<16xi32>
      tpu.vector_store_idx %arg15[%add3A_73, %broadcast_in_dim3A_95], %gather3A_93 : memref<1568x16xf32, #tpu.memory_space<vmem>>[vector<16xi32>, vector<16xi32>], vector<16xf32>,
      %mul3A_96 = arith.constant 16 : i32
      %mul3A_97 = arith.muli %scan3A_69, %mul3A_96 : i32
      %add3A_98 = arith.constant 1568 : i32
      %add3A_99 = arith.addi %add3A_98, %mul3A_97 : i32
      %get3A = arith.index_cast %add3A_99 : i32 to index
      %get3A_100 = tpu.vector_load %arg14[%get3A] {strides = array<i32>} : memref<3136xi32, #tpu.memory_space<vmem>>, vector<16xi32>,
      %convert_element_type3A = arith.sitofp %get3A_100 : vector<16xi32> to vector<16xf32>
      %broadcast_in_dim3A_101 = arith.constant 3 : i32
      %broadcast_in_dim3A_102 = vector.broadcast %broadcast_in_dim3A_101 : i32 to vector<16xi32>
      tpu.vector_store_idx %arg15[%add3A_73, %broadcast_in_dim3A_102], %convert_element_type3A : memref<1568x16xf32, #tpu.memory_space<vmem>>[vector<16xi32>, vector<16xi32>], vector<16xf32>,
    }
    %scan3A_18 = arith.constant 98 : i32
    %add3A_19 = arith.constant 1568 : i32
    %add3A_20 = arith.addi %min3A_3, %add3A_19 : i32
    "tpu.region"() ({
      %run_scoped3A = tpu.sem_alloc : memref<!tpu.dma_semaphore, #tpu.memory_space<semaphore_mem>>
      %dma_start3A = arith.constant 0 : i32
      %dma_start3A_69 = tpu.memref_slice %arg11[%add3A_20, %dma_start3A] : memref<100000x16xf32, #tpu.memory_space<hbm>> -> memref<1568x16xf32, #tpu.memory_space<hbm>>
      %dma_start3A_70 = arith.constant 0 : i32
      %dma_start3A_71 = tpu.memref_slice %arg11[%add3A_20, %dma_start3A_70] : memref<100000x16xf32, #tpu.memory_space<hbm>> -> memref<1568x16xf32, #tpu.memory_space<hbm>>
      tpu.enqueue_dma source(%arg15 : memref<1568x16xf32, #tpu.memory_space<vmem>>) target(%dma_start3A_71 : memref<1568x16xf32, #tpu.memory_space<hbm>>) target_semaphore(%run_scoped3A : memref<!tpu.dma_semaphore, #tpu.memory_space<semaphore_mem>>)
      %dma_wait3A = arith.constant 0 : i32
      %dma_wait3A_72 = tpu.memref_slice %arg11[%add3A_20, %dma_wait3A] : memref<100000x16xf32, #tpu.memory_space<hbm>> -> memref<1568x16xf32, #tpu.memory_space<hbm>>
      %dma_wait3A_73 = arith.constant 0 : i32
      %dma_wait3A_74 = tpu.memref_slice %arg11[%add3A_20, %dma_wait3A_73] : memref<100000x16xf32, #tpu.memory_space<hbm>> -> memref<1568x16xf32, #tpu.memory_space<hbm>>
      tpu.wait_dma2 semaphore(%run_scoped3A : memref<!tpu.dma_semaphore, #tpu.memory_space<semaphore_mem>>) src(%arg15 : memref<1568x16xf32, #tpu.memory_space<vmem>>) dst(%dma_wait3A_74 : memref<1568x16xf32, #tpu.memory_space<hbm>>)
      tpu.yield
    }) : () -> ()
    %mul3A_21 = arith.constant 5000 : i32
    %mul3A_22 = arith.muli %add3A, %mul3A_21 : i32
    %min3A_23 = arith.constant 154992 : i32
    %min3A_24 = arith.minsi %mul3A_22, %min3A_23 : i32
    %add3A_25 = arith.constant 0 : i32
    %add3A_26 = arith.addi %min3A_24, %add3A_25 : i32
    "tpu.region"() ({
      %run_scoped3A = tpu.sem_alloc : memref<!tpu.dma_semaphore, #tpu.memory_space<semaphore_mem>>
      %dma_start3A = arith.constant 0 : i32
      %dma_start3A_69 = tpu.memref_slice %arg16[%dma_start3A] : memref<2512xf32, #tpu.memory_space<vmem>> -> memref<2512xf32, #tpu.memory_space<vmem>>
      %dma_start3A_70 = tpu.memref_slice %arg4[%add3A_26] : memref<160000xf32, #tpu.memory_space<hbm>> -> memref<2512xf32, #tpu.memory_space<hbm>>
      %dma_start3A_71 = arith.constant 0 : i32
      %dma_start3A_72 = tpu.memref_slice %arg16[%dma_start3A_71] : memref<2512xf32, #tpu.memory_space<vmem>> -> memref<2512xf32, #tpu.memory_space<vmem>>
      %dma_start3A_73 = tpu.memref_slice %arg4[%add3A_26] : memref<160000xf32, #tpu.memory_space<hbm>> -> memref<2512xf32, #tpu.memory_space<hbm>>
      tpu.enqueue_dma source(%dma_start3A_73 : memref<2512xf32, #tpu.memory_space<hbm>>) target(%dma_start3A_72 : memref<2512xf32, #tpu.memory_space<vmem>>) target_semaphore(%run_scoped3A : memref<!tpu.dma_semaphore, #tpu.memory_space<semaphore_mem>>)
      %dma_wait3A = arith.constant 0 : i32
      %dma_wait3A_74 = tpu.memref_slice %arg16[%dma_wait3A] : memref<2512xf32, #tpu.memory_space<vmem>> -> memref<2512xf32, #tpu.memory_space<vmem>>
      %dma_wait3A_75 = tpu.memref_slice %arg4[%add3A_26] : memref<160000xf32, #tpu.memory_space<hbm>> -> memref<2512xf32, #tpu.memory_space<hbm>>
      %dma_wait3A_76 = arith.constant 0 : i32
      %dma_wait3A_77 = tpu.memref_slice %arg16[%dma_wait3A_76] : memref<2512xf32, #tpu.memory_space<vmem>> -> memref<2512xf32, #tpu.memory_space<vmem>>
      %dma_wait3A_78 = tpu.memref_slice %arg4[%add3A_26] : memref<160000xf32, #tpu.memory_space<hbm>> -> memref<2512xf32, #tpu.memory_space<hbm>>
      tpu.wait_dma2 semaphore(%run_scoped3A : memref<!tpu.dma_semaphore, #tpu.memory_space<semaphore_mem>>) src(%dma_wait3A_78 : memref<2512xf32, #tpu.memory_space<hbm>>) dst(%dma_wait3A_77 : memref<2512xf32, #tpu.memory_space<vmem>>)
      tpu.yield
    }) : () -> ()
    %add3A_27 = arith.constant 0 : i32
    %add3A_28 = arith.addi %min3A_24, %add3A_27 : i32
    "tpu.region"() ({
      %run_scoped3A = tpu.sem_alloc : memref<!tpu.dma_semaphore, #tpu.memory_space<semaphore_mem>>
      %dma_start3A = arith.constant 0 : i32
      %dma_start3A_69 = tpu.memref_slice %arg17[%dma_start3A] : memref<2512xf32, #tpu.memory_space<vmem>> -> memref<2512xf32, #tpu.memory_space<vmem>>
      %dma_start3A_70 = tpu.memref_slice %arg5[%add3A_28] : memref<160000xf32, #tpu.memory_space<hbm>> -> memref<2512xf32, #tpu.memory_space<hbm>>
      %dma_start3A_71 = arith.constant 0 : i32
      %dma_start3A_72 = tpu.memref_slice %arg17[%dma_start3A_71] : memref<2512xf32, #tpu.memory_space<vmem>> -> memref<2512xf32, #tpu.memory_space<vmem>>
      %dma_start3A_73 = tpu.memref_slice %arg5[%add3A_28] : memref<160000xf32, #tpu.memory_space<hbm>> -> memref<2512xf32, #tpu.memory_space<hbm>>
      tpu.enqueue_dma source(%dma_start3A_73 : memref<2512xf32, #tpu.memory_space<hbm>>) target(%dma_start3A_72 : memref<2512xf32, #tpu.memory_space<vmem>>) target_semaphore(%run_scoped3A : memref<!tpu.dma_semaphore, #tpu.memory_space<semaphore_mem>>)
      %dma_wait3A = arith.constant 0 : i32
      %dma_wait3A_74 = tpu.memref_slice %arg17[%dma_wait3A] : memref<2512xf32, #tpu.memory_space<vmem>> -> memref<2512xf32, #tpu.memory_space<vmem>>
      %dma_wait3A_75 = tpu.memref_slice %arg5[%add3A_28] : memref<160000xf32, #tpu.memory_space<hbm>> -> memref<2512xf32, #tpu.memory_space<hbm>>
      %dma_wait3A_76 = arith.constant 0 : i32
      %dma_wait3A_77 = tpu.memref_slice %arg17[%dma_wait3A_76] : memref<2512xf32, #tpu.memory_space<vmem>> -> memref<2512xf32, #tpu.memory_space<vmem>>
      %dma_wait3A_78 = tpu.memref_slice %arg5[%add3A_28] : memref<160000xf32, #tpu.memory_space<hbm>> -> memref<2512xf32, #tpu.memory_space<hbm>>
      tpu.wait_dma2 semaphore(%run_scoped3A : memref<!tpu.dma_semaphore, #tpu.memory_space<semaphore_mem>>) src(%dma_wait3A_78 : memref<2512xf32, #tpu.memory_space<hbm>>) dst(%dma_wait3A_77 : memref<2512xf32, #tpu.memory_space<vmem>>)
      tpu.yield
    }) : () -> ()
    %add3A_29 = arith.constant 0 : i32
    %add3A_30 = arith.addi %min3A_24, %add3A_29 : i32
    "tpu.region"() ({
      %run_scoped3A = tpu.sem_alloc : memref<!tpu.dma_semaphore, #tpu.memory_space<semaphore_mem>>
      %dma_start3A = arith.constant 0 : i32
      %dma_start3A_69 = tpu.memref_slice %arg18[%dma_start3A] : memref<2512xf32, #tpu.memory_space<vmem>> -> memref<2512xf32, #tpu.memory_space<vmem>>
      %dma_start3A_70 = tpu.memref_slice %arg6[%add3A_30] : memref<160000xf32, #tpu.memory_space<hbm>> -> memref<2512xf32, #tpu.memory_space<hbm>>
      %dma_start3A_71 = arith.constant 0 : i32
      %dma_start3A_72 = tpu.memref_slice %arg18[%dma_start3A_71] : memref<2512xf32, #tpu.memory_space<vmem>> -> memref<2512xf32, #tpu.memory_space<vmem>>
      %dma_start3A_73 = tpu.memref_slice %arg6[%add3A_30] : memref<160000xf32, #tpu.memory_space<hbm>> -> memref<2512xf32, #tpu.memory_space<hbm>>
      tpu.enqueue_dma source(%dma_start3A_73 : memref<2512xf32, #tpu.memory_space<hbm>>) target(%dma_start3A_72 : memref<2512xf32, #tpu.memory_space<vmem>>) target_semaphore(%run_scoped3A : memref<!tpu.dma_semaphore, #tpu.memory_space<semaphore_mem>>)
      %dma_wait3A = arith.constant 0 : i32
      %dma_wait3A_74 = tpu.memref_slice %arg18[%dma_wait3A] : memref<2512xf32, #tpu.memory_space<vmem>> -> memref<2512xf32, #tpu.memory_space<vmem>>
      %dma_wait3A_75 = tpu.memref_slice %arg6[%add3A_30] : memref<160000xf32, #tpu.memory_space<hbm>> -> memref<2512xf32, #tpu.memory_space<hbm>>
      %dma_wait3A_76 = arith.constant 0 : i32
      %dma_wait3A_77 = tpu.memref_slice %arg18[%dma_wait3A_76] : memref<2512xf32, #tpu.memory_space<vmem>> -> memref<2512xf32, #tpu.memory_space<vmem>>
      %dma_wait3A_78 = tpu.memref_slice %arg6[%add3A_30] : memref<160000xf32, #tpu.memory_space<hbm>> -> memref<2512xf32, #tpu.memory_space<hbm>>
      tpu.wait_dma2 semaphore(%run_scoped3A : memref<!tpu.dma_semaphore, #tpu.memory_space<semaphore_mem>>) src(%dma_wait3A_78 : memref<2512xf32, #tpu.memory_space<hbm>>) dst(%dma_wait3A_77 : memref<2512xf32, #tpu.memory_space<vmem>>)
      tpu.yield
    }) : () -> ()
    %add3A_31 = arith.constant 0 : i32
    %add3A_32 = arith.addi %min3A_24, %add3A_31 : i32
    "tpu.region"() ({
      %run_scoped3A = tpu.sem_alloc : memref<!tpu.dma_semaphore, #tpu.memory_space<semaphore_mem>>
      %dma_start3A = arith.constant 0 : i32
      %dma_start3A_69 = tpu.memref_slice %arg19[%dma_start3A] : memref<2512xf32, #tpu.memory_space<vmem>> -> memref<2512xf32, #tpu.memory_space<vmem>>
      %dma_start3A_70 = tpu.memref_slice %arg7[%add3A_32] : memref<160000xf32, #tpu.memory_space<hbm>> -> memref<2512xf32, #tpu.memory_space<hbm>>
      %dma_start3A_71 = arith.constant 0 : i32
      %dma_start3A_72 = tpu.memref_slice %arg19[%dma_start3A_71] : memref<2512xf32, #tpu.memory_space<vmem>> -> memref<2512xf32, #tpu.memory_space<vmem>>
      %dma_start3A_73 = tpu.memref_slice %arg7[%add3A_32] : memref<160000xf32, #tpu.memory_space<hbm>> -> memref<2512xf32, #tpu.memory_space<hbm>>
      tpu.enqueue_dma source(%dma_start3A_73 : memref<2512xf32, #tpu.memory_space<hbm>>) target(%dma_start3A_72 : memref<2512xf32, #tpu.memory_space<vmem>>) target_semaphore(%run_scoped3A : memref<!tpu.dma_semaphore, #tpu.memory_space<semaphore_mem>>)
      %dma_wait3A = arith.constant 0 : i32
      %dma_wait3A_74 = tpu.memref_slice %arg19[%dma_wait3A] : memref<2512xf32, #tpu.memory_space<vmem>> -> memref<2512xf32, #tpu.memory_space<vmem>>
      %dma_wait3A_75 = tpu.memref_slice %arg7[%add3A_32] : memref<160000xf32, #tpu.memory_space<hbm>> -> memref<2512xf32, #tpu.memory_space<hbm>>
      %dma_wait3A_76 = arith.constant 0 : i32
      %dma_wait3A_77 = tpu.memref_slice %arg19[%dma_wait3A_76] : memref<2512xf32, #tpu.memory_space<vmem>> -> memref<2512xf32, #tpu.memory_space<vmem>>
      %dma_wait3A_78 = tpu.memref_slice %arg7[%add3A_32] : memref<160000xf32, #tpu.memory_space<hbm>> -> memref<2512xf32, #tpu.memory_space<hbm>>
      tpu.wait_dma2 semaphore(%run_scoped3A : memref<!tpu.dma_semaphore, #tpu.memory_space<semaphore_mem>>) src(%dma_wait3A_78 : memref<2512xf32, #tpu.memory_space<hbm>>) dst(%dma_wait3A_77 : memref<2512xf32, #tpu.memory_space<vmem>>)
      tpu.yield
    }) : () -> ()
    %add3A_33 = arith.constant 0 : i32
    %add3A_34 = arith.addi %min3A_24, %add3A_33 : i32
    "tpu.region"() ({
      %run_scoped3A = tpu.sem_alloc : memref<!tpu.dma_semaphore, #tpu.memory_space<semaphore_mem>>
      %dma_start3A = arith.constant 0 : i32
      %dma_start3A_69 = tpu.memref_slice %arg20[%dma_start3A] : memref<2512xf32, #tpu.memory_space<vmem>> -> memref<2512xf32, #tpu.memory_space<vmem>>
      %dma_start3A_70 = tpu.memref_slice %arg8[%add3A_34] : memref<160000xf32, #tpu.memory_space<hbm>> -> memref<2512xf32, #tpu.memory_space<hbm>>
      %dma_start3A_71 = arith.constant 0 : i32
      %dma_start3A_72 = tpu.memref_slice %arg20[%dma_start3A_71] : memref<2512xf32, #tpu.memory_space<vmem>> -> memref<2512xf32, #tpu.memory_space<vmem>>
      %dma_start3A_73 = tpu.memref_slice %arg8[%add3A_34] : memref<160000xf32, #tpu.memory_space<hbm>> -> memref<2512xf32, #tpu.memory_space<hbm>>
      tpu.enqueue_dma source(%dma_start3A_73 : memref<2512xf32, #tpu.memory_space<hbm>>) target(%dma_start3A_72 : memref<2512xf32, #tpu.memory_space<vmem>>) target_semaphore(%run_scoped3A : memref<!tpu.dma_semaphore, #tpu.memory_space<semaphore_mem>>)
      %dma_wait3A = arith.constant 0 : i32
      %dma_wait3A_74 = tpu.memref_slice %arg20[%dma_wait3A] : memref<2512xf32, #tpu.memory_space<vmem>> -> memref<2512xf32, #tpu.memory_space<vmem>>
      %dma_wait3A_75 = tpu.memref_slice %arg8[%add3A_34] : memref<160000xf32, #tpu.memory_space<hbm>> -> memref<2512xf32, #tpu.memory_space<hbm>>
      %dma_wait3A_76 = arith.constant 0 : i32
      %dma_wait3A_77 = tpu.memref_slice %arg20[%dma_wait3A_76] : memref<2512xf32, #tpu.memory_space<vmem>> -> memref<2512xf32, #tpu.memory_space<vmem>>
      %dma_wait3A_78 = tpu.memref_slice %arg8[%add3A_34] : memref<160000xf32, #tpu.memory_space<hbm>> -> memref<2512xf32, #tpu.memory_space<hbm>>
      tpu.wait_dma2 semaphore(%run_scoped3A : memref<!tpu.dma_semaphore, #tpu.memory_space<semaphore_mem>>) src(%dma_wait3A_78 : memref<2512xf32, #tpu.memory_space<hbm>>) dst(%dma_wait3A_77 : memref<2512xf32, #tpu.memory_space<vmem>>)
      tpu.yield
    }) : () -> ()
    %add3A_35 = arith.constant 0 : i32
    %add3A_36 = arith.addi %min3A_24, %add3A_35 : i32
    "tpu.region"() ({
      %run_scoped3A = tpu.sem_alloc : memref<!tpu.dma_semaphore, #tpu.memory_space<semaphore_mem>>
      %dma_start3A = arith.constant 0 : i32
      %dma_start3A_69 = tpu.memref_slice %arg21[%dma_start3A] : memref<2512xf32, #tpu.memory_space<vmem>> -> memref<2512xf32, #tpu.memory_space<vmem>>
      %dma_start3A_70 = tpu.memref_slice %arg9[%add3A_36] : memref<160000xf32, #tpu.memory_space<hbm>> -> memref<2512xf32, #tpu.memory_space<hbm>>
      %dma_start3A_71 = arith.constant 0 : i32
      %dma_start3A_72 = tpu.memref_slice %arg21[%dma_start3A_71] : memref<2512xf32, #tpu.memory_space<vmem>> -> memref<2512xf32, #tpu.memory_space<vmem>>
      %dma_start3A_73 = tpu.memref_slice %arg9[%add3A_36] : memref<160000xf32, #tpu.memory_space<hbm>> -> memref<2512xf32, #tpu.memory_space<hbm>>
      tpu.enqueue_dma source(%dma_start3A_73 : memref<2512xf32, #tpu.memory_space<hbm>>) target(%dma_start3A_72 : memref<2512xf32, #tpu.memory_space<vmem>>) target_semaphore(%run_scoped3A : memref<!tpu.dma_semaphore, #tpu.memory_space<semaphore_mem>>)
      %dma_wait3A = arith.constant 0 : i32
      %dma_wait3A_74 = tpu.memref_slice %arg21[%dma_wait3A] : memref<2512xf32, #tpu.memory_space<vmem>> -> memref<2512xf32, #tpu.memory_space<vmem>>
      %dma_wait3A_75 = tpu.memref_slice %arg9[%add3A_36] : memref<160000xf32, #tpu.memory_space<hbm>> -> memref<2512xf32, #tpu.memory_space<hbm>>
      %dma_wait3A_76 = arith.constant 0 : i32
      %dma_wait3A_77 = tpu.memref_slice %arg21[%dma_wait3A_76] : memref<2512xf32, #tpu.memory_space<vmem>> -> memref<2512xf32, #tpu.memory_space<vmem>>
      %dma_wait3A_78 = tpu.memref_slice %arg9[%add3A_36] : memref<160000xf32, #tpu.memory_space<hbm>> -> memref<2512xf32, #tpu.memory_space<hbm>>
      tpu.wait_dma2 semaphore(%run_scoped3A : memref<!tpu.dma_semaphore, #tpu.memory_space<semaphore_mem>>) src(%dma_wait3A_78 : memref<2512xf32, #tpu.memory_space<hbm>>) dst(%dma_wait3A_77 : memref<2512xf32, #tpu.memory_space<vmem>>)
      tpu.yield
    }) : () -> ()
    %add3A_37 = arith.constant 0 : i32
    %add3A_38 = arith.addi %min3A_24, %add3A_37 : i32
    "tpu.region"() ({
      %run_scoped3A = tpu.sem_alloc : memref<!tpu.dma_semaphore, #tpu.memory_space<semaphore_mem>>
      %dma_start3A = arith.constant 0 : i32
      %dma_start3A_69 = tpu.memref_slice %arg22[%dma_start3A] : memref<2512xf32, #tpu.memory_space<vmem>> -> memref<2512xf32, #tpu.memory_space<vmem>>
      %dma_start3A_70 = tpu.memref_slice %arg10[%add3A_38] : memref<160000xf32, #tpu.memory_space<hbm>> -> memref<2512xf32, #tpu.memory_space<hbm>>
      %dma_start3A_71 = arith.constant 0 : i32
      %dma_start3A_72 = tpu.memref_slice %arg22[%dma_start3A_71] : memref<2512xf32, #tpu.memory_space<vmem>> -> memref<2512xf32, #tpu.memory_space<vmem>>
      %dma_start3A_73 = tpu.memref_slice %arg10[%add3A_38] : memref<160000xf32, #tpu.memory_space<hbm>> -> memref<2512xf32, #tpu.memory_space<hbm>>
      tpu.enqueue_dma source(%dma_start3A_73 : memref<2512xf32, #tpu.memory_space<hbm>>) target(%dma_start3A_72 : memref<2512xf32, #tpu.memory_space<vmem>>) target_semaphore(%run_scoped3A : memref<!tpu.dma_semaphore, #tpu.memory_space<semaphore_mem>>)
      %dma_wait3A = arith.constant 0 : i32
      %dma_wait3A_74 = tpu.memref_slice %arg22[%dma_wait3A] : memref<2512xf32, #tpu.memory_space<vmem>> -> memref<2512xf32, #tpu.memory_space<vmem>>
      %dma_wait3A_75 = tpu.memref_slice %arg10[%add3A_38] : memref<160000xf32, #tpu.memory_space<hbm>> -> memref<2512xf32, #tpu.memory_space<hbm>>
      %dma_wait3A_76 = arith.constant 0 : i32
      %dma_wait3A_77 = tpu.memref_slice %arg22[%dma_wait3A_76] : memref<2512xf32, #tpu.memory_space<vmem>> -> memref<2512xf32, #tpu.memory_space<vmem>>
      %dma_wait3A_78 = tpu.memref_slice %arg10[%add3A_38] : memref<160000xf32, #tpu.memory_space<hbm>> -> memref<2512xf32, #tpu.memory_space<hbm>>
      tpu.wait_dma2 semaphore(%run_scoped3A : memref<!tpu.dma_semaphore, #tpu.memory_space<semaphore_mem>>) src(%dma_wait3A_78 : memref<2512xf32, #tpu.memory_space<hbm>>) dst(%dma_wait3A_77 : memref<2512xf32, #tpu.memory_space<vmem>>)
      tpu.yield
    }) : () -> ()
    %scan3A_39 = arith.constant 0 : i32
    %scan3A_40 = arith.constant 0 : i32
    %scan3A_41 = arith.constant 157 : i32
    %scan3A_42 = arith.addi %scan3A_40, %scan3A_41 : i32
    %scan3A_43 = arith.constant 1 : i32
    scf.for %scan3A_69 = %scan3A_40 to %scan3A_42 step %scan3A_43  : i32 {
      %mul3A_70 = arith.constant 16 : i32
      %mul3A_71 = arith.muli %scan3A_69, %mul3A_70 : i32
      %add3A_72 = vector.broadcast %mul3A_71 : i32 to vector<16xi32>
      %add3A_73 = arith.addi %iota3A, %add3A_72 : vector<16xi32>
      %mul3A_74 = arith.constant 16 : i32
      %mul3A_75 = arith.muli %scan3A_69, %mul3A_74 : i32
      %get3A = arith.index_cast %mul3A_75 : i32 to index
      %get3A_76 = tpu.vector_load %arg16[%get3A] {strides = array<i32>} : memref<2512xf32, #tpu.memory_space<vmem>>, vector<16xf32>,
      %broadcast_in_dim3A = arith.constant 0 : i32
      %broadcast_in_dim3A_77 = vector.broadcast %broadcast_in_dim3A : i32 to vector<16xi32>
      tpu.vector_store_idx %arg23[%add3A_73, %broadcast_in_dim3A_77], %get3A_76 : memref<2512x16xf32, #tpu.memory_space<vmem>>[vector<16xi32>, vector<16xi32>], vector<16xf32>,
      %mul3A_78 = arith.constant 16 : i32
      %mul3A_79 = arith.muli %scan3A_69, %mul3A_78 : i32
      %get3A_80 = arith.index_cast %mul3A_79 : i32 to index
      %get3A_81 = tpu.vector_load %arg17[%get3A_80] {strides = array<i32>} : memref<2512xf32, #tpu.memory_space<vmem>>, vector<16xf32>,
      %broadcast_in_dim3A_82 = arith.constant 1 : i32
      %broadcast_in_dim3A_83 = vector.broadcast %broadcast_in_dim3A_82 : i32 to vector<16xi32>
      tpu.vector_store_idx %arg23[%add3A_73, %broadcast_in_dim3A_83], %get3A_81 : memref<2512x16xf32, #tpu.memory_space<vmem>>[vector<16xi32>, vector<16xi32>], vector<16xf32>,
      %mul3A_84 = arith.constant 16 : i32
      %mul3A_85 = arith.muli %scan3A_69, %mul3A_84 : i32
      %get3A_86 = arith.index_cast %mul3A_85 : i32 to index
      %get3A_87 = tpu.vector_load %arg18[%get3A_86] {strides = array<i32>} : memref<2512xf32, #tpu.memory_space<vmem>>, vector<16xf32>,
      %broadcast_in_dim3A_88 = arith.constant 2 : i32
      %broadcast_in_dim3A_89 = vector.broadcast %broadcast_in_dim3A_88 : i32 to vector<16xi32>
      tpu.vector_store_idx %arg23[%add3A_73, %broadcast_in_dim3A_89], %get3A_87 : memref<2512x16xf32, #tpu.memory_space<vmem>>[vector<16xi32>, vector<16xi32>], vector<16xf32>,
      %mul3A_90 = arith.constant 16 : i32
      %mul3A_91 = arith.muli %scan3A_69, %mul3A_90 : i32
      %get3A_92 = arith.index_cast %mul3A_91 : i32 to index
      %get3A_93 = tpu.vector_load %arg19[%get3A_92] {strides = array<i32>} : memref<2512xf32, #tpu.memory_space<vmem>>, vector<16xf32>,
      %broadcast_in_dim3A_94 = arith.constant 3 : i32
      %broadcast_in_dim3A_95 = vector.broadcast %broadcast_in_dim3A_94 : i32 to vector<16xi32>
      tpu.vector_store_idx %arg23[%add3A_73, %broadcast_in_dim3A_95], %get3A_93 : memref<2512x16xf32, #tpu.memory_space<vmem>>[vector<16xi32>, vector<16xi32>], vector<16xf32>,
      %mul3A_96 = arith.constant 16 : i32
      %mul3A_97 = arith.muli %scan3A_69, %mul3A_96 : i32
      %get3A_98 = arith.index_cast %mul3A_97 : i32 to index
      %get3A_99 = tpu.vector_load %arg20[%get3A_98] {strides = array<i32>} : memref<2512xf32, #tpu.memory_space<vmem>>, vector<16xf32>,
      %broadcast_in_dim3A_100 = arith.constant 4 : i32
      %broadcast_in_dim3A_101 = vector.broadcast %broadcast_in_dim3A_100 : i32 to vector<16xi32>
      tpu.vector_store_idx %arg23[%add3A_73, %broadcast_in_dim3A_101], %get3A_99 : memref<2512x16xf32, #tpu.memory_space<vmem>>[vector<16xi32>, vector<16xi32>], vector<16xf32>,
      %mul3A_102 = arith.constant 16 : i32
      %mul3A_103 = arith.muli %scan3A_69, %mul3A_102 : i32
      %get3A_104 = arith.index_cast %mul3A_103 : i32 to index
      %get3A_105 = tpu.vector_load %arg21[%get3A_104] {strides = array<i32>} : memref<2512xf32, #tpu.memory_space<vmem>>, vector<16xf32>,
      %broadcast_in_dim3A_106 = arith.constant 5 : i32
      %broadcast_in_dim3A_107 = vector.broadcast %broadcast_in_dim3A_106 : i32 to vector<16xi32>
      tpu.vector_store_idx %arg23[%add3A_73, %broadcast_in_dim3A_107], %get3A_105 : memref<2512x16xf32, #tpu.memory_space<vmem>>[vector<16xi32>, vector<16xi32>], vector<16xf32>,
      %mul3A_108 = arith.constant 16 : i32
      %mul3A_109 = arith.muli %scan3A_69, %mul3A_108 : i32
      %get3A_110 = arith.index_cast %mul3A_109 : i32 to index
      %get3A_111 = tpu.vector_load %arg22[%get3A_110] {strides = array<i32>} : memref<2512xf32, #tpu.memory_space<vmem>>, vector<16xf32>,
      %broadcast_in_dim3A_112 = arith.constant 6 : i32
      %broadcast_in_dim3A_113 = vector.broadcast %broadcast_in_dim3A_112 : i32 to vector<16xi32>
      tpu.vector_store_idx %arg23[%add3A_73, %broadcast_in_dim3A_113], %get3A_111 : memref<2512x16xf32, #tpu.memory_space<vmem>>[vector<16xi32>, vector<16xi32>], vector<16xf32>,
    }
    %scan3A_44 = arith.constant 157 : i32
    %add3A_45 = arith.constant 0 : i32
    %add3A_46 = arith.addi %min3A_24, %add3A_45 : i32
    "tpu.region"() ({
      %run_scoped3A = tpu.sem_alloc : memref<!tpu.dma_semaphore, #tpu.memory_space<semaphore_mem>>
      %dma_start3A = arith.constant 0 : i32
      %dma_start3A_69 = arith.constant 0 : i32
      %dma_start3A_70 = tpu.memref_slice %arg23[%dma_start3A, %dma_start3A_69] : memref<2512x16xf32, #tpu.memory_space<vmem>> -> memref<2512x16xf32, #tpu.memory_space<vmem>>
      %dma_start3A_71 = arith.constant 0 : i32
      %dma_start3A_72 = tpu.memref_slice %arg12[%add3A_46, %dma_start3A_71] : memref<160000x16xf32, #tpu.memory_space<hbm>> -> memref<2512x16xf32, #tpu.memory_space<hbm>>
      %dma_start3A_73 = arith.constant 0 : i32
      %dma_start3A_74 = tpu.memref_slice %arg12[%add3A_46, %dma_start3A_73] : memref<160000x16xf32, #tpu.memory_space<hbm>> -> memref<2512x16xf32, #tpu.memory_space<hbm>>
      %dma_start3A_75 = arith.constant 0 : i32
      %dma_start3A_76 = arith.constant 0 : i32
      %dma_start3A_77 = tpu.memref_slice %arg23[%dma_start3A_75, %dma_start3A_76] : memref<2512x16xf32, #tpu.memory_space<vmem>> -> memref<2512x16xf32, #tpu.memory_space<vmem>>
      tpu.enqueue_dma source(%dma_start3A_77 : memref<2512x16xf32, #tpu.memory_space<vmem>>) target(%dma_start3A_74 : memref<2512x16xf32, #tpu.memory_space<hbm>>) target_semaphore(%run_scoped3A : memref<!tpu.dma_semaphore, #tpu.memory_space<semaphore_mem>>)
      %dma_wait3A = arith.constant 0 : i32
      %dma_wait3A_78 = arith.constant 0 : i32
      %dma_wait3A_79 = tpu.memref_slice %arg23[%dma_wait3A, %dma_wait3A_78] : memref<2512x16xf32, #tpu.memory_space<vmem>> -> memref<2512x16xf32, #tpu.memory_space<vmem>>
      %dma_wait3A_80 = arith.constant 0 : i32
      %dma_wait3A_81 = tpu.memref_slice %arg12[%add3A_46, %dma_wait3A_80] : memref<160000x16xf32, #tpu.memory_space<hbm>> -> memref<2512x16xf32, #tpu.memory_space<hbm>>
      %dma_wait3A_82 = arith.constant 0 : i32
      %dma_wait3A_83 = tpu.memref_slice %arg12[%add3A_46, %dma_wait3A_82] : memref<160000x16xf32, #tpu.memory_space<hbm>> -> memref<2512x16xf32, #tpu.memory_space<hbm>>
      %dma_wait3A_84 = arith.constant 0 : i32
      %dma_wait3A_85 = arith.constant 0 : i32
      %dma_wait3A_86 = tpu.memref_slice %arg23[%dma_wait3A_84, %dma_wait3A_85] : memref<2512x16xf32, #tpu.memory_space<vmem>> -> memref<2512x16xf32, #tpu.memory_space<vmem>>
      tpu.wait_dma2 semaphore(%run_scoped3A : memref<!tpu.dma_semaphore, #tpu.memory_space<semaphore_mem>>) src(%dma_wait3A_86 : memref<2512x16xf32, #tpu.memory_space<vmem>>) dst(%dma_wait3A_83 : memref<2512x16xf32, #tpu.memory_space<hbm>>)
      tpu.yield
    }) : () -> ()
    %add3A_47 = arith.constant 2512 : i32
    %add3A_48 = arith.addi %min3A_24, %add3A_47 : i32
    "tpu.region"() ({
      %run_scoped3A = tpu.sem_alloc : memref<!tpu.dma_semaphore, #tpu.memory_space<semaphore_mem>>
      %dma_start3A = arith.constant 0 : i32
      %dma_start3A_69 = tpu.memref_slice %arg16[%dma_start3A] : memref<2512xf32, #tpu.memory_space<vmem>> -> memref<2496xf32, #tpu.memory_space<vmem>>
      %dma_start3A_70 = tpu.memref_slice %arg4[%add3A_48] : memref<160000xf32, #tpu.memory_space<hbm>> -> memref<2496xf32, #tpu.memory_space<hbm>>
      %dma_start3A_71 = arith.constant 0 : i32
      %dma_start3A_72 = tpu.memref_slice %arg16[%dma_start3A_71] : memref<2512xf32, #tpu.memory_space<vmem>> -> memref<2496xf32, #tpu.memory_space<vmem>>
      %dma_start3A_73 = tpu.memref_slice %arg4[%add3A_48] : memref<160000xf32, #tpu.memory_space<hbm>> -> memref<2496xf32, #tpu.memory_space<hbm>>
      tpu.enqueue_dma source(%dma_start3A_73 : memref<2496xf32, #tpu.memory_space<hbm>>) target(%dma_start3A_72 : memref<2496xf32, #tpu.memory_space<vmem>>) target_semaphore(%run_scoped3A : memref<!tpu.dma_semaphore, #tpu.memory_space<semaphore_mem>>)
      %dma_wait3A = arith.constant 0 : i32
      %dma_wait3A_74 = tpu.memref_slice %arg16[%dma_wait3A] : memref<2512xf32, #tpu.memory_space<vmem>> -> memref<2496xf32, #tpu.memory_space<vmem>>
      %dma_wait3A_75 = tpu.memref_slice %arg4[%add3A_48] : memref<160000xf32, #tpu.memory_space<hbm>> -> memref<2496xf32, #tpu.memory_space<hbm>>
      %dma_wait3A_76 = arith.constant 0 : i32
      %dma_wait3A_77 = tpu.memref_slice %arg16[%dma_wait3A_76] : memref<2512xf32, #tpu.memory_space<vmem>> -> memref<2496xf32, #tpu.memory_space<vmem>>
      %dma_wait3A_78 = tpu.memref_slice %arg4[%add3A_48] : memref<160000xf32, #tpu.memory_space<hbm>> -> memref<2496xf32, #tpu.memory_space<hbm>>
      tpu.wait_dma2 semaphore(%run_scoped3A : memref<!tpu.dma_semaphore, #tpu.memory_space<semaphore_mem>>) src(%dma_wait3A_78 : memref<2496xf32, #tpu.memory_space<hbm>>) dst(%dma_wait3A_77 : memref<2496xf32, #tpu.memory_space<vmem>>)
      tpu.yield
    }) : () -> ()
    %add3A_49 = arith.constant 2512 : i32
    %add3A_50 = arith.addi %min3A_24, %add3A_49 : i32
    "tpu.region"() ({
      %run_scoped3A = tpu.sem_alloc : memref<!tpu.dma_semaphore, #tpu.memory_space<semaphore_mem>>
      %dma_start3A = arith.constant 0 : i32
      %dma_start3A_69 = tpu.memref_slice %arg17[%dma_start3A] : memref<2512xf32, #tpu.memory_space<vmem>> -> memref<2496xf32, #tpu.memory_space<vmem>>
      %dma_start3A_70 = tpu.memref_slice %arg5[%add3A_50] : memref<160000xf32, #tpu.memory_space<hbm>> -> memref<2496xf32, #tpu.memory_space<hbm>>
      %dma_start3A_71 = arith.constant 0 : i32
      %dma_start3A_72 = tpu.memref_slice %arg17[%dma_start3A_71] : memref<2512xf32, #tpu.memory_space<vmem>> -> memref<2496xf32, #tpu.memory_space<vmem>>
      %dma_start3A_73 = tpu.memref_slice %arg5[%add3A_50] : memref<160000xf32, #tpu.memory_space<hbm>> -> memref<2496xf32, #tpu.memory_space<hbm>>
      tpu.enqueue_dma source(%dma_start3A_73 : memref<2496xf32, #tpu.memory_space<hbm>>) target(%dma_start3A_72 : memref<2496xf32, #tpu.memory_space<vmem>>) target_semaphore(%run_scoped3A : memref<!tpu.dma_semaphore, #tpu.memory_space<semaphore_mem>>)
      %dma_wait3A = arith.constant 0 : i32
      %dma_wait3A_74 = tpu.memref_slice %arg17[%dma_wait3A] : memref<2512xf32, #tpu.memory_space<vmem>> -> memref<2496xf32, #tpu.memory_space<vmem>>
      %dma_wait3A_75 = tpu.memref_slice %arg5[%add3A_50] : memref<160000xf32, #tpu.memory_space<hbm>> -> memref<2496xf32, #tpu.memory_space<hbm>>
      %dma_wait3A_76 = arith.constant 0 : i32
      %dma_wait3A_77 = tpu.memref_slice %arg17[%dma_wait3A_76] : memref<2512xf32, #tpu.memory_space<vmem>> -> memref<2496xf32, #tpu.memory_space<vmem>>
      %dma_wait3A_78 = tpu.memref_slice %arg5[%add3A_50] : memref<160000xf32, #tpu.memory_space<hbm>> -> memref<2496xf32, #tpu.memory_space<hbm>>
      tpu.wait_dma2 semaphore(%run_scoped3A : memref<!tpu.dma_semaphore, #tpu.memory_space<semaphore_mem>>) src(%dma_wait3A_78 : memref<2496xf32, #tpu.memory_space<hbm>>) dst(%dma_wait3A_77 : memref<2496xf32, #tpu.memory_space<vmem>>)
      tpu.yield
    }) : () -> ()
    %add3A_51 = arith.constant 2512 : i32
    %add3A_52 = arith.addi %min3A_24, %add3A_51 : i32
    "tpu.region"() ({
      %run_scoped3A = tpu.sem_alloc : memref<!tpu.dma_semaphore, #tpu.memory_space<semaphore_mem>>
      %dma_start3A = arith.constant 0 : i32
      %dma_start3A_69 = tpu.memref_slice %arg18[%dma_start3A] : memref<2512xf32, #tpu.memory_space<vmem>> -> memref<2496xf32, #tpu.memory_space<vmem>>
      %dma_start3A_70 = tpu.memref_slice %arg6[%add3A_52] : memref<160000xf32, #tpu.memory_space<hbm>> -> memref<2496xf32, #tpu.memory_space<hbm>>
      %dma_start3A_71 = arith.constant 0 : i32
      %dma_start3A_72 = tpu.memref_slice %arg18[%dma_start3A_71] : memref<2512xf32, #tpu.memory_space<vmem>> -> memref<2496xf32, #tpu.memory_space<vmem>>
      %dma_start3A_73 = tpu.memref_slice %arg6[%add3A_52] : memref<160000xf32, #tpu.memory_space<hbm>> -> memref<2496xf32, #tpu.memory_space<hbm>>
      tpu.enqueue_dma source(%dma_start3A_73 : memref<2496xf32, #tpu.memory_space<hbm>>) target(%dma_start3A_72 : memref<2496xf32, #tpu.memory_space<vmem>>) target_semaphore(%run_scoped3A : memref<!tpu.dma_semaphore, #tpu.memory_space<semaphore_mem>>)
      %dma_wait3A = arith.constant 0 : i32
      %dma_wait3A_74 = tpu.memref_slice %arg18[%dma_wait3A] : memref<2512xf32, #tpu.memory_space<vmem>> -> memref<2496xf32, #tpu.memory_space<vmem>>
      %dma_wait3A_75 = tpu.memref_slice %arg6[%add3A_52] : memref<160000xf32, #tpu.memory_space<hbm>> -> memref<2496xf32, #tpu.memory_space<hbm>>
      %dma_wait3A_76 = arith.constant 0 : i32
      %dma_wait3A_77 = tpu.memref_slice %arg18[%dma_wait3A_76] : memref<2512xf32, #tpu.memory_space<vmem>> -> memref<2496xf32, #tpu.memory_space<vmem>>
      %dma_wait3A_78 = tpu.memref_slice %arg6[%add3A_52] : memref<160000xf32, #tpu.memory_space<hbm>> -> memref<2496xf32, #tpu.memory_space<hbm>>
      tpu.wait_dma2 semaphore(%run_scoped3A : memref<!tpu.dma_semaphore, #tpu.memory_space<semaphore_mem>>) src(%dma_wait3A_78 : memref<2496xf32, #tpu.memory_space<hbm>>) dst(%dma_wait3A_77 : memref<2496xf32, #tpu.memory_space<vmem>>)
      tpu.yield
    }) : () -> ()
    %add3A_53 = arith.constant 2512 : i32
    %add3A_54 = arith.addi %min3A_24, %add3A_53 : i32
    "tpu.region"() ({
      %run_scoped3A = tpu.sem_alloc : memref<!tpu.dma_semaphore, #tpu.memory_space<semaphore_mem>>
      %dma_start3A = arith.constant 0 : i32
      %dma_start3A_69 = tpu.memref_slice %arg19[%dma_start3A] : memref<2512xf32, #tpu.memory_space<vmem>> -> memref<2496xf32, #tpu.memory_space<vmem>>
      %dma_start3A_70 = tpu.memref_slice %arg7[%add3A_54] : memref<160000xf32, #tpu.memory_space<hbm>> -> memref<2496xf32, #tpu.memory_space<hbm>>
      %dma_start3A_71 = arith.constant 0 : i32
      %dma_start3A_72 = tpu.memref_slice %arg19[%dma_start3A_71] : memref<2512xf32, #tpu.memory_space<vmem>> -> memref<2496xf32, #tpu.memory_space<vmem>>
      %dma_start3A_73 = tpu.memref_slice %arg7[%add3A_54] : memref<160000xf32, #tpu.memory_space<hbm>> -> memref<2496xf32, #tpu.memory_space<hbm>>
      tpu.enqueue_dma source(%dma_start3A_73 : memref<2496xf32, #tpu.memory_space<hbm>>) target(%dma_start3A_72 : memref<2496xf32, #tpu.memory_space<vmem>>) target_semaphore(%run_scoped3A : memref<!tpu.dma_semaphore, #tpu.memory_space<semaphore_mem>>)
      %dma_wait3A = arith.constant 0 : i32
      %dma_wait3A_74 = tpu.memref_slice %arg19[%dma_wait3A] : memref<2512xf32, #tpu.memory_space<vmem>> -> memref<2496xf32, #tpu.memory_space<vmem>>
      %dma_wait3A_75 = tpu.memref_slice %arg7[%add3A_54] : memref<160000xf32, #tpu.memory_space<hbm>> -> memref<2496xf32, #tpu.memory_space<hbm>>
      %dma_wait3A_76 = arith.constant 0 : i32
      %dma_wait3A_77 = tpu.memref_slice %arg19[%dma_wait3A_76] : memref<2512xf32, #tpu.memory_space<vmem>> -> memref<2496xf32, #tpu.memory_space<vmem>>
      %dma_wait3A_78 = tpu.memref_slice %arg7[%add3A_54] : memref<160000xf32, #tpu.memory_space<hbm>> -> memref<2496xf32, #tpu.memory_space<hbm>>
      tpu.wait_dma2 semaphore(%run_scoped3A : memref<!tpu.dma_semaphore, #tpu.memory_space<semaphore_mem>>) src(%dma_wait3A_78 : memref<2496xf32, #tpu.memory_space<hbm>>) dst(%dma_wait3A_77 : memref<2496xf32, #tpu.memory_space<vmem>>)
      tpu.yield
    }) : () -> ()
    %add3A_55 = arith.constant 2512 : i32
    %add3A_56 = arith.addi %min3A_24, %add3A_55 : i32
    "tpu.region"() ({
      %run_scoped3A = tpu.sem_alloc : memref<!tpu.dma_semaphore, #tpu.memory_space<semaphore_mem>>
      %dma_start3A = arith.constant 0 : i32
      %dma_start3A_69 = tpu.memref_slice %arg20[%dma_start3A] : memref<2512xf32, #tpu.memory_space<vmem>> -> memref<2496xf32, #tpu.memory_space<vmem>>
      %dma_start3A_70 = tpu.memref_slice %arg8[%add3A_56] : memref<160000xf32, #tpu.memory_space<hbm>> -> memref<2496xf32, #tpu.memory_space<hbm>>
      %dma_start3A_71 = arith.constant 0 : i32
      %dma_start3A_72 = tpu.memref_slice %arg20[%dma_start3A_71] : memref<2512xf32, #tpu.memory_space<vmem>> -> memref<2496xf32, #tpu.memory_space<vmem>>
      %dma_start3A_73 = tpu.memref_slice %arg8[%add3A_56] : memref<160000xf32, #tpu.memory_space<hbm>> -> memref<2496xf32, #tpu.memory_space<hbm>>
      tpu.enqueue_dma source(%dma_start3A_73 : memref<2496xf32, #tpu.memory_space<hbm>>) target(%dma_start3A_72 : memref<2496xf32, #tpu.memory_space<vmem>>) target_semaphore(%run_scoped3A : memref<!tpu.dma_semaphore, #tpu.memory_space<semaphore_mem>>)
      %dma_wait3A = arith.constant 0 : i32
      %dma_wait3A_74 = tpu.memref_slice %arg20[%dma_wait3A] : memref<2512xf32, #tpu.memory_space<vmem>> -> memref<2496xf32, #tpu.memory_space<vmem>>
      %dma_wait3A_75 = tpu.memref_slice %arg8[%add3A_56] : memref<160000xf32, #tpu.memory_space<hbm>> -> memref<2496xf32, #tpu.memory_space<hbm>>
      %dma_wait3A_76 = arith.constant 0 : i32
      %dma_wait3A_77 = tpu.memref_slice %arg20[%dma_wait3A_76] : memref<2512xf32, #tpu.memory_space<vmem>> -> memref<2496xf32, #tpu.memory_space<vmem>>
      %dma_wait3A_78 = tpu.memref_slice %arg8[%add3A_56] : memref<160000xf32, #tpu.memory_space<hbm>> -> memref<2496xf32, #tpu.memory_space<hbm>>
      tpu.wait_dma2 semaphore(%run_scoped3A : memref<!tpu.dma_semaphore, #tpu.memory_space<semaphore_mem>>) src(%dma_wait3A_78 : memref<2496xf32, #tpu.memory_space<hbm>>) dst(%dma_wait3A_77 : memref<2496xf32, #tpu.memory_space<vmem>>)
      tpu.yield
    }) : () -> ()
    %add3A_57 = arith.constant 2512 : i32
    %add3A_58 = arith.addi %min3A_24, %add3A_57 : i32
    "tpu.region"() ({
      %run_scoped3A = tpu.sem_alloc : memref<!tpu.dma_semaphore, #tpu.memory_space<semaphore_mem>>
      %dma_start3A = arith.constant 0 : i32
      %dma_start3A_69 = tpu.memref_slice %arg21[%dma_start3A] : memref<2512xf32, #tpu.memory_space<vmem>> -> memref<2496xf32, #tpu.memory_space<vmem>>
      %dma_start3A_70 = tpu.memref_slice %arg9[%add3A_58] : memref<160000xf32, #tpu.memory_space<hbm>> -> memref<2496xf32, #tpu.memory_space<hbm>>
      %dma_start3A_71 = arith.constant 0 : i32
      %dma_start3A_72 = tpu.memref_slice %arg21[%dma_start3A_71] : memref<2512xf32, #tpu.memory_space<vmem>> -> memref<2496xf32, #tpu.memory_space<vmem>>
      %dma_start3A_73 = tpu.memref_slice %arg9[%add3A_58] : memref<160000xf32, #tpu.memory_space<hbm>> -> memref<2496xf32, #tpu.memory_space<hbm>>
      tpu.enqueue_dma source(%dma_start3A_73 : memref<2496xf32, #tpu.memory_space<hbm>>) target(%dma_start3A_72 : memref<2496xf32, #tpu.memory_space<vmem>>) target_semaphore(%run_scoped3A : memref<!tpu.dma_semaphore, #tpu.memory_space<semaphore_mem>>)
      %dma_wait3A = arith.constant 0 : i32
      %dma_wait3A_74 = tpu.memref_slice %arg21[%dma_wait3A] : memref<2512xf32, #tpu.memory_space<vmem>> -> memref<2496xf32, #tpu.memory_space<vmem>>
      %dma_wait3A_75 = tpu.memref_slice %arg9[%add3A_58] : memref<160000xf32, #tpu.memory_space<hbm>> -> memref<2496xf32, #tpu.memory_space<hbm>>
      %dma_wait3A_76 = arith.constant 0 : i32
      %dma_wait3A_77 = tpu.memref_slice %arg21[%dma_wait3A_76] : memref<2512xf32, #tpu.memory_space<vmem>> -> memref<2496xf32, #tpu.memory_space<vmem>>
      %dma_wait3A_78 = tpu.memref_slice %arg9[%add3A_58] : memref<160000xf32, #tpu.memory_space<hbm>> -> memref<2496xf32, #tpu.memory_space<hbm>>
      tpu.wait_dma2 semaphore(%run_scoped3A : memref<!tpu.dma_semaphore, #tpu.memory_space<semaphore_mem>>) src(%dma_wait3A_78 : memref<2496xf32, #tpu.memory_space<hbm>>) dst(%dma_wait3A_77 : memref<2496xf32, #tpu.memory_space<vmem>>)
      tpu.yield
    }) : () -> ()
    %add3A_59 = arith.constant 2512 : i32
    %add3A_60 = arith.addi %min3A_24, %add3A_59 : i32
    "tpu.region"() ({
      %run_scoped3A = tpu.sem_alloc : memref<!tpu.dma_semaphore, #tpu.memory_space<semaphore_mem>>
      %dma_start3A = arith.constant 0 : i32
      %dma_start3A_69 = tpu.memref_slice %arg22[%dma_start3A] : memref<2512xf32, #tpu.memory_space<vmem>> -> memref<2496xf32, #tpu.memory_space<vmem>>
      %dma_start3A_70 = tpu.memref_slice %arg10[%add3A_60] : memref<160000xf32, #tpu.memory_space<hbm>> -> memref<2496xf32, #tpu.memory_space<hbm>>
      %dma_start3A_71 = arith.constant 0 : i32
      %dma_start3A_72 = tpu.memref_slice %arg22[%dma_start3A_71] : memref<2512xf32, #tpu.memory_space<vmem>> -> memref<2496xf32, #tpu.memory_space<vmem>>
      %dma_start3A_73 = tpu.memref_slice %arg10[%add3A_60] : memref<160000xf32, #tpu.memory_space<hbm>> -> memref<2496xf32, #tpu.memory_space<hbm>>
      tpu.enqueue_dma source(%dma_start3A_73 : memref<2496xf32, #tpu.memory_space<hbm>>) target(%dma_start3A_72 : memref<2496xf32, #tpu.memory_space<vmem>>) target_semaphore(%run_scoped3A : memref<!tpu.dma_semaphore, #tpu.memory_space<semaphore_mem>>)
      %dma_wait3A = arith.constant 0 : i32
      %dma_wait3A_74 = tpu.memref_slice %arg22[%dma_wait3A] : memref<2512xf32, #tpu.memory_space<vmem>> -> memref<2496xf32, #tpu.memory_space<vmem>>
      %dma_wait3A_75 = tpu.memref_slice %arg10[%add3A_60] : memref<160000xf32, #tpu.memory_space<hbm>> -> memref<2496xf32, #tpu.memory_space<hbm>>
      %dma_wait3A_76 = arith.constant 0 : i32
      %dma_wait3A_77 = tpu.memref_slice %arg22[%dma_wait3A_76] : memref<2512xf32, #tpu.memory_space<vmem>> -> memref<2496xf32, #tpu.memory_space<vmem>>
      %dma_wait3A_78 = tpu.memref_slice %arg10[%add3A_60] : memref<160000xf32, #tpu.memory_space<hbm>> -> memref<2496xf32, #tpu.memory_space<hbm>>
      tpu.wait_dma2 semaphore(%run_scoped3A : memref<!tpu.dma_semaphore, #tpu.memory_space<semaphore_mem>>) src(%dma_wait3A_78 : memref<2496xf32, #tpu.memory_space<hbm>>) dst(%dma_wait3A_77 : memref<2496xf32, #tpu.memory_space<vmem>>)
      tpu.yield
    }) : () -> ()
    %scan3A_61 = arith.constant 0 : i32
    %scan3A_62 = arith.constant 0 : i32
    %scan3A_63 = arith.constant 156 : i32
    %scan3A_64 = arith.addi %scan3A_62, %scan3A_63 : i32
    %scan3A_65 = arith.constant 1 : i32
    scf.for %scan3A_69 = %scan3A_62 to %scan3A_64 step %scan3A_65  : i32 {
      %mul3A_70 = arith.constant 16 : i32
      %mul3A_71 = arith.muli %scan3A_69, %mul3A_70 : i32
      %add3A_72 = vector.broadcast %mul3A_71 : i32 to vector<16xi32>
      %add3A_73 = arith.addi %iota3A, %add3A_72 : vector<16xi32>
      %mul3A_74 = arith.constant 16 : i32
      %mul3A_75 = arith.muli %scan3A_69, %mul3A_74 : i32
      %get3A = arith.index_cast %mul3A_75 : i32 to index
      %get3A_76 = tpu.vector_load %arg16[%get3A] {strides = array<i32>} : memref<2512xf32, #tpu.memory_space<vmem>>, vector<16xf32>,
      %broadcast_in_dim3A = arith.constant 0 : i32
      %broadcast_in_dim3A_77 = vector.broadcast %broadcast_in_dim3A : i32 to vector<16xi32>
      tpu.vector_store_idx %arg23[%add3A_73, %broadcast_in_dim3A_77], %get3A_76 : memref<2512x16xf32, #tpu.memory_space<vmem>>[vector<16xi32>, vector<16xi32>], vector<16xf32>,
      %mul3A_78 = arith.constant 16 : i32
      %mul3A_79 = arith.muli %scan3A_69, %mul3A_78 : i32
      %get3A_80 = arith.index_cast %mul3A_79 : i32 to index
      %get3A_81 = tpu.vector_load %arg17[%get3A_80] {strides = array<i32>} : memref<2512xf32, #tpu.memory_space<vmem>>, vector<16xf32>,
      %broadcast_in_dim3A_82 = arith.constant 1 : i32
      %broadcast_in_dim3A_83 = vector.broadcast %broadcast_in_dim3A_82 : i32 to vector<16xi32>
      tpu.vector_store_idx %arg23[%add3A_73, %broadcast_in_dim3A_83], %get3A_81 : memref<2512x16xf32, #tpu.memory_space<vmem>>[vector<16xi32>, vector<16xi32>], vector<16xf32>,
      %mul3A_84 = arith.constant 16 : i32
      %mul3A_85 = arith.muli %scan3A_69, %mul3A_84 : i32
      %get3A_86 = arith.index_cast %mul3A_85 : i32 to index
      %get3A_87 = tpu.vector_load %arg18[%get3A_86] {strides = array<i32>} : memref<2512xf32, #tpu.memory_space<vmem>>, vector<16xf32>,
      %broadcast_in_dim3A_88 = arith.constant 2 : i32
      %broadcast_in_dim3A_89 = vector.broadcast %broadcast_in_dim3A_88 : i32 to vector<16xi32>
      tpu.vector_store_idx %arg23[%add3A_73, %broadcast_in_dim3A_89], %get3A_87 : memref<2512x16xf32, #tpu.memory_space<vmem>>[vector<16xi32>, vector<16xi32>], vector<16xf32>,
      %mul3A_90 = arith.constant 16 : i32
      %mul3A_91 = arith.muli %scan3A_69, %mul3A_90 : i32
      %get3A_92 = arith.index_cast %mul3A_91 : i32 to index
      %get3A_93 = tpu.vector_load %arg19[%get3A_92] {strides = array<i32>} : memref<2512xf32, #tpu.memory_space<vmem>>, vector<16xf32>,
      %broadcast_in_dim3A_94 = arith.constant 3 : i32
      %broadcast_in_dim3A_95 = vector.broadcast %broadcast_in_dim3A_94 : i32 to vector<16xi32>
      tpu.vector_store_idx %arg23[%add3A_73, %broadcast_in_dim3A_95], %get3A_93 : memref<2512x16xf32, #tpu.memory_space<vmem>>[vector<16xi32>, vector<16xi32>], vector<16xf32>,
      %mul3A_96 = arith.constant 16 : i32
      %mul3A_97 = arith.muli %scan3A_69, %mul3A_96 : i32
      %get3A_98 = arith.index_cast %mul3A_97 : i32 to index
      %get3A_99 = tpu.vector_load %arg20[%get3A_98] {strides = array<i32>} : memref<2512xf32, #tpu.memory_space<vmem>>, vector<16xf32>,
      %broadcast_in_dim3A_100 = arith.constant 4 : i32
      %broadcast_in_dim3A_101 = vector.broadcast %broadcast_in_dim3A_100 : i32 to vector<16xi32>
      tpu.vector_store_idx %arg23[%add3A_73, %broadcast_in_dim3A_101], %get3A_99 : memref<2512x16xf32, #tpu.memory_space<vmem>>[vector<16xi32>, vector<16xi32>], vector<16xf32>,
      %mul3A_102 = arith.constant 16 : i32
      %mul3A_103 = arith.muli %scan3A_69, %mul3A_102 : i32
      %get3A_104 = arith.index_cast %mul3A_103 : i32 to index
      %get3A_105 = tpu.vector_load %arg21[%get3A_104] {strides = array<i32>} : memref<2512xf32, #tpu.memory_space<vmem>>, vector<16xf32>,
      %broadcast_in_dim3A_106 = arith.constant 5 : i32
      %broadcast_in_dim3A_107 = vector.broadcast %broadcast_in_dim3A_106 : i32 to vector<16xi32>
      tpu.vector_store_idx %arg23[%add3A_73, %broadcast_in_dim3A_107], %get3A_105 : memref<2512x16xf32, #tpu.memory_space<vmem>>[vector<16xi32>, vector<16xi32>], vector<16xf32>,
      %mul3A_108 = arith.constant 16 : i32
      %mul3A_109 = arith.muli %scan3A_69, %mul3A_108 : i32
      %get3A_110 = arith.index_cast %mul3A_109 : i32 to index
      %get3A_111 = tpu.vector_load %arg22[%get3A_110] {strides = array<i32>} : memref<2512xf32, #tpu.memory_space<vmem>>, vector<16xf32>,
      %broadcast_in_dim3A_112 = arith.constant 6 : i32
      %broadcast_in_dim3A_113 = vector.broadcast %broadcast_in_dim3A_112 : i32 to vector<16xi32>
      tpu.vector_store_idx %arg23[%add3A_73, %broadcast_in_dim3A_113], %get3A_111 : memref<2512x16xf32, #tpu.memory_space<vmem>>[vector<16xi32>, vector<16xi32>], vector<16xf32>,
    }
    %scan3A_66 = arith.constant 156 : i32
    %add3A_67 = arith.constant 2512 : i32
    %add3A_68 = arith.addi %min3A_24, %add3A_67 : i32
    "tpu.region"() ({
      %run_scoped3A = tpu.sem_alloc : memref<!tpu.dma_semaphore, #tpu.memory_space<semaphore_mem>>
      %dma_start3A = arith.constant 0 : i32
      %dma_start3A_69 = arith.constant 0 : i32
      %dma_start3A_70 = tpu.memref_slice %arg23[%dma_start3A, %dma_start3A_69] : memref<2512x16xf32, #tpu.memory_space<vmem>> -> memref<2496x16xf32, #tpu.memory_space<vmem>>
      %dma_start3A_71 = arith.constant 0 : i32
      %dma_start3A_72 = tpu.memref_slice %arg12[%add3A_68, %dma_start3A_71] : memref<160000x16xf32, #tpu.memory_space<hbm>> -> memref<2496x16xf32, #tpu.memory_space<hbm>>
      %dma_start3A_73 = arith.constant 0 : i32
      %dma_start3A_74 = tpu.memref_slice %arg12[%add3A_68, %dma_start3A_73] : memref<160000x16xf32, #tpu.memory_space<hbm>> -> memref<2496x16xf32, #tpu.memory_space<hbm>>
      %dma_start3A_75 = arith.constant 0 : i32
      %dma_start3A_76 = arith.constant 0 : i32
      %dma_start3A_77 = tpu.memref_slice %arg23[%dma_start3A_75, %dma_start3A_76] : memref<2512x16xf32, #tpu.memory_space<vmem>> -> memref<2496x16xf32, #tpu.memory_space<vmem>>
      tpu.enqueue_dma source(%dma_start3A_77 : memref<2496x16xf32, #tpu.memory_space<vmem>>) target(%dma_start3A_74 : memref<2496x16xf32, #tpu.memory_space<hbm>>) target_semaphore(%run_scoped3A : memref<!tpu.dma_semaphore, #tpu.memory_space<semaphore_mem>>)
      %dma_wait3A = arith.constant 0 : i32
      %dma_wait3A_78 = arith.constant 0 : i32
      %dma_wait3A_79 = tpu.memref_slice %arg23[%dma_wait3A, %dma_wait3A_78] : memref<2512x16xf32, #tpu.memory_space<vmem>> -> memref<2496x16xf32, #tpu.memory_space<vmem>>
      %dma_wait3A_80 = arith.constant 0 : i32
      %dma_wait3A_81 = tpu.memref_slice %arg12[%add3A_68, %dma_wait3A_80] : memref<160000x16xf32, #tpu.memory_space<hbm>> -> memref<2496x16xf32, #tpu.memory_space<hbm>>
      %dma_wait3A_82 = arith.constant 0 : i32
      %dma_wait3A_83 = tpu.memref_slice %arg12[%add3A_68, %dma_wait3A_82] : memref<160000x16xf32, #tpu.memory_space<hbm>> -> memref<2496x16xf32, #tpu.memory_space<hbm>>
      %dma_wait3A_84 = arith.constant 0 : i32
      %dma_wait3A_85 = arith.constant 0 : i32
      %dma_wait3A_86 = tpu.memref_slice %arg23[%dma_wait3A_84, %dma_wait3A_85] : memref<2512x16xf32, #tpu.memory_space<vmem>> -> memref<2496x16xf32, #tpu.memory_space<vmem>>
      tpu.wait_dma2 semaphore(%run_scoped3A : memref<!tpu.dma_semaphore, #tpu.memory_space<semaphore_mem>>) src(%dma_wait3A_86 : memref<2496x16xf32, #tpu.memory_space<vmem>>) dst(%dma_wait3A_83 : memref<2496x16xf32, #tpu.memory_space<hbm>>)
      tpu.yield
    }) : () -> ()
    return
  }
}

#map = affine_map<(d0, d1) -> (0, 0)>
#map1 = affine_map<(d0, d1) -> (0)>
module attributes {stable_mosaic.version = 14 : i64} {
  func.func @_sc_body(%arg0: i32, %arg1: i32, %arg2: memref<100000x16xf32, #tpu.memory_space<hbm>>, %arg3: memref<1606656xi32, #tpu.memory_space<hbm>>, %arg4: memref<1606656xi32, #tpu.memory_space<hbm>>, %arg5: memref<1606656xi32, #tpu.memory_space<hbm>>, %arg6: memref<1606656xi32, #tpu.memory_space<hbm>>, %arg7: memref<1606656xi32, #tpu.memory_space<hbm>>, %arg8: memref<160000x16xf32, #tpu.memory_space<hbm>>, %arg9: memref<32768xf32, #tpu.memory_space<hbm>>, %arg10: memref<4096xi32, #tpu.memory_space<vmem>>, %arg11: memref<1024xi32, #tpu.memory_space<vmem>>, %arg12: memref<4096x16xf32, #tpu.memory_space<vmem>>, %arg13: memref<4x128xi32, #tpu.memory_space<vmem>>, %arg14: memref<512xf32, #tpu.memory_space<vmem>>, %arg15: memref<512xf32, #tpu.memory_space<vmem>>, %arg16: memref<512x16xf32, #tpu.memory_space<vmem>>, %arg17: memref<16384xf32, #tpu.memory_space<vmem>>, %arg18: memref<1024xf32, #tpu.memory_space<vmem>>, %arg19: memref<!tpu.dma_semaphore, #tpu.memory_space<semaphore_mem>>, %arg20: memref<!tpu.dma_semaphore, #tpu.memory_space<semaphore_mem>>, %arg21: memref<!tpu.dma_semaphore, #tpu.memory_space<semaphore_mem>>) attributes {dimension_semantics = [#tpu.dimension_semantics<core_parallel>, #tpu.dimension_semantics<subcore_parallel>], iteration_bounds = array<i64: 2, 16>, scalar_prefetch = 0 : i64, scratch_operands = 12 : i64, tpu.core_type = #tpu.core_type<sc_vector_subcore>, window_params = [{transform_indices = #map}, {transform_indices = #map1}, {transform_indices = #map1}, {transform_indices = #map1}, {transform_indices = #map1}, {transform_indices = #map1}, {transform_indices = #map}, {transform_indices = #map1}]} {
    %mul3A = arith.constant 2 : i32
    %mul3A_0 = arith.muli %arg1, %mul3A : i32
    %add3A = arith.addi %mul3A_0, %arg0 : i32
    %mul3A_1 = arith.constant 50176 : i32
    %mul3A_2 = arith.muli %add3A, %mul3A_1 : i32
    %iota3A = tpu.iota {dimensions = array<i32: 0>} : vector<16xi32>
    %scan3A = arith.constant 0 : i32
    %scan3A_3 = arith.constant 0 : i32
    %scan3A_4 = arith.constant 1024 : i32
    %scan3A_5 = arith.addi %scan3A_3, %scan3A_4 : i32
    %scan3A_6 = arith.constant 1 : i32
    scf.for %scan3A_412 = %scan3A_3 to %scan3A_5 step %scan3A_6  : i32 {
      %broadcast_in_dim3A = arith.constant 0.000000e+00 : f32
      %broadcast_in_dim3A_413 = vector.broadcast %broadcast_in_dim3A : f32 to vector<16xf32>
      %mul3A_414 = arith.constant 16 : i32
      %mul3A_415 = arith.muli %scan3A_412, %mul3A_414 : i32
      %swap3A = arith.index_cast %mul3A_415 : i32 to index
      %swap3A_416 = tpu.vector_load %arg17[%swap3A] {strides = array<i32>} : memref<16384xf32, #tpu.memory_space<vmem>>, vector<16xf32>,
      tpu.vector_store %arg17[%swap3A], %broadcast_in_dim3A_413 {strides = array<i32>} : memref<16384xf32, #tpu.memory_space<vmem>>, vector<16xf32>,
    }
    %scan3A_7 = arith.constant 1024 : i32
    "tpu.region"() ({
      %run_scoped3A = tpu.sem_alloc : memref<!tpu.dma_semaphore, #tpu.memory_space<semaphore_mem>>
      %dma_start3A_412 = arith.constant 0 : i32
      %dma_start3A_413 = tpu.memref_slice %arg10[%dma_start3A_412] : memref<4096xi32, #tpu.memory_space<vmem>> -> memref<512xi32, #tpu.memory_space<vmem>>
      %dma_start3A_414 = tpu.memref_slice %arg3[%mul3A_2] : memref<1606656xi32, #tpu.memory_space<hbm>> -> memref<512xi32, #tpu.memory_space<hbm>>
      %dma_start3A_415 = arith.constant 0 : i32
      %dma_start3A_416 = tpu.memref_slice %arg10[%dma_start3A_415] : memref<4096xi32, #tpu.memory_space<vmem>> -> memref<512xi32, #tpu.memory_space<vmem>>
      %dma_start3A_417 = tpu.memref_slice %arg3[%mul3A_2] : memref<1606656xi32, #tpu.memory_space<hbm>> -> memref<512xi32, #tpu.memory_space<hbm>>
      tpu.enqueue_dma source(%dma_start3A_417 : memref<512xi32, #tpu.memory_space<hbm>>) target(%dma_start3A_416 : memref<512xi32, #tpu.memory_space<vmem>>) target_semaphore(%run_scoped3A : memref<!tpu.dma_semaphore, #tpu.memory_space<semaphore_mem>>)
      %dma_wait3A_418 = arith.constant 0 : i32
      %dma_wait3A_419 = tpu.memref_slice %arg10[%dma_wait3A_418] : memref<4096xi32, #tpu.memory_space<vmem>> -> memref<512xi32, #tpu.memory_space<vmem>>
      %dma_wait3A_420 = tpu.memref_slice %arg3[%mul3A_2] : memref<1606656xi32, #tpu.memory_space<hbm>> -> memref<512xi32, #tpu.memory_space<hbm>>
      %dma_wait3A_421 = arith.constant 0 : i32
      %dma_wait3A_422 = tpu.memref_slice %arg10[%dma_wait3A_421] : memref<4096xi32, #tpu.memory_space<vmem>> -> memref<512xi32, #tpu.memory_space<vmem>>
      %dma_wait3A_423 = tpu.memref_slice %arg3[%mul3A_2] : memref<1606656xi32, #tpu.memory_space<hbm>> -> memref<512xi32, #tpu.memory_space<hbm>>
      tpu.wait_dma2 semaphore(%run_scoped3A : memref<!tpu.dma_semaphore, #tpu.memory_space<semaphore_mem>>) src(%dma_wait3A_423 : memref<512xi32, #tpu.memory_space<hbm>>) dst(%dma_wait3A_422 : memref<512xi32, #tpu.memory_space<vmem>>)
      tpu.yield
    }) : () -> ()
    "tpu.region"() ({
      %run_scoped3A = tpu.sem_alloc : memref<!tpu.dma_semaphore, #tpu.memory_space<semaphore_mem>>
      %dma_start3A_412 = arith.constant 512 : i32
      %dma_start3A_413 = tpu.memref_slice %arg10[%dma_start3A_412] : memref<4096xi32, #tpu.memory_space<vmem>> -> memref<512xi32, #tpu.memory_space<vmem>>
      %dma_start3A_414 = tpu.memref_slice %arg4[%mul3A_2] : memref<1606656xi32, #tpu.memory_space<hbm>> -> memref<512xi32, #tpu.memory_space<hbm>>
      %dma_start3A_415 = arith.constant 512 : i32
      %dma_start3A_416 = tpu.memref_slice %arg10[%dma_start3A_415] : memref<4096xi32, #tpu.memory_space<vmem>> -> memref<512xi32, #tpu.memory_space<vmem>>
      %dma_start3A_417 = tpu.memref_slice %arg4[%mul3A_2] : memref<1606656xi32, #tpu.memory_space<hbm>> -> memref<512xi32, #tpu.memory_space<hbm>>
      tpu.enqueue_dma source(%dma_start3A_417 : memref<512xi32, #tpu.memory_space<hbm>>) target(%dma_start3A_416 : memref<512xi32, #tpu.memory_space<vmem>>) target_semaphore(%run_scoped3A : memref<!tpu.dma_semaphore, #tpu.memory_space<semaphore_mem>>)
      %dma_wait3A_418 = arith.constant 512 : i32
      %dma_wait3A_419 = tpu.memref_slice %arg10[%dma_wait3A_418] : memref<4096xi32, #tpu.memory_space<vmem>> -> memref<512xi32, #tpu.memory_space<vmem>>
      %dma_wait3A_420 = tpu.memref_slice %arg4[%mul3A_2] : memref<1606656xi32, #tpu.memory_space<hbm>> -> memref<512xi32, #tpu.memory_space<hbm>>
      %dma_wait3A_421 = arith.constant 512 : i32
      %dma_wait3A_422 = tpu.memref_slice %arg10[%dma_wait3A_421] : memref<4096xi32, #tpu.memory_space<vmem>> -> memref<512xi32, #tpu.memory_space<vmem>>
      %dma_wait3A_423 = tpu.memref_slice %arg4[%mul3A_2] : memref<1606656xi32, #tpu.memory_space<hbm>> -> memref<512xi32, #tpu.memory_space<hbm>>
      tpu.wait_dma2 semaphore(%run_scoped3A : memref<!tpu.dma_semaphore, #tpu.memory_space<semaphore_mem>>) src(%dma_wait3A_423 : memref<512xi32, #tpu.memory_space<hbm>>) dst(%dma_wait3A_422 : memref<512xi32, #tpu.memory_space<vmem>>)
      tpu.yield
    }) : () -> ()
    "tpu.region"() ({
      %run_scoped3A = tpu.sem_alloc : memref<!tpu.dma_semaphore, #tpu.memory_space<semaphore_mem>>
      %dma_start3A_412 = arith.constant 1024 : i32
      %dma_start3A_413 = tpu.memref_slice %arg10[%dma_start3A_412] : memref<4096xi32, #tpu.memory_space<vmem>> -> memref<512xi32, #tpu.memory_space<vmem>>
      %dma_start3A_414 = tpu.memref_slice %arg5[%mul3A_2] : memref<1606656xi32, #tpu.memory_space<hbm>> -> memref<512xi32, #tpu.memory_space<hbm>>
      %dma_start3A_415 = arith.constant 1024 : i32
      %dma_start3A_416 = tpu.memref_slice %arg10[%dma_start3A_415] : memref<4096xi32, #tpu.memory_space<vmem>> -> memref<512xi32, #tpu.memory_space<vmem>>
      %dma_start3A_417 = tpu.memref_slice %arg5[%mul3A_2] : memref<1606656xi32, #tpu.memory_space<hbm>> -> memref<512xi32, #tpu.memory_space<hbm>>
      tpu.enqueue_dma source(%dma_start3A_417 : memref<512xi32, #tpu.memory_space<hbm>>) target(%dma_start3A_416 : memref<512xi32, #tpu.memory_space<vmem>>) target_semaphore(%run_scoped3A : memref<!tpu.dma_semaphore, #tpu.memory_space<semaphore_mem>>)
      %dma_wait3A_418 = arith.constant 1024 : i32
      %dma_wait3A_419 = tpu.memref_slice %arg10[%dma_wait3A_418] : memref<4096xi32, #tpu.memory_space<vmem>> -> memref<512xi32, #tpu.memory_space<vmem>>
      %dma_wait3A_420 = tpu.memref_slice %arg5[%mul3A_2] : memref<1606656xi32, #tpu.memory_space<hbm>> -> memref<512xi32, #tpu.memory_space<hbm>>
      %dma_wait3A_421 = arith.constant 1024 : i32
      %dma_wait3A_422 = tpu.memref_slice %arg10[%dma_wait3A_421] : memref<4096xi32, #tpu.memory_space<vmem>> -> memref<512xi32, #tpu.memory_space<vmem>>
      %dma_wait3A_423 = tpu.memref_slice %arg5[%mul3A_2] : memref<1606656xi32, #tpu.memory_space<hbm>> -> memref<512xi32, #tpu.memory_space<hbm>>
      tpu.wait_dma2 semaphore(%run_scoped3A : memref<!tpu.dma_semaphore, #tpu.memory_space<semaphore_mem>>) src(%dma_wait3A_423 : memref<512xi32, #tpu.memory_space<hbm>>) dst(%dma_wait3A_422 : memref<512xi32, #tpu.memory_space<vmem>>)
      tpu.yield
    }) : () -> ()
    "tpu.region"() ({
      %run_scoped3A = tpu.sem_alloc : memref<!tpu.dma_semaphore, #tpu.memory_space<semaphore_mem>>
      %dma_start3A_412 = arith.constant 1536 : i32
      %dma_start3A_413 = tpu.memref_slice %arg10[%dma_start3A_412] : memref<4096xi32, #tpu.memory_space<vmem>> -> memref<512xi32, #tpu.memory_space<vmem>>
      %dma_start3A_414 = tpu.memref_slice %arg6[%mul3A_2] : memref<1606656xi32, #tpu.memory_space<hbm>> -> memref<512xi32, #tpu.memory_space<hbm>>
      %dma_start3A_415 = arith.constant 1536 : i32
      %dma_start3A_416 = tpu.memref_slice %arg10[%dma_start3A_415] : memref<4096xi32, #tpu.memory_space<vmem>> -> memref<512xi32, #tpu.memory_space<vmem>>
      %dma_start3A_417 = tpu.memref_slice %arg6[%mul3A_2] : memref<1606656xi32, #tpu.memory_space<hbm>> -> memref<512xi32, #tpu.memory_space<hbm>>
      tpu.enqueue_dma source(%dma_start3A_417 : memref<512xi32, #tpu.memory_space<hbm>>) target(%dma_start3A_416 : memref<512xi32, #tpu.memory_space<vmem>>) target_semaphore(%run_scoped3A : memref<!tpu.dma_semaphore, #tpu.memory_space<semaphore_mem>>)
      %dma_wait3A_418 = arith.constant 1536 : i32
      %dma_wait3A_419 = tpu.memref_slice %arg10[%dma_wait3A_418] : memref<4096xi32, #tpu.memory_space<vmem>> -> memref<512xi32, #tpu.memory_space<vmem>>
      %dma_wait3A_420 = tpu.memref_slice %arg6[%mul3A_2] : memref<1606656xi32, #tpu.memory_space<hbm>> -> memref<512xi32, #tpu.memory_space<hbm>>
      %dma_wait3A_421 = arith.constant 1536 : i32
      %dma_wait3A_422 = tpu.memref_slice %arg10[%dma_wait3A_421] : memref<4096xi32, #tpu.memory_space<vmem>> -> memref<512xi32, #tpu.memory_space<vmem>>
      %dma_wait3A_423 = tpu.memref_slice %arg6[%mul3A_2] : memref<1606656xi32, #tpu.memory_space<hbm>> -> memref<512xi32, #tpu.memory_space<hbm>>
      tpu.wait_dma2 semaphore(%run_scoped3A : memref<!tpu.dma_semaphore, #tpu.memory_space<semaphore_mem>>) src(%dma_wait3A_423 : memref<512xi32, #tpu.memory_space<hbm>>) dst(%dma_wait3A_422 : memref<512xi32, #tpu.memory_space<vmem>>)
      tpu.yield
    }) : () -> ()
    "tpu.region"() ({
      %run_scoped3A = tpu.sem_alloc : memref<!tpu.dma_semaphore, #tpu.memory_space<semaphore_mem>>
      %dma_start3A_412 = arith.constant 0 : i32
      %dma_start3A_413 = tpu.memref_slice %arg11[%dma_start3A_412] : memref<1024xi32, #tpu.memory_space<vmem>> -> memref<512xi32, #tpu.memory_space<vmem>>
      %dma_start3A_414 = tpu.memref_slice %arg7[%mul3A_2] : memref<1606656xi32, #tpu.memory_space<hbm>> -> memref<512xi32, #tpu.memory_space<hbm>>
      %dma_start3A_415 = arith.constant 0 : i32
      %dma_start3A_416 = tpu.memref_slice %arg11[%dma_start3A_415] : memref<1024xi32, #tpu.memory_space<vmem>> -> memref<512xi32, #tpu.memory_space<vmem>>
      %dma_start3A_417 = tpu.memref_slice %arg7[%mul3A_2] : memref<1606656xi32, #tpu.memory_space<hbm>> -> memref<512xi32, #tpu.memory_space<hbm>>
      tpu.enqueue_dma source(%dma_start3A_417 : memref<512xi32, #tpu.memory_space<hbm>>) target(%dma_start3A_416 : memref<512xi32, #tpu.memory_space<vmem>>) target_semaphore(%run_scoped3A : memref<!tpu.dma_semaphore, #tpu.memory_space<semaphore_mem>>)
      %dma_wait3A_418 = arith.constant 0 : i32
      %dma_wait3A_419 = tpu.memref_slice %arg11[%dma_wait3A_418] : memref<1024xi32, #tpu.memory_space<vmem>> -> memref<512xi32, #tpu.memory_space<vmem>>
      %dma_wait3A_420 = tpu.memref_slice %arg7[%mul3A_2] : memref<1606656xi32, #tpu.memory_space<hbm>> -> memref<512xi32, #tpu.memory_space<hbm>>
      %dma_wait3A_421 = arith.constant 0 : i32
      %dma_wait3A_422 = tpu.memref_slice %arg11[%dma_wait3A_421] : memref<1024xi32, #tpu.memory_space<vmem>> -> memref<512xi32, #tpu.memory_space<vmem>>
      %dma_wait3A_423 = tpu.memref_slice %arg7[%mul3A_2] : memref<1606656xi32, #tpu.memory_space<hbm>> -> memref<512xi32, #tpu.memory_space<hbm>>
      tpu.wait_dma2 semaphore(%run_scoped3A : memref<!tpu.dma_semaphore, #tpu.memory_space<semaphore_mem>>) src(%dma_wait3A_423 : memref<512xi32, #tpu.memory_space<hbm>>) dst(%dma_wait3A_422 : memref<512xi32, #tpu.memory_space<vmem>>)
      tpu.yield
    }) : () -> ()
    %dma_start3A = arith.constant 0 : i32
    %dma_start3A_8 = arith.constant 0 : i32
    %dma_start3A_9 = tpu.memref_slice %arg12[%dma_start3A, %dma_start3A_8] : memref<4096x16xf32, #tpu.memory_space<vmem>> -> memref<128x16xf32, #tpu.memory_space<vmem>>
    %dma_start3A_10 = arith.constant 0 : i32
    %dma_start3A_11 = tpu.memref_slice %arg10[%dma_start3A_10] : memref<4096xi32, #tpu.memory_space<vmem>> -> memref<128xi32, #tpu.memory_space<vmem>>
    %dma_start3A_12 = arith.constant 0 : i32
    %dma_start3A_13 = arith.constant 0 : i32
    %dma_start3A_14 = tpu.memref_slice %arg2[%dma_start3A_12, %dma_start3A_13] : memref<100000x16xf32, #tpu.memory_space<hbm>> -> memref<100000x16xf32, #tpu.memory_space<hbm>>
    tpu.enqueue_indirect_dma source(%dma_start3A_14 : memref<100000x16xf32, #tpu.memory_space<hbm>>) target(%dma_start3A_9 : memref<128x16xf32, #tpu.memory_space<vmem>>) offsets(%dma_start3A_11 : memref<128xi32, #tpu.memory_space<vmem>>) semaphore(%arg19 : memref<!tpu.dma_semaphore, #tpu.memory_space<semaphore_mem>>)
    %dma_start3A_15 = arith.constant 128 : i32
    %dma_start3A_16 = arith.constant 0 : i32
    %dma_start3A_17 = tpu.memref_slice %arg12[%dma_start3A_15, %dma_start3A_16] : memref<4096x16xf32, #tpu.memory_space<vmem>> -> memref<128x16xf32, #tpu.memory_space<vmem>>
    %dma_start3A_18 = arith.constant 128 : i32
    %dma_start3A_19 = tpu.memref_slice %arg10[%dma_start3A_18] : memref<4096xi32, #tpu.memory_space<vmem>> -> memref<128xi32, #tpu.memory_space<vmem>>
    %dma_start3A_20 = arith.constant 0 : i32
    %dma_start3A_21 = arith.constant 0 : i32
    %dma_start3A_22 = tpu.memref_slice %arg2[%dma_start3A_20, %dma_start3A_21] : memref<100000x16xf32, #tpu.memory_space<hbm>> -> memref<100000x16xf32, #tpu.memory_space<hbm>>
    tpu.enqueue_indirect_dma source(%dma_start3A_22 : memref<100000x16xf32, #tpu.memory_space<hbm>>) target(%dma_start3A_17 : memref<128x16xf32, #tpu.memory_space<vmem>>) offsets(%dma_start3A_19 : memref<128xi32, #tpu.memory_space<vmem>>) semaphore(%arg19 : memref<!tpu.dma_semaphore, #tpu.memory_space<semaphore_mem>>)
    %dma_start3A_23 = arith.constant 256 : i32
    %dma_start3A_24 = arith.constant 0 : i32
    %dma_start3A_25 = tpu.memref_slice %arg12[%dma_start3A_23, %dma_start3A_24] : memref<4096x16xf32, #tpu.memory_space<vmem>> -> memref<128x16xf32, #tpu.memory_space<vmem>>
    %dma_start3A_26 = arith.constant 256 : i32
    %dma_start3A_27 = tpu.memref_slice %arg10[%dma_start3A_26] : memref<4096xi32, #tpu.memory_space<vmem>> -> memref<128xi32, #tpu.memory_space<vmem>>
    %dma_start3A_28 = arith.constant 0 : i32
    %dma_start3A_29 = arith.constant 0 : i32
    %dma_start3A_30 = tpu.memref_slice %arg2[%dma_start3A_28, %dma_start3A_29] : memref<100000x16xf32, #tpu.memory_space<hbm>> -> memref<100000x16xf32, #tpu.memory_space<hbm>>
    tpu.enqueue_indirect_dma source(%dma_start3A_30 : memref<100000x16xf32, #tpu.memory_space<hbm>>) target(%dma_start3A_25 : memref<128x16xf32, #tpu.memory_space<vmem>>) offsets(%dma_start3A_27 : memref<128xi32, #tpu.memory_space<vmem>>) semaphore(%arg19 : memref<!tpu.dma_semaphore, #tpu.memory_space<semaphore_mem>>)
    %dma_start3A_31 = arith.constant 384 : i32
    %dma_start3A_32 = arith.constant 0 : i32
    %dma_start3A_33 = tpu.memref_slice %arg12[%dma_start3A_31, %dma_start3A_32] : memref<4096x16xf32, #tpu.memory_space<vmem>> -> memref<128x16xf32, #tpu.memory_space<vmem>>
    %dma_start3A_34 = arith.constant 384 : i32
    %dma_start3A_35 = tpu.memref_slice %arg10[%dma_start3A_34] : memref<4096xi32, #tpu.memory_space<vmem>> -> memref<128xi32, #tpu.memory_space<vmem>>
    %dma_start3A_36 = arith.constant 0 : i32
    %dma_start3A_37 = arith.constant 0 : i32
    %dma_start3A_38 = tpu.memref_slice %arg2[%dma_start3A_36, %dma_start3A_37] : memref<100000x16xf32, #tpu.memory_space<hbm>> -> memref<100000x16xf32, #tpu.memory_space<hbm>>
    tpu.enqueue_indirect_dma source(%dma_start3A_38 : memref<100000x16xf32, #tpu.memory_space<hbm>>) target(%dma_start3A_33 : memref<128x16xf32, #tpu.memory_space<vmem>>) offsets(%dma_start3A_35 : memref<128xi32, #tpu.memory_space<vmem>>) semaphore(%arg19 : memref<!tpu.dma_semaphore, #tpu.memory_space<semaphore_mem>>)
    %dma_start3A_39 = arith.constant 512 : i32
    %dma_start3A_40 = arith.constant 0 : i32
    %dma_start3A_41 = tpu.memref_slice %arg12[%dma_start3A_39, %dma_start3A_40] : memref<4096x16xf32, #tpu.memory_space<vmem>> -> memref<128x16xf32, #tpu.memory_space<vmem>>
    %dma_start3A_42 = arith.constant 512 : i32
    %dma_start3A_43 = tpu.memref_slice %arg10[%dma_start3A_42] : memref<4096xi32, #tpu.memory_space<vmem>> -> memref<128xi32, #tpu.memory_space<vmem>>
    %dma_start3A_44 = arith.constant 0 : i32
    %dma_start3A_45 = arith.constant 0 : i32
    %dma_start3A_46 = tpu.memref_slice %arg2[%dma_start3A_44, %dma_start3A_45] : memref<100000x16xf32, #tpu.memory_space<hbm>> -> memref<100000x16xf32, #tpu.memory_space<hbm>>
    tpu.enqueue_indirect_dma source(%dma_start3A_46 : memref<100000x16xf32, #tpu.memory_space<hbm>>) target(%dma_start3A_41 : memref<128x16xf32, #tpu.memory_space<vmem>>) offsets(%dma_start3A_43 : memref<128xi32, #tpu.memory_space<vmem>>) semaphore(%arg19 : memref<!tpu.dma_semaphore, #tpu.memory_space<semaphore_mem>>)
    %dma_start3A_47 = arith.constant 640 : i32
    %dma_start3A_48 = arith.constant 0 : i32
    %dma_start3A_49 = tpu.memref_slice %arg12[%dma_start3A_47, %dma_start3A_48] : memref<4096x16xf32, #tpu.memory_space<vmem>> -> memref<128x16xf32, #tpu.memory_space<vmem>>
    %dma_start3A_50 = arith.constant 640 : i32
    %dma_start3A_51 = tpu.memref_slice %arg10[%dma_start3A_50] : memref<4096xi32, #tpu.memory_space<vmem>> -> memref<128xi32, #tpu.memory_space<vmem>>
    %dma_start3A_52 = arith.constant 0 : i32
    %dma_start3A_53 = arith.constant 0 : i32
    %dma_start3A_54 = tpu.memref_slice %arg2[%dma_start3A_52, %dma_start3A_53] : memref<100000x16xf32, #tpu.memory_space<hbm>> -> memref<100000x16xf32, #tpu.memory_space<hbm>>
    tpu.enqueue_indirect_dma source(%dma_start3A_54 : memref<100000x16xf32, #tpu.memory_space<hbm>>) target(%dma_start3A_49 : memref<128x16xf32, #tpu.memory_space<vmem>>) offsets(%dma_start3A_51 : memref<128xi32, #tpu.memory_space<vmem>>) semaphore(%arg19 : memref<!tpu.dma_semaphore, #tpu.memory_space<semaphore_mem>>)
    %dma_start3A_55 = arith.constant 768 : i32
    %dma_start3A_56 = arith.constant 0 : i32
    %dma_start3A_57 = tpu.memref_slice %arg12[%dma_start3A_55, %dma_start3A_56] : memref<4096x16xf32, #tpu.memory_space<vmem>> -> memref<128x16xf32, #tpu.memory_space<vmem>>
    %dma_start3A_58 = arith.constant 768 : i32
    %dma_start3A_59 = tpu.memref_slice %arg10[%dma_start3A_58] : memref<4096xi32, #tpu.memory_space<vmem>> -> memref<128xi32, #tpu.memory_space<vmem>>
    %dma_start3A_60 = arith.constant 0 : i32
    %dma_start3A_61 = arith.constant 0 : i32
    %dma_start3A_62 = tpu.memref_slice %arg2[%dma_start3A_60, %dma_start3A_61] : memref<100000x16xf32, #tpu.memory_space<hbm>> -> memref<100000x16xf32, #tpu.memory_space<hbm>>
    tpu.enqueue_indirect_dma source(%dma_start3A_62 : memref<100000x16xf32, #tpu.memory_space<hbm>>) target(%dma_start3A_57 : memref<128x16xf32, #tpu.memory_space<vmem>>) offsets(%dma_start3A_59 : memref<128xi32, #tpu.memory_space<vmem>>) semaphore(%arg19 : memref<!tpu.dma_semaphore, #tpu.memory_space<semaphore_mem>>)
    %dma_start3A_63 = arith.constant 896 : i32
    %dma_start3A_64 = arith.constant 0 : i32
    %dma_start3A_65 = tpu.memref_slice %arg12[%dma_start3A_63, %dma_start3A_64] : memref<4096x16xf32, #tpu.memory_space<vmem>> -> memref<128x16xf32, #tpu.memory_space<vmem>>
    %dma_start3A_66 = arith.constant 896 : i32
    %dma_start3A_67 = tpu.memref_slice %arg10[%dma_start3A_66] : memref<4096xi32, #tpu.memory_space<vmem>> -> memref<128xi32, #tpu.memory_space<vmem>>
    %dma_start3A_68 = arith.constant 0 : i32
    %dma_start3A_69 = arith.constant 0 : i32
    %dma_start3A_70 = tpu.memref_slice %arg2[%dma_start3A_68, %dma_start3A_69] : memref<100000x16xf32, #tpu.memory_space<hbm>> -> memref<100000x16xf32, #tpu.memory_space<hbm>>
    tpu.enqueue_indirect_dma source(%dma_start3A_70 : memref<100000x16xf32, #tpu.memory_space<hbm>>) target(%dma_start3A_65 : memref<128x16xf32, #tpu.memory_space<vmem>>) offsets(%dma_start3A_67 : memref<128xi32, #tpu.memory_space<vmem>>) semaphore(%arg19 : memref<!tpu.dma_semaphore, #tpu.memory_space<semaphore_mem>>)
    %dma_start3A_71 = arith.constant 1024 : i32
    %dma_start3A_72 = arith.constant 0 : i32
    %dma_start3A_73 = tpu.memref_slice %arg12[%dma_start3A_71, %dma_start3A_72] : memref<4096x16xf32, #tpu.memory_space<vmem>> -> memref<128x16xf32, #tpu.memory_space<vmem>>
    %dma_start3A_74 = arith.constant 1024 : i32
    %dma_start3A_75 = tpu.memref_slice %arg10[%dma_start3A_74] : memref<4096xi32, #tpu.memory_space<vmem>> -> memref<128xi32, #tpu.memory_space<vmem>>
    %dma_start3A_76 = arith.constant 0 : i32
    %dma_start3A_77 = arith.constant 0 : i32
    %dma_start3A_78 = tpu.memref_slice %arg2[%dma_start3A_76, %dma_start3A_77] : memref<100000x16xf32, #tpu.memory_space<hbm>> -> memref<100000x16xf32, #tpu.memory_space<hbm>>
    tpu.enqueue_indirect_dma source(%dma_start3A_78 : memref<100000x16xf32, #tpu.memory_space<hbm>>) target(%dma_start3A_73 : memref<128x16xf32, #tpu.memory_space<vmem>>) offsets(%dma_start3A_75 : memref<128xi32, #tpu.memory_space<vmem>>) semaphore(%arg19 : memref<!tpu.dma_semaphore, #tpu.memory_space<semaphore_mem>>)
    %dma_start3A_79 = arith.constant 1152 : i32
    %dma_start3A_80 = arith.constant 0 : i32
    %dma_start3A_81 = tpu.memref_slice %arg12[%dma_start3A_79, %dma_start3A_80] : memref<4096x16xf32, #tpu.memory_space<vmem>> -> memref<128x16xf32, #tpu.memory_space<vmem>>
    %dma_start3A_82 = arith.constant 1152 : i32
    %dma_start3A_83 = tpu.memref_slice %arg10[%dma_start3A_82] : memref<4096xi32, #tpu.memory_space<vmem>> -> memref<128xi32, #tpu.memory_space<vmem>>
    %dma_start3A_84 = arith.constant 0 : i32
    %dma_start3A_85 = arith.constant 0 : i32
    %dma_start3A_86 = tpu.memref_slice %arg2[%dma_start3A_84, %dma_start3A_85] : memref<100000x16xf32, #tpu.memory_space<hbm>> -> memref<100000x16xf32, #tpu.memory_space<hbm>>
    tpu.enqueue_indirect_dma source(%dma_start3A_86 : memref<100000x16xf32, #tpu.memory_space<hbm>>) target(%dma_start3A_81 : memref<128x16xf32, #tpu.memory_space<vmem>>) offsets(%dma_start3A_83 : memref<128xi32, #tpu.memory_space<vmem>>) semaphore(%arg19 : memref<!tpu.dma_semaphore, #tpu.memory_space<semaphore_mem>>)
    %dma_start3A_87 = arith.constant 1280 : i32
    %dma_start3A_88 = arith.constant 0 : i32
    %dma_start3A_89 = tpu.memref_slice %arg12[%dma_start3A_87, %dma_start3A_88] : memref<4096x16xf32, #tpu.memory_space<vmem>> -> memref<128x16xf32, #tpu.memory_space<vmem>>
    %dma_start3A_90 = arith.constant 1280 : i32
    %dma_start3A_91 = tpu.memref_slice %arg10[%dma_start3A_90] : memref<4096xi32, #tpu.memory_space<vmem>> -> memref<128xi32, #tpu.memory_space<vmem>>
    %dma_start3A_92 = arith.constant 0 : i32
    %dma_start3A_93 = arith.constant 0 : i32
    %dma_start3A_94 = tpu.memref_slice %arg2[%dma_start3A_92, %dma_start3A_93] : memref<100000x16xf32, #tpu.memory_space<hbm>> -> memref<100000x16xf32, #tpu.memory_space<hbm>>
    tpu.enqueue_indirect_dma source(%dma_start3A_94 : memref<100000x16xf32, #tpu.memory_space<hbm>>) target(%dma_start3A_89 : memref<128x16xf32, #tpu.memory_space<vmem>>) offsets(%dma_start3A_91 : memref<128xi32, #tpu.memory_space<vmem>>) semaphore(%arg19 : memref<!tpu.dma_semaphore, #tpu.memory_space<semaphore_mem>>)
    %dma_start3A_95 = arith.constant 1408 : i32
    %dma_start3A_96 = arith.constant 0 : i32
    %dma_start3A_97 = tpu.memref_slice %arg12[%dma_start3A_95, %dma_start3A_96] : memref<4096x16xf32, #tpu.memory_space<vmem>> -> memref<128x16xf32, #tpu.memory_space<vmem>>
    %dma_start3A_98 = arith.constant 1408 : i32
    %dma_start3A_99 = tpu.memref_slice %arg10[%dma_start3A_98] : memref<4096xi32, #tpu.memory_space<vmem>> -> memref<128xi32, #tpu.memory_space<vmem>>
    %dma_start3A_100 = arith.constant 0 : i32
    %dma_start3A_101 = arith.constant 0 : i32
    %dma_start3A_102 = tpu.memref_slice %arg2[%dma_start3A_100, %dma_start3A_101] : memref<100000x16xf32, #tpu.memory_space<hbm>> -> memref<100000x16xf32, #tpu.memory_space<hbm>>
    tpu.enqueue_indirect_dma source(%dma_start3A_102 : memref<100000x16xf32, #tpu.memory_space<hbm>>) target(%dma_start3A_97 : memref<128x16xf32, #tpu.memory_space<vmem>>) offsets(%dma_start3A_99 : memref<128xi32, #tpu.memory_space<vmem>>) semaphore(%arg19 : memref<!tpu.dma_semaphore, #tpu.memory_space<semaphore_mem>>)
    %dma_start3A_103 = arith.constant 1536 : i32
    %dma_start3A_104 = arith.constant 0 : i32
    %dma_start3A_105 = tpu.memref_slice %arg12[%dma_start3A_103, %dma_start3A_104] : memref<4096x16xf32, #tpu.memory_space<vmem>> -> memref<128x16xf32, #tpu.memory_space<vmem>>
    %dma_start3A_106 = arith.constant 1536 : i32
    %dma_start3A_107 = tpu.memref_slice %arg10[%dma_start3A_106] : memref<4096xi32, #tpu.memory_space<vmem>> -> memref<128xi32, #tpu.memory_space<vmem>>
    %dma_start3A_108 = arith.constant 0 : i32
    %dma_start3A_109 = arith.constant 0 : i32
    %dma_start3A_110 = tpu.memref_slice %arg2[%dma_start3A_108, %dma_start3A_109] : memref<100000x16xf32, #tpu.memory_space<hbm>> -> memref<100000x16xf32, #tpu.memory_space<hbm>>
    tpu.enqueue_indirect_dma source(%dma_start3A_110 : memref<100000x16xf32, #tpu.memory_space<hbm>>) target(%dma_start3A_105 : memref<128x16xf32, #tpu.memory_space<vmem>>) offsets(%dma_start3A_107 : memref<128xi32, #tpu.memory_space<vmem>>) semaphore(%arg19 : memref<!tpu.dma_semaphore, #tpu.memory_space<semaphore_mem>>)
    %dma_start3A_111 = arith.constant 1664 : i32
    %dma_start3A_112 = arith.constant 0 : i32
    %dma_start3A_113 = tpu.memref_slice %arg12[%dma_start3A_111, %dma_start3A_112] : memref<4096x16xf32, #tpu.memory_space<vmem>> -> memref<128x16xf32, #tpu.memory_space<vmem>>
    %dma_start3A_114 = arith.constant 1664 : i32
    %dma_start3A_115 = tpu.memref_slice %arg10[%dma_start3A_114] : memref<4096xi32, #tpu.memory_space<vmem>> -> memref<128xi32, #tpu.memory_space<vmem>>
    %dma_start3A_116 = arith.constant 0 : i32
    %dma_start3A_117 = arith.constant 0 : i32
    %dma_start3A_118 = tpu.memref_slice %arg2[%dma_start3A_116, %dma_start3A_117] : memref<100000x16xf32, #tpu.memory_space<hbm>> -> memref<100000x16xf32, #tpu.memory_space<hbm>>
    tpu.enqueue_indirect_dma source(%dma_start3A_118 : memref<100000x16xf32, #tpu.memory_space<hbm>>) target(%dma_start3A_113 : memref<128x16xf32, #tpu.memory_space<vmem>>) offsets(%dma_start3A_115 : memref<128xi32, #tpu.memory_space<vmem>>) semaphore(%arg19 : memref<!tpu.dma_semaphore, #tpu.memory_space<semaphore_mem>>)
    %dma_start3A_119 = arith.constant 1792 : i32
    %dma_start3A_120 = arith.constant 0 : i32
    %dma_start3A_121 = tpu.memref_slice %arg12[%dma_start3A_119, %dma_start3A_120] : memref<4096x16xf32, #tpu.memory_space<vmem>> -> memref<128x16xf32, #tpu.memory_space<vmem>>
    %dma_start3A_122 = arith.constant 1792 : i32
    %dma_start3A_123 = tpu.memref_slice %arg10[%dma_start3A_122] : memref<4096xi32, #tpu.memory_space<vmem>> -> memref<128xi32, #tpu.memory_space<vmem>>
    %dma_start3A_124 = arith.constant 0 : i32
    %dma_start3A_125 = arith.constant 0 : i32
    %dma_start3A_126 = tpu.memref_slice %arg2[%dma_start3A_124, %dma_start3A_125] : memref<100000x16xf32, #tpu.memory_space<hbm>> -> memref<100000x16xf32, #tpu.memory_space<hbm>>
    tpu.enqueue_indirect_dma source(%dma_start3A_126 : memref<100000x16xf32, #tpu.memory_space<hbm>>) target(%dma_start3A_121 : memref<128x16xf32, #tpu.memory_space<vmem>>) offsets(%dma_start3A_123 : memref<128xi32, #tpu.memory_space<vmem>>) semaphore(%arg19 : memref<!tpu.dma_semaphore, #tpu.memory_space<semaphore_mem>>)
    %dma_start3A_127 = arith.constant 1920 : i32
    %dma_start3A_128 = arith.constant 0 : i32
    %dma_start3A_129 = tpu.memref_slice %arg12[%dma_start3A_127, %dma_start3A_128] : memref<4096x16xf32, #tpu.memory_space<vmem>> -> memref<128x16xf32, #tpu.memory_space<vmem>>
    %dma_start3A_130 = arith.constant 1920 : i32
    %dma_start3A_131 = tpu.memref_slice %arg10[%dma_start3A_130] : memref<4096xi32, #tpu.memory_space<vmem>> -> memref<128xi32, #tpu.memory_space<vmem>>
    %dma_start3A_132 = arith.constant 0 : i32
    %dma_start3A_133 = arith.constant 0 : i32
    %dma_start3A_134 = tpu.memref_slice %arg2[%dma_start3A_132, %dma_start3A_133] : memref<100000x16xf32, #tpu.memory_space<hbm>> -> memref<100000x16xf32, #tpu.memory_space<hbm>>
    tpu.enqueue_indirect_dma source(%dma_start3A_134 : memref<100000x16xf32, #tpu.memory_space<hbm>>) target(%dma_start3A_129 : memref<128x16xf32, #tpu.memory_space<vmem>>) offsets(%dma_start3A_131 : memref<128xi32, #tpu.memory_space<vmem>>) semaphore(%arg19 : memref<!tpu.dma_semaphore, #tpu.memory_space<semaphore_mem>>)
    %add3A_135 = arith.constant 512 : i32
    %add3A_136 = arith.addi %mul3A_2, %add3A_135 : i32
    %dma_start3A_137 = arith.constant 2048 : i32
    %dma_start3A_138 = tpu.memref_slice %arg10[%dma_start3A_137] : memref<4096xi32, #tpu.memory_space<vmem>> -> memref<512xi32, #tpu.memory_space<vmem>>
    %dma_start3A_139 = tpu.memref_slice %arg3[%add3A_136] : memref<1606656xi32, #tpu.memory_space<hbm>> -> memref<512xi32, #tpu.memory_space<hbm>>
    %dma_start3A_140 = arith.constant 2048 : i32
    %dma_start3A_141 = tpu.memref_slice %arg10[%dma_start3A_140] : memref<4096xi32, #tpu.memory_space<vmem>> -> memref<512xi32, #tpu.memory_space<vmem>>
    %dma_start3A_142 = tpu.memref_slice %arg3[%add3A_136] : memref<1606656xi32, #tpu.memory_space<hbm>> -> memref<512xi32, #tpu.memory_space<hbm>>
    tpu.enqueue_dma source(%dma_start3A_142 : memref<512xi32, #tpu.memory_space<hbm>>) target(%dma_start3A_141 : memref<512xi32, #tpu.memory_space<vmem>>) target_semaphore(%arg20 : memref<!tpu.dma_semaphore, #tpu.memory_space<semaphore_mem>>)
    %dma_start3A_143 = arith.constant 2560 : i32
    %dma_start3A_144 = tpu.memref_slice %arg10[%dma_start3A_143] : memref<4096xi32, #tpu.memory_space<vmem>> -> memref<512xi32, #tpu.memory_space<vmem>>
    %dma_start3A_145 = tpu.memref_slice %arg4[%add3A_136] : memref<1606656xi32, #tpu.memory_space<hbm>> -> memref<512xi32, #tpu.memory_space<hbm>>
    %dma_start3A_146 = arith.constant 2560 : i32
    %dma_start3A_147 = tpu.memref_slice %arg10[%dma_start3A_146] : memref<4096xi32, #tpu.memory_space<vmem>> -> memref<512xi32, #tpu.memory_space<vmem>>
    %dma_start3A_148 = tpu.memref_slice %arg4[%add3A_136] : memref<1606656xi32, #tpu.memory_space<hbm>> -> memref<512xi32, #tpu.memory_space<hbm>>
    tpu.enqueue_dma source(%dma_start3A_148 : memref<512xi32, #tpu.memory_space<hbm>>) target(%dma_start3A_147 : memref<512xi32, #tpu.memory_space<vmem>>) target_semaphore(%arg20 : memref<!tpu.dma_semaphore, #tpu.memory_space<semaphore_mem>>)
    %dma_start3A_149 = arith.constant 3072 : i32
    %dma_start3A_150 = tpu.memref_slice %arg10[%dma_start3A_149] : memref<4096xi32, #tpu.memory_space<vmem>> -> memref<512xi32, #tpu.memory_space<vmem>>
    %dma_start3A_151 = tpu.memref_slice %arg5[%add3A_136] : memref<1606656xi32, #tpu.memory_space<hbm>> -> memref<512xi32, #tpu.memory_space<hbm>>
    %dma_start3A_152 = arith.constant 3072 : i32
    %dma_start3A_153 = tpu.memref_slice %arg10[%dma_start3A_152] : memref<4096xi32, #tpu.memory_space<vmem>> -> memref<512xi32, #tpu.memory_space<vmem>>
    %dma_start3A_154 = tpu.memref_slice %arg5[%add3A_136] : memref<1606656xi32, #tpu.memory_space<hbm>> -> memref<512xi32, #tpu.memory_space<hbm>>
    tpu.enqueue_dma source(%dma_start3A_154 : memref<512xi32, #tpu.memory_space<hbm>>) target(%dma_start3A_153 : memref<512xi32, #tpu.memory_space<vmem>>) target_semaphore(%arg20 : memref<!tpu.dma_semaphore, #tpu.memory_space<semaphore_mem>>)
    %dma_start3A_155 = arith.constant 3584 : i32
    %dma_start3A_156 = tpu.memref_slice %arg10[%dma_start3A_155] : memref<4096xi32, #tpu.memory_space<vmem>> -> memref<512xi32, #tpu.memory_space<vmem>>
    %dma_start3A_157 = tpu.memref_slice %arg6[%add3A_136] : memref<1606656xi32, #tpu.memory_space<hbm>> -> memref<512xi32, #tpu.memory_space<hbm>>
    %dma_start3A_158 = arith.constant 3584 : i32
    %dma_start3A_159 = tpu.memref_slice %arg10[%dma_start3A_158] : memref<4096xi32, #tpu.memory_space<vmem>> -> memref<512xi32, #tpu.memory_space<vmem>>
    %dma_start3A_160 = tpu.memref_slice %arg6[%add3A_136] : memref<1606656xi32, #tpu.memory_space<hbm>> -> memref<512xi32, #tpu.memory_space<hbm>>
    tpu.enqueue_dma source(%dma_start3A_160 : memref<512xi32, #tpu.memory_space<hbm>>) target(%dma_start3A_159 : memref<512xi32, #tpu.memory_space<vmem>>) target_semaphore(%arg20 : memref<!tpu.dma_semaphore, #tpu.memory_space<semaphore_mem>>)
    %dma_start3A_161 = arith.constant 512 : i32
    %dma_start3A_162 = tpu.memref_slice %arg11[%dma_start3A_161] : memref<1024xi32, #tpu.memory_space<vmem>> -> memref<512xi32, #tpu.memory_space<vmem>>
    %dma_start3A_163 = tpu.memref_slice %arg7[%add3A_136] : memref<1606656xi32, #tpu.memory_space<hbm>> -> memref<512xi32, #tpu.memory_space<hbm>>
    %dma_start3A_164 = arith.constant 512 : i32
    %dma_start3A_165 = tpu.memref_slice %arg11[%dma_start3A_164] : memref<1024xi32, #tpu.memory_space<vmem>> -> memref<512xi32, #tpu.memory_space<vmem>>
    %dma_start3A_166 = tpu.memref_slice %arg7[%add3A_136] : memref<1606656xi32, #tpu.memory_space<hbm>> -> memref<512xi32, #tpu.memory_space<hbm>>
    tpu.enqueue_dma source(%dma_start3A_166 : memref<512xi32, #tpu.memory_space<hbm>>) target(%dma_start3A_165 : memref<512xi32, #tpu.memory_space<vmem>>) target_semaphore(%arg20 : memref<!tpu.dma_semaphore, #tpu.memory_space<semaphore_mem>>)
    %scan3A_167 = arith.constant 0 : i32
    %scan3A_168 = arith.constant 0 : i32
    %scan3A_169 = arith.constant 98 : i32
    %scan3A_170 = arith.addi %scan3A_168, %scan3A_169 : i32
    %scan3A_171 = arith.constant 1 : i32
    scf.for %scan3A_412 = %scan3A_168 to %scan3A_170 step %scan3A_171  : i32 {
      %and3A = arith.constant 1 : i32
      %and3A_413 = arith.andi %scan3A_412, %and3A : i32
      %sub3A = arith.constant 1 : i32
      %sub3A_414 = arith.subi %sub3A, %and3A_413 : i32
      %dma_wait3A_415 = arith.constant 0 : i32
      %dma_wait3A_416 = arith.constant 0 : i32
      %dma_wait3A_417 = tpu.memref_slice %arg12[%dma_wait3A_415, %dma_wait3A_416] : memref<4096x16xf32, #tpu.memory_space<vmem>> -> memref<128x16xf32, #tpu.memory_space<vmem>>
      %dma_wait3A_418 = arith.constant 0 : i32
      %dma_wait3A_419 = arith.constant 0 : i32
      %dma_wait3A_420 = tpu.memref_slice %arg2[%dma_wait3A_418, %dma_wait3A_419] : memref<100000x16xf32, #tpu.memory_space<hbm>> -> memref<128x16xf32, #tpu.memory_space<hbm>>
      %dma_wait3A_421 = arith.constant 0 : i32
      %dma_wait3A_422 = arith.constant 0 : i32
      %dma_wait3A_423 = tpu.memref_slice %arg12[%dma_wait3A_421, %dma_wait3A_422] : memref<4096x16xf32, #tpu.memory_space<vmem>> -> memref<128x16xf32, #tpu.memory_space<vmem>>
      %dma_wait3A_424 = arith.constant 0 : i32
      %dma_wait3A_425 = arith.constant 0 : i32
      %dma_wait3A_426 = tpu.memref_slice %arg2[%dma_wait3A_424, %dma_wait3A_425] : memref<100000x16xf32, #tpu.memory_space<hbm>> -> memref<128x16xf32, #tpu.memory_space<hbm>>
      tpu.wait_dma2 semaphore(%arg19 : memref<!tpu.dma_semaphore, #tpu.memory_space<semaphore_mem>>) src(%dma_wait3A_426 : memref<128x16xf32, #tpu.memory_space<hbm>>) dst(%dma_wait3A_423 : memref<128x16xf32, #tpu.memory_space<vmem>>)
      %dma_wait3A_427 = arith.constant 128 : i32
      %dma_wait3A_428 = arith.constant 0 : i32
      %dma_wait3A_429 = tpu.memref_slice %arg12[%dma_wait3A_427, %dma_wait3A_428] : memref<4096x16xf32, #tpu.memory_space<vmem>> -> memref<128x16xf32, #tpu.memory_space<vmem>>
      %dma_wait3A_430 = arith.constant 0 : i32
      %dma_wait3A_431 = arith.constant 0 : i32
      %dma_wait3A_432 = tpu.memref_slice %arg2[%dma_wait3A_430, %dma_wait3A_431] : memref<100000x16xf32, #tpu.memory_space<hbm>> -> memref<128x16xf32, #tpu.memory_space<hbm>>
      %dma_wait3A_433 = arith.constant 128 : i32
      %dma_wait3A_434 = arith.constant 0 : i32
      %dma_wait3A_435 = tpu.memref_slice %arg12[%dma_wait3A_433, %dma_wait3A_434] : memref<4096x16xf32, #tpu.memory_space<vmem>> -> memref<128x16xf32, #tpu.memory_space<vmem>>
      %dma_wait3A_436 = arith.constant 0 : i32
      %dma_wait3A_437 = arith.constant 0 : i32
      %dma_wait3A_438 = tpu.memref_slice %arg2[%dma_wait3A_436, %dma_wait3A_437] : memref<100000x16xf32, #tpu.memory_space<hbm>> -> memref<128x16xf32, #tpu.memory_space<hbm>>
      tpu.wait_dma2 semaphore(%arg19 : memref<!tpu.dma_semaphore, #tpu.memory_space<semaphore_mem>>) src(%dma_wait3A_438 : memref<128x16xf32, #tpu.memory_space<hbm>>) dst(%dma_wait3A_435 : memref<128x16xf32, #tpu.memory_space<vmem>>)
      %dma_wait3A_439 = arith.constant 256 : i32
      %dma_wait3A_440 = arith.constant 0 : i32
      %dma_wait3A_441 = tpu.memref_slice %arg12[%dma_wait3A_439, %dma_wait3A_440] : memref<4096x16xf32, #tpu.memory_space<vmem>> -> memref<128x16xf32, #tpu.memory_space<vmem>>
      %dma_wait3A_442 = arith.constant 0 : i32
      %dma_wait3A_443 = arith.constant 0 : i32
      %dma_wait3A_444 = tpu.memref_slice %arg2[%dma_wait3A_442, %dma_wait3A_443] : memref<100000x16xf32, #tpu.memory_space<hbm>> -> memref<128x16xf32, #tpu.memory_space<hbm>>
      %dma_wait3A_445 = arith.constant 256 : i32
      %dma_wait3A_446 = arith.constant 0 : i32
      %dma_wait3A_447 = tpu.memref_slice %arg12[%dma_wait3A_445, %dma_wait3A_446] : memref<4096x16xf32, #tpu.memory_space<vmem>> -> memref<128x16xf32, #tpu.memory_space<vmem>>
      %dma_wait3A_448 = arith.constant 0 : i32
      %dma_wait3A_449 = arith.constant 0 : i32
      %dma_wait3A_450 = tpu.memref_slice %arg2[%dma_wait3A_448, %dma_wait3A_449] : memref<100000x16xf32, #tpu.memory_space<hbm>> -> memref<128x16xf32, #tpu.memory_space<hbm>>
      tpu.wait_dma2 semaphore(%arg19 : memref<!tpu.dma_semaphore, #tpu.memory_space<semaphore_mem>>) src(%dma_wait3A_450 : memref<128x16xf32, #tpu.memory_space<hbm>>) dst(%dma_wait3A_447 : memref<128x16xf32, #tpu.memory_space<vmem>>)
      %dma_wait3A_451 = arith.constant 384 : i32
      %dma_wait3A_452 = arith.constant 0 : i32
      %dma_wait3A_453 = tpu.memref_slice %arg12[%dma_wait3A_451, %dma_wait3A_452] : memref<4096x16xf32, #tpu.memory_space<vmem>> -> memref<128x16xf32, #tpu.memory_space<vmem>>
      %dma_wait3A_454 = arith.constant 0 : i32
      %dma_wait3A_455 = arith.constant 0 : i32
      %dma_wait3A_456 = tpu.memref_slice %arg2[%dma_wait3A_454, %dma_wait3A_455] : memref<100000x16xf32, #tpu.memory_space<hbm>> -> memref<128x16xf32, #tpu.memory_space<hbm>>
      %dma_wait3A_457 = arith.constant 384 : i32
      %dma_wait3A_458 = arith.constant 0 : i32
      %dma_wait3A_459 = tpu.memref_slice %arg12[%dma_wait3A_457, %dma_wait3A_458] : memref<4096x16xf32, #tpu.memory_space<vmem>> -> memref<128x16xf32, #tpu.memory_space<vmem>>
      %dma_wait3A_460 = arith.constant 0 : i32
      %dma_wait3A_461 = arith.constant 0 : i32
      %dma_wait3A_462 = tpu.memref_slice %arg2[%dma_wait3A_460, %dma_wait3A_461] : memref<100000x16xf32, #tpu.memory_space<hbm>> -> memref<128x16xf32, #tpu.memory_space<hbm>>
      tpu.wait_dma2 semaphore(%arg19 : memref<!tpu.dma_semaphore, #tpu.memory_space<semaphore_mem>>) src(%dma_wait3A_462 : memref<128x16xf32, #tpu.memory_space<hbm>>) dst(%dma_wait3A_459 : memref<128x16xf32, #tpu.memory_space<vmem>>)
      %dma_wait3A_463 = arith.constant 512 : i32
      %dma_wait3A_464 = arith.constant 0 : i32
      %dma_wait3A_465 = tpu.memref_slice %arg12[%dma_wait3A_463, %dma_wait3A_464] : memref<4096x16xf32, #tpu.memory_space<vmem>> -> memref<128x16xf32, #tpu.memory_space<vmem>>
      %dma_wait3A_466 = arith.constant 0 : i32
      %dma_wait3A_467 = arith.constant 0 : i32
      %dma_wait3A_468 = tpu.memref_slice %arg2[%dma_wait3A_466, %dma_wait3A_467] : memref<100000x16xf32, #tpu.memory_space<hbm>> -> memref<128x16xf32, #tpu.memory_space<hbm>>
      %dma_wait3A_469 = arith.constant 512 : i32
      %dma_wait3A_470 = arith.constant 0 : i32
      %dma_wait3A_471 = tpu.memref_slice %arg12[%dma_wait3A_469, %dma_wait3A_470] : memref<4096x16xf32, #tpu.memory_space<vmem>> -> memref<128x16xf32, #tpu.memory_space<vmem>>
      %dma_wait3A_472 = arith.constant 0 : i32
      %dma_wait3A_473 = arith.constant 0 : i32
      %dma_wait3A_474 = tpu.memref_slice %arg2[%dma_wait3A_472, %dma_wait3A_473] : memref<100000x16xf32, #tpu.memory_space<hbm>> -> memref<128x16xf32, #tpu.memory_space<hbm>>
      tpu.wait_dma2 semaphore(%arg19 : memref<!tpu.dma_semaphore, #tpu.memory_space<semaphore_mem>>) src(%dma_wait3A_474 : memref<128x16xf32, #tpu.memory_space<hbm>>) dst(%dma_wait3A_471 : memref<128x16xf32, #tpu.memory_space<vmem>>)
      %dma_wait3A_475 = arith.constant 640 : i32
      %dma_wait3A_476 = arith.constant 0 : i32
      %dma_wait3A_477 = tpu.memref_slice %arg12[%dma_wait3A_475, %dma_wait3A_476] : memref<4096x16xf32, #tpu.memory_space<vmem>> -> memref<128x16xf32, #tpu.memory_space<vmem>>
      %dma_wait3A_478 = arith.constant 0 : i32
      %dma_wait3A_479 = arith.constant 0 : i32
      %dma_wait3A_480 = tpu.memref_slice %arg2[%dma_wait3A_478, %dma_wait3A_479] : memref<100000x16xf32, #tpu.memory_space<hbm>> -> memref<128x16xf32, #tpu.memory_space<hbm>>
      %dma_wait3A_481 = arith.constant 640 : i32
      %dma_wait3A_482 = arith.constant 0 : i32
      %dma_wait3A_483 = tpu.memref_slice %arg12[%dma_wait3A_481, %dma_wait3A_482] : memref<4096x16xf32, #tpu.memory_space<vmem>> -> memref<128x16xf32, #tpu.memory_space<vmem>>
      %dma_wait3A_484 = arith.constant 0 : i32
      %dma_wait3A_485 = arith.constant 0 : i32
      %dma_wait3A_486 = tpu.memref_slice %arg2[%dma_wait3A_484, %dma_wait3A_485] : memref<100000x16xf32, #tpu.memory_space<hbm>> -> memref<128x16xf32, #tpu.memory_space<hbm>>
      tpu.wait_dma2 semaphore(%arg19 : memref<!tpu.dma_semaphore, #tpu.memory_space<semaphore_mem>>) src(%dma_wait3A_486 : memref<128x16xf32, #tpu.memory_space<hbm>>) dst(%dma_wait3A_483 : memref<128x16xf32, #tpu.memory_space<vmem>>)
      %dma_wait3A_487 = arith.constant 768 : i32
      %dma_wait3A_488 = arith.constant 0 : i32
      %dma_wait3A_489 = tpu.memref_slice %arg12[%dma_wait3A_487, %dma_wait3A_488] : memref<4096x16xf32, #tpu.memory_space<vmem>> -> memref<128x16xf32, #tpu.memory_space<vmem>>
      %dma_wait3A_490 = arith.constant 0 : i32
      %dma_wait3A_491 = arith.constant 0 : i32
      %dma_wait3A_492 = tpu.memref_slice %arg2[%dma_wait3A_490, %dma_wait3A_491] : memref<100000x16xf32, #tpu.memory_space<hbm>> -> memref<128x16xf32, #tpu.memory_space<hbm>>
      %dma_wait3A_493 = arith.constant 768 : i32
      %dma_wait3A_494 = arith.constant 0 : i32
      %dma_wait3A_495 = tpu.memref_slice %arg12[%dma_wait3A_493, %dma_wait3A_494] : memref<4096x16xf32, #tpu.memory_space<vmem>> -> memref<128x16xf32, #tpu.memory_space<vmem>>
      %dma_wait3A_496 = arith.constant 0 : i32
      %dma_wait3A_497 = arith.constant 0 : i32
      %dma_wait3A_498 = tpu.memref_slice %arg2[%dma_wait3A_496, %dma_wait3A_497] : memref<100000x16xf32, #tpu.memory_space<hbm>> -> memref<128x16xf32, #tpu.memory_space<hbm>>
      tpu.wait_dma2 semaphore(%arg19 : memref<!tpu.dma_semaphore, #tpu.memory_space<semaphore_mem>>) src(%dma_wait3A_498 : memref<128x16xf32, #tpu.memory_space<hbm>>) dst(%dma_wait3A_495 : memref<128x16xf32, #tpu.memory_space<vmem>>)
      %dma_wait3A_499 = arith.constant 896 : i32
      %dma_wait3A_500 = arith.constant 0 : i32
      %dma_wait3A_501 = tpu.memref_slice %arg12[%dma_wait3A_499, %dma_wait3A_500] : memref<4096x16xf32, #tpu.memory_space<vmem>> -> memref<128x16xf32, #tpu.memory_space<vmem>>
      %dma_wait3A_502 = arith.constant 0 : i32
      %dma_wait3A_503 = arith.constant 0 : i32
      %dma_wait3A_504 = tpu.memref_slice %arg2[%dma_wait3A_502, %dma_wait3A_503] : memref<100000x16xf32, #tpu.memory_space<hbm>> -> memref<128x16xf32, #tpu.memory_space<hbm>>
      %dma_wait3A_505 = arith.constant 896 : i32
      %dma_wait3A_506 = arith.constant 0 : i32
      %dma_wait3A_507 = tpu.memref_slice %arg12[%dma_wait3A_505, %dma_wait3A_506] : memref<4096x16xf32, #tpu.memory_space<vmem>> -> memref<128x16xf32, #tpu.memory_space<vmem>>
      %dma_wait3A_508 = arith.constant 0 : i32
      %dma_wait3A_509 = arith.constant 0 : i32
      %dma_wait3A_510 = tpu.memref_slice %arg2[%dma_wait3A_508, %dma_wait3A_509] : memref<100000x16xf32, #tpu.memory_space<hbm>> -> memref<128x16xf32, #tpu.memory_space<hbm>>
      tpu.wait_dma2 semaphore(%arg19 : memref<!tpu.dma_semaphore, #tpu.memory_space<semaphore_mem>>) src(%dma_wait3A_510 : memref<128x16xf32, #tpu.memory_space<hbm>>) dst(%dma_wait3A_507 : memref<128x16xf32, #tpu.memory_space<vmem>>)
      %dma_wait3A_511 = arith.constant 1024 : i32
      %dma_wait3A_512 = arith.constant 0 : i32
      %dma_wait3A_513 = tpu.memref_slice %arg12[%dma_wait3A_511, %dma_wait3A_512] : memref<4096x16xf32, #tpu.memory_space<vmem>> -> memref<128x16xf32, #tpu.memory_space<vmem>>
      %dma_wait3A_514 = arith.constant 0 : i32
      %dma_wait3A_515 = arith.constant 0 : i32
      %dma_wait3A_516 = tpu.memref_slice %arg2[%dma_wait3A_514, %dma_wait3A_515] : memref<100000x16xf32, #tpu.memory_space<hbm>> -> memref<128x16xf32, #tpu.memory_space<hbm>>
      %dma_wait3A_517 = arith.constant 1024 : i32
      %dma_wait3A_518 = arith.constant 0 : i32
      %dma_wait3A_519 = tpu.memref_slice %arg12[%dma_wait3A_517, %dma_wait3A_518] : memref<4096x16xf32, #tpu.memory_space<vmem>> -> memref<128x16xf32, #tpu.memory_space<vmem>>
      %dma_wait3A_520 = arith.constant 0 : i32
      %dma_wait3A_521 = arith.constant 0 : i32
      %dma_wait3A_522 = tpu.memref_slice %arg2[%dma_wait3A_520, %dma_wait3A_521] : memref<100000x16xf32, #tpu.memory_space<hbm>> -> memref<128x16xf32, #tpu.memory_space<hbm>>
      tpu.wait_dma2 semaphore(%arg19 : memref<!tpu.dma_semaphore, #tpu.memory_space<semaphore_mem>>) src(%dma_wait3A_522 : memref<128x16xf32, #tpu.memory_space<hbm>>) dst(%dma_wait3A_519 : memref<128x16xf32, #tpu.memory_space<vmem>>)
      %dma_wait3A_523 = arith.constant 1152 : i32
      %dma_wait3A_524 = arith.constant 0 : i32
      %dma_wait3A_525 = tpu.memref_slice %arg12[%dma_wait3A_523, %dma_wait3A_524] : memref<4096x16xf32, #tpu.memory_space<vmem>> -> memref<128x16xf32, #tpu.memory_space<vmem>>
      %dma_wait3A_526 = arith.constant 0 : i32
      %dma_wait3A_527 = arith.constant 0 : i32
      %dma_wait3A_528 = tpu.memref_slice %arg2[%dma_wait3A_526, %dma_wait3A_527] : memref<100000x16xf32, #tpu.memory_space<hbm>> -> memref<128x16xf32, #tpu.memory_space<hbm>>
      %dma_wait3A_529 = arith.constant 1152 : i32
      %dma_wait3A_530 = arith.constant 0 : i32
      %dma_wait3A_531 = tpu.memref_slice %arg12[%dma_wait3A_529, %dma_wait3A_530] : memref<4096x16xf32, #tpu.memory_space<vmem>> -> memref<128x16xf32, #tpu.memory_space<vmem>>
      %dma_wait3A_532 = arith.constant 0 : i32
      %dma_wait3A_533 = arith.constant 0 : i32
      %dma_wait3A_534 = tpu.memref_slice %arg2[%dma_wait3A_532, %dma_wait3A_533] : memref<100000x16xf32, #tpu.memory_space<hbm>> -> memref<128x16xf32, #tpu.memory_space<hbm>>
      tpu.wait_dma2 semaphore(%arg19 : memref<!tpu.dma_semaphore, #tpu.memory_space<semaphore_mem>>) src(%dma_wait3A_534 : memref<128x16xf32, #tpu.memory_space<hbm>>) dst(%dma_wait3A_531 : memref<128x16xf32, #tpu.memory_space<vmem>>)
      %dma_wait3A_535 = arith.constant 1280 : i32
      %dma_wait3A_536 = arith.constant 0 : i32
      %dma_wait3A_537 = tpu.memref_slice %arg12[%dma_wait3A_535, %dma_wait3A_536] : memref<4096x16xf32, #tpu.memory_space<vmem>> -> memref<128x16xf32, #tpu.memory_space<vmem>>
      %dma_wait3A_538 = arith.constant 0 : i32
      %dma_wait3A_539 = arith.constant 0 : i32
      %dma_wait3A_540 = tpu.memref_slice %arg2[%dma_wait3A_538, %dma_wait3A_539] : memref<100000x16xf32, #tpu.memory_space<hbm>> -> memref<128x16xf32, #tpu.memory_space<hbm>>
      %dma_wait3A_541 = arith.constant 1280 : i32
      %dma_wait3A_542 = arith.constant 0 : i32
      %dma_wait3A_543 = tpu.memref_slice %arg12[%dma_wait3A_541, %dma_wait3A_542] : memref<4096x16xf32, #tpu.memory_space<vmem>> -> memref<128x16xf32, #tpu.memory_space<vmem>>
      %dma_wait3A_544 = arith.constant 0 : i32
      %dma_wait3A_545 = arith.constant 0 : i32
      %dma_wait3A_546 = tpu.memref_slice %arg2[%dma_wait3A_544, %dma_wait3A_545] : memref<100000x16xf32, #tpu.memory_space<hbm>> -> memref<128x16xf32, #tpu.memory_space<hbm>>
      tpu.wait_dma2 semaphore(%arg19 : memref<!tpu.dma_semaphore, #tpu.memory_space<semaphore_mem>>) src(%dma_wait3A_546 : memref<128x16xf32, #tpu.memory_space<hbm>>) dst(%dma_wait3A_543 : memref<128x16xf32, #tpu.memory_space<vmem>>)
      %dma_wait3A_547 = arith.constant 1408 : i32
      %dma_wait3A_548 = arith.constant 0 : i32
      %dma_wait3A_549 = tpu.memref_slice %arg12[%dma_wait3A_547, %dma_wait3A_548] : memref<4096x16xf32, #tpu.memory_space<vmem>> -> memref<128x16xf32, #tpu.memory_space<vmem>>
      %dma_wait3A_550 = arith.constant 0 : i32
      %dma_wait3A_551 = arith.constant 0 : i32
      %dma_wait3A_552 = tpu.memref_slice %arg2[%dma_wait3A_550, %dma_wait3A_551] : memref<100000x16xf32, #tpu.memory_space<hbm>> -> memref<128x16xf32, #tpu.memory_space<hbm>>
      %dma_wait3A_553 = arith.constant 1408 : i32
      %dma_wait3A_554 = arith.constant 0 : i32
      %dma_wait3A_555 = tpu.memref_slice %arg12[%dma_wait3A_553, %dma_wait3A_554] : memref<4096x16xf32, #tpu.memory_space<vmem>> -> memref<128x16xf32, #tpu.memory_space<vmem>>
      %dma_wait3A_556 = arith.constant 0 : i32
      %dma_wait3A_557 = arith.constant 0 : i32
      %dma_wait3A_558 = tpu.memref_slice %arg2[%dma_wait3A_556, %dma_wait3A_557] : memref<100000x16xf32, #tpu.memory_space<hbm>> -> memref<128x16xf32, #tpu.memory_space<hbm>>
      tpu.wait_dma2 semaphore(%arg19 : memref<!tpu.dma_semaphore, #tpu.memory_space<semaphore_mem>>) src(%dma_wait3A_558 : memref<128x16xf32, #tpu.memory_space<hbm>>) dst(%dma_wait3A_555 : memref<128x16xf32, #tpu.memory_space<vmem>>)
      %dma_wait3A_559 = arith.constant 1536 : i32
      %dma_wait3A_560 = arith.constant 0 : i32
      %dma_wait3A_561 = tpu.memref_slice %arg12[%dma_wait3A_559, %dma_wait3A_560] : memref<4096x16xf32, #tpu.memory_space<vmem>> -> memref<128x16xf32, #tpu.memory_space<vmem>>
      %dma_wait3A_562 = arith.constant 0 : i32
      %dma_wait3A_563 = arith.constant 0 : i32
      %dma_wait3A_564 = tpu.memref_slice %arg2[%dma_wait3A_562, %dma_wait3A_563] : memref<100000x16xf32, #tpu.memory_space<hbm>> -> memref<128x16xf32, #tpu.memory_space<hbm>>
      %dma_wait3A_565 = arith.constant 1536 : i32
      %dma_wait3A_566 = arith.constant 0 : i32
      %dma_wait3A_567 = tpu.memref_slice %arg12[%dma_wait3A_565, %dma_wait3A_566] : memref<4096x16xf32, #tpu.memory_space<vmem>> -> memref<128x16xf32, #tpu.memory_space<vmem>>
      %dma_wait3A_568 = arith.constant 0 : i32
      %dma_wait3A_569 = arith.constant 0 : i32
      %dma_wait3A_570 = tpu.memref_slice %arg2[%dma_wait3A_568, %dma_wait3A_569] : memref<100000x16xf32, #tpu.memory_space<hbm>> -> memref<128x16xf32, #tpu.memory_space<hbm>>
      tpu.wait_dma2 semaphore(%arg19 : memref<!tpu.dma_semaphore, #tpu.memory_space<semaphore_mem>>) src(%dma_wait3A_570 : memref<128x16xf32, #tpu.memory_space<hbm>>) dst(%dma_wait3A_567 : memref<128x16xf32, #tpu.memory_space<vmem>>)
      %dma_wait3A_571 = arith.constant 1664 : i32
      %dma_wait3A_572 = arith.constant 0 : i32
      %dma_wait3A_573 = tpu.memref_slice %arg12[%dma_wait3A_571, %dma_wait3A_572] : memref<4096x16xf32, #tpu.memory_space<vmem>> -> memref<128x16xf32, #tpu.memory_space<vmem>>
      %dma_wait3A_574 = arith.constant 0 : i32
      %dma_wait3A_575 = arith.constant 0 : i32
      %dma_wait3A_576 = tpu.memref_slice %arg2[%dma_wait3A_574, %dma_wait3A_575] : memref<100000x16xf32, #tpu.memory_space<hbm>> -> memref<128x16xf32, #tpu.memory_space<hbm>>
      %dma_wait3A_577 = arith.constant 1664 : i32
      %dma_wait3A_578 = arith.constant 0 : i32
      %dma_wait3A_579 = tpu.memref_slice %arg12[%dma_wait3A_577, %dma_wait3A_578] : memref<4096x16xf32, #tpu.memory_space<vmem>> -> memref<128x16xf32, #tpu.memory_space<vmem>>
      %dma_wait3A_580 = arith.constant 0 : i32
      %dma_wait3A_581 = arith.constant 0 : i32
      %dma_wait3A_582 = tpu.memref_slice %arg2[%dma_wait3A_580, %dma_wait3A_581] : memref<100000x16xf32, #tpu.memory_space<hbm>> -> memref<128x16xf32, #tpu.memory_space<hbm>>
      tpu.wait_dma2 semaphore(%arg19 : memref<!tpu.dma_semaphore, #tpu.memory_space<semaphore_mem>>) src(%dma_wait3A_582 : memref<128x16xf32, #tpu.memory_space<hbm>>) dst(%dma_wait3A_579 : memref<128x16xf32, #tpu.memory_space<vmem>>)
      %dma_wait3A_583 = arith.constant 1792 : i32
      %dma_wait3A_584 = arith.constant 0 : i32
      %dma_wait3A_585 = tpu.memref_slice %arg12[%dma_wait3A_583, %dma_wait3A_584] : memref<4096x16xf32, #tpu.memory_space<vmem>> -> memref<128x16xf32, #tpu.memory_space<vmem>>
      %dma_wait3A_586 = arith.constant 0 : i32
      %dma_wait3A_587 = arith.constant 0 : i32
      %dma_wait3A_588 = tpu.memref_slice %arg2[%dma_wait3A_586, %dma_wait3A_587] : memref<100000x16xf32, #tpu.memory_space<hbm>> -> memref<128x16xf32, #tpu.memory_space<hbm>>
      %dma_wait3A_589 = arith.constant 1792 : i32
      %dma_wait3A_590 = arith.constant 0 : i32
      %dma_wait3A_591 = tpu.memref_slice %arg12[%dma_wait3A_589, %dma_wait3A_590] : memref<4096x16xf32, #tpu.memory_space<vmem>> -> memref<128x16xf32, #tpu.memory_space<vmem>>
      %dma_wait3A_592 = arith.constant 0 : i32
      %dma_wait3A_593 = arith.constant 0 : i32
      %dma_wait3A_594 = tpu.memref_slice %arg2[%dma_wait3A_592, %dma_wait3A_593] : memref<100000x16xf32, #tpu.memory_space<hbm>> -> memref<128x16xf32, #tpu.memory_space<hbm>>
      tpu.wait_dma2 semaphore(%arg19 : memref<!tpu.dma_semaphore, #tpu.memory_space<semaphore_mem>>) src(%dma_wait3A_594 : memref<128x16xf32, #tpu.memory_space<hbm>>) dst(%dma_wait3A_591 : memref<128x16xf32, #tpu.memory_space<vmem>>)
      %dma_wait3A_595 = arith.constant 1920 : i32
      %dma_wait3A_596 = arith.constant 0 : i32
      %dma_wait3A_597 = tpu.memref_slice %arg12[%dma_wait3A_595, %dma_wait3A_596] : memref<4096x16xf32, #tpu.memory_space<vmem>> -> memref<128x16xf32, #tpu.memory_space<vmem>>
      %dma_wait3A_598 = arith.constant 0 : i32
      %dma_wait3A_599 = arith.constant 0 : i32
      %dma_wait3A_600 = tpu.memref_slice %arg2[%dma_wait3A_598, %dma_wait3A_599] : memref<100000x16xf32, #tpu.memory_space<hbm>> -> memref<128x16xf32, #tpu.memory_space<hbm>>
      %dma_wait3A_601 = arith.constant 1920 : i32
      %dma_wait3A_602 = arith.constant 0 : i32
      %dma_wait3A_603 = tpu.memref_slice %arg12[%dma_wait3A_601, %dma_wait3A_602] : memref<4096x16xf32, #tpu.memory_space<vmem>> -> memref<128x16xf32, #tpu.memory_space<vmem>>
      %dma_wait3A_604 = arith.constant 0 : i32
      %dma_wait3A_605 = arith.constant 0 : i32
      %dma_wait3A_606 = tpu.memref_slice %arg2[%dma_wait3A_604, %dma_wait3A_605] : memref<100000x16xf32, #tpu.memory_space<hbm>> -> memref<128x16xf32, #tpu.memory_space<hbm>>
      tpu.wait_dma2 semaphore(%arg19 : memref<!tpu.dma_semaphore, #tpu.memory_space<semaphore_mem>>) src(%dma_wait3A_606 : memref<128x16xf32, #tpu.memory_space<hbm>>) dst(%dma_wait3A_603 : memref<128x16xf32, #tpu.memory_space<vmem>>)
      %dma_wait3A_607 = arith.constant 0 : i32
      %dma_wait3A_608 = tpu.memref_slice %arg10[%dma_wait3A_607] : memref<4096xi32, #tpu.memory_space<vmem>> -> memref<512xi32, #tpu.memory_space<vmem>>
      %dma_wait3A_609 = arith.constant 0 : i32
      %dma_wait3A_610 = tpu.memref_slice %arg3[%dma_wait3A_609] : memref<1606656xi32, #tpu.memory_space<hbm>> -> memref<512xi32, #tpu.memory_space<hbm>>
      %dma_wait3A_611 = arith.constant 0 : i32
      %dma_wait3A_612 = tpu.memref_slice %arg10[%dma_wait3A_611] : memref<4096xi32, #tpu.memory_space<vmem>> -> memref<512xi32, #tpu.memory_space<vmem>>
      %dma_wait3A_613 = arith.constant 0 : i32
      %dma_wait3A_614 = tpu.memref_slice %arg3[%dma_wait3A_613] : memref<1606656xi32, #tpu.memory_space<hbm>> -> memref<512xi32, #tpu.memory_space<hbm>>
      tpu.wait_dma2 semaphore(%arg20 : memref<!tpu.dma_semaphore, #tpu.memory_space<semaphore_mem>>) src(%dma_wait3A_614 : memref<512xi32, #tpu.memory_space<hbm>>) dst(%dma_wait3A_612 : memref<512xi32, #tpu.memory_space<vmem>>)
      %dma_wait3A_615 = arith.constant 512 : i32
      %dma_wait3A_616 = tpu.memref_slice %arg10[%dma_wait3A_615] : memref<4096xi32, #tpu.memory_space<vmem>> -> memref<512xi32, #tpu.memory_space<vmem>>
      %dma_wait3A_617 = arith.constant 0 : i32
      %dma_wait3A_618 = tpu.memref_slice %arg3[%dma_wait3A_617] : memref<1606656xi32, #tpu.memory_space<hbm>> -> memref<512xi32, #tpu.memory_space<hbm>>
      %dma_wait3A_619 = arith.constant 512 : i32
      %dma_wait3A_620 = tpu.memref_slice %arg10[%dma_wait3A_619] : memref<4096xi32, #tpu.memory_space<vmem>> -> memref<512xi32, #tpu.memory_space<vmem>>
      %dma_wait3A_621 = arith.constant 0 : i32
      %dma_wait3A_622 = tpu.memref_slice %arg3[%dma_wait3A_621] : memref<1606656xi32, #tpu.memory_space<hbm>> -> memref<512xi32, #tpu.memory_space<hbm>>
      tpu.wait_dma2 semaphore(%arg20 : memref<!tpu.dma_semaphore, #tpu.memory_space<semaphore_mem>>) src(%dma_wait3A_622 : memref<512xi32, #tpu.memory_space<hbm>>) dst(%dma_wait3A_620 : memref<512xi32, #tpu.memory_space<vmem>>)
      %dma_wait3A_623 = arith.constant 1024 : i32
      %dma_wait3A_624 = tpu.memref_slice %arg10[%dma_wait3A_623] : memref<4096xi32, #tpu.memory_space<vmem>> -> memref<512xi32, #tpu.memory_space<vmem>>
      %dma_wait3A_625 = arith.constant 0 : i32
      %dma_wait3A_626 = tpu.memref_slice %arg3[%dma_wait3A_625] : memref<1606656xi32, #tpu.memory_space<hbm>> -> memref<512xi32, #tpu.memory_space<hbm>>
      %dma_wait3A_627 = arith.constant 1024 : i32
      %dma_wait3A_628 = tpu.memref_slice %arg10[%dma_wait3A_627] : memref<4096xi32, #tpu.memory_space<vmem>> -> memref<512xi32, #tpu.memory_space<vmem>>
      %dma_wait3A_629 = arith.constant 0 : i32
      %dma_wait3A_630 = tpu.memref_slice %arg3[%dma_wait3A_629] : memref<1606656xi32, #tpu.memory_space<hbm>> -> memref<512xi32, #tpu.memory_space<hbm>>
      tpu.wait_dma2 semaphore(%arg20 : memref<!tpu.dma_semaphore, #tpu.memory_space<semaphore_mem>>) src(%dma_wait3A_630 : memref<512xi32, #tpu.memory_space<hbm>>) dst(%dma_wait3A_628 : memref<512xi32, #tpu.memory_space<vmem>>)
      %dma_wait3A_631 = arith.constant 1536 : i32
      %dma_wait3A_632 = tpu.memref_slice %arg10[%dma_wait3A_631] : memref<4096xi32, #tpu.memory_space<vmem>> -> memref<512xi32, #tpu.memory_space<vmem>>
      %dma_wait3A_633 = arith.constant 0 : i32
      %dma_wait3A_634 = tpu.memref_slice %arg3[%dma_wait3A_633] : memref<1606656xi32, #tpu.memory_space<hbm>> -> memref<512xi32, #tpu.memory_space<hbm>>
      %dma_wait3A_635 = arith.constant 1536 : i32
      %dma_wait3A_636 = tpu.memref_slice %arg10[%dma_wait3A_635] : memref<4096xi32, #tpu.memory_space<vmem>> -> memref<512xi32, #tpu.memory_space<vmem>>
      %dma_wait3A_637 = arith.constant 0 : i32
      %dma_wait3A_638 = tpu.memref_slice %arg3[%dma_wait3A_637] : memref<1606656xi32, #tpu.memory_space<hbm>> -> memref<512xi32, #tpu.memory_space<hbm>>
      tpu.wait_dma2 semaphore(%arg20 : memref<!tpu.dma_semaphore, #tpu.memory_space<semaphore_mem>>) src(%dma_wait3A_638 : memref<512xi32, #tpu.memory_space<hbm>>) dst(%dma_wait3A_636 : memref<512xi32, #tpu.memory_space<vmem>>)
      %dma_wait3A_639 = arith.constant 0 : i32
      %dma_wait3A_640 = tpu.memref_slice %arg11[%dma_wait3A_639] : memref<1024xi32, #tpu.memory_space<vmem>> -> memref<512xi32, #tpu.memory_space<vmem>>
      %dma_wait3A_641 = arith.constant 0 : i32
      %dma_wait3A_642 = tpu.memref_slice %arg7[%dma_wait3A_641] : memref<1606656xi32, #tpu.memory_space<hbm>> -> memref<512xi32, #tpu.memory_space<hbm>>
      %dma_wait3A_643 = arith.constant 0 : i32
      %dma_wait3A_644 = tpu.memref_slice %arg11[%dma_wait3A_643] : memref<1024xi32, #tpu.memory_space<vmem>> -> memref<512xi32, #tpu.memory_space<vmem>>
      %dma_wait3A_645 = arith.constant 0 : i32
      %dma_wait3A_646 = tpu.memref_slice %arg7[%dma_wait3A_645] : memref<1606656xi32, #tpu.memory_space<hbm>> -> memref<512xi32, #tpu.memory_space<hbm>>
      tpu.wait_dma2 semaphore(%arg20 : memref<!tpu.dma_semaphore, #tpu.memory_space<semaphore_mem>>) src(%dma_wait3A_646 : memref<512xi32, #tpu.memory_space<hbm>>) dst(%dma_wait3A_644 : memref<512xi32, #tpu.memory_space<vmem>>)
      %mul3A_647 = arith.constant 2048 : i32
      %mul3A_648 = arith.muli %sub3A_414, %mul3A_647 : i32
      %add3A_649 = arith.constant 0 : i32
      %add3A_650 = arith.addi %mul3A_648, %add3A_649 : i32
      %add3A_651 = arith.constant 0 : i32
      %add3A_652 = arith.addi %add3A_650, %add3A_651 : i32
      %mul3A_653 = arith.constant 2048 : i32
      %mul3A_654 = arith.muli %sub3A_414, %mul3A_653 : i32
      %add3A_655 = arith.constant 0 : i32
      %add3A_656 = arith.addi %mul3A_654, %add3A_655 : i32
      %dma_start3A_657 = arith.constant 0 : i32
      %dma_start3A_658 = tpu.memref_slice %arg12[%add3A_656, %dma_start3A_657] : memref<4096x16xf32, #tpu.memory_space<vmem>> -> memref<128x16xf32, #tpu.memory_space<vmem>>
      %dma_start3A_659 = tpu.memref_slice %arg10[%add3A_652] : memref<4096xi32, #tpu.memory_space<vmem>> -> memref<128xi32, #tpu.memory_space<vmem>>
      %dma_start3A_660 = arith.constant 0 : i32
      %dma_start3A_661 = arith.constant 0 : i32
      %dma_start3A_662 = tpu.memref_slice %arg2[%dma_start3A_660, %dma_start3A_661] : memref<100000x16xf32, #tpu.memory_space<hbm>> -> memref<100000x16xf32, #tpu.memory_space<hbm>>
      tpu.enqueue_indirect_dma source(%dma_start3A_662 : memref<100000x16xf32, #tpu.memory_space<hbm>>) target(%dma_start3A_658 : memref<128x16xf32, #tpu.memory_space<vmem>>) offsets(%dma_start3A_659 : memref<128xi32, #tpu.memory_space<vmem>>) semaphore(%arg19 : memref<!tpu.dma_semaphore, #tpu.memory_space<semaphore_mem>>)
      %mul3A_663 = arith.constant 2048 : i32
      %mul3A_664 = arith.muli %sub3A_414, %mul3A_663 : i32
      %add3A_665 = arith.constant 0 : i32
      %add3A_666 = arith.addi %mul3A_664, %add3A_665 : i32
      %add3A_667 = arith.constant 128 : i32
      %add3A_668 = arith.addi %add3A_666, %add3A_667 : i32
      %mul3A_669 = arith.constant 2048 : i32
      %mul3A_670 = arith.muli %sub3A_414, %mul3A_669 : i32
      %add3A_671 = arith.constant 128 : i32
      %add3A_672 = arith.addi %mul3A_670, %add3A_671 : i32
      %dma_start3A_673 = arith.constant 0 : i32
      %dma_start3A_674 = tpu.memref_slice %arg12[%add3A_672, %dma_start3A_673] : memref<4096x16xf32, #tpu.memory_space<vmem>> -> memref<128x16xf32, #tpu.memory_space<vmem>>
      %dma_start3A_675 = tpu.memref_slice %arg10[%add3A_668] : memref<4096xi32, #tpu.memory_space<vmem>> -> memref<128xi32, #tpu.memory_space<vmem>>
      %dma_start3A_676 = arith.constant 0 : i32
      %dma_start3A_677 = arith.constant 0 : i32
      %dma_start3A_678 = tpu.memref_slice %arg2[%dma_start3A_676, %dma_start3A_677] : memref<100000x16xf32, #tpu.memory_space<hbm>> -> memref<100000x16xf32, #tpu.memory_space<hbm>>
      tpu.enqueue_indirect_dma source(%dma_start3A_678 : memref<100000x16xf32, #tpu.memory_space<hbm>>) target(%dma_start3A_674 : memref<128x16xf32, #tpu.memory_space<vmem>>) offsets(%dma_start3A_675 : memref<128xi32, #tpu.memory_space<vmem>>) semaphore(%arg19 : memref<!tpu.dma_semaphore, #tpu.memory_space<semaphore_mem>>)
      %mul3A_679 = arith.constant 2048 : i32
      %mul3A_680 = arith.muli %sub3A_414, %mul3A_679 : i32
      %add3A_681 = arith.constant 0 : i32
      %add3A_682 = arith.addi %mul3A_680, %add3A_681 : i32
      %add3A_683 = arith.constant 256 : i32
      %add3A_684 = arith.addi %add3A_682, %add3A_683 : i32
      %mul3A_685 = arith.constant 2048 : i32
      %mul3A_686 = arith.muli %sub3A_414, %mul3A_685 : i32
      %add3A_687 = arith.constant 256 : i32
      %add3A_688 = arith.addi %mul3A_686, %add3A_687 : i32
      %dma_start3A_689 = arith.constant 0 : i32
      %dma_start3A_690 = tpu.memref_slice %arg12[%add3A_688, %dma_start3A_689] : memref<4096x16xf32, #tpu.memory_space<vmem>> -> memref<128x16xf32, #tpu.memory_space<vmem>>
      %dma_start3A_691 = tpu.memref_slice %arg10[%add3A_684] : memref<4096xi32, #tpu.memory_space<vmem>> -> memref<128xi32, #tpu.memory_space<vmem>>
      %dma_start3A_692 = arith.constant 0 : i32
      %dma_start3A_693 = arith.constant 0 : i32
      %dma_start3A_694 = tpu.memref_slice %arg2[%dma_start3A_692, %dma_start3A_693] : memref<100000x16xf32, #tpu.memory_space<hbm>> -> memref<100000x16xf32, #tpu.memory_space<hbm>>
      tpu.enqueue_indirect_dma source(%dma_start3A_694 : memref<100000x16xf32, #tpu.memory_space<hbm>>) target(%dma_start3A_690 : memref<128x16xf32, #tpu.memory_space<vmem>>) offsets(%dma_start3A_691 : memref<128xi32, #tpu.memory_space<vmem>>) semaphore(%arg19 : memref<!tpu.dma_semaphore, #tpu.memory_space<semaphore_mem>>)
      %mul3A_695 = arith.constant 2048 : i32
      %mul3A_696 = arith.muli %sub3A_414, %mul3A_695 : i32
      %add3A_697 = arith.constant 0 : i32
      %add3A_698 = arith.addi %mul3A_696, %add3A_697 : i32
      %add3A_699 = arith.constant 384 : i32
      %add3A_700 = arith.addi %add3A_698, %add3A_699 : i32
      %mul3A_701 = arith.constant 2048 : i32
      %mul3A_702 = arith.muli %sub3A_414, %mul3A_701 : i32
      %add3A_703 = arith.constant 384 : i32
      %add3A_704 = arith.addi %mul3A_702, %add3A_703 : i32
      %dma_start3A_705 = arith.constant 0 : i32
      %dma_start3A_706 = tpu.memref_slice %arg12[%add3A_704, %dma_start3A_705] : memref<4096x16xf32, #tpu.memory_space<vmem>> -> memref<128x16xf32, #tpu.memory_space<vmem>>
      %dma_start3A_707 = tpu.memref_slice %arg10[%add3A_700] : memref<4096xi32, #tpu.memory_space<vmem>> -> memref<128xi32, #tpu.memory_space<vmem>>
      %dma_start3A_708 = arith.constant 0 : i32
      %dma_start3A_709 = arith.constant 0 : i32
      %dma_start3A_710 = tpu.memref_slice %arg2[%dma_start3A_708, %dma_start3A_709] : memref<100000x16xf32, #tpu.memory_space<hbm>> -> memref<100000x16xf32, #tpu.memory_space<hbm>>
      tpu.enqueue_indirect_dma source(%dma_start3A_710 : memref<100000x16xf32, #tpu.memory_space<hbm>>) target(%dma_start3A_706 : memref<128x16xf32, #tpu.memory_space<vmem>>) offsets(%dma_start3A_707 : memref<128xi32, #tpu.memory_space<vmem>>) semaphore(%arg19 : memref<!tpu.dma_semaphore, #tpu.memory_space<semaphore_mem>>)
      %mul3A_711 = arith.constant 2048 : i32
      %mul3A_712 = arith.muli %sub3A_414, %mul3A_711 : i32
      %add3A_713 = arith.constant 512 : i32
      %add3A_714 = arith.addi %mul3A_712, %add3A_713 : i32
      %add3A_715 = arith.constant 0 : i32
      %add3A_716 = arith.addi %add3A_714, %add3A_715 : i32
      %mul3A_717 = arith.constant 2048 : i32
      %mul3A_718 = arith.muli %sub3A_414, %mul3A_717 : i32
      %add3A_719 = arith.constant 512 : i32
      %add3A_720 = arith.addi %mul3A_718, %add3A_719 : i32
      %dma_start3A_721 = arith.constant 0 : i32
      %dma_start3A_722 = tpu.memref_slice %arg12[%add3A_720, %dma_start3A_721] : memref<4096x16xf32, #tpu.memory_space<vmem>> -> memref<128x16xf32, #tpu.memory_space<vmem>>
      %dma_start3A_723 = tpu.memref_slice %arg10[%add3A_716] : memref<4096xi32, #tpu.memory_space<vmem>> -> memref<128xi32, #tpu.memory_space<vmem>>
      %dma_start3A_724 = arith.constant 0 : i32
      %dma_start3A_725 = arith.constant 0 : i32
      %dma_start3A_726 = tpu.memref_slice %arg2[%dma_start3A_724, %dma_start3A_725] : memref<100000x16xf32, #tpu.memory_space<hbm>> -> memref<100000x16xf32, #tpu.memory_space<hbm>>
      tpu.enqueue_indirect_dma source(%dma_start3A_726 : memref<100000x16xf32, #tpu.memory_space<hbm>>) target(%dma_start3A_722 : memref<128x16xf32, #tpu.memory_space<vmem>>) offsets(%dma_start3A_723 : memref<128xi32, #tpu.memory_space<vmem>>) semaphore(%arg19 : memref<!tpu.dma_semaphore, #tpu.memory_space<semaphore_mem>>)
      %mul3A_727 = arith.constant 2048 : i32
      %mul3A_728 = arith.muli %sub3A_414, %mul3A_727 : i32
      %add3A_729 = arith.constant 512 : i32
      %add3A_730 = arith.addi %mul3A_728, %add3A_729 : i32
      %add3A_731 = arith.constant 128 : i32
      %add3A_732 = arith.addi %add3A_730, %add3A_731 : i32
      %mul3A_733 = arith.constant 2048 : i32
      %mul3A_734 = arith.muli %sub3A_414, %mul3A_733 : i32
      %add3A_735 = arith.constant 640 : i32
      %add3A_736 = arith.addi %mul3A_734, %add3A_735 : i32
      %dma_start3A_737 = arith.constant 0 : i32
      %dma_start3A_738 = tpu.memref_slice %arg12[%add3A_736, %dma_start3A_737] : memref<4096x16xf32, #tpu.memory_space<vmem>> -> memref<128x16xf32, #tpu.memory_space<vmem>>
      %dma_start3A_739 = tpu.memref_slice %arg10[%add3A_732] : memref<4096xi32, #tpu.memory_space<vmem>> -> memref<128xi32, #tpu.memory_space<vmem>>
      %dma_start3A_740 = arith.constant 0 : i32
      %dma_start3A_741 = arith.constant 0 : i32
      %dma_start3A_742 = tpu.memref_slice %arg2[%dma_start3A_740, %dma_start3A_741] : memref<100000x16xf32, #tpu.memory_space<hbm>> -> memref<100000x16xf32, #tpu.memory_space<hbm>>
      tpu.enqueue_indirect_dma source(%dma_start3A_742 : memref<100000x16xf32, #tpu.memory_space<hbm>>) target(%dma_start3A_738 : memref<128x16xf32, #tpu.memory_space<vmem>>) offsets(%dma_start3A_739 : memref<128xi32, #tpu.memory_space<vmem>>) semaphore(%arg19 : memref<!tpu.dma_semaphore, #tpu.memory_space<semaphore_mem>>)
      %mul3A_743 = arith.constant 2048 : i32
      %mul3A_744 = arith.muli %sub3A_414, %mul3A_743 : i32
      %add3A_745 = arith.constant 512 : i32
      %add3A_746 = arith.addi %mul3A_744, %add3A_745 : i32
      %add3A_747 = arith.constant 256 : i32
      %add3A_748 = arith.addi %add3A_746, %add3A_747 : i32
      %mul3A_749 = arith.constant 2048 : i32
      %mul3A_750 = arith.muli %sub3A_414, %mul3A_749 : i32
      %add3A_751 = arith.constant 768 : i32
      %add3A_752 = arith.addi %mul3A_750, %add3A_751 : i32
      %dma_start3A_753 = arith.constant 0 : i32
      %dma_start3A_754 = tpu.memref_slice %arg12[%add3A_752, %dma_start3A_753] : memref<4096x16xf32, #tpu.memory_space<vmem>> -> memref<128x16xf32, #tpu.memory_space<vmem>>
      %dma_start3A_755 = tpu.memref_slice %arg10[%add3A_748] : memref<4096xi32, #tpu.memory_space<vmem>> -> memref<128xi32, #tpu.memory_space<vmem>>
      %dma_start3A_756 = arith.constant 0 : i32
      %dma_start3A_757 = arith.constant 0 : i32
      %dma_start3A_758 = tpu.memref_slice %arg2[%dma_start3A_756, %dma_start3A_757] : memref<100000x16xf32, #tpu.memory_space<hbm>> -> memref<100000x16xf32, #tpu.memory_space<hbm>>
      tpu.enqueue_indirect_dma source(%dma_start3A_758 : memref<100000x16xf32, #tpu.memory_space<hbm>>) target(%dma_start3A_754 : memref<128x16xf32, #tpu.memory_space<vmem>>) offsets(%dma_start3A_755 : memref<128xi32, #tpu.memory_space<vmem>>) semaphore(%arg19 : memref<!tpu.dma_semaphore, #tpu.memory_space<semaphore_mem>>)
      %mul3A_759 = arith.constant 2048 : i32
      %mul3A_760 = arith.muli %sub3A_414, %mul3A_759 : i32
      %add3A_761 = arith.constant 512 : i32
      %add3A_762 = arith.addi %mul3A_760, %add3A_761 : i32
      %add3A_763 = arith.constant 384 : i32
      %add3A_764 = arith.addi %add3A_762, %add3A_763 : i32
      %mul3A_765 = arith.constant 2048 : i32
      %mul3A_766 = arith.muli %sub3A_414, %mul3A_765 : i32
      %add3A_767 = arith.constant 896 : i32
      %add3A_768 = arith.addi %mul3A_766, %add3A_767 : i32
      %dma_start3A_769 = arith.constant 0 : i32
      %dma_start3A_770 = tpu.memref_slice %arg12[%add3A_768, %dma_start3A_769] : memref<4096x16xf32, #tpu.memory_space<vmem>> -> memref<128x16xf32, #tpu.memory_space<vmem>>
      %dma_start3A_771 = tpu.memref_slice %arg10[%add3A_764] : memref<4096xi32, #tpu.memory_space<vmem>> -> memref<128xi32, #tpu.memory_space<vmem>>
      %dma_start3A_772 = arith.constant 0 : i32
      %dma_start3A_773 = arith.constant 0 : i32
      %dma_start3A_774 = tpu.memref_slice %arg2[%dma_start3A_772, %dma_start3A_773] : memref<100000x16xf32, #tpu.memory_space<hbm>> -> memref<100000x16xf32, #tpu.memory_space<hbm>>
      tpu.enqueue_indirect_dma source(%dma_start3A_774 : memref<100000x16xf32, #tpu.memory_space<hbm>>) target(%dma_start3A_770 : memref<128x16xf32, #tpu.memory_space<vmem>>) offsets(%dma_start3A_771 : memref<128xi32, #tpu.memory_space<vmem>>) semaphore(%arg19 : memref<!tpu.dma_semaphore, #tpu.memory_space<semaphore_mem>>)
      %mul3A_775 = arith.constant 2048 : i32
      %mul3A_776 = arith.muli %sub3A_414, %mul3A_775 : i32
      %add3A_777 = arith.constant 1024 : i32
      %add3A_778 = arith.addi %mul3A_776, %add3A_777 : i32
      %add3A_779 = arith.constant 0 : i32
      %add3A_780 = arith.addi %add3A_778, %add3A_779 : i32
      %mul3A_781 = arith.constant 2048 : i32
      %mul3A_782 = arith.muli %sub3A_414, %mul3A_781 : i32
      %add3A_783 = arith.constant 1024 : i32
      %add3A_784 = arith.addi %mul3A_782, %add3A_783 : i32
      %dma_start3A_785 = arith.constant 0 : i32
      %dma_start3A_786 = tpu.memref_slice %arg12[%add3A_784, %dma_start3A_785] : memref<4096x16xf32, #tpu.memory_space<vmem>> -> memref<128x16xf32, #tpu.memory_space<vmem>>
      %dma_start3A_787 = tpu.memref_slice %arg10[%add3A_780] : memref<4096xi32, #tpu.memory_space<vmem>> -> memref<128xi32, #tpu.memory_space<vmem>>
      %dma_start3A_788 = arith.constant 0 : i32
      %dma_start3A_789 = arith.constant 0 : i32
      %dma_start3A_790 = tpu.memref_slice %arg2[%dma_start3A_788, %dma_start3A_789] : memref<100000x16xf32, #tpu.memory_space<hbm>> -> memref<100000x16xf32, #tpu.memory_space<hbm>>
      tpu.enqueue_indirect_dma source(%dma_start3A_790 : memref<100000x16xf32, #tpu.memory_space<hbm>>) target(%dma_start3A_786 : memref<128x16xf32, #tpu.memory_space<vmem>>) offsets(%dma_start3A_787 : memref<128xi32, #tpu.memory_space<vmem>>) semaphore(%arg19 : memref<!tpu.dma_semaphore, #tpu.memory_space<semaphore_mem>>)
      %mul3A_791 = arith.constant 2048 : i32
      %mul3A_792 = arith.muli %sub3A_414, %mul3A_791 : i32
      %add3A_793 = arith.constant 1024 : i32
      %add3A_794 = arith.addi %mul3A_792, %add3A_793 : i32
      %add3A_795 = arith.constant 128 : i32
      %add3A_796 = arith.addi %add3A_794, %add3A_795 : i32
      %mul3A_797 = arith.constant 2048 : i32
      %mul3A_798 = arith.muli %sub3A_414, %mul3A_797 : i32
      %add3A_799 = arith.constant 1152 : i32
      %add3A_800 = arith.addi %mul3A_798, %add3A_799 : i32
      %dma_start3A_801 = arith.constant 0 : i32
      %dma_start3A_802 = tpu.memref_slice %arg12[%add3A_800, %dma_start3A_801] : memref<4096x16xf32, #tpu.memory_space<vmem>> -> memref<128x16xf32, #tpu.memory_space<vmem>>
      %dma_start3A_803 = tpu.memref_slice %arg10[%add3A_796] : memref<4096xi32, #tpu.memory_space<vmem>> -> memref<128xi32, #tpu.memory_space<vmem>>
      %dma_start3A_804 = arith.constant 0 : i32
      %dma_start3A_805 = arith.constant 0 : i32
      %dma_start3A_806 = tpu.memref_slice %arg2[%dma_start3A_804, %dma_start3A_805] : memref<100000x16xf32, #tpu.memory_space<hbm>> -> memref<100000x16xf32, #tpu.memory_space<hbm>>
      tpu.enqueue_indirect_dma source(%dma_start3A_806 : memref<100000x16xf32, #tpu.memory_space<hbm>>) target(%dma_start3A_802 : memref<128x16xf32, #tpu.memory_space<vmem>>) offsets(%dma_start3A_803 : memref<128xi32, #tpu.memory_space<vmem>>) semaphore(%arg19 : memref<!tpu.dma_semaphore, #tpu.memory_space<semaphore_mem>>)
      %mul3A_807 = arith.constant 2048 : i32
      %mul3A_808 = arith.muli %sub3A_414, %mul3A_807 : i32
      %add3A_809 = arith.constant 1024 : i32
      %add3A_810 = arith.addi %mul3A_808, %add3A_809 : i32
      %add3A_811 = arith.constant 256 : i32
      %add3A_812 = arith.addi %add3A_810, %add3A_811 : i32
      %mul3A_813 = arith.constant 2048 : i32
      %mul3A_814 = arith.muli %sub3A_414, %mul3A_813 : i32
      %add3A_815 = arith.constant 1280 : i32
      %add3A_816 = arith.addi %mul3A_814, %add3A_815 : i32
      %dma_start3A_817 = arith.constant 0 : i32
      %dma_start3A_818 = tpu.memref_slice %arg12[%add3A_816, %dma_start3A_817] : memref<4096x16xf32, #tpu.memory_space<vmem>> -> memref<128x16xf32, #tpu.memory_space<vmem>>
      %dma_start3A_819 = tpu.memref_slice %arg10[%add3A_812] : memref<4096xi32, #tpu.memory_space<vmem>> -> memref<128xi32, #tpu.memory_space<vmem>>
      %dma_start3A_820 = arith.constant 0 : i32
      %dma_start3A_821 = arith.constant 0 : i32
      %dma_start3A_822 = tpu.memref_slice %arg2[%dma_start3A_820, %dma_start3A_821] : memref<100000x16xf32, #tpu.memory_space<hbm>> -> memref<100000x16xf32, #tpu.memory_space<hbm>>
      tpu.enqueue_indirect_dma source(%dma_start3A_822 : memref<100000x16xf32, #tpu.memory_space<hbm>>) target(%dma_start3A_818 : memref<128x16xf32, #tpu.memory_space<vmem>>) offsets(%dma_start3A_819 : memref<128xi32, #tpu.memory_space<vmem>>) semaphore(%arg19 : memref<!tpu.dma_semaphore, #tpu.memory_space<semaphore_mem>>)
      %mul3A_823 = arith.constant 2048 : i32
      %mul3A_824 = arith.muli %sub3A_414, %mul3A_823 : i32
      %add3A_825 = arith.constant 1024 : i32
      %add3A_826 = arith.addi %mul3A_824, %add3A_825 : i32
      %add3A_827 = arith.constant 384 : i32
      %add3A_828 = arith.addi %add3A_826, %add3A_827 : i32
      %mul3A_829 = arith.constant 2048 : i32
      %mul3A_830 = arith.muli %sub3A_414, %mul3A_829 : i32
      %add3A_831 = arith.constant 1408 : i32
      %add3A_832 = arith.addi %mul3A_830, %add3A_831 : i32
      %dma_start3A_833 = arith.constant 0 : i32
      %dma_start3A_834 = tpu.memref_slice %arg12[%add3A_832, %dma_start3A_833] : memref<4096x16xf32, #tpu.memory_space<vmem>> -> memref<128x16xf32, #tpu.memory_space<vmem>>
      %dma_start3A_835 = tpu.memref_slice %arg10[%add3A_828] : memref<4096xi32, #tpu.memory_space<vmem>> -> memref<128xi32, #tpu.memory_space<vmem>>
      %dma_start3A_836 = arith.constant 0 : i32
      %dma_start3A_837 = arith.constant 0 : i32
      %dma_start3A_838 = tpu.memref_slice %arg2[%dma_start3A_836, %dma_start3A_837] : memref<100000x16xf32, #tpu.memory_space<hbm>> -> memref<100000x16xf32, #tpu.memory_space<hbm>>
      tpu.enqueue_indirect_dma source(%dma_start3A_838 : memref<100000x16xf32, #tpu.memory_space<hbm>>) target(%dma_start3A_834 : memref<128x16xf32, #tpu.memory_space<vmem>>) offsets(%dma_start3A_835 : memref<128xi32, #tpu.memory_space<vmem>>) semaphore(%arg19 : memref<!tpu.dma_semaphore, #tpu.memory_space<semaphore_mem>>)
      %mul3A_839 = arith.constant 2048 : i32
      %mul3A_840 = arith.muli %sub3A_414, %mul3A_839 : i32
      %add3A_841 = arith.constant 1536 : i32
      %add3A_842 = arith.addi %mul3A_840, %add3A_841 : i32
      %add3A_843 = arith.constant 0 : i32
      %add3A_844 = arith.addi %add3A_842, %add3A_843 : i32
      %mul3A_845 = arith.constant 2048 : i32
      %mul3A_846 = arith.muli %sub3A_414, %mul3A_845 : i32
      %add3A_847 = arith.constant 1536 : i32
      %add3A_848 = arith.addi %mul3A_846, %add3A_847 : i32
      %dma_start3A_849 = arith.constant 0 : i32
      %dma_start3A_850 = tpu.memref_slice %arg12[%add3A_848, %dma_start3A_849] : memref<4096x16xf32, #tpu.memory_space<vmem>> -> memref<128x16xf32, #tpu.memory_space<vmem>>
      %dma_start3A_851 = tpu.memref_slice %arg10[%add3A_844] : memref<4096xi32, #tpu.memory_space<vmem>> -> memref<128xi32, #tpu.memory_space<vmem>>
      %dma_start3A_852 = arith.constant 0 : i32
      %dma_start3A_853 = arith.constant 0 : i32
      %dma_start3A_854 = tpu.memref_slice %arg2[%dma_start3A_852, %dma_start3A_853] : memref<100000x16xf32, #tpu.memory_space<hbm>> -> memref<100000x16xf32, #tpu.memory_space<hbm>>
      tpu.enqueue_indirect_dma source(%dma_start3A_854 : memref<100000x16xf32, #tpu.memory_space<hbm>>) target(%dma_start3A_850 : memref<128x16xf32, #tpu.memory_space<vmem>>) offsets(%dma_start3A_851 : memref<128xi32, #tpu.memory_space<vmem>>) semaphore(%arg19 : memref<!tpu.dma_semaphore, #tpu.memory_space<semaphore_mem>>)
      %mul3A_855 = arith.constant 2048 : i32
      %mul3A_856 = arith.muli %sub3A_414, %mul3A_855 : i32
      %add3A_857 = arith.constant 1536 : i32
      %add3A_858 = arith.addi %mul3A_856, %add3A_857 : i32
      %add3A_859 = arith.constant 128 : i32
      %add3A_860 = arith.addi %add3A_858, %add3A_859 : i32
      %mul3A_861 = arith.constant 2048 : i32
      %mul3A_862 = arith.muli %sub3A_414, %mul3A_861 : i32
      %add3A_863 = arith.constant 1664 : i32
      %add3A_864 = arith.addi %mul3A_862, %add3A_863 : i32
      %dma_start3A_865 = arith.constant 0 : i32
      %dma_start3A_866 = tpu.memref_slice %arg12[%add3A_864, %dma_start3A_865] : memref<4096x16xf32, #tpu.memory_space<vmem>> -> memref<128x16xf32, #tpu.memory_space<vmem>>
      %dma_start3A_867 = tpu.memref_slice %arg10[%add3A_860] : memref<4096xi32, #tpu.memory_space<vmem>> -> memref<128xi32, #tpu.memory_space<vmem>>
      %dma_start3A_868 = arith.constant 0 : i32
      %dma_start3A_869 = arith.constant 0 : i32
      %dma_start3A_870 = tpu.memref_slice %arg2[%dma_start3A_868, %dma_start3A_869] : memref<100000x16xf32, #tpu.memory_space<hbm>> -> memref<100000x16xf32, #tpu.memory_space<hbm>>
      tpu.enqueue_indirect_dma source(%dma_start3A_870 : memref<100000x16xf32, #tpu.memory_space<hbm>>) target(%dma_start3A_866 : memref<128x16xf32, #tpu.memory_space<vmem>>) offsets(%dma_start3A_867 : memref<128xi32, #tpu.memory_space<vmem>>) semaphore(%arg19 : memref<!tpu.dma_semaphore, #tpu.memory_space<semaphore_mem>>)
      %mul3A_871 = arith.constant 2048 : i32
      %mul3A_872 = arith.muli %sub3A_414, %mul3A_871 : i32
      %add3A_873 = arith.constant 1536 : i32
      %add3A_874 = arith.addi %mul3A_872, %add3A_873 : i32
      %add3A_875 = arith.constant 256 : i32
      %add3A_876 = arith.addi %add3A_874, %add3A_875 : i32
      %mul3A_877 = arith.constant 2048 : i32
      %mul3A_878 = arith.muli %sub3A_414, %mul3A_877 : i32
      %add3A_879 = arith.constant 1792 : i32
      %add3A_880 = arith.addi %mul3A_878, %add3A_879 : i32
      %dma_start3A_881 = arith.constant 0 : i32
      %dma_start3A_882 = tpu.memref_slice %arg12[%add3A_880, %dma_start3A_881] : memref<4096x16xf32, #tpu.memory_space<vmem>> -> memref<128x16xf32, #tpu.memory_space<vmem>>
      %dma_start3A_883 = tpu.memref_slice %arg10[%add3A_876] : memref<4096xi32, #tpu.memory_space<vmem>> -> memref<128xi32, #tpu.memory_space<vmem>>
      %dma_start3A_884 = arith.constant 0 : i32
      %dma_start3A_885 = arith.constant 0 : i32
      %dma_start3A_886 = tpu.memref_slice %arg2[%dma_start3A_884, %dma_start3A_885] : memref<100000x16xf32, #tpu.memory_space<hbm>> -> memref<100000x16xf32, #tpu.memory_space<hbm>>
      tpu.enqueue_indirect_dma source(%dma_start3A_886 : memref<100000x16xf32, #tpu.memory_space<hbm>>) target(%dma_start3A_882 : memref<128x16xf32, #tpu.memory_space<vmem>>) offsets(%dma_start3A_883 : memref<128xi32, #tpu.memory_space<vmem>>) semaphore(%arg19 : memref<!tpu.dma_semaphore, #tpu.memory_space<semaphore_mem>>)
      %mul3A_887 = arith.constant 2048 : i32
      %mul3A_888 = arith.muli %sub3A_414, %mul3A_887 : i32
      %add3A_889 = arith.constant 1536 : i32
      %add3A_890 = arith.addi %mul3A_888, %add3A_889 : i32
      %add3A_891 = arith.constant 384 : i32
      %add3A_892 = arith.addi %add3A_890, %add3A_891 : i32
      %mul3A_893 = arith.constant 2048 : i32
      %mul3A_894 = arith.muli %sub3A_414, %mul3A_893 : i32
      %add3A_895 = arith.constant 1920 : i32
      %add3A_896 = arith.addi %mul3A_894, %add3A_895 : i32
      %dma_start3A_897 = arith.constant 0 : i32
      %dma_start3A_898 = tpu.memref_slice %arg12[%add3A_896, %dma_start3A_897] : memref<4096x16xf32, #tpu.memory_space<vmem>> -> memref<128x16xf32, #tpu.memory_space<vmem>>
      %dma_start3A_899 = tpu.memref_slice %arg10[%add3A_892] : memref<4096xi32, #tpu.memory_space<vmem>> -> memref<128xi32, #tpu.memory_space<vmem>>
      %dma_start3A_900 = arith.constant 0 : i32
      %dma_start3A_901 = arith.constant 0 : i32
      %dma_start3A_902 = tpu.memref_slice %arg2[%dma_start3A_900, %dma_start3A_901] : memref<100000x16xf32, #tpu.memory_space<hbm>> -> memref<100000x16xf32, #tpu.memory_space<hbm>>
      tpu.enqueue_indirect_dma source(%dma_start3A_902 : memref<100000x16xf32, #tpu.memory_space<hbm>>) target(%dma_start3A_898 : memref<128x16xf32, #tpu.memory_space<vmem>>) offsets(%dma_start3A_899 : memref<128xi32, #tpu.memory_space<vmem>>) semaphore(%arg19 : memref<!tpu.dma_semaphore, #tpu.memory_space<semaphore_mem>>)
      %mul3A_903 = arith.constant 2048 : i32
      %mul3A_904 = arith.muli %and3A_413, %mul3A_903 : i32
      %broadcast_in_dim3A = vector.broadcast %mul3A_904 : i32 to vector<16xi32>
      %scan3A_905 = arith.constant 0 : i32
      %scan3A_906 = arith.constant 0 : i32
      %scan3A_907 = arith.constant 8 : i32
      %scan3A_908 = arith.addi %scan3A_906, %scan3A_907 : i32
      %scan3A_909 = arith.constant 1 : i32
      scf.for %scan3A_1086 = %scan3A_906 to %scan3A_908 step %scan3A_909  : i32 {
        %mul3A_1087 = arith.constant 16 : i32
        %mul3A_1088 = arith.muli %scan3A_1086, %mul3A_1087 : i32
        %add3A_1089 = vector.broadcast %mul3A_1088 : i32 to vector<16xi32>
        %add3A_1090 = arith.addi %iota3A, %add3A_1089 : vector<16xi32>
        %broadcast_in_dim3A_1091 = arith.constant 0 : i32
        %broadcast_in_dim3A_1092 = vector.broadcast %broadcast_in_dim3A_1091 : i32 to vector<16xi32>
        %add3A_1093 = arith.addi %broadcast_in_dim3A, %broadcast_in_dim3A_1092 : vector<16xi32>
        %add3A_1094 = arith.addi %add3A_1093, %add3A_1090 : vector<16xi32>
        %broadcast_in_dim3A_1095 = arith.constant 0 : i32
        %broadcast_in_dim3A_1096 = vector.broadcast %broadcast_in_dim3A_1095 : i32 to vector<16xi32>
        %gather3A = tpu.vector_load_idx %arg12[%add3A_1094, %broadcast_in_dim3A_1096] : memref<4096x16xf32, #tpu.memory_space<vmem>>[vector<16xi32>, vector<16xi32>], vector<16xf32>,
        %broadcast_in_dim3A_1097 = arith.constant 0 : i32
        %broadcast_in_dim3A_1098 = vector.broadcast %broadcast_in_dim3A_1097 : i32 to vector<16xi32>
        %add3A_1099 = arith.addi %broadcast_in_dim3A, %broadcast_in_dim3A_1098 : vector<16xi32>
        %add3A_1100 = arith.addi %add3A_1099, %add3A_1090 : vector<16xi32>
        %broadcast_in_dim3A_1101 = arith.constant 1 : i32
        %broadcast_in_dim3A_1102 = vector.broadcast %broadcast_in_dim3A_1101 : i32 to vector<16xi32>
        %gather3A_1103 = tpu.vector_load_idx %arg12[%add3A_1100, %broadcast_in_dim3A_1102] : memref<4096x16xf32, #tpu.memory_space<vmem>>[vector<16xi32>, vector<16xi32>], vector<16xf32>,
        %broadcast_in_dim3A_1104 = arith.constant 0 : i32
        %broadcast_in_dim3A_1105 = vector.broadcast %broadcast_in_dim3A_1104 : i32 to vector<16xi32>
        %add3A_1106 = arith.addi %broadcast_in_dim3A, %broadcast_in_dim3A_1105 : vector<16xi32>
        %add3A_1107 = arith.addi %add3A_1106, %add3A_1090 : vector<16xi32>
        %broadcast_in_dim3A_1108 = arith.constant 2 : i32
        %broadcast_in_dim3A_1109 = vector.broadcast %broadcast_in_dim3A_1108 : i32 to vector<16xi32>
        %gather3A_1110 = tpu.vector_load_idx %arg12[%add3A_1107, %broadcast_in_dim3A_1109] : memref<4096x16xf32, #tpu.memory_space<vmem>>[vector<16xi32>, vector<16xi32>], vector<16xf32>,
        %broadcast_in_dim3A_1111 = arith.constant 512 : i32
        %broadcast_in_dim3A_1112 = vector.broadcast %broadcast_in_dim3A_1111 : i32 to vector<16xi32>
        %add3A_1113 = arith.addi %broadcast_in_dim3A, %broadcast_in_dim3A_1112 : vector<16xi32>
        %add3A_1114 = arith.addi %add3A_1113, %add3A_1090 : vector<16xi32>
        %broadcast_in_dim3A_1115 = arith.constant 0 : i32
        %broadcast_in_dim3A_1116 = vector.broadcast %broadcast_in_dim3A_1115 : i32 to vector<16xi32>
        %gather3A_1117 = tpu.vector_load_idx %arg12[%add3A_1114, %broadcast_in_dim3A_1116] : memref<4096x16xf32, #tpu.memory_space<vmem>>[vector<16xi32>, vector<16xi32>], vector<16xf32>,
        %broadcast_in_dim3A_1118 = arith.constant 512 : i32
        %broadcast_in_dim3A_1119 = vector.broadcast %broadcast_in_dim3A_1118 : i32 to vector<16xi32>
        %add3A_1120 = arith.addi %broadcast_in_dim3A, %broadcast_in_dim3A_1119 : vector<16xi32>
        %add3A_1121 = arith.addi %add3A_1120, %add3A_1090 : vector<16xi32>
        %broadcast_in_dim3A_1122 = arith.constant 1 : i32
        %broadcast_in_dim3A_1123 = vector.broadcast %broadcast_in_dim3A_1122 : i32 to vector<16xi32>
        %gather3A_1124 = tpu.vector_load_idx %arg12[%add3A_1121, %broadcast_in_dim3A_1123] : memref<4096x16xf32, #tpu.memory_space<vmem>>[vector<16xi32>, vector<16xi32>], vector<16xf32>,
        %broadcast_in_dim3A_1125 = arith.constant 512 : i32
        %broadcast_in_dim3A_1126 = vector.broadcast %broadcast_in_dim3A_1125 : i32 to vector<16xi32>
        %add3A_1127 = arith.addi %broadcast_in_dim3A, %broadcast_in_dim3A_1126 : vector<16xi32>
        %add3A_1128 = arith.addi %add3A_1127, %add3A_1090 : vector<16xi32>
        %broadcast_in_dim3A_1129 = arith.constant 2 : i32
        %broadcast_in_dim3A_1130 = vector.broadcast %broadcast_in_dim3A_1129 : i32 to vector<16xi32>
        %gather3A_1131 = tpu.vector_load_idx %arg12[%add3A_1128, %broadcast_in_dim3A_1130] : memref<4096x16xf32, #tpu.memory_space<vmem>>[vector<16xi32>, vector<16xi32>], vector<16xf32>,
        %broadcast_in_dim3A_1132 = arith.constant 1024 : i32
        %broadcast_in_dim3A_1133 = vector.broadcast %broadcast_in_dim3A_1132 : i32 to vector<16xi32>
        %add3A_1134 = arith.addi %broadcast_in_dim3A, %broadcast_in_dim3A_1133 : vector<16xi32>
        %add3A_1135 = arith.addi %add3A_1134, %add3A_1090 : vector<16xi32>
        %broadcast_in_dim3A_1136 = arith.constant 0 : i32
        %broadcast_in_dim3A_1137 = vector.broadcast %broadcast_in_dim3A_1136 : i32 to vector<16xi32>
        %gather3A_1138 = tpu.vector_load_idx %arg12[%add3A_1135, %broadcast_in_dim3A_1137] : memref<4096x16xf32, #tpu.memory_space<vmem>>[vector<16xi32>, vector<16xi32>], vector<16xf32>,
        %broadcast_in_dim3A_1139 = arith.constant 1024 : i32
        %broadcast_in_dim3A_1140 = vector.broadcast %broadcast_in_dim3A_1139 : i32 to vector<16xi32>
        %add3A_1141 = arith.addi %broadcast_in_dim3A, %broadcast_in_dim3A_1140 : vector<16xi32>
        %add3A_1142 = arith.addi %add3A_1141, %add3A_1090 : vector<16xi32>
        %broadcast_in_dim3A_1143 = arith.constant 1 : i32
        %broadcast_in_dim3A_1144 = vector.broadcast %broadcast_in_dim3A_1143 : i32 to vector<16xi32>
        %gather3A_1145 = tpu.vector_load_idx %arg12[%add3A_1142, %broadcast_in_dim3A_1144] : memref<4096x16xf32, #tpu.memory_space<vmem>>[vector<16xi32>, vector<16xi32>], vector<16xf32>,
        %broadcast_in_dim3A_1146 = arith.constant 1024 : i32
        %broadcast_in_dim3A_1147 = vector.broadcast %broadcast_in_dim3A_1146 : i32 to vector<16xi32>
        %add3A_1148 = arith.addi %broadcast_in_dim3A, %broadcast_in_dim3A_1147 : vector<16xi32>
        %add3A_1149 = arith.addi %add3A_1148, %add3A_1090 : vector<16xi32>
        %broadcast_in_dim3A_1150 = arith.constant 2 : i32
        %broadcast_in_dim3A_1151 = vector.broadcast %broadcast_in_dim3A_1150 : i32 to vector<16xi32>
        %gather3A_1152 = tpu.vector_load_idx %arg12[%add3A_1149, %broadcast_in_dim3A_1151] : memref<4096x16xf32, #tpu.memory_space<vmem>>[vector<16xi32>, vector<16xi32>], vector<16xf32>,
        %broadcast_in_dim3A_1153 = arith.constant 1536 : i32
        %broadcast_in_dim3A_1154 = vector.broadcast %broadcast_in_dim3A_1153 : i32 to vector<16xi32>
        %add3A_1155 = arith.addi %broadcast_in_dim3A, %broadcast_in_dim3A_1154 : vector<16xi32>
        %add3A_1156 = arith.addi %add3A_1155, %add3A_1090 : vector<16xi32>
        %broadcast_in_dim3A_1157 = arith.constant 0 : i32
        %broadcast_in_dim3A_1158 = vector.broadcast %broadcast_in_dim3A_1157 : i32 to vector<16xi32>
        %gather3A_1159 = tpu.vector_load_idx %arg12[%add3A_1156, %broadcast_in_dim3A_1158] : memref<4096x16xf32, #tpu.memory_space<vmem>>[vector<16xi32>, vector<16xi32>], vector<16xf32>,
        %broadcast_in_dim3A_1160 = arith.constant 1536 : i32
        %broadcast_in_dim3A_1161 = vector.broadcast %broadcast_in_dim3A_1160 : i32 to vector<16xi32>
        %add3A_1162 = arith.addi %broadcast_in_dim3A, %broadcast_in_dim3A_1161 : vector<16xi32>
        %add3A_1163 = arith.addi %add3A_1162, %add3A_1090 : vector<16xi32>
        %broadcast_in_dim3A_1164 = arith.constant 1 : i32
        %broadcast_in_dim3A_1165 = vector.broadcast %broadcast_in_dim3A_1164 : i32 to vector<16xi32>
        %gather3A_1166 = tpu.vector_load_idx %arg12[%add3A_1163, %broadcast_in_dim3A_1165] : memref<4096x16xf32, #tpu.memory_space<vmem>>[vector<16xi32>, vector<16xi32>], vector<16xf32>,
        %broadcast_in_dim3A_1167 = arith.constant 1536 : i32
        %broadcast_in_dim3A_1168 = vector.broadcast %broadcast_in_dim3A_1167 : i32 to vector<16xi32>
        %add3A_1169 = arith.addi %broadcast_in_dim3A, %broadcast_in_dim3A_1168 : vector<16xi32>
        %add3A_1170 = arith.addi %add3A_1169, %add3A_1090 : vector<16xi32>
        %broadcast_in_dim3A_1171 = arith.constant 2 : i32
        %broadcast_in_dim3A_1172 = vector.broadcast %broadcast_in_dim3A_1171 : i32 to vector<16xi32>
        %gather3A_1173 = tpu.vector_load_idx %arg12[%add3A_1170, %broadcast_in_dim3A_1172] : memref<4096x16xf32, #tpu.memory_space<vmem>>[vector<16xi32>, vector<16xi32>], vector<16xf32>,
        %broadcast_in_dim3A_1174 = arith.constant 0 : i32
        %broadcast_in_dim3A_1175 = vector.broadcast %broadcast_in_dim3A_1174 : i32 to vector<16xi32>
        %add3A_1176 = arith.addi %broadcast_in_dim3A, %broadcast_in_dim3A_1175 : vector<16xi32>
        %add3A_1177 = arith.addi %add3A_1176, %add3A_1090 : vector<16xi32>
        %broadcast_in_dim3A_1178 = arith.constant 3 : i32
        %broadcast_in_dim3A_1179 = vector.broadcast %broadcast_in_dim3A_1178 : i32 to vector<16xi32>
        %gather3A_1180 = tpu.vector_load_idx %arg12[%add3A_1177, %broadcast_in_dim3A_1179] : memref<4096x16xf32, #tpu.memory_space<vmem>>[vector<16xi32>, vector<16xi32>], vector<16xf32>,
        %convert_element_type3A = arith.fptosi %gather3A_1180 : vector<16xf32> to vector<16xi32>
        %broadcast_in_dim3A_1181 = arith.constant 512 : i32
        %broadcast_in_dim3A_1182 = vector.broadcast %broadcast_in_dim3A_1181 : i32 to vector<16xi32>
        %add3A_1183 = arith.addi %broadcast_in_dim3A, %broadcast_in_dim3A_1182 : vector<16xi32>
        %add3A_1184 = arith.addi %add3A_1183, %add3A_1090 : vector<16xi32>
        %broadcast_in_dim3A_1185 = arith.constant 3 : i32
        %broadcast_in_dim3A_1186 = vector.broadcast %broadcast_in_dim3A_1185 : i32 to vector<16xi32>
        %gather3A_1187 = tpu.vector_load_idx %arg12[%add3A_1184, %broadcast_in_dim3A_1186] : memref<4096x16xf32, #tpu.memory_space<vmem>>[vector<16xi32>, vector<16xi32>], vector<16xf32>,
        %convert_element_type3A_1188 = arith.fptosi %gather3A_1187 : vector<16xf32> to vector<16xi32>
        %broadcast_in_dim3A_1189 = arith.constant 1024 : i32
        %broadcast_in_dim3A_1190 = vector.broadcast %broadcast_in_dim3A_1189 : i32 to vector<16xi32>
        %add3A_1191 = arith.addi %broadcast_in_dim3A, %broadcast_in_dim3A_1190 : vector<16xi32>
        %add3A_1192 = arith.addi %add3A_1191, %add3A_1090 : vector<16xi32>
        %broadcast_in_dim3A_1193 = arith.constant 3 : i32
        %broadcast_in_dim3A_1194 = vector.broadcast %broadcast_in_dim3A_1193 : i32 to vector<16xi32>
        %gather3A_1195 = tpu.vector_load_idx %arg12[%add3A_1192, %broadcast_in_dim3A_1194] : memref<4096x16xf32, #tpu.memory_space<vmem>>[vector<16xi32>, vector<16xi32>], vector<16xf32>,
        %convert_element_type3A_1196 = arith.fptosi %gather3A_1195 : vector<16xf32> to vector<16xi32>
        %broadcast_in_dim3A_1197 = arith.constant 1536 : i32
        %broadcast_in_dim3A_1198 = vector.broadcast %broadcast_in_dim3A_1197 : i32 to vector<16xi32>
        %add3A_1199 = arith.addi %broadcast_in_dim3A, %broadcast_in_dim3A_1198 : vector<16xi32>
        %add3A_1200 = arith.addi %add3A_1199, %add3A_1090 : vector<16xi32>
        %broadcast_in_dim3A_1201 = arith.constant 3 : i32
        %broadcast_in_dim3A_1202 = vector.broadcast %broadcast_in_dim3A_1201 : i32 to vector<16xi32>
        %gather3A_1203 = tpu.vector_load_idx %arg12[%add3A_1200, %broadcast_in_dim3A_1202] : memref<4096x16xf32, #tpu.memory_space<vmem>>[vector<16xi32>, vector<16xi32>], vector<16xf32>,
        %convert_element_type3A_1204 = arith.fptosi %gather3A_1203 : vector<16xf32> to vector<16xi32>
        %sub3A_1205 = arith.subf %gather3A, %gather3A_1117 : vector<16xf32>
        %sub3A_1206 = arith.subf %gather3A_1103, %gather3A_1124 : vector<16xf32>
        %sub3A_1207 = arith.subf %gather3A_1110, %gather3A_1131 : vector<16xf32>
        %sub3A_1208 = arith.subf %gather3A_1138, %gather3A_1117 : vector<16xf32>
        %sub3A_1209 = arith.subf %gather3A_1145, %gather3A_1124 : vector<16xf32>
        %sub3A_1210 = arith.subf %gather3A_1152, %gather3A_1131 : vector<16xf32>
        %sub3A_1211 = arith.subf %gather3A_1159, %gather3A_1138 : vector<16xf32>
        %sub3A_1212 = arith.subf %gather3A_1166, %gather3A_1145 : vector<16xf32>
        %sub3A_1213 = arith.subf %gather3A_1173, %gather3A_1152 : vector<16xf32>
        %mul3A_1214 = arith.mulf %sub3A_1208, %sub3A_1208 : vector<16xf32>
        %mul3A_1215 = arith.mulf %sub3A_1209, %sub3A_1209 : vector<16xf32>
        %add3A_1216 = arith.addf %mul3A_1214, %mul3A_1215 : vector<16xf32>
        %mul3A_1217 = arith.mulf %sub3A_1210, %sub3A_1210 : vector<16xf32>
        %add3A_1218 = arith.addf %add3A_1216, %mul3A_1217 : vector<16xf32>
        %mul3A_1219 = arith.mulf %sub3A_1205, %sub3A_1208 : vector<16xf32>
        %mul3A_1220 = arith.mulf %sub3A_1206, %sub3A_1209 : vector<16xf32>
        %add3A_1221 = arith.addf %mul3A_1219, %mul3A_1220 : vector<16xf32>
        %mul3A_1222 = arith.mulf %sub3A_1207, %sub3A_1210 : vector<16xf32>
        %add3A_1223 = arith.addf %add3A_1221, %mul3A_1222 : vector<16xf32>
        %mul3A_1224 = arith.mulf %sub3A_1211, %sub3A_1208 : vector<16xf32>
        %mul3A_1225 = arith.mulf %sub3A_1212, %sub3A_1209 : vector<16xf32>
        %add3A_1226 = arith.addf %mul3A_1224, %mul3A_1225 : vector<16xf32>
        %mul3A_1227 = arith.mulf %sub3A_1213, %sub3A_1210 : vector<16xf32>
        %add3A_1228 = arith.addf %add3A_1226, %mul3A_1227 : vector<16xf32>
        %mul3A_1229 = arith.mulf %sub3A_1205, %sub3A_1211 : vector<16xf32>
        %mul3A_1230 = arith.mulf %sub3A_1206, %sub3A_1212 : vector<16xf32>
        %add3A_1231 = arith.addf %mul3A_1229, %mul3A_1230 : vector<16xf32>
        %mul3A_1232 = arith.mulf %sub3A_1207, %sub3A_1213 : vector<16xf32>
        %add3A_1233 = arith.addf %add3A_1231, %mul3A_1232 : vector<16xf32>
        %mul3A_1234 = arith.mulf %sub3A_1206, %sub3A_1213 : vector<16xf32>
        %mul3A_1235 = arith.mulf %sub3A_1207, %sub3A_1212 : vector<16xf32>
        %sub3A_1236 = arith.subf %mul3A_1234, %mul3A_1235 : vector<16xf32>
        %mul3A_1237 = arith.mulf %sub3A_1207, %sub3A_1211 : vector<16xf32>
        %mul3A_1238 = arith.mulf %sub3A_1205, %sub3A_1213 : vector<16xf32>
        %sub3A_1239 = arith.subf %mul3A_1237, %mul3A_1238 : vector<16xf32>
        %mul3A_1240 = arith.mulf %sub3A_1205, %sub3A_1212 : vector<16xf32>
        %mul3A_1241 = arith.mulf %sub3A_1206, %sub3A_1211 : vector<16xf32>
        %sub3A_1242 = arith.subf %mul3A_1240, %mul3A_1241 : vector<16xf32>
        %mul3A_1243 = arith.mulf %sub3A_1208, %sub3A_1236 : vector<16xf32>
        %mul3A_1244 = arith.mulf %sub3A_1209, %sub3A_1239 : vector<16xf32>
        %add3A_1245 = arith.addf %mul3A_1243, %mul3A_1244 : vector<16xf32>
        %mul3A_1246 = arith.mulf %sub3A_1210, %sub3A_1242 : vector<16xf32>
        %add3A_1247 = arith.addf %add3A_1245, %mul3A_1246 : vector<16xf32>
        %broadcast_in_dim3A_1248 = arith.constant 0.000000e+00 : f32
        %broadcast_in_dim3A_1249 = vector.broadcast %broadcast_in_dim3A_1248 : f32 to vector<16xf32>
        %broadcast_in_dim3A_1250 = arith.constant 1.000000e+00 : f32
        %broadcast_in_dim3A_1251 = vector.broadcast %broadcast_in_dim3A_1250 : f32 to vector<16xf32>
        %eq3A = arith.cmpf oeq, %add3A_1218, %broadcast_in_dim3A_1249 : vector<16xf32>
        %select_n3A = arith.select %eq3A, %broadcast_in_dim3A_1251, %add3A_1218 : vector<16xi1>, vector<16xf32>
        %bitcast3A = vector.bitcast %select_n3A : vector<16xf32> to vector<16xi32>
        %broadcast_in_dim3A_1252 = arith.constant 1597463007 : i32
        %broadcast_in_dim3A_1253 = vector.broadcast %broadcast_in_dim3A_1252 : i32 to vector<16xi32>
        %shift_right_arithmetic3A = arith.constant 1 : i32
        %shift_right_arithmetic3A_1254 = vector.broadcast %shift_right_arithmetic3A : i32 to vector<16xi32>
        %shift_right_arithmetic3A_1255 = arith.shrsi %bitcast3A, %shift_right_arithmetic3A_1254 : vector<16xi32>
        %sub3A_1256 = arith.subi %broadcast_in_dim3A_1253, %shift_right_arithmetic3A_1255 : vector<16xi32>
        %bitcast3A_1257 = vector.bitcast %sub3A_1256 : vector<16xi32> to vector<16xf32>
        %broadcast_in_dim3A_1258 = arith.constant 5.000000e-01 : f32
        %broadcast_in_dim3A_1259 = vector.broadcast %broadcast_in_dim3A_1258 : f32 to vector<16xf32>
        %mul3A_1260 = arith.mulf %broadcast_in_dim3A_1259, %select_n3A : vector<16xf32>
        %broadcast_in_dim3A_1261 = arith.constant 1.500000e+00 : f32
        %broadcast_in_dim3A_1262 = vector.broadcast %broadcast_in_dim3A_1261 : f32 to vector<16xf32>
        %mul3A_1263 = arith.mulf %mul3A_1260, %bitcast3A_1257 : vector<16xf32>
        %mul3A_1264 = arith.mulf %mul3A_1263, %bitcast3A_1257 : vector<16xf32>
        %sub3A_1265 = arith.subf %broadcast_in_dim3A_1262, %mul3A_1264 : vector<16xf32>
        %mul3A_1266 = arith.mulf %bitcast3A_1257, %sub3A_1265 : vector<16xf32>
        %broadcast_in_dim3A_1267 = arith.constant 1.500000e+00 : f32
        %broadcast_in_dim3A_1268 = vector.broadcast %broadcast_in_dim3A_1267 : f32 to vector<16xf32>
        %mul3A_1269 = arith.mulf %mul3A_1260, %mul3A_1266 : vector<16xf32>
        %mul3A_1270 = arith.mulf %mul3A_1269, %mul3A_1266 : vector<16xf32>
        %sub3A_1271 = arith.subf %broadcast_in_dim3A_1268, %mul3A_1270 : vector<16xf32>
        %mul3A_1272 = arith.mulf %mul3A_1266, %sub3A_1271 : vector<16xf32>
        %broadcast_in_dim3A_1273 = arith.constant 1.500000e+00 : f32
        %broadcast_in_dim3A_1274 = vector.broadcast %broadcast_in_dim3A_1273 : f32 to vector<16xf32>
        %mul3A_1275 = arith.mulf %mul3A_1260, %mul3A_1272 : vector<16xf32>
        %mul3A_1276 = arith.mulf %mul3A_1275, %mul3A_1272 : vector<16xf32>
        %sub3A_1277 = arith.subf %broadcast_in_dim3A_1274, %mul3A_1276 : vector<16xf32>
        %mul3A_1278 = arith.mulf %mul3A_1272, %sub3A_1277 : vector<16xf32>
        %mul3A_1279 = arith.mulf %add3A_1218, %add3A_1233 : vector<16xf32>
        %mul3A_1280 = arith.mulf %add3A_1223, %add3A_1228 : vector<16xf32>
        %sub3A_1281 = arith.subf %mul3A_1279, %mul3A_1280 : vector<16xf32>
        %mul3A_1282 = arith.mulf %add3A_1218, %mul3A_1278 : vector<16xf32>
        %mul3A_1283 = arith.mulf %mul3A_1282, %add3A_1247 : vector<16xf32>
        %select_n3A_1284 = arith.select %eq3A, %add3A_1233, %sub3A_1281 : vector<16xi1>, vector<16xf32>
        %select_n3A_1285 = arith.select %eq3A, %broadcast_in_dim3A_1249, %mul3A_1283 : vector<16xi1>, vector<16xf32>
        %mul3A_1286 = arith.mulf %select_n3A_1284, %select_n3A_1284 : vector<16xf32>
        %mul3A_1287 = arith.mulf %select_n3A_1285, %select_n3A_1285 : vector<16xf32>
        %add3A_1288 = arith.addf %mul3A_1286, %mul3A_1287 : vector<16xf32>
        %eq3A_1289 = arith.cmpf oeq, %add3A_1288, %broadcast_in_dim3A_1249 : vector<16xf32>
        %select_n3A_1290 = arith.select %eq3A_1289, %broadcast_in_dim3A_1251, %add3A_1288 : vector<16xi1>, vector<16xf32>
        %bitcast3A_1291 = vector.bitcast %select_n3A_1290 : vector<16xf32> to vector<16xi32>
        %broadcast_in_dim3A_1292 = arith.constant 1597463007 : i32
        %broadcast_in_dim3A_1293 = vector.broadcast %broadcast_in_dim3A_1292 : i32 to vector<16xi32>
        %shift_right_arithmetic3A_1294 = arith.constant 1 : i32
        %shift_right_arithmetic3A_1295 = vector.broadcast %shift_right_arithmetic3A_1294 : i32 to vector<16xi32>
        %shift_right_arithmetic3A_1296 = arith.shrsi %bitcast3A_1291, %shift_right_arithmetic3A_1295 : vector<16xi32>
        %sub3A_1297 = arith.subi %broadcast_in_dim3A_1293, %shift_right_arithmetic3A_1296 : vector<16xi32>
        %bitcast3A_1298 = vector.bitcast %sub3A_1297 : vector<16xi32> to vector<16xf32>
        %broadcast_in_dim3A_1299 = arith.constant 5.000000e-01 : f32
        %broadcast_in_dim3A_1300 = vector.broadcast %broadcast_in_dim3A_1299 : f32 to vector<16xf32>
        %mul3A_1301 = arith.mulf %broadcast_in_dim3A_1300, %select_n3A_1290 : vector<16xf32>
        %broadcast_in_dim3A_1302 = arith.constant 1.500000e+00 : f32
        %broadcast_in_dim3A_1303 = vector.broadcast %broadcast_in_dim3A_1302 : f32 to vector<16xf32>
        %mul3A_1304 = arith.mulf %mul3A_1301, %bitcast3A_1298 : vector<16xf32>
        %mul3A_1305 = arith.mulf %mul3A_1304, %bitcast3A_1298 : vector<16xf32>
        %sub3A_1306 = arith.subf %broadcast_in_dim3A_1303, %mul3A_1305 : vector<16xf32>
        %mul3A_1307 = arith.mulf %bitcast3A_1298, %sub3A_1306 : vector<16xf32>
        %broadcast_in_dim3A_1308 = arith.constant 1.500000e+00 : f32
        %broadcast_in_dim3A_1309 = vector.broadcast %broadcast_in_dim3A_1308 : f32 to vector<16xf32>
        %mul3A_1310 = arith.mulf %mul3A_1301, %mul3A_1307 : vector<16xf32>
        %mul3A_1311 = arith.mulf %mul3A_1310, %mul3A_1307 : vector<16xf32>
        %sub3A_1312 = arith.subf %broadcast_in_dim3A_1309, %mul3A_1311 : vector<16xf32>
        %mul3A_1313 = arith.mulf %mul3A_1307, %sub3A_1312 : vector<16xf32>
        %broadcast_in_dim3A_1314 = arith.constant 1.500000e+00 : f32
        %broadcast_in_dim3A_1315 = vector.broadcast %broadcast_in_dim3A_1314 : f32 to vector<16xf32>
        %mul3A_1316 = arith.mulf %mul3A_1301, %mul3A_1313 : vector<16xf32>
        %mul3A_1317 = arith.mulf %mul3A_1316, %mul3A_1313 : vector<16xf32>
        %sub3A_1318 = arith.subf %broadcast_in_dim3A_1315, %mul3A_1317 : vector<16xf32>
        %mul3A_1319 = arith.mulf %mul3A_1313, %sub3A_1318 : vector<16xf32>
        %mul3A_1320 = arith.mulf %select_n3A_1284, %mul3A_1319 : vector<16xf32>
        %select_n3A_1321 = arith.select %eq3A_1289, %broadcast_in_dim3A_1251, %mul3A_1320 : vector<16xi1>, vector<16xf32>
        %mul3A_1322 = arith.mulf %select_n3A_1285, %mul3A_1319 : vector<16xf32>
        %select_n3A_1323 = arith.select %eq3A_1289, %broadcast_in_dim3A_1249, %mul3A_1322 : vector<16xi1>, vector<16xf32>
        %add3A_1324 = arith.constant 0 : i32
        %add3A_1325 = arith.addi %add3A_1324, %mul3A_1088 : i32
        %swap3A = arith.index_cast %add3A_1325 : i32 to index
        %swap3A_1326 = tpu.vector_load %arg14[%swap3A] {strides = array<i32>} : memref<512xf32, #tpu.memory_space<vmem>>, vector<16xf32>,
        tpu.vector_store %arg14[%swap3A], %select_n3A_1321 {strides = array<i32>} : memref<512xf32, #tpu.memory_space<vmem>>, vector<16xf32>,
        %swap3A_1327 = arith.index_cast %add3A_1325 : i32 to index
        %swap3A_1328 = tpu.vector_load %arg15[%swap3A_1327] {strides = array<i32>} : memref<512xf32, #tpu.memory_space<vmem>>, vector<16xf32>,
        tpu.vector_store %arg15[%swap3A_1327], %select_n3A_1323 {strides = array<i32>} : memref<512xf32, #tpu.memory_space<vmem>>, vector<16xf32>,
        %broadcast_in_dim3A_1329 = arith.constant 20 : i32
        %broadcast_in_dim3A_1330 = vector.broadcast %broadcast_in_dim3A_1329 : i32 to vector<16xi32>
        %mul3A_1331 = arith.muli %convert_element_type3A, %broadcast_in_dim3A_1330 : vector<16xi32>
        %add3A_1332 = arith.addi %mul3A_1331, %convert_element_type3A_1188 : vector<16xi32>
        %mul3A_1333 = arith.muli %add3A_1332, %broadcast_in_dim3A_1330 : vector<16xi32>
        %add3A_1334 = arith.addi %mul3A_1333, %convert_element_type3A_1196 : vector<16xi32>
        %mul3A_1335 = arith.muli %add3A_1334, %broadcast_in_dim3A_1330 : vector<16xi32>
        %add3A_1336 = arith.addi %mul3A_1335, %convert_element_type3A_1204 : vector<16xi32>
        %swap3A_1337 = arith.constant 0 : i32
        %swap3A_1338 = arith.index_cast %swap3A_1337 : i32 to index
        %swap3A_1339 = arith.index_cast %mul3A_1088 : i32 to index
        %swap3A_1340 = tpu.vector_load %arg13[%swap3A_1338, %swap3A_1339] {strides = array<i32>} : memref<4x128xi32, #tpu.memory_space<vmem>>, vector<16xi32>,
        tpu.vector_store %arg13[%swap3A_1338, %swap3A_1339], %add3A_1336 {strides = array<i32>} : memref<4x128xi32, #tpu.memory_space<vmem>>, vector<16xi32>,
      }
      %scan3A_910 = arith.constant 8 : i32
      %dma_start3A_911 = arith.constant 0 : i32
      %dma_start3A_912 = arith.constant 0 : i32
      %dma_start3A_913 = arith.constant 0 : i32
      %dma_start3A_914 = tpu.memref_slice %arg16[%dma_start3A_912, %dma_start3A_913] : memref<512x16xf32, #tpu.memory_space<vmem>> -> memref<128x16xf32, #tpu.memory_space<vmem>>
      %dma_start3A_915 = arith.constant 0 : i32
      %dma_start3A_916 = tpu.memref_slice %arg13[%dma_start3A_911, %dma_start3A_915] : memref<4x128xi32, #tpu.memory_space<vmem>> -> memref<1x128xi32, #tpu.memory_space<vmem>>
      %dma_start3A_917 = tpu.memref_squeeze %dma_start3A_916 : memref<1x128xi32, #tpu.memory_space<vmem>> -> memref<128xi32, #tpu.memory_space<vmem>>
      %dma_start3A_918 = arith.constant 0 : i32
      %dma_start3A_919 = arith.constant 0 : i32
      %dma_start3A_920 = tpu.memref_slice %arg8[%dma_start3A_918, %dma_start3A_919] : memref<160000x16xf32, #tpu.memory_space<hbm>> -> memref<160000x16xf32, #tpu.memory_space<hbm>>
      tpu.enqueue_indirect_dma source(%dma_start3A_920 : memref<160000x16xf32, #tpu.memory_space<hbm>>) target(%dma_start3A_914 : memref<128x16xf32, #tpu.memory_space<vmem>>) offsets(%dma_start3A_917 : memref<128xi32, #tpu.memory_space<vmem>>) semaphore(%arg21 : memref<!tpu.dma_semaphore, #tpu.memory_space<semaphore_mem>>)
      %scan3A_921 = arith.constant 0 : i32
      %scan3A_922 = arith.constant 0 : i32
      %scan3A_923 = arith.constant 8 : i32
      %scan3A_924 = arith.addi %scan3A_922, %scan3A_923 : i32
      %scan3A_925 = arith.constant 1 : i32
      scf.for %scan3A_1086 = %scan3A_922 to %scan3A_924 step %scan3A_925  : i32 {
        %mul3A_1087 = arith.constant 16 : i32
        %mul3A_1088 = arith.muli %scan3A_1086, %mul3A_1087 : i32
        %add3A_1089 = vector.broadcast %mul3A_1088 : i32 to vector<16xi32>
        %add3A_1090 = arith.addi %iota3A, %add3A_1089 : vector<16xi32>
        %broadcast_in_dim3A_1091 = arith.constant 128 : i32
        %broadcast_in_dim3A_1092 = vector.broadcast %broadcast_in_dim3A_1091 : i32 to vector<16xi32>
        %add3A_1093 = arith.addi %broadcast_in_dim3A, %broadcast_in_dim3A_1092 : vector<16xi32>
        %add3A_1094 = arith.addi %add3A_1093, %add3A_1090 : vector<16xi32>
        %broadcast_in_dim3A_1095 = arith.constant 0 : i32
        %broadcast_in_dim3A_1096 = vector.broadcast %broadcast_in_dim3A_1095 : i32 to vector<16xi32>
        %gather3A = tpu.vector_load_idx %arg12[%add3A_1094, %broadcast_in_dim3A_1096] : memref<4096x16xf32, #tpu.memory_space<vmem>>[vector<16xi32>, vector<16xi32>], vector<16xf32>,
        %broadcast_in_dim3A_1097 = arith.constant 128 : i32
        %broadcast_in_dim3A_1098 = vector.broadcast %broadcast_in_dim3A_1097 : i32 to vector<16xi32>
        %add3A_1099 = arith.addi %broadcast_in_dim3A, %broadcast_in_dim3A_1098 : vector<16xi32>
        %add3A_1100 = arith.addi %add3A_1099, %add3A_1090 : vector<16xi32>
        %broadcast_in_dim3A_1101 = arith.constant 1 : i32
        %broadcast_in_dim3A_1102 = vector.broadcast %broadcast_in_dim3A_1101 : i32 to vector<16xi32>
        %gather3A_1103 = tpu.vector_load_idx %arg12[%add3A_1100, %broadcast_in_dim3A_1102] : memref<4096x16xf32, #tpu.memory_space<vmem>>[vector<16xi32>, vector<16xi32>], vector<16xf32>,
        %broadcast_in_dim3A_1104 = arith.constant 128 : i32
        %broadcast_in_dim3A_1105 = vector.broadcast %broadcast_in_dim3A_1104 : i32 to vector<16xi32>
        %add3A_1106 = arith.addi %broadcast_in_dim3A, %broadcast_in_dim3A_1105 : vector<16xi32>
        %add3A_1107 = arith.addi %add3A_1106, %add3A_1090 : vector<16xi32>
        %broadcast_in_dim3A_1108 = arith.constant 2 : i32
        %broadcast_in_dim3A_1109 = vector.broadcast %broadcast_in_dim3A_1108 : i32 to vector<16xi32>
        %gather3A_1110 = tpu.vector_load_idx %arg12[%add3A_1107, %broadcast_in_dim3A_1109] : memref<4096x16xf32, #tpu.memory_space<vmem>>[vector<16xi32>, vector<16xi32>], vector<16xf32>,
        %broadcast_in_dim3A_1111 = arith.constant 640 : i32
        %broadcast_in_dim3A_1112 = vector.broadcast %broadcast_in_dim3A_1111 : i32 to vector<16xi32>
        %add3A_1113 = arith.addi %broadcast_in_dim3A, %broadcast_in_dim3A_1112 : vector<16xi32>
        %add3A_1114 = arith.addi %add3A_1113, %add3A_1090 : vector<16xi32>
        %broadcast_in_dim3A_1115 = arith.constant 0 : i32
        %broadcast_in_dim3A_1116 = vector.broadcast %broadcast_in_dim3A_1115 : i32 to vector<16xi32>
        %gather3A_1117 = tpu.vector_load_idx %arg12[%add3A_1114, %broadcast_in_dim3A_1116] : memref<4096x16xf32, #tpu.memory_space<vmem>>[vector<16xi32>, vector<16xi32>], vector<16xf32>,
        %broadcast_in_dim3A_1118 = arith.constant 640 : i32
        %broadcast_in_dim3A_1119 = vector.broadcast %broadcast_in_dim3A_1118 : i32 to vector<16xi32>
        %add3A_1120 = arith.addi %broadcast_in_dim3A, %broadcast_in_dim3A_1119 : vector<16xi32>
        %add3A_1121 = arith.addi %add3A_1120, %add3A_1090 : vector<16xi32>
        %broadcast_in_dim3A_1122 = arith.constant 1 : i32
        %broadcast_in_dim3A_1123 = vector.broadcast %broadcast_in_dim3A_1122 : i32 to vector<16xi32>
        %gather3A_1124 = tpu.vector_load_idx %arg12[%add3A_1121, %broadcast_in_dim3A_1123] : memref<4096x16xf32, #tpu.memory_space<vmem>>[vector<16xi32>, vector<16xi32>], vector<16xf32>,
        %broadcast_in_dim3A_1125 = arith.constant 640 : i32
        %broadcast_in_dim3A_1126 = vector.broadcast %broadcast_in_dim3A_1125 : i32 to vector<16xi32>
        %add3A_1127 = arith.addi %broadcast_in_dim3A, %broadcast_in_dim3A_1126 : vector<16xi32>
        %add3A_1128 = arith.addi %add3A_1127, %add3A_1090 : vector<16xi32>
        %broadcast_in_dim3A_1129 = arith.constant 2 : i32
        %broadcast_in_dim3A_1130 = vector.broadcast %broadcast_in_dim3A_1129 : i32 to vector<16xi32>
        %gather3A_1131 = tpu.vector_load_idx %arg12[%add3A_1128, %broadcast_in_dim3A_1130] : memref<4096x16xf32, #tpu.memory_space<vmem>>[vector<16xi32>, vector<16xi32>], vector<16xf32>,
        %broadcast_in_dim3A_1132 = arith.constant 1152 : i32
        %broadcast_in_dim3A_1133 = vector.broadcast %broadcast_in_dim3A_1132 : i32 to vector<16xi32>
        %add3A_1134 = arith.addi %broadcast_in_dim3A, %broadcast_in_dim3A_1133 : vector<16xi32>
        %add3A_1135 = arith.addi %add3A_1134, %add3A_1090 : vector<16xi32>
        %broadcast_in_dim3A_1136 = arith.constant 0 : i32
        %broadcast_in_dim3A_1137 = vector.broadcast %broadcast_in_dim3A_1136 : i32 to vector<16xi32>
        %gather3A_1138 = tpu.vector_load_idx %arg12[%add3A_1135, %broadcast_in_dim3A_1137] : memref<4096x16xf32, #tpu.memory_space<vmem>>[vector<16xi32>, vector<16xi32>], vector<16xf32>,
        %broadcast_in_dim3A_1139 = arith.constant 1152 : i32
        %broadcast_in_dim3A_1140 = vector.broadcast %broadcast_in_dim3A_1139 : i32 to vector<16xi32>
        %add3A_1141 = arith.addi %broadcast_in_dim3A, %broadcast_in_dim3A_1140 : vector<16xi32>
        %add3A_1142 = arith.addi %add3A_1141, %add3A_1090 : vector<16xi32>
        %broadcast_in_dim3A_1143 = arith.constant 1 : i32
        %broadcast_in_dim3A_1144 = vector.broadcast %broadcast_in_dim3A_1143 : i32 to vector<16xi32>
        %gather3A_1145 = tpu.vector_load_idx %arg12[%add3A_1142, %broadcast_in_dim3A_1144] : memref<4096x16xf32, #tpu.memory_space<vmem>>[vector<16xi32>, vector<16xi32>], vector<16xf32>,
        %broadcast_in_dim3A_1146 = arith.constant 1152 : i32
        %broadcast_in_dim3A_1147 = vector.broadcast %broadcast_in_dim3A_1146 : i32 to vector<16xi32>
        %add3A_1148 = arith.addi %broadcast_in_dim3A, %broadcast_in_dim3A_1147 : vector<16xi32>
        %add3A_1149 = arith.addi %add3A_1148, %add3A_1090 : vector<16xi32>
        %broadcast_in_dim3A_1150 = arith.constant 2 : i32
        %broadcast_in_dim3A_1151 = vector.broadcast %broadcast_in_dim3A_1150 : i32 to vector<16xi32>
        %gather3A_1152 = tpu.vector_load_idx %arg12[%add3A_1149, %broadcast_in_dim3A_1151] : memref<4096x16xf32, #tpu.memory_space<vmem>>[vector<16xi32>, vector<16xi32>], vector<16xf32>,
        %broadcast_in_dim3A_1153 = arith.constant 1664 : i32
        %broadcast_in_dim3A_1154 = vector.broadcast %broadcast_in_dim3A_1153 : i32 to vector<16xi32>
        %add3A_1155 = arith.addi %broadcast_in_dim3A, %broadcast_in_dim3A_1154 : vector<16xi32>
        %add3A_1156 = arith.addi %add3A_1155, %add3A_1090 : vector<16xi32>
        %broadcast_in_dim3A_1157 = arith.constant 0 : i32
        %broadcast_in_dim3A_1158 = vector.broadcast %broadcast_in_dim3A_1157 : i32 to vector<16xi32>
        %gather3A_1159 = tpu.vector_load_idx %arg12[%add3A_1156, %broadcast_in_dim3A_1158] : memref<4096x16xf32, #tpu.memory_space<vmem>>[vector<16xi32>, vector<16xi32>], vector<16xf32>,
        %broadcast_in_dim3A_1160 = arith.constant 1664 : i32
        %broadcast_in_dim3A_1161 = vector.broadcast %broadcast_in_dim3A_1160 : i32 to vector<16xi32>
        %add3A_1162 = arith.addi %broadcast_in_dim3A, %broadcast_in_dim3A_1161 : vector<16xi32>
        %add3A_1163 = arith.addi %add3A_1162, %add3A_1090 : vector<16xi32>
        %broadcast_in_dim3A_1164 = arith.constant 1 : i32
        %broadcast_in_dim3A_1165 = vector.broadcast %broadcast_in_dim3A_1164 : i32 to vector<16xi32>
        %gather3A_1166 = tpu.vector_load_idx %arg12[%add3A_1163, %broadcast_in_dim3A_1165] : memref<4096x16xf32, #tpu.memory_space<vmem>>[vector<16xi32>, vector<16xi32>], vector<16xf32>,
        %broadcast_in_dim3A_1167 = arith.constant 1664 : i32
        %broadcast_in_dim3A_1168 = vector.broadcast %broadcast_in_dim3A_1167 : i32 to vector<16xi32>
        %add3A_1169 = arith.addi %broadcast_in_dim3A, %broadcast_in_dim3A_1168 : vector<16xi32>
        %add3A_1170 = arith.addi %add3A_1169, %add3A_1090 : vector<16xi32>
        %broadcast_in_dim3A_1171 = arith.constant 2 : i32
        %broadcast_in_dim3A_1172 = vector.broadcast %broadcast_in_dim3A_1171 : i32 to vector<16xi32>
        %gather3A_1173 = tpu.vector_load_idx %arg12[%add3A_1170, %broadcast_in_dim3A_1172] : memref<4096x16xf32, #tpu.memory_space<vmem>>[vector<16xi32>, vector<16xi32>], vector<16xf32>,
        %broadcast_in_dim3A_1174 = arith.constant 128 : i32
        %broadcast_in_dim3A_1175 = vector.broadcast %broadcast_in_dim3A_1174 : i32 to vector<16xi32>
        %add3A_1176 = arith.addi %broadcast_in_dim3A, %broadcast_in_dim3A_1175 : vector<16xi32>
        %add3A_1177 = arith.addi %add3A_1176, %add3A_1090 : vector<16xi32>
        %broadcast_in_dim3A_1178 = arith.constant 3 : i32
        %broadcast_in_dim3A_1179 = vector.broadcast %broadcast_in_dim3A_1178 : i32 to vector<16xi32>
        %gather3A_1180 = tpu.vector_load_idx %arg12[%add3A_1177, %broadcast_in_dim3A_1179] : memref<4096x16xf32, #tpu.memory_space<vmem>>[vector<16xi32>, vector<16xi32>], vector<16xf32>,
        %convert_element_type3A = arith.fptosi %gather3A_1180 : vector<16xf32> to vector<16xi32>
        %broadcast_in_dim3A_1181 = arith.constant 640 : i32
        %broadcast_in_dim3A_1182 = vector.broadcast %broadcast_in_dim3A_1181 : i32 to vector<16xi32>
        %add3A_1183 = arith.addi %broadcast_in_dim3A, %broadcast_in_dim3A_1182 : vector<16xi32>
        %add3A_1184 = arith.addi %add3A_1183, %add3A_1090 : vector<16xi32>
        %broadcast_in_dim3A_1185 = arith.constant 3 : i32
        %broadcast_in_dim3A_1186 = vector.broadcast %broadcast_in_dim3A_1185 : i32 to vector<16xi32>
        %gather3A_1187 = tpu.vector_load_idx %arg12[%add3A_1184, %broadcast_in_dim3A_1186] : memref<4096x16xf32, #tpu.memory_space<vmem>>[vector<16xi32>, vector<16xi32>], vector<16xf32>,
        %convert_element_type3A_1188 = arith.fptosi %gather3A_1187 : vector<16xf32> to vector<16xi32>
        %broadcast_in_dim3A_1189 = arith.constant 1152 : i32
        %broadcast_in_dim3A_1190 = vector.broadcast %broadcast_in_dim3A_1189 : i32 to vector<16xi32>
        %add3A_1191 = arith.addi %broadcast_in_dim3A, %broadcast_in_dim3A_1190 : vector<16xi32>
        %add3A_1192 = arith.addi %add3A_1191, %add3A_1090 : vector<16xi32>
        %broadcast_in_dim3A_1193 = arith.constant 3 : i32
        %broadcast_in_dim3A_1194 = vector.broadcast %broadcast_in_dim3A_1193 : i32 to vector<16xi32>
        %gather3A_1195 = tpu.vector_load_idx %arg12[%add3A_1192, %broadcast_in_dim3A_1194] : memref<4096x16xf32, #tpu.memory_space<vmem>>[vector<16xi32>, vector<16xi32>], vector<16xf32>,
        %convert_element_type3A_1196 = arith.fptosi %gather3A_1195 : vector<16xf32> to vector<16xi32>
        %broadcast_in_dim3A_1197 = arith.constant 1664 : i32
        %broadcast_in_dim3A_1198 = vector.broadcast %broadcast_in_dim3A_1197 : i32 to vector<16xi32>
        %add3A_1199 = arith.addi %broadcast_in_dim3A, %broadcast_in_dim3A_1198 : vector<16xi32>
        %add3A_1200 = arith.addi %add3A_1199, %add3A_1090 : vector<16xi32>
        %broadcast_in_dim3A_1201 = arith.constant 3 : i32
        %broadcast_in_dim3A_1202 = vector.broadcast %broadcast_in_dim3A_1201 : i32 to vector<16xi32>
        %gather3A_1203 = tpu.vector_load_idx %arg12[%add3A_1200, %broadcast_in_dim3A_1202] : memref<4096x16xf32, #tpu.memory_space<vmem>>[vector<16xi32>, vector<16xi32>], vector<16xf32>,
        %convert_element_type3A_1204 = arith.fptosi %gather3A_1203 : vector<16xf32> to vector<16xi32>
        %sub3A_1205 = arith.subf %gather3A, %gather3A_1117 : vector<16xf32>
        %sub3A_1206 = arith.subf %gather3A_1103, %gather3A_1124 : vector<16xf32>
        %sub3A_1207 = arith.subf %gather3A_1110, %gather3A_1131 : vector<16xf32>
        %sub3A_1208 = arith.subf %gather3A_1138, %gather3A_1117 : vector<16xf32>
        %sub3A_1209 = arith.subf %gather3A_1145, %gather3A_1124 : vector<16xf32>
        %sub3A_1210 = arith.subf %gather3A_1152, %gather3A_1131 : vector<16xf32>
        %sub3A_1211 = arith.subf %gather3A_1159, %gather3A_1138 : vector<16xf32>
        %sub3A_1212 = arith.subf %gather3A_1166, %gather3A_1145 : vector<16xf32>
        %sub3A_1213 = arith.subf %gather3A_1173, %gather3A_1152 : vector<16xf32>
        %mul3A_1214 = arith.mulf %sub3A_1208, %sub3A_1208 : vector<16xf32>
        %mul3A_1215 = arith.mulf %sub3A_1209, %sub3A_1209 : vector<16xf32>
        %add3A_1216 = arith.addf %mul3A_1214, %mul3A_1215 : vector<16xf32>
        %mul3A_1217 = arith.mulf %sub3A_1210, %sub3A_1210 : vector<16xf32>
        %add3A_1218 = arith.addf %add3A_1216, %mul3A_1217 : vector<16xf32>
        %mul3A_1219 = arith.mulf %sub3A_1205, %sub3A_1208 : vector<16xf32>
        %mul3A_1220 = arith.mulf %sub3A_1206, %sub3A_1209 : vector<16xf32>
        %add3A_1221 = arith.addf %mul3A_1219, %mul3A_1220 : vector<16xf32>
        %mul3A_1222 = arith.mulf %sub3A_1207, %sub3A_1210 : vector<16xf32>
        %add3A_1223 = arith.addf %add3A_1221, %mul3A_1222 : vector<16xf32>
        %mul3A_1224 = arith.mulf %sub3A_1211, %sub3A_1208 : vector<16xf32>
        %mul3A_1225 = arith.mulf %sub3A_1212, %sub3A_1209 : vector<16xf32>
        %add3A_1226 = arith.addf %mul3A_1224, %mul3A_1225 : vector<16xf32>
        %mul3A_1227 = arith.mulf %sub3A_1213, %sub3A_1210 : vector<16xf32>
        %add3A_1228 = arith.addf %add3A_1226, %mul3A_1227 : vector<16xf32>
        %mul3A_1229 = arith.mulf %sub3A_1205, %sub3A_1211 : vector<16xf32>
        %mul3A_1230 = arith.mulf %sub3A_1206, %sub3A_1212 : vector<16xf32>
        %add3A_1231 = arith.addf %mul3A_1229, %mul3A_1230 : vector<16xf32>
        %mul3A_1232 = arith.mulf %sub3A_1207, %sub3A_1213 : vector<16xf32>
        %add3A_1233 = arith.addf %add3A_1231, %mul3A_1232 : vector<16xf32>
        %mul3A_1234 = arith.mulf %sub3A_1206, %sub3A_1213 : vector<16xf32>
        %mul3A_1235 = arith.mulf %sub3A_1207, %sub3A_1212 : vector<16xf32>
        %sub3A_1236 = arith.subf %mul3A_1234, %mul3A_1235 : vector<16xf32>
        %mul3A_1237 = arith.mulf %sub3A_1207, %sub3A_1211 : vector<16xf32>
        %mul3A_1238 = arith.mulf %sub3A_1205, %sub3A_1213 : vector<16xf32>
        %sub3A_1239 = arith.subf %mul3A_1237, %mul3A_1238 : vector<16xf32>
        %mul3A_1240 = arith.mulf %sub3A_1205, %sub3A_1212 : vector<16xf32>
        %mul3A_1241 = arith.mulf %sub3A_1206, %sub3A_1211 : vector<16xf32>
        %sub3A_1242 = arith.subf %mul3A_1240, %mul3A_1241 : vector<16xf32>
        %mul3A_1243 = arith.mulf %sub3A_1208, %sub3A_1236 : vector<16xf32>
        %mul3A_1244 = arith.mulf %sub3A_1209, %sub3A_1239 : vector<16xf32>
        %add3A_1245 = arith.addf %mul3A_1243, %mul3A_1244 : vector<16xf32>
        %mul3A_1246 = arith.mulf %sub3A_1210, %sub3A_1242 : vector<16xf32>
        %add3A_1247 = arith.addf %add3A_1245, %mul3A_1246 : vector<16xf32>
        %broadcast_in_dim3A_1248 = arith.constant 0.000000e+00 : f32
        %broadcast_in_dim3A_1249 = vector.broadcast %broadcast_in_dim3A_1248 : f32 to vector<16xf32>
        %broadcast_in_dim3A_1250 = arith.constant 1.000000e+00 : f32
        %broadcast_in_dim3A_1251 = vector.broadcast %broadcast_in_dim3A_1250 : f32 to vector<16xf32>
        %eq3A = arith.cmpf oeq, %add3A_1218, %broadcast_in_dim3A_1249 : vector<16xf32>
        %select_n3A = arith.select %eq3A, %broadcast_in_dim3A_1251, %add3A_1218 : vector<16xi1>, vector<16xf32>
        %bitcast3A = vector.bitcast %select_n3A : vector<16xf32> to vector<16xi32>
        %broadcast_in_dim3A_1252 = arith.constant 1597463007 : i32
        %broadcast_in_dim3A_1253 = vector.broadcast %broadcast_in_dim3A_1252 : i32 to vector<16xi32>
        %shift_right_arithmetic3A = arith.constant 1 : i32
        %shift_right_arithmetic3A_1254 = vector.broadcast %shift_right_arithmetic3A : i32 to vector<16xi32>
        %shift_right_arithmetic3A_1255 = arith.shrsi %bitcast3A, %shift_right_arithmetic3A_1254 : vector<16xi32>
        %sub3A_1256 = arith.subi %broadcast_in_dim3A_1253, %shift_right_arithmetic3A_1255 : vector<16xi32>
        %bitcast3A_1257 = vector.bitcast %sub3A_1256 : vector<16xi32> to vector<16xf32>
        %broadcast_in_dim3A_1258 = arith.constant 5.000000e-01 : f32
        %broadcast_in_dim3A_1259 = vector.broadcast %broadcast_in_dim3A_1258 : f32 to vector<16xf32>
        %mul3A_1260 = arith.mulf %broadcast_in_dim3A_1259, %select_n3A : vector<16xf32>
        %broadcast_in_dim3A_1261 = arith.constant 1.500000e+00 : f32
        %broadcast_in_dim3A_1262 = vector.broadcast %broadcast_in_dim3A_1261 : f32 to vector<16xf32>
        %mul3A_1263 = arith.mulf %mul3A_1260, %bitcast3A_1257 : vector<16xf32>
        %mul3A_1264 = arith.mulf %mul3A_1263, %bitcast3A_1257 : vector<16xf32>
        %sub3A_1265 = arith.subf %broadcast_in_dim3A_1262, %mul3A_1264 : vector<16xf32>
        %mul3A_1266 = arith.mulf %bitcast3A_1257, %sub3A_1265 : vector<16xf32>
        %broadcast_in_dim3A_1267 = arith.constant 1.500000e+00 : f32
        %broadcast_in_dim3A_1268 = vector.broadcast %broadcast_in_dim3A_1267 : f32 to vector<16xf32>
        %mul3A_1269 = arith.mulf %mul3A_1260, %mul3A_1266 : vector<16xf32>
        %mul3A_1270 = arith.mulf %mul3A_1269, %mul3A_1266 : vector<16xf32>
        %sub3A_1271 = arith.subf %broadcast_in_dim3A_1268, %mul3A_1270 : vector<16xf32>
        %mul3A_1272 = arith.mulf %mul3A_1266, %sub3A_1271 : vector<16xf32>
        %broadcast_in_dim3A_1273 = arith.constant 1.500000e+00 : f32
        %broadcast_in_dim3A_1274 = vector.broadcast %broadcast_in_dim3A_1273 : f32 to vector<16xf32>
        %mul3A_1275 = arith.mulf %mul3A_1260, %mul3A_1272 : vector<16xf32>
        %mul3A_1276 = arith.mulf %mul3A_1275, %mul3A_1272 : vector<16xf32>
        %sub3A_1277 = arith.subf %broadcast_in_dim3A_1274, %mul3A_1276 : vector<16xf32>
        %mul3A_1278 = arith.mulf %mul3A_1272, %sub3A_1277 : vector<16xf32>
        %mul3A_1279 = arith.mulf %add3A_1218, %add3A_1233 : vector<16xf32>
        %mul3A_1280 = arith.mulf %add3A_1223, %add3A_1228 : vector<16xf32>
        %sub3A_1281 = arith.subf %mul3A_1279, %mul3A_1280 : vector<16xf32>
        %mul3A_1282 = arith.mulf %add3A_1218, %mul3A_1278 : vector<16xf32>
        %mul3A_1283 = arith.mulf %mul3A_1282, %add3A_1247 : vector<16xf32>
        %select_n3A_1284 = arith.select %eq3A, %add3A_1233, %sub3A_1281 : vector<16xi1>, vector<16xf32>
        %select_n3A_1285 = arith.select %eq3A, %broadcast_in_dim3A_1249, %mul3A_1283 : vector<16xi1>, vector<16xf32>
        %mul3A_1286 = arith.mulf %select_n3A_1284, %select_n3A_1284 : vector<16xf32>
        %mul3A_1287 = arith.mulf %select_n3A_1285, %select_n3A_1285 : vector<16xf32>
        %add3A_1288 = arith.addf %mul3A_1286, %mul3A_1287 : vector<16xf32>
        %eq3A_1289 = arith.cmpf oeq, %add3A_1288, %broadcast_in_dim3A_1249 : vector<16xf32>
        %select_n3A_1290 = arith.select %eq3A_1289, %broadcast_in_dim3A_1251, %add3A_1288 : vector<16xi1>, vector<16xf32>
        %bitcast3A_1291 = vector.bitcast %select_n3A_1290 : vector<16xf32> to vector<16xi32>
        %broadcast_in_dim3A_1292 = arith.constant 1597463007 : i32
        %broadcast_in_dim3A_1293 = vector.broadcast %broadcast_in_dim3A_1292 : i32 to vector<16xi32>
        %shift_right_arithmetic3A_1294 = arith.constant 1 : i32
        %shift_right_arithmetic3A_1295 = vector.broadcast %shift_right_arithmetic3A_1294 : i32 to vector<16xi32>
        %shift_right_arithmetic3A_1296 = arith.shrsi %bitcast3A_1291, %shift_right_arithmetic3A_1295 : vector<16xi32>
        %sub3A_1297 = arith.subi %broadcast_in_dim3A_1293, %shift_right_arithmetic3A_1296 : vector<16xi32>
        %bitcast3A_1298 = vector.bitcast %sub3A_1297 : vector<16xi32> to vector<16xf32>
        %broadcast_in_dim3A_1299 = arith.constant 5.000000e-01 : f32
        %broadcast_in_dim3A_1300 = vector.broadcast %broadcast_in_dim3A_1299 : f32 to vector<16xf32>
        %mul3A_1301 = arith.mulf %broadcast_in_dim3A_1300, %select_n3A_1290 : vector<16xf32>
        %broadcast_in_dim3A_1302 = arith.constant 1.500000e+00 : f32
        %broadcast_in_dim3A_1303 = vector.broadcast %broadcast_in_dim3A_1302 : f32 to vector<16xf32>
        %mul3A_1304 = arith.mulf %mul3A_1301, %bitcast3A_1298 : vector<16xf32>
        %mul3A_1305 = arith.mulf %mul3A_1304, %bitcast3A_1298 : vector<16xf32>
        %sub3A_1306 = arith.subf %broadcast_in_dim3A_1303, %mul3A_1305 : vector<16xf32>
        %mul3A_1307 = arith.mulf %bitcast3A_1298, %sub3A_1306 : vector<16xf32>
        %broadcast_in_dim3A_1308 = arith.constant 1.500000e+00 : f32
        %broadcast_in_dim3A_1309 = vector.broadcast %broadcast_in_dim3A_1308 : f32 to vector<16xf32>
        %mul3A_1310 = arith.mulf %mul3A_1301, %mul3A_1307 : vector<16xf32>
        %mul3A_1311 = arith.mulf %mul3A_1310, %mul3A_1307 : vector<16xf32>
        %sub3A_1312 = arith.subf %broadcast_in_dim3A_1309, %mul3A_1311 : vector<16xf32>
        %mul3A_1313 = arith.mulf %mul3A_1307, %sub3A_1312 : vector<16xf32>
        %broadcast_in_dim3A_1314 = arith.constant 1.500000e+00 : f32
        %broadcast_in_dim3A_1315 = vector.broadcast %broadcast_in_dim3A_1314 : f32 to vector<16xf32>
        %mul3A_1316 = arith.mulf %mul3A_1301, %mul3A_1313 : vector<16xf32>
        %mul3A_1317 = arith.mulf %mul3A_1316, %mul3A_1313 : vector<16xf32>
        %sub3A_1318 = arith.subf %broadcast_in_dim3A_1315, %mul3A_1317 : vector<16xf32>
        %mul3A_1319 = arith.mulf %mul3A_1313, %sub3A_1318 : vector<16xf32>
        %mul3A_1320 = arith.mulf %select_n3A_1284, %mul3A_1319 : vector<16xf32>
        %select_n3A_1321 = arith.select %eq3A_1289, %broadcast_in_dim3A_1251, %mul3A_1320 : vector<16xi1>, vector<16xf32>
        %mul3A_1322 = arith.mulf %select_n3A_1285, %mul3A_1319 : vector<16xf32>
        %select_n3A_1323 = arith.select %eq3A_1289, %broadcast_in_dim3A_1249, %mul3A_1322 : vector<16xi1>, vector<16xf32>
        %add3A_1324 = arith.constant 128 : i32
        %add3A_1325 = arith.addi %add3A_1324, %mul3A_1088 : i32
        %swap3A = arith.index_cast %add3A_1325 : i32 to index
        %swap3A_1326 = tpu.vector_load %arg14[%swap3A] {strides = array<i32>} : memref<512xf32, #tpu.memory_space<vmem>>, vector<16xf32>,
        tpu.vector_store %arg14[%swap3A], %select_n3A_1321 {strides = array<i32>} : memref<512xf32, #tpu.memory_space<vmem>>, vector<16xf32>,
        %swap3A_1327 = arith.index_cast %add3A_1325 : i32 to index
        %swap3A_1328 = tpu.vector_load %arg15[%swap3A_1327] {strides = array<i32>} : memref<512xf32, #tpu.memory_space<vmem>>, vector<16xf32>,
        tpu.vector_store %arg15[%swap3A_1327], %select_n3A_1323 {strides = array<i32>} : memref<512xf32, #tpu.memory_space<vmem>>, vector<16xf32>,
        %broadcast_in_dim3A_1329 = arith.constant 20 : i32
        %broadcast_in_dim3A_1330 = vector.broadcast %broadcast_in_dim3A_1329 : i32 to vector<16xi32>
        %mul3A_1331 = arith.muli %convert_element_type3A, %broadcast_in_dim3A_1330 : vector<16xi32>
        %add3A_1332 = arith.addi %mul3A_1331, %convert_element_type3A_1188 : vector<16xi32>
        %mul3A_1333 = arith.muli %add3A_1332, %broadcast_in_dim3A_1330 : vector<16xi32>
        %add3A_1334 = arith.addi %mul3A_1333, %convert_element_type3A_1196 : vector<16xi32>
        %mul3A_1335 = arith.muli %add3A_1334, %broadcast_in_dim3A_1330 : vector<16xi32>
        %add3A_1336 = arith.addi %mul3A_1335, %convert_element_type3A_1204 : vector<16xi32>
        %swap3A_1337 = arith.constant 1 : i32
        %swap3A_1338 = arith.index_cast %swap3A_1337 : i32 to index
        %swap3A_1339 = arith.index_cast %mul3A_1088 : i32 to index
        %swap3A_1340 = tpu.vector_load %arg13[%swap3A_1338, %swap3A_1339] {strides = array<i32>} : memref<4x128xi32, #tpu.memory_space<vmem>>, vector<16xi32>,
        tpu.vector_store %arg13[%swap3A_1338, %swap3A_1339], %add3A_1336 {strides = array<i32>} : memref<4x128xi32, #tpu.memory_space<vmem>>, vector<16xi32>,
      }
      %scan3A_926 = arith.constant 8 : i32
      %dma_start3A_927 = arith.constant 1 : i32
      %dma_start3A_928 = arith.constant 128 : i32
      %dma_start3A_929 = arith.constant 0 : i32
      %dma_start3A_930 = tpu.memref_slice %arg16[%dma_start3A_928, %dma_start3A_929] : memref<512x16xf32, #tpu.memory_space<vmem>> -> memref<128x16xf32, #tpu.memory_space<vmem>>
      %dma_start3A_931 = arith.constant 0 : i32
      %dma_start3A_932 = tpu.memref_slice %arg13[%dma_start3A_927, %dma_start3A_931] : memref<4x128xi32, #tpu.memory_space<vmem>> -> memref<1x128xi32, #tpu.memory_space<vmem>>
      %dma_start3A_933 = tpu.memref_squeeze %dma_start3A_932 : memref<1x128xi32, #tpu.memory_space<vmem>> -> memref<128xi32, #tpu.memory_space<vmem>>
      %dma_start3A_934 = arith.constant 0 : i32
      %dma_start3A_935 = arith.constant 0 : i32
      %dma_start3A_936 = tpu.memref_slice %arg8[%dma_start3A_934, %dma_start3A_935] : memref<160000x16xf32, #tpu.memory_space<hbm>> -> memref<160000x16xf32, #tpu.memory_space<hbm>>
      tpu.enqueue_indirect_dma source(%dma_start3A_936 : memref<160000x16xf32, #tpu.memory_space<hbm>>) target(%dma_start3A_930 : memref<128x16xf32, #tpu.memory_space<vmem>>) offsets(%dma_start3A_933 : memref<128xi32, #tpu.memory_space<vmem>>) semaphore(%arg21 : memref<!tpu.dma_semaphore, #tpu.memory_space<semaphore_mem>>)
      %scan3A_937 = arith.constant 0 : i32
      %scan3A_938 = arith.constant 0 : i32
      %scan3A_939 = arith.constant 8 : i32
      %scan3A_940 = arith.addi %scan3A_938, %scan3A_939 : i32
      %scan3A_941 = arith.constant 1 : i32
      scf.for %scan3A_1086 = %scan3A_938 to %scan3A_940 step %scan3A_941  : i32 {
        %mul3A_1087 = arith.constant 16 : i32
        %mul3A_1088 = arith.muli %scan3A_1086, %mul3A_1087 : i32
        %add3A_1089 = vector.broadcast %mul3A_1088 : i32 to vector<16xi32>
        %add3A_1090 = arith.addi %iota3A, %add3A_1089 : vector<16xi32>
        %broadcast_in_dim3A_1091 = arith.constant 256 : i32
        %broadcast_in_dim3A_1092 = vector.broadcast %broadcast_in_dim3A_1091 : i32 to vector<16xi32>
        %add3A_1093 = arith.addi %broadcast_in_dim3A, %broadcast_in_dim3A_1092 : vector<16xi32>
        %add3A_1094 = arith.addi %add3A_1093, %add3A_1090 : vector<16xi32>
        %broadcast_in_dim3A_1095 = arith.constant 0 : i32
        %broadcast_in_dim3A_1096 = vector.broadcast %broadcast_in_dim3A_1095 : i32 to vector<16xi32>
        %gather3A = tpu.vector_load_idx %arg12[%add3A_1094, %broadcast_in_dim3A_1096] : memref<4096x16xf32, #tpu.memory_space<vmem>>[vector<16xi32>, vector<16xi32>], vector<16xf32>,
        %broadcast_in_dim3A_1097 = arith.constant 256 : i32
        %broadcast_in_dim3A_1098 = vector.broadcast %broadcast_in_dim3A_1097 : i32 to vector<16xi32>
        %add3A_1099 = arith.addi %broadcast_in_dim3A, %broadcast_in_dim3A_1098 : vector<16xi32>
        %add3A_1100 = arith.addi %add3A_1099, %add3A_1090 : vector<16xi32>
        %broadcast_in_dim3A_1101 = arith.constant 1 : i32
        %broadcast_in_dim3A_1102 = vector.broadcast %broadcast_in_dim3A_1101 : i32 to vector<16xi32>
        %gather3A_1103 = tpu.vector_load_idx %arg12[%add3A_1100, %broadcast_in_dim3A_1102] : memref<4096x16xf32, #tpu.memory_space<vmem>>[vector<16xi32>, vector<16xi32>], vector<16xf32>,
        %broadcast_in_dim3A_1104 = arith.constant 256 : i32
        %broadcast_in_dim3A_1105 = vector.broadcast %broadcast_in_dim3A_1104 : i32 to vector<16xi32>
        %add3A_1106 = arith.addi %broadcast_in_dim3A, %broadcast_in_dim3A_1105 : vector<16xi32>
        %add3A_1107 = arith.addi %add3A_1106, %add3A_1090 : vector<16xi32>
        %broadcast_in_dim3A_1108 = arith.constant 2 : i32
        %broadcast_in_dim3A_1109 = vector.broadcast %broadcast_in_dim3A_1108 : i32 to vector<16xi32>
        %gather3A_1110 = tpu.vector_load_idx %arg12[%add3A_1107, %broadcast_in_dim3A_1109] : memref<4096x16xf32, #tpu.memory_space<vmem>>[vector<16xi32>, vector<16xi32>], vector<16xf32>,
        %broadcast_in_dim3A_1111 = arith.constant 768 : i32
        %broadcast_in_dim3A_1112 = vector.broadcast %broadcast_in_dim3A_1111 : i32 to vector<16xi32>
        %add3A_1113 = arith.addi %broadcast_in_dim3A, %broadcast_in_dim3A_1112 : vector<16xi32>
        %add3A_1114 = arith.addi %add3A_1113, %add3A_1090 : vector<16xi32>
        %broadcast_in_dim3A_1115 = arith.constant 0 : i32
        %broadcast_in_dim3A_1116 = vector.broadcast %broadcast_in_dim3A_1115 : i32 to vector<16xi32>
        %gather3A_1117 = tpu.vector_load_idx %arg12[%add3A_1114, %broadcast_in_dim3A_1116] : memref<4096x16xf32, #tpu.memory_space<vmem>>[vector<16xi32>, vector<16xi32>], vector<16xf32>,
        %broadcast_in_dim3A_1118 = arith.constant 768 : i32
        %broadcast_in_dim3A_1119 = vector.broadcast %broadcast_in_dim3A_1118 : i32 to vector<16xi32>
        %add3A_1120 = arith.addi %broadcast_in_dim3A, %broadcast_in_dim3A_1119 : vector<16xi32>
        %add3A_1121 = arith.addi %add3A_1120, %add3A_1090 : vector<16xi32>
        %broadcast_in_dim3A_1122 = arith.constant 1 : i32
        %broadcast_in_dim3A_1123 = vector.broadcast %broadcast_in_dim3A_1122 : i32 to vector<16xi32>
        %gather3A_1124 = tpu.vector_load_idx %arg12[%add3A_1121, %broadcast_in_dim3A_1123] : memref<4096x16xf32, #tpu.memory_space<vmem>>[vector<16xi32>, vector<16xi32>], vector<16xf32>,
        %broadcast_in_dim3A_1125 = arith.constant 768 : i32
        %broadcast_in_dim3A_1126 = vector.broadcast %broadcast_in_dim3A_1125 : i32 to vector<16xi32>
        %add3A_1127 = arith.addi %broadcast_in_dim3A, %broadcast_in_dim3A_1126 : vector<16xi32>
        %add3A_1128 = arith.addi %add3A_1127, %add3A_1090 : vector<16xi32>
        %broadcast_in_dim3A_1129 = arith.constant 2 : i32
        %broadcast_in_dim3A_1130 = vector.broadcast %broadcast_in_dim3A_1129 : i32 to vector<16xi32>
        %gather3A_1131 = tpu.vector_load_idx %arg12[%add3A_1128, %broadcast_in_dim3A_1130] : memref<4096x16xf32, #tpu.memory_space<vmem>>[vector<16xi32>, vector<16xi32>], vector<16xf32>,
        %broadcast_in_dim3A_1132 = arith.constant 1280 : i32
        %broadcast_in_dim3A_1133 = vector.broadcast %broadcast_in_dim3A_1132 : i32 to vector<16xi32>
        %add3A_1134 = arith.addi %broadcast_in_dim3A, %broadcast_in_dim3A_1133 : vector<16xi32>
        %add3A_1135 = arith.addi %add3A_1134, %add3A_1090 : vector<16xi32>
        %broadcast_in_dim3A_1136 = arith.constant 0 : i32
        %broadcast_in_dim3A_1137 = vector.broadcast %broadcast_in_dim3A_1136 : i32 to vector<16xi32>
        %gather3A_1138 = tpu.vector_load_idx %arg12[%add3A_1135, %broadcast_in_dim3A_1137] : memref<4096x16xf32, #tpu.memory_space<vmem>>[vector<16xi32>, vector<16xi32>], vector<16xf32>,
        %broadcast_in_dim3A_1139 = arith.constant 1280 : i32
        %broadcast_in_dim3A_1140 = vector.broadcast %broadcast_in_dim3A_1139 : i32 to vector<16xi32>
        %add3A_1141 = arith.addi %broadcast_in_dim3A, %broadcast_in_dim3A_1140 : vector<16xi32>
        %add3A_1142 = arith.addi %add3A_1141, %add3A_1090 : vector<16xi32>
        %broadcast_in_dim3A_1143 = arith.constant 1 : i32
        %broadcast_in_dim3A_1144 = vector.broadcast %broadcast_in_dim3A_1143 : i32 to vector<16xi32>
        %gather3A_1145 = tpu.vector_load_idx %arg12[%add3A_1142, %broadcast_in_dim3A_1144] : memref<4096x16xf32, #tpu.memory_space<vmem>>[vector<16xi32>, vector<16xi32>], vector<16xf32>,
        %broadcast_in_dim3A_1146 = arith.constant 1280 : i32
        %broadcast_in_dim3A_1147 = vector.broadcast %broadcast_in_dim3A_1146 : i32 to vector<16xi32>
        %add3A_1148 = arith.addi %broadcast_in_dim3A, %broadcast_in_dim3A_1147 : vector<16xi32>
        %add3A_1149 = arith.addi %add3A_1148, %add3A_1090 : vector<16xi32>
        %broadcast_in_dim3A_1150 = arith.constant 2 : i32
        %broadcast_in_dim3A_1151 = vector.broadcast %broadcast_in_dim3A_1150 : i32 to vector<16xi32>
        %gather3A_1152 = tpu.vector_load_idx %arg12[%add3A_1149, %broadcast_in_dim3A_1151] : memref<4096x16xf32, #tpu.memory_space<vmem>>[vector<16xi32>, vector<16xi32>], vector<16xf32>,
        %broadcast_in_dim3A_1153 = arith.constant 1792 : i32
        %broadcast_in_dim3A_1154 = vector.broadcast %broadcast_in_dim3A_1153 : i32 to vector<16xi32>
        %add3A_1155 = arith.addi %broadcast_in_dim3A, %broadcast_in_dim3A_1154 : vector<16xi32>
        %add3A_1156 = arith.addi %add3A_1155, %add3A_1090 : vector<16xi32>
        %broadcast_in_dim3A_1157 = arith.constant 0 : i32
        %broadcast_in_dim3A_1158 = vector.broadcast %broadcast_in_dim3A_1157 : i32 to vector<16xi32>
        %gather3A_1159 = tpu.vector_load_idx %arg12[%add3A_1156, %broadcast_in_dim3A_1158] : memref<4096x16xf32, #tpu.memory_space<vmem>>[vector<16xi32>, vector<16xi32>], vector<16xf32>,
        %broadcast_in_dim3A_1160 = arith.constant 1792 : i32
        %broadcast_in_dim3A_1161 = vector.broadcast %broadcast_in_dim3A_1160 : i32 to vector<16xi32>
        %add3A_1162 = arith.addi %broadcast_in_dim3A, %broadcast_in_dim3A_1161 : vector<16xi32>
        %add3A_1163 = arith.addi %add3A_1162, %add3A_1090 : vector<16xi32>
        %broadcast_in_dim3A_1164 = arith.constant 1 : i32
        %broadcast_in_dim3A_1165 = vector.broadcast %broadcast_in_dim3A_1164 : i32 to vector<16xi32>
        %gather3A_1166 = tpu.vector_load_idx %arg12[%add3A_1163, %broadcast_in_dim3A_1165] : memref<4096x16xf32, #tpu.memory_space<vmem>>[vector<16xi32>, vector<16xi32>], vector<16xf32>,
        %broadcast_in_dim3A_1167 = arith.constant 1792 : i32
        %broadcast_in_dim3A_1168 = vector.broadcast %broadcast_in_dim3A_1167 : i32 to vector<16xi32>
        %add3A_1169 = arith.addi %broadcast_in_dim3A, %broadcast_in_dim3A_1168 : vector<16xi32>
        %add3A_1170 = arith.addi %add3A_1169, %add3A_1090 : vector<16xi32>
        %broadcast_in_dim3A_1171 = arith.constant 2 : i32
        %broadcast_in_dim3A_1172 = vector.broadcast %broadcast_in_dim3A_1171 : i32 to vector<16xi32>
        %gather3A_1173 = tpu.vector_load_idx %arg12[%add3A_1170, %broadcast_in_dim3A_1172] : memref<4096x16xf32, #tpu.memory_space<vmem>>[vector<16xi32>, vector<16xi32>], vector<16xf32>,
        %broadcast_in_dim3A_1174 = arith.constant 256 : i32
        %broadcast_in_dim3A_1175 = vector.broadcast %broadcast_in_dim3A_1174 : i32 to vector<16xi32>
        %add3A_1176 = arith.addi %broadcast_in_dim3A, %broadcast_in_dim3A_1175 : vector<16xi32>
        %add3A_1177 = arith.addi %add3A_1176, %add3A_1090 : vector<16xi32>
        %broadcast_in_dim3A_1178 = arith.constant 3 : i32
        %broadcast_in_dim3A_1179 = vector.broadcast %broadcast_in_dim3A_1178 : i32 to vector<16xi32>
        %gather3A_1180 = tpu.vector_load_idx %arg12[%add3A_1177, %broadcast_in_dim3A_1179] : memref<4096x16xf32, #tpu.memory_space<vmem>>[vector<16xi32>, vector<16xi32>], vector<16xf32>,
        %convert_element_type3A = arith.fptosi %gather3A_1180 : vector<16xf32> to vector<16xi32>
        %broadcast_in_dim3A_1181 = arith.constant 768 : i32
        %broadcast_in_dim3A_1182 = vector.broadcast %broadcast_in_dim3A_1181 : i32 to vector<16xi32>
        %add3A_1183 = arith.addi %broadcast_in_dim3A, %broadcast_in_dim3A_1182 : vector<16xi32>
        %add3A_1184 = arith.addi %add3A_1183, %add3A_1090 : vector<16xi32>
        %broadcast_in_dim3A_1185 = arith.constant 3 : i32
        %broadcast_in_dim3A_1186 = vector.broadcast %broadcast_in_dim3A_1185 : i32 to vector<16xi32>
        %gather3A_1187 = tpu.vector_load_idx %arg12[%add3A_1184, %broadcast_in_dim3A_1186] : memref<4096x16xf32, #tpu.memory_space<vmem>>[vector<16xi32>, vector<16xi32>], vector<16xf32>,
        %convert_element_type3A_1188 = arith.fptosi %gather3A_1187 : vector<16xf32> to vector<16xi32>
        %broadcast_in_dim3A_1189 = arith.constant 1280 : i32
        %broadcast_in_dim3A_1190 = vector.broadcast %broadcast_in_dim3A_1189 : i32 to vector<16xi32>
        %add3A_1191 = arith.addi %broadcast_in_dim3A, %broadcast_in_dim3A_1190 : vector<16xi32>
        %add3A_1192 = arith.addi %add3A_1191, %add3A_1090 : vector<16xi32>
        %broadcast_in_dim3A_1193 = arith.constant 3 : i32
        %broadcast_in_dim3A_1194 = vector.broadcast %broadcast_in_dim3A_1193 : i32 to vector<16xi32>
        %gather3A_1195 = tpu.vector_load_idx %arg12[%add3A_1192, %broadcast_in_dim3A_1194] : memref<4096x16xf32, #tpu.memory_space<vmem>>[vector<16xi32>, vector<16xi32>], vector<16xf32>,
        %convert_element_type3A_1196 = arith.fptosi %gather3A_1195 : vector<16xf32> to vector<16xi32>
        %broadcast_in_dim3A_1197 = arith.constant 1792 : i32
        %broadcast_in_dim3A_1198 = vector.broadcast %broadcast_in_dim3A_1197 : i32 to vector<16xi32>
        %add3A_1199 = arith.addi %broadcast_in_dim3A, %broadcast_in_dim3A_1198 : vector<16xi32>
        %add3A_1200 = arith.addi %add3A_1199, %add3A_1090 : vector<16xi32>
        %broadcast_in_dim3A_1201 = arith.constant 3 : i32
        %broadcast_in_dim3A_1202 = vector.broadcast %broadcast_in_dim3A_1201 : i32 to vector<16xi32>
        %gather3A_1203 = tpu.vector_load_idx %arg12[%add3A_1200, %broadcast_in_dim3A_1202] : memref<4096x16xf32, #tpu.memory_space<vmem>>[vector<16xi32>, vector<16xi32>], vector<16xf32>,
        %convert_element_type3A_1204 = arith.fptosi %gather3A_1203 : vector<16xf32> to vector<16xi32>
        %sub3A_1205 = arith.subf %gather3A, %gather3A_1117 : vector<16xf32>
        %sub3A_1206 = arith.subf %gather3A_1103, %gather3A_1124 : vector<16xf32>
        %sub3A_1207 = arith.subf %gather3A_1110, %gather3A_1131 : vector<16xf32>
        %sub3A_1208 = arith.subf %gather3A_1138, %gather3A_1117 : vector<16xf32>
        %sub3A_1209 = arith.subf %gather3A_1145, %gather3A_1124 : vector<16xf32>
        %sub3A_1210 = arith.subf %gather3A_1152, %gather3A_1131 : vector<16xf32>
        %sub3A_1211 = arith.subf %gather3A_1159, %gather3A_1138 : vector<16xf32>
        %sub3A_1212 = arith.subf %gather3A_1166, %gather3A_1145 : vector<16xf32>
        %sub3A_1213 = arith.subf %gather3A_1173, %gather3A_1152 : vector<16xf32>
        %mul3A_1214 = arith.mulf %sub3A_1208, %sub3A_1208 : vector<16xf32>
        %mul3A_1215 = arith.mulf %sub3A_1209, %sub3A_1209 : vector<16xf32>
        %add3A_1216 = arith.addf %mul3A_1214, %mul3A_1215 : vector<16xf32>
        %mul3A_1217 = arith.mulf %sub3A_1210, %sub3A_1210 : vector<16xf32>
        %add3A_1218 = arith.addf %add3A_1216, %mul3A_1217 : vector<16xf32>
        %mul3A_1219 = arith.mulf %sub3A_1205, %sub3A_1208 : vector<16xf32>
        %mul3A_1220 = arith.mulf %sub3A_1206, %sub3A_1209 : vector<16xf32>
        %add3A_1221 = arith.addf %mul3A_1219, %mul3A_1220 : vector<16xf32>
        %mul3A_1222 = arith.mulf %sub3A_1207, %sub3A_1210 : vector<16xf32>
        %add3A_1223 = arith.addf %add3A_1221, %mul3A_1222 : vector<16xf32>
        %mul3A_1224 = arith.mulf %sub3A_1211, %sub3A_1208 : vector<16xf32>
        %mul3A_1225 = arith.mulf %sub3A_1212, %sub3A_1209 : vector<16xf32>
        %add3A_1226 = arith.addf %mul3A_1224, %mul3A_1225 : vector<16xf32>
        %mul3A_1227 = arith.mulf %sub3A_1213, %sub3A_1210 : vector<16xf32>
        %add3A_1228 = arith.addf %add3A_1226, %mul3A_1227 : vector<16xf32>
        %mul3A_1229 = arith.mulf %sub3A_1205, %sub3A_1211 : vector<16xf32>
        %mul3A_1230 = arith.mulf %sub3A_1206, %sub3A_1212 : vector<16xf32>
        %add3A_1231 = arith.addf %mul3A_1229, %mul3A_1230 : vector<16xf32>
        %mul3A_1232 = arith.mulf %sub3A_1207, %sub3A_1213 : vector<16xf32>
        %add3A_1233 = arith.addf %add3A_1231, %mul3A_1232 : vector<16xf32>
        %mul3A_1234 = arith.mulf %sub3A_1206, %sub3A_1213 : vector<16xf32>
        %mul3A_1235 = arith.mulf %sub3A_1207, %sub3A_1212 : vector<16xf32>
        %sub3A_1236 = arith.subf %mul3A_1234, %mul3A_1235 : vector<16xf32>
        %mul3A_1237 = arith.mulf %sub3A_1207, %sub3A_1211 : vector<16xf32>
        %mul3A_1238 = arith.mulf %sub3A_1205, %sub3A_1213 : vector<16xf32>
        %sub3A_1239 = arith.subf %mul3A_1237, %mul3A_1238 : vector<16xf32>
        %mul3A_1240 = arith.mulf %sub3A_1205, %sub3A_1212 : vector<16xf32>
        %mul3A_1241 = arith.mulf %sub3A_1206, %sub3A_1211 : vector<16xf32>
        %sub3A_1242 = arith.subf %mul3A_1240, %mul3A_1241 : vector<16xf32>
        %mul3A_1243 = arith.mulf %sub3A_1208, %sub3A_1236 : vector<16xf32>
        %mul3A_1244 = arith.mulf %sub3A_1209, %sub3A_1239 : vector<16xf32>
        %add3A_1245 = arith.addf %mul3A_1243, %mul3A_1244 : vector<16xf32>
        %mul3A_1246 = arith.mulf %sub3A_1210, %sub3A_1242 : vector<16xf32>
        %add3A_1247 = arith.addf %add3A_1245, %mul3A_1246 : vector<16xf32>
        %broadcast_in_dim3A_1248 = arith.constant 0.000000e+00 : f32
        %broadcast_in_dim3A_1249 = vector.broadcast %broadcast_in_dim3A_1248 : f32 to vector<16xf32>
        %broadcast_in_dim3A_1250 = arith.constant 1.000000e+00 : f32
        %broadcast_in_dim3A_1251 = vector.broadcast %broadcast_in_dim3A_1250 : f32 to vector<16xf32>
        %eq3A = arith.cmpf oeq, %add3A_1218, %broadcast_in_dim3A_1249 : vector<16xf32>
        %select_n3A = arith.select %eq3A, %broadcast_in_dim3A_1251, %add3A_1218 : vector<16xi1>, vector<16xf32>
        %bitcast3A = vector.bitcast %select_n3A : vector<16xf32> to vector<16xi32>
        %broadcast_in_dim3A_1252 = arith.constant 1597463007 : i32
        %broadcast_in_dim3A_1253 = vector.broadcast %broadcast_in_dim3A_1252 : i32 to vector<16xi32>
        %shift_right_arithmetic3A = arith.constant 1 : i32
        %shift_right_arithmetic3A_1254 = vector.broadcast %shift_right_arithmetic3A : i32 to vector<16xi32>
        %shift_right_arithmetic3A_1255 = arith.shrsi %bitcast3A, %shift_right_arithmetic3A_1254 : vector<16xi32>
        %sub3A_1256 = arith.subi %broadcast_in_dim3A_1253, %shift_right_arithmetic3A_1255 : vector<16xi32>
        %bitcast3A_1257 = vector.bitcast %sub3A_1256 : vector<16xi32> to vector<16xf32>
        %broadcast_in_dim3A_1258 = arith.constant 5.000000e-01 : f32
        %broadcast_in_dim3A_1259 = vector.broadcast %broadcast_in_dim3A_1258 : f32 to vector<16xf32>
        %mul3A_1260 = arith.mulf %broadcast_in_dim3A_1259, %select_n3A : vector<16xf32>
        %broadcast_in_dim3A_1261 = arith.constant 1.500000e+00 : f32
        %broadcast_in_dim3A_1262 = vector.broadcast %broadcast_in_dim3A_1261 : f32 to vector<16xf32>
        %mul3A_1263 = arith.mulf %mul3A_1260, %bitcast3A_1257 : vector<16xf32>
        %mul3A_1264 = arith.mulf %mul3A_1263, %bitcast3A_1257 : vector<16xf32>
        %sub3A_1265 = arith.subf %broadcast_in_dim3A_1262, %mul3A_1264 : vector<16xf32>
        %mul3A_1266 = arith.mulf %bitcast3A_1257, %sub3A_1265 : vector<16xf32>
        %broadcast_in_dim3A_1267 = arith.constant 1.500000e+00 : f32
        %broadcast_in_dim3A_1268 = vector.broadcast %broadcast_in_dim3A_1267 : f32 to vector<16xf32>
        %mul3A_1269 = arith.mulf %mul3A_1260, %mul3A_1266 : vector<16xf32>
        %mul3A_1270 = arith.mulf %mul3A_1269, %mul3A_1266 : vector<16xf32>
        %sub3A_1271 = arith.subf %broadcast_in_dim3A_1268, %mul3A_1270 : vector<16xf32>
        %mul3A_1272 = arith.mulf %mul3A_1266, %sub3A_1271 : vector<16xf32>
        %broadcast_in_dim3A_1273 = arith.constant 1.500000e+00 : f32
        %broadcast_in_dim3A_1274 = vector.broadcast %broadcast_in_dim3A_1273 : f32 to vector<16xf32>
        %mul3A_1275 = arith.mulf %mul3A_1260, %mul3A_1272 : vector<16xf32>
        %mul3A_1276 = arith.mulf %mul3A_1275, %mul3A_1272 : vector<16xf32>
        %sub3A_1277 = arith.subf %broadcast_in_dim3A_1274, %mul3A_1276 : vector<16xf32>
        %mul3A_1278 = arith.mulf %mul3A_1272, %sub3A_1277 : vector<16xf32>
        %mul3A_1279 = arith.mulf %add3A_1218, %add3A_1233 : vector<16xf32>
        %mul3A_1280 = arith.mulf %add3A_1223, %add3A_1228 : vector<16xf32>
        %sub3A_1281 = arith.subf %mul3A_1279, %mul3A_1280 : vector<16xf32>
        %mul3A_1282 = arith.mulf %add3A_1218, %mul3A_1278 : vector<16xf32>
        %mul3A_1283 = arith.mulf %mul3A_1282, %add3A_1247 : vector<16xf32>
        %select_n3A_1284 = arith.select %eq3A, %add3A_1233, %sub3A_1281 : vector<16xi1>, vector<16xf32>
        %select_n3A_1285 = arith.select %eq3A, %broadcast_in_dim3A_1249, %mul3A_1283 : vector<16xi1>, vector<16xf32>
        %mul3A_1286 = arith.mulf %select_n3A_1284, %select_n3A_1284 : vector<16xf32>
        %mul3A_1287 = arith.mulf %select_n3A_1285, %select_n3A_1285 : vector<16xf32>
        %add3A_1288 = arith.addf %mul3A_1286, %mul3A_1287 : vector<16xf32>
        %eq3A_1289 = arith.cmpf oeq, %add3A_1288, %broadcast_in_dim3A_1249 : vector<16xf32>
        %select_n3A_1290 = arith.select %eq3A_1289, %broadcast_in_dim3A_1251, %add3A_1288 : vector<16xi1>, vector<16xf32>
        %bitcast3A_1291 = vector.bitcast %select_n3A_1290 : vector<16xf32> to vector<16xi32>
        %broadcast_in_dim3A_1292 = arith.constant 1597463007 : i32
        %broadcast_in_dim3A_1293 = vector.broadcast %broadcast_in_dim3A_1292 : i32 to vector<16xi32>
        %shift_right_arithmetic3A_1294 = arith.constant 1 : i32
        %shift_right_arithmetic3A_1295 = vector.broadcast %shift_right_arithmetic3A_1294 : i32 to vector<16xi32>
        %shift_right_arithmetic3A_1296 = arith.shrsi %bitcast3A_1291, %shift_right_arithmetic3A_1295 : vector<16xi32>
        %sub3A_1297 = arith.subi %broadcast_in_dim3A_1293, %shift_right_arithmetic3A_1296 : vector<16xi32>
        %bitcast3A_1298 = vector.bitcast %sub3A_1297 : vector<16xi32> to vector<16xf32>
        %broadcast_in_dim3A_1299 = arith.constant 5.000000e-01 : f32
        %broadcast_in_dim3A_1300 = vector.broadcast %broadcast_in_dim3A_1299 : f32 to vector<16xf32>
        %mul3A_1301 = arith.mulf %broadcast_in_dim3A_1300, %select_n3A_1290 : vector<16xf32>
        %broadcast_in_dim3A_1302 = arith.constant 1.500000e+00 : f32
        %broadcast_in_dim3A_1303 = vector.broadcast %broadcast_in_dim3A_1302 : f32 to vector<16xf32>
        %mul3A_1304 = arith.mulf %mul3A_1301, %bitcast3A_1298 : vector<16xf32>
        %mul3A_1305 = arith.mulf %mul3A_1304, %bitcast3A_1298 : vector<16xf32>
        %sub3A_1306 = arith.subf %broadcast_in_dim3A_1303, %mul3A_1305 : vector<16xf32>
        %mul3A_1307 = arith.mulf %bitcast3A_1298, %sub3A_1306 : vector<16xf32>
        %broadcast_in_dim3A_1308 = arith.constant 1.500000e+00 : f32
        %broadcast_in_dim3A_1309 = vector.broadcast %broadcast_in_dim3A_1308 : f32 to vector<16xf32>
        %mul3A_1310 = arith.mulf %mul3A_1301, %mul3A_1307 : vector<16xf32>
        %mul3A_1311 = arith.mulf %mul3A_1310, %mul3A_1307 : vector<16xf32>
        %sub3A_1312 = arith.subf %broadcast_in_dim3A_1309, %mul3A_1311 : vector<16xf32>
        %mul3A_1313 = arith.mulf %mul3A_1307, %sub3A_1312 : vector<16xf32>
        %broadcast_in_dim3A_1314 = arith.constant 1.500000e+00 : f32
        %broadcast_in_dim3A_1315 = vector.broadcast %broadcast_in_dim3A_1314 : f32 to vector<16xf32>
        %mul3A_1316 = arith.mulf %mul3A_1301, %mul3A_1313 : vector<16xf32>
        %mul3A_1317 = arith.mulf %mul3A_1316, %mul3A_1313 : vector<16xf32>
        %sub3A_1318 = arith.subf %broadcast_in_dim3A_1315, %mul3A_1317 : vector<16xf32>
        %mul3A_1319 = arith.mulf %mul3A_1313, %sub3A_1318 : vector<16xf32>
        %mul3A_1320 = arith.mulf %select_n3A_1284, %mul3A_1319 : vector<16xf32>
        %select_n3A_1321 = arith.select %eq3A_1289, %broadcast_in_dim3A_1251, %mul3A_1320 : vector<16xi1>, vector<16xf32>
        %mul3A_1322 = arith.mulf %select_n3A_1285, %mul3A_1319 : vector<16xf32>
        %select_n3A_1323 = arith.select %eq3A_1289, %broadcast_in_dim3A_1249, %mul3A_1322 : vector<16xi1>, vector<16xf32>
        %add3A_1324 = arith.constant 256 : i32
        %add3A_1325 = arith.addi %add3A_1324, %mul3A_1088 : i32
        %swap3A = arith.index_cast %add3A_1325 : i32 to index
        %swap3A_1326 = tpu.vector_load %arg14[%swap3A] {strides = array<i32>} : memref<512xf32, #tpu.memory_space<vmem>>, vector<16xf32>,
        tpu.vector_store %arg14[%swap3A], %select_n3A_1321 {strides = array<i32>} : memref<512xf32, #tpu.memory_space<vmem>>, vector<16xf32>,
        %swap3A_1327 = arith.index_cast %add3A_1325 : i32 to index
        %swap3A_1328 = tpu.vector_load %arg15[%swap3A_1327] {strides = array<i32>} : memref<512xf32, #tpu.memory_space<vmem>>, vector<16xf32>,
        tpu.vector_store %arg15[%swap3A_1327], %select_n3A_1323 {strides = array<i32>} : memref<512xf32, #tpu.memory_space<vmem>>, vector<16xf32>,
        %broadcast_in_dim3A_1329 = arith.constant 20 : i32
        %broadcast_in_dim3A_1330 = vector.broadcast %broadcast_in_dim3A_1329 : i32 to vector<16xi32>
        %mul3A_1331 = arith.muli %convert_element_type3A, %broadcast_in_dim3A_1330 : vector<16xi32>
        %add3A_1332 = arith.addi %mul3A_1331, %convert_element_type3A_1188 : vector<16xi32>
        %mul3A_1333 = arith.muli %add3A_1332, %broadcast_in_dim3A_1330 : vector<16xi32>
        %add3A_1334 = arith.addi %mul3A_1333, %convert_element_type3A_1196 : vector<16xi32>
        %mul3A_1335 = arith.muli %add3A_1334, %broadcast_in_dim3A_1330 : vector<16xi32>
        %add3A_1336 = arith.addi %mul3A_1335, %convert_element_type3A_1204 : vector<16xi32>
        %swap3A_1337 = arith.constant 2 : i32
        %swap3A_1338 = arith.index_cast %swap3A_1337 : i32 to index
        %swap3A_1339 = arith.index_cast %mul3A_1088 : i32 to index
        %swap3A_1340 = tpu.vector_load %arg13[%swap3A_1338, %swap3A_1339] {strides = array<i32>} : memref<4x128xi32, #tpu.memory_space<vmem>>, vector<16xi32>,
        tpu.vector_store %arg13[%swap3A_1338, %swap3A_1339], %add3A_1336 {strides = array<i32>} : memref<4x128xi32, #tpu.memory_space<vmem>>, vector<16xi32>,
      }
      %scan3A_942 = arith.constant 8 : i32
      %dma_start3A_943 = arith.constant 2 : i32
      %dma_start3A_944 = arith.constant 256 : i32
      %dma_start3A_945 = arith.constant 0 : i32
      %dma_start3A_946 = tpu.memref_slice %arg16[%dma_start3A_944, %dma_start3A_945] : memref<512x16xf32, #tpu.memory_space<vmem>> -> memref<128x16xf32, #tpu.memory_space<vmem>>
      %dma_start3A_947 = arith.constant 0 : i32
      %dma_start3A_948 = tpu.memref_slice %arg13[%dma_start3A_943, %dma_start3A_947] : memref<4x128xi32, #tpu.memory_space<vmem>> -> memref<1x128xi32, #tpu.memory_space<vmem>>
      %dma_start3A_949 = tpu.memref_squeeze %dma_start3A_948 : memref<1x128xi32, #tpu.memory_space<vmem>> -> memref<128xi32, #tpu.memory_space<vmem>>
      %dma_start3A_950 = arith.constant 0 : i32
      %dma_start3A_951 = arith.constant 0 : i32
      %dma_start3A_952 = tpu.memref_slice %arg8[%dma_start3A_950, %dma_start3A_951] : memref<160000x16xf32, #tpu.memory_space<hbm>> -> memref<160000x16xf32, #tpu.memory_space<hbm>>
      tpu.enqueue_indirect_dma source(%dma_start3A_952 : memref<160000x16xf32, #tpu.memory_space<hbm>>) target(%dma_start3A_946 : memref<128x16xf32, #tpu.memory_space<vmem>>) offsets(%dma_start3A_949 : memref<128xi32, #tpu.memory_space<vmem>>) semaphore(%arg21 : memref<!tpu.dma_semaphore, #tpu.memory_space<semaphore_mem>>)
      %scan3A_953 = arith.constant 0 : i32
      %scan3A_954 = arith.constant 0 : i32
      %scan3A_955 = arith.constant 8 : i32
      %scan3A_956 = arith.addi %scan3A_954, %scan3A_955 : i32
      %scan3A_957 = arith.constant 1 : i32
      scf.for %scan3A_1086 = %scan3A_954 to %scan3A_956 step %scan3A_957  : i32 {
        %mul3A_1087 = arith.constant 16 : i32
        %mul3A_1088 = arith.muli %scan3A_1086, %mul3A_1087 : i32
        %add3A_1089 = vector.broadcast %mul3A_1088 : i32 to vector<16xi32>
        %add3A_1090 = arith.addi %iota3A, %add3A_1089 : vector<16xi32>
        %broadcast_in_dim3A_1091 = arith.constant 384 : i32
        %broadcast_in_dim3A_1092 = vector.broadcast %broadcast_in_dim3A_1091 : i32 to vector<16xi32>
        %add3A_1093 = arith.addi %broadcast_in_dim3A, %broadcast_in_dim3A_1092 : vector<16xi32>
        %add3A_1094 = arith.addi %add3A_1093, %add3A_1090 : vector<16xi32>
        %broadcast_in_dim3A_1095 = arith.constant 0 : i32
        %broadcast_in_dim3A_1096 = vector.broadcast %broadcast_in_dim3A_1095 : i32 to vector<16xi32>
        %gather3A = tpu.vector_load_idx %arg12[%add3A_1094, %broadcast_in_dim3A_1096] : memref<4096x16xf32, #tpu.memory_space<vmem>>[vector<16xi32>, vector<16xi32>], vector<16xf32>,
        %broadcast_in_dim3A_1097 = arith.constant 384 : i32
        %broadcast_in_dim3A_1098 = vector.broadcast %broadcast_in_dim3A_1097 : i32 to vector<16xi32>
        %add3A_1099 = arith.addi %broadcast_in_dim3A, %broadcast_in_dim3A_1098 : vector<16xi32>
        %add3A_1100 = arith.addi %add3A_1099, %add3A_1090 : vector<16xi32>
        %broadcast_in_dim3A_1101 = arith.constant 1 : i32
        %broadcast_in_dim3A_1102 = vector.broadcast %broadcast_in_dim3A_1101 : i32 to vector<16xi32>
        %gather3A_1103 = tpu.vector_load_idx %arg12[%add3A_1100, %broadcast_in_dim3A_1102] : memref<4096x16xf32, #tpu.memory_space<vmem>>[vector<16xi32>, vector<16xi32>], vector<16xf32>,
        %broadcast_in_dim3A_1104 = arith.constant 384 : i32
        %broadcast_in_dim3A_1105 = vector.broadcast %broadcast_in_dim3A_1104 : i32 to vector<16xi32>
        %add3A_1106 = arith.addi %broadcast_in_dim3A, %broadcast_in_dim3A_1105 : vector<16xi32>
        %add3A_1107 = arith.addi %add3A_1106, %add3A_1090 : vector<16xi32>
        %broadcast_in_dim3A_1108 = arith.constant 2 : i32
        %broadcast_in_dim3A_1109 = vector.broadcast %broadcast_in_dim3A_1108 : i32 to vector<16xi32>
        %gather3A_1110 = tpu.vector_load_idx %arg12[%add3A_1107, %broadcast_in_dim3A_1109] : memref<4096x16xf32, #tpu.memory_space<vmem>>[vector<16xi32>, vector<16xi32>], vector<16xf32>,
        %broadcast_in_dim3A_1111 = arith.constant 896 : i32
        %broadcast_in_dim3A_1112 = vector.broadcast %broadcast_in_dim3A_1111 : i32 to vector<16xi32>
        %add3A_1113 = arith.addi %broadcast_in_dim3A, %broadcast_in_dim3A_1112 : vector<16xi32>
        %add3A_1114 = arith.addi %add3A_1113, %add3A_1090 : vector<16xi32>
        %broadcast_in_dim3A_1115 = arith.constant 0 : i32
        %broadcast_in_dim3A_1116 = vector.broadcast %broadcast_in_dim3A_1115 : i32 to vector<16xi32>
        %gather3A_1117 = tpu.vector_load_idx %arg12[%add3A_1114, %broadcast_in_dim3A_1116] : memref<4096x16xf32, #tpu.memory_space<vmem>>[vector<16xi32>, vector<16xi32>], vector<16xf32>,
        %broadcast_in_dim3A_1118 = arith.constant 896 : i32
        %broadcast_in_dim3A_1119 = vector.broadcast %broadcast_in_dim3A_1118 : i32 to vector<16xi32>
        %add3A_1120 = arith.addi %broadcast_in_dim3A, %broadcast_in_dim3A_1119 : vector<16xi32>
        %add3A_1121 = arith.addi %add3A_1120, %add3A_1090 : vector<16xi32>
        %broadcast_in_dim3A_1122 = arith.constant 1 : i32
        %broadcast_in_dim3A_1123 = vector.broadcast %broadcast_in_dim3A_1122 : i32 to vector<16xi32>
        %gather3A_1124 = tpu.vector_load_idx %arg12[%add3A_1121, %broadcast_in_dim3A_1123] : memref<4096x16xf32, #tpu.memory_space<vmem>>[vector<16xi32>, vector<16xi32>], vector<16xf32>,
        %broadcast_in_dim3A_1125 = arith.constant 896 : i32
        %broadcast_in_dim3A_1126 = vector.broadcast %broadcast_in_dim3A_1125 : i32 to vector<16xi32>
        %add3A_1127 = arith.addi %broadcast_in_dim3A, %broadcast_in_dim3A_1126 : vector<16xi32>
        %add3A_1128 = arith.addi %add3A_1127, %add3A_1090 : vector<16xi32>
        %broadcast_in_dim3A_1129 = arith.constant 2 : i32
        %broadcast_in_dim3A_1130 = vector.broadcast %broadcast_in_dim3A_1129 : i32 to vector<16xi32>
        %gather3A_1131 = tpu.vector_load_idx %arg12[%add3A_1128, %broadcast_in_dim3A_1130] : memref<4096x16xf32, #tpu.memory_space<vmem>>[vector<16xi32>, vector<16xi32>], vector<16xf32>,
        %broadcast_in_dim3A_1132 = arith.constant 1408 : i32
        %broadcast_in_dim3A_1133 = vector.broadcast %broadcast_in_dim3A_1132 : i32 to vector<16xi32>
        %add3A_1134 = arith.addi %broadcast_in_dim3A, %broadcast_in_dim3A_1133 : vector<16xi32>
        %add3A_1135 = arith.addi %add3A_1134, %add3A_1090 : vector<16xi32>
        %broadcast_in_dim3A_1136 = arith.constant 0 : i32
        %broadcast_in_dim3A_1137 = vector.broadcast %broadcast_in_dim3A_1136 : i32 to vector<16xi32>
        %gather3A_1138 = tpu.vector_load_idx %arg12[%add3A_1135, %broadcast_in_dim3A_1137] : memref<4096x16xf32, #tpu.memory_space<vmem>>[vector<16xi32>, vector<16xi32>], vector<16xf32>,
        %broadcast_in_dim3A_1139 = arith.constant 1408 : i32
        %broadcast_in_dim3A_1140 = vector.broadcast %broadcast_in_dim3A_1139 : i32 to vector<16xi32>
        %add3A_1141 = arith.addi %broadcast_in_dim3A, %broadcast_in_dim3A_1140 : vector<16xi32>
        %add3A_1142 = arith.addi %add3A_1141, %add3A_1090 : vector<16xi32>
        %broadcast_in_dim3A_1143 = arith.constant 1 : i32
        %broadcast_in_dim3A_1144 = vector.broadcast %broadcast_in_dim3A_1143 : i32 to vector<16xi32>
        %gather3A_1145 = tpu.vector_load_idx %arg12[%add3A_1142, %broadcast_in_dim3A_1144] : memref<4096x16xf32, #tpu.memory_space<vmem>>[vector<16xi32>, vector<16xi32>], vector<16xf32>,
        %broadcast_in_dim3A_1146 = arith.constant 1408 : i32
        %broadcast_in_dim3A_1147 = vector.broadcast %broadcast_in_dim3A_1146 : i32 to vector<16xi32>
        %add3A_1148 = arith.addi %broadcast_in_dim3A, %broadcast_in_dim3A_1147 : vector<16xi32>
        %add3A_1149 = arith.addi %add3A_1148, %add3A_1090 : vector<16xi32>
        %broadcast_in_dim3A_1150 = arith.constant 2 : i32
        %broadcast_in_dim3A_1151 = vector.broadcast %broadcast_in_dim3A_1150 : i32 to vector<16xi32>
        %gather3A_1152 = tpu.vector_load_idx %arg12[%add3A_1149, %broadcast_in_dim3A_1151] : memref<4096x16xf32, #tpu.memory_space<vmem>>[vector<16xi32>, vector<16xi32>], vector<16xf32>,
        %broadcast_in_dim3A_1153 = arith.constant 1920 : i32
        %broadcast_in_dim3A_1154 = vector.broadcast %broadcast_in_dim3A_1153 : i32 to vector<16xi32>
        %add3A_1155 = arith.addi %broadcast_in_dim3A, %broadcast_in_dim3A_1154 : vector<16xi32>
        %add3A_1156 = arith.addi %add3A_1155, %add3A_1090 : vector<16xi32>
        %broadcast_in_dim3A_1157 = arith.constant 0 : i32
        %broadcast_in_dim3A_1158 = vector.broadcast %broadcast_in_dim3A_1157 : i32 to vector<16xi32>
        %gather3A_1159 = tpu.vector_load_idx %arg12[%add3A_1156, %broadcast_in_dim3A_1158] : memref<4096x16xf32, #tpu.memory_space<vmem>>[vector<16xi32>, vector<16xi32>], vector<16xf32>,
        %broadcast_in_dim3A_1160 = arith.constant 1920 : i32
        %broadcast_in_dim3A_1161 = vector.broadcast %broadcast_in_dim3A_1160 : i32 to vector<16xi32>
        %add3A_1162 = arith.addi %broadcast_in_dim3A, %broadcast_in_dim3A_1161 : vector<16xi32>
        %add3A_1163 = arith.addi %add3A_1162, %add3A_1090 : vector<16xi32>
        %broadcast_in_dim3A_1164 = arith.constant 1 : i32
        %broadcast_in_dim3A_1165 = vector.broadcast %broadcast_in_dim3A_1164 : i32 to vector<16xi32>
        %gather3A_1166 = tpu.vector_load_idx %arg12[%add3A_1163, %broadcast_in_dim3A_1165] : memref<4096x16xf32, #tpu.memory_space<vmem>>[vector<16xi32>, vector<16xi32>], vector<16xf32>,
        %broadcast_in_dim3A_1167 = arith.constant 1920 : i32
        %broadcast_in_dim3A_1168 = vector.broadcast %broadcast_in_dim3A_1167 : i32 to vector<16xi32>
        %add3A_1169 = arith.addi %broadcast_in_dim3A, %broadcast_in_dim3A_1168 : vector<16xi32>
        %add3A_1170 = arith.addi %add3A_1169, %add3A_1090 : vector<16xi32>
        %broadcast_in_dim3A_1171 = arith.constant 2 : i32
        %broadcast_in_dim3A_1172 = vector.broadcast %broadcast_in_dim3A_1171 : i32 to vector<16xi32>
        %gather3A_1173 = tpu.vector_load_idx %arg12[%add3A_1170, %broadcast_in_dim3A_1172] : memref<4096x16xf32, #tpu.memory_space<vmem>>[vector<16xi32>, vector<16xi32>], vector<16xf32>,
        %broadcast_in_dim3A_1174 = arith.constant 384 : i32
        %broadcast_in_dim3A_1175 = vector.broadcast %broadcast_in_dim3A_1174 : i32 to vector<16xi32>
        %add3A_1176 = arith.addi %broadcast_in_dim3A, %broadcast_in_dim3A_1175 : vector<16xi32>
        %add3A_1177 = arith.addi %add3A_1176, %add3A_1090 : vector<16xi32>
        %broadcast_in_dim3A_1178 = arith.constant 3 : i32
        %broadcast_in_dim3A_1179 = vector.broadcast %broadcast_in_dim3A_1178 : i32 to vector<16xi32>
        %gather3A_1180 = tpu.vector_load_idx %arg12[%add3A_1177, %broadcast_in_dim3A_1179] : memref<4096x16xf32, #tpu.memory_space<vmem>>[vector<16xi32>, vector<16xi32>], vector<16xf32>,
        %convert_element_type3A = arith.fptosi %gather3A_1180 : vector<16xf32> to vector<16xi32>
        %broadcast_in_dim3A_1181 = arith.constant 896 : i32
        %broadcast_in_dim3A_1182 = vector.broadcast %broadcast_in_dim3A_1181 : i32 to vector<16xi32>
        %add3A_1183 = arith.addi %broadcast_in_dim3A, %broadcast_in_dim3A_1182 : vector<16xi32>
        %add3A_1184 = arith.addi %add3A_1183, %add3A_1090 : vector<16xi32>
        %broadcast_in_dim3A_1185 = arith.constant 3 : i32
        %broadcast_in_dim3A_1186 = vector.broadcast %broadcast_in_dim3A_1185 : i32 to vector<16xi32>
        %gather3A_1187 = tpu.vector_load_idx %arg12[%add3A_1184, %broadcast_in_dim3A_1186] : memref<4096x16xf32, #tpu.memory_space<vmem>>[vector<16xi32>, vector<16xi32>], vector<16xf32>,
        %convert_element_type3A_1188 = arith.fptosi %gather3A_1187 : vector<16xf32> to vector<16xi32>
        %broadcast_in_dim3A_1189 = arith.constant 1408 : i32
        %broadcast_in_dim3A_1190 = vector.broadcast %broadcast_in_dim3A_1189 : i32 to vector<16xi32>
        %add3A_1191 = arith.addi %broadcast_in_dim3A, %broadcast_in_dim3A_1190 : vector<16xi32>
        %add3A_1192 = arith.addi %add3A_1191, %add3A_1090 : vector<16xi32>
        %broadcast_in_dim3A_1193 = arith.constant 3 : i32
        %broadcast_in_dim3A_1194 = vector.broadcast %broadcast_in_dim3A_1193 : i32 to vector<16xi32>
        %gather3A_1195 = tpu.vector_load_idx %arg12[%add3A_1192, %broadcast_in_dim3A_1194] : memref<4096x16xf32, #tpu.memory_space<vmem>>[vector<16xi32>, vector<16xi32>], vector<16xf32>,
        %convert_element_type3A_1196 = arith.fptosi %gather3A_1195 : vector<16xf32> to vector<16xi32>
        %broadcast_in_dim3A_1197 = arith.constant 1920 : i32
        %broadcast_in_dim3A_1198 = vector.broadcast %broadcast_in_dim3A_1197 : i32 to vector<16xi32>
        %add3A_1199 = arith.addi %broadcast_in_dim3A, %broadcast_in_dim3A_1198 : vector<16xi32>
        %add3A_1200 = arith.addi %add3A_1199, %add3A_1090 : vector<16xi32>
        %broadcast_in_dim3A_1201 = arith.constant 3 : i32
        %broadcast_in_dim3A_1202 = vector.broadcast %broadcast_in_dim3A_1201 : i32 to vector<16xi32>
        %gather3A_1203 = tpu.vector_load_idx %arg12[%add3A_1200, %broadcast_in_dim3A_1202] : memref<4096x16xf32, #tpu.memory_space<vmem>>[vector<16xi32>, vector<16xi32>], vector<16xf32>,
        %convert_element_type3A_1204 = arith.fptosi %gather3A_1203 : vector<16xf32> to vector<16xi32>
        %sub3A_1205 = arith.subf %gather3A, %gather3A_1117 : vector<16xf32>
        %sub3A_1206 = arith.subf %gather3A_1103, %gather3A_1124 : vector<16xf32>
        %sub3A_1207 = arith.subf %gather3A_1110, %gather3A_1131 : vector<16xf32>
        %sub3A_1208 = arith.subf %gather3A_1138, %gather3A_1117 : vector<16xf32>
        %sub3A_1209 = arith.subf %gather3A_1145, %gather3A_1124 : vector<16xf32>
        %sub3A_1210 = arith.subf %gather3A_1152, %gather3A_1131 : vector<16xf32>
        %sub3A_1211 = arith.subf %gather3A_1159, %gather3A_1138 : vector<16xf32>
        %sub3A_1212 = arith.subf %gather3A_1166, %gather3A_1145 : vector<16xf32>
        %sub3A_1213 = arith.subf %gather3A_1173, %gather3A_1152 : vector<16xf32>
        %mul3A_1214 = arith.mulf %sub3A_1208, %sub3A_1208 : vector<16xf32>
        %mul3A_1215 = arith.mulf %sub3A_1209, %sub3A_1209 : vector<16xf32>
        %add3A_1216 = arith.addf %mul3A_1214, %mul3A_1215 : vector<16xf32>
        %mul3A_1217 = arith.mulf %sub3A_1210, %sub3A_1210 : vector<16xf32>
        %add3A_1218 = arith.addf %add3A_1216, %mul3A_1217 : vector<16xf32>
        %mul3A_1219 = arith.mulf %sub3A_1205, %sub3A_1208 : vector<16xf32>
        %mul3A_1220 = arith.mulf %sub3A_1206, %sub3A_1209 : vector<16xf32>
        %add3A_1221 = arith.addf %mul3A_1219, %mul3A_1220 : vector<16xf32>
        %mul3A_1222 = arith.mulf %sub3A_1207, %sub3A_1210 : vector<16xf32>
        %add3A_1223 = arith.addf %add3A_1221, %mul3A_1222 : vector<16xf32>
        %mul3A_1224 = arith.mulf %sub3A_1211, %sub3A_1208 : vector<16xf32>
        %mul3A_1225 = arith.mulf %sub3A_1212, %sub3A_1209 : vector<16xf32>
        %add3A_1226 = arith.addf %mul3A_1224, %mul3A_1225 : vector<16xf32>
        %mul3A_1227 = arith.mulf %sub3A_1213, %sub3A_1210 : vector<16xf32>
        %add3A_1228 = arith.addf %add3A_1226, %mul3A_1227 : vector<16xf32>
        %mul3A_1229 = arith.mulf %sub3A_1205, %sub3A_1211 : vector<16xf32>
        %mul3A_1230 = arith.mulf %sub3A_1206, %sub3A_1212 : vector<16xf32>
        %add3A_1231 = arith.addf %mul3A_1229, %mul3A_1230 : vector<16xf32>
        %mul3A_1232 = arith.mulf %sub3A_1207, %sub3A_1213 : vector<16xf32>
        %add3A_1233 = arith.addf %add3A_1231, %mul3A_1232 : vector<16xf32>
        %mul3A_1234 = arith.mulf %sub3A_1206, %sub3A_1213 : vector<16xf32>
        %mul3A_1235 = arith.mulf %sub3A_1207, %sub3A_1212 : vector<16xf32>
        %sub3A_1236 = arith.subf %mul3A_1234, %mul3A_1235 : vector<16xf32>
        %mul3A_1237 = arith.mulf %sub3A_1207, %sub3A_1211 : vector<16xf32>
        %mul3A_1238 = arith.mulf %sub3A_1205, %sub3A_1213 : vector<16xf32>
        %sub3A_1239 = arith.subf %mul3A_1237, %mul3A_1238 : vector<16xf32>
        %mul3A_1240 = arith.mulf %sub3A_1205, %sub3A_1212 : vector<16xf32>
        %mul3A_1241 = arith.mulf %sub3A_1206, %sub3A_1211 : vector<16xf32>
        %sub3A_1242 = arith.subf %mul3A_1240, %mul3A_1241 : vector<16xf32>
        %mul3A_1243 = arith.mulf %sub3A_1208, %sub3A_1236 : vector<16xf32>
        %mul3A_1244 = arith.mulf %sub3A_1209, %sub3A_1239 : vector<16xf32>
        %add3A_1245 = arith.addf %mul3A_1243, %mul3A_1244 : vector<16xf32>
        %mul3A_1246 = arith.mulf %sub3A_1210, %sub3A_1242 : vector<16xf32>
        %add3A_1247 = arith.addf %add3A_1245, %mul3A_1246 : vector<16xf32>
        %broadcast_in_dim3A_1248 = arith.constant 0.000000e+00 : f32
        %broadcast_in_dim3A_1249 = vector.broadcast %broadcast_in_dim3A_1248 : f32 to vector<16xf32>
        %broadcast_in_dim3A_1250 = arith.constant 1.000000e+00 : f32
        %broadcast_in_dim3A_1251 = vector.broadcast %broadcast_in_dim3A_1250 : f32 to vector<16xf32>
        %eq3A = arith.cmpf oeq, %add3A_1218, %broadcast_in_dim3A_1249 : vector<16xf32>
        %select_n3A = arith.select %eq3A, %broadcast_in_dim3A_1251, %add3A_1218 : vector<16xi1>, vector<16xf32>
        %bitcast3A = vector.bitcast %select_n3A : vector<16xf32> to vector<16xi32>
        %broadcast_in_dim3A_1252 = arith.constant 1597463007 : i32
        %broadcast_in_dim3A_1253 = vector.broadcast %broadcast_in_dim3A_1252 : i32 to vector<16xi32>
        %shift_right_arithmetic3A = arith.constant 1 : i32
        %shift_right_arithmetic3A_1254 = vector.broadcast %shift_right_arithmetic3A : i32 to vector<16xi32>
        %shift_right_arithmetic3A_1255 = arith.shrsi %bitcast3A, %shift_right_arithmetic3A_1254 : vector<16xi32>
        %sub3A_1256 = arith.subi %broadcast_in_dim3A_1253, %shift_right_arithmetic3A_1255 : vector<16xi32>
        %bitcast3A_1257 = vector.bitcast %sub3A_1256 : vector<16xi32> to vector<16xf32>
        %broadcast_in_dim3A_1258 = arith.constant 5.000000e-01 : f32
        %broadcast_in_dim3A_1259 = vector.broadcast %broadcast_in_dim3A_1258 : f32 to vector<16xf32>
        %mul3A_1260 = arith.mulf %broadcast_in_dim3A_1259, %select_n3A : vector<16xf32>
        %broadcast_in_dim3A_1261 = arith.constant 1.500000e+00 : f32
        %broadcast_in_dim3A_1262 = vector.broadcast %broadcast_in_dim3A_1261 : f32 to vector<16xf32>
        %mul3A_1263 = arith.mulf %mul3A_1260, %bitcast3A_1257 : vector<16xf32>
        %mul3A_1264 = arith.mulf %mul3A_1263, %bitcast3A_1257 : vector<16xf32>
        %sub3A_1265 = arith.subf %broadcast_in_dim3A_1262, %mul3A_1264 : vector<16xf32>
        %mul3A_1266 = arith.mulf %bitcast3A_1257, %sub3A_1265 : vector<16xf32>
        %broadcast_in_dim3A_1267 = arith.constant 1.500000e+00 : f32
        %broadcast_in_dim3A_1268 = vector.broadcast %broadcast_in_dim3A_1267 : f32 to vector<16xf32>
        %mul3A_1269 = arith.mulf %mul3A_1260, %mul3A_1266 : vector<16xf32>
        %mul3A_1270 = arith.mulf %mul3A_1269, %mul3A_1266 : vector<16xf32>
        %sub3A_1271 = arith.subf %broadcast_in_dim3A_1268, %mul3A_1270 : vector<16xf32>
        %mul3A_1272 = arith.mulf %mul3A_1266, %sub3A_1271 : vector<16xf32>
        %broadcast_in_dim3A_1273 = arith.constant 1.500000e+00 : f32
        %broadcast_in_dim3A_1274 = vector.broadcast %broadcast_in_dim3A_1273 : f32 to vector<16xf32>
        %mul3A_1275 = arith.mulf %mul3A_1260, %mul3A_1272 : vector<16xf32>
        %mul3A_1276 = arith.mulf %mul3A_1275, %mul3A_1272 : vector<16xf32>
        %sub3A_1277 = arith.subf %broadcast_in_dim3A_1274, %mul3A_1276 : vector<16xf32>
        %mul3A_1278 = arith.mulf %mul3A_1272, %sub3A_1277 : vector<16xf32>
        %mul3A_1279 = arith.mulf %add3A_1218, %add3A_1233 : vector<16xf32>
        %mul3A_1280 = arith.mulf %add3A_1223, %add3A_1228 : vector<16xf32>
        %sub3A_1281 = arith.subf %mul3A_1279, %mul3A_1280 : vector<16xf32>
        %mul3A_1282 = arith.mulf %add3A_1218, %mul3A_1278 : vector<16xf32>
        %mul3A_1283 = arith.mulf %mul3A_1282, %add3A_1247 : vector<16xf32>
        %select_n3A_1284 = arith.select %eq3A, %add3A_1233, %sub3A_1281 : vector<16xi1>, vector<16xf32>
        %select_n3A_1285 = arith.select %eq3A, %broadcast_in_dim3A_1249, %mul3A_1283 : vector<16xi1>, vector<16xf32>
        %mul3A_1286 = arith.mulf %select_n3A_1284, %select_n3A_1284 : vector<16xf32>
        %mul3A_1287 = arith.mulf %select_n3A_1285, %select_n3A_1285 : vector<16xf32>
        %add3A_1288 = arith.addf %mul3A_1286, %mul3A_1287 : vector<16xf32>
        %eq3A_1289 = arith.cmpf oeq, %add3A_1288, %broadcast_in_dim3A_1249 : vector<16xf32>
        %select_n3A_1290 = arith.select %eq3A_1289, %broadcast_in_dim3A_1251, %add3A_1288 : vector<16xi1>, vector<16xf32>
        %bitcast3A_1291 = vector.bitcast %select_n3A_1290 : vector<16xf32> to vector<16xi32>
        %broadcast_in_dim3A_1292 = arith.constant 1597463007 : i32
        %broadcast_in_dim3A_1293 = vector.broadcast %broadcast_in_dim3A_1292 : i32 to vector<16xi32>
        %shift_right_arithmetic3A_1294 = arith.constant 1 : i32
        %shift_right_arithmetic3A_1295 = vector.broadcast %shift_right_arithmetic3A_1294 : i32 to vector<16xi32>
        %shift_right_arithmetic3A_1296 = arith.shrsi %bitcast3A_1291, %shift_right_arithmetic3A_1295 : vector<16xi32>
        %sub3A_1297 = arith.subi %broadcast_in_dim3A_1293, %shift_right_arithmetic3A_1296 : vector<16xi32>
        %bitcast3A_1298 = vector.bitcast %sub3A_1297 : vector<16xi32> to vector<16xf32>
        %broadcast_in_dim3A_1299 = arith.constant 5.000000e-01 : f32
        %broadcast_in_dim3A_1300 = vector.broadcast %broadcast_in_dim3A_1299 : f32 to vector<16xf32>
        %mul3A_1301 = arith.mulf %broadcast_in_dim3A_1300, %select_n3A_1290 : vector<16xf32>
        %broadcast_in_dim3A_1302 = arith.constant 1.500000e+00 : f32
        %broadcast_in_dim3A_1303 = vector.broadcast %broadcast_in_dim3A_1302 : f32 to vector<16xf32>
        %mul3A_1304 = arith.mulf %mul3A_1301, %bitcast3A_1298 : vector<16xf32>
        %mul3A_1305 = arith.mulf %mul3A_1304, %bitcast3A_1298 : vector<16xf32>
        %sub3A_1306 = arith.subf %broadcast_in_dim3A_1303, %mul3A_1305 : vector<16xf32>
        %mul3A_1307 = arith.mulf %bitcast3A_1298, %sub3A_1306 : vector<16xf32>
        %broadcast_in_dim3A_1308 = arith.constant 1.500000e+00 : f32
        %broadcast_in_dim3A_1309 = vector.broadcast %broadcast_in_dim3A_1308 : f32 to vector<16xf32>
        %mul3A_1310 = arith.mulf %mul3A_1301, %mul3A_1307 : vector<16xf32>
        %mul3A_1311 = arith.mulf %mul3A_1310, %mul3A_1307 : vector<16xf32>
        %sub3A_1312 = arith.subf %broadcast_in_dim3A_1309, %mul3A_1311 : vector<16xf32>
        %mul3A_1313 = arith.mulf %mul3A_1307, %sub3A_1312 : vector<16xf32>
        %broadcast_in_dim3A_1314 = arith.constant 1.500000e+00 : f32
        %broadcast_in_dim3A_1315 = vector.broadcast %broadcast_in_dim3A_1314 : f32 to vector<16xf32>
        %mul3A_1316 = arith.mulf %mul3A_1301, %mul3A_1313 : vector<16xf32>
        %mul3A_1317 = arith.mulf %mul3A_1316, %mul3A_1313 : vector<16xf32>
        %sub3A_1318 = arith.subf %broadcast_in_dim3A_1315, %mul3A_1317 : vector<16xf32>
        %mul3A_1319 = arith.mulf %mul3A_1313, %sub3A_1318 : vector<16xf32>
        %mul3A_1320 = arith.mulf %select_n3A_1284, %mul3A_1319 : vector<16xf32>
        %select_n3A_1321 = arith.select %eq3A_1289, %broadcast_in_dim3A_1251, %mul3A_1320 : vector<16xi1>, vector<16xf32>
        %mul3A_1322 = arith.mulf %select_n3A_1285, %mul3A_1319 : vector<16xf32>
        %select_n3A_1323 = arith.select %eq3A_1289, %broadcast_in_dim3A_1249, %mul3A_1322 : vector<16xi1>, vector<16xf32>
        %add3A_1324 = arith.constant 384 : i32
        %add3A_1325 = arith.addi %add3A_1324, %mul3A_1088 : i32
        %swap3A = arith.index_cast %add3A_1325 : i32 to index
        %swap3A_1326 = tpu.vector_load %arg14[%swap3A] {strides = array<i32>} : memref<512xf32, #tpu.memory_space<vmem>>, vector<16xf32>,
        tpu.vector_store %arg14[%swap3A], %select_n3A_1321 {strides = array<i32>} : memref<512xf32, #tpu.memory_space<vmem>>, vector<16xf32>,
        %swap3A_1327 = arith.index_cast %add3A_1325 : i32 to index
        %swap3A_1328 = tpu.vector_load %arg15[%swap3A_1327] {strides = array<i32>} : memref<512xf32, #tpu.memory_space<vmem>>, vector<16xf32>,
        tpu.vector_store %arg15[%swap3A_1327], %select_n3A_1323 {strides = array<i32>} : memref<512xf32, #tpu.memory_space<vmem>>, vector<16xf32>,
        %broadcast_in_dim3A_1329 = arith.constant 20 : i32
        %broadcast_in_dim3A_1330 = vector.broadcast %broadcast_in_dim3A_1329 : i32 to vector<16xi32>
        %mul3A_1331 = arith.muli %convert_element_type3A, %broadcast_in_dim3A_1330 : vector<16xi32>
        %add3A_1332 = arith.addi %mul3A_1331, %convert_element_type3A_1188 : vector<16xi32>
        %mul3A_1333 = arith.muli %add3A_1332, %broadcast_in_dim3A_1330 : vector<16xi32>
        %add3A_1334 = arith.addi %mul3A_1333, %convert_element_type3A_1196 : vector<16xi32>
        %mul3A_1335 = arith.muli %add3A_1334, %broadcast_in_dim3A_1330 : vector<16xi32>
        %add3A_1336 = arith.addi %mul3A_1335, %convert_element_type3A_1204 : vector<16xi32>
        %swap3A_1337 = arith.constant 3 : i32
        %swap3A_1338 = arith.index_cast %swap3A_1337 : i32 to index
        %swap3A_1339 = arith.index_cast %mul3A_1088 : i32 to index
        %swap3A_1340 = tpu.vector_load %arg13[%swap3A_1338, %swap3A_1339] {strides = array<i32>} : memref<4x128xi32, #tpu.memory_space<vmem>>, vector<16xi32>,
        tpu.vector_store %arg13[%swap3A_1338, %swap3A_1339], %add3A_1336 {strides = array<i32>} : memref<4x128xi32, #tpu.memory_space<vmem>>, vector<16xi32>,
      }
      %scan3A_958 = arith.constant 8 : i32
      %dma_start3A_959 = arith.constant 3 : i32
      %dma_start3A_960 = arith.constant 384 : i32
      %dma_start3A_961 = arith.constant 0 : i32
      %dma_start3A_962 = tpu.memref_slice %arg16[%dma_start3A_960, %dma_start3A_961] : memref<512x16xf32, #tpu.memory_space<vmem>> -> memref<128x16xf32, #tpu.memory_space<vmem>>
      %dma_start3A_963 = arith.constant 0 : i32
      %dma_start3A_964 = tpu.memref_slice %arg13[%dma_start3A_959, %dma_start3A_963] : memref<4x128xi32, #tpu.memory_space<vmem>> -> memref<1x128xi32, #tpu.memory_space<vmem>>
      %dma_start3A_965 = tpu.memref_squeeze %dma_start3A_964 : memref<1x128xi32, #tpu.memory_space<vmem>> -> memref<128xi32, #tpu.memory_space<vmem>>
      %dma_start3A_966 = arith.constant 0 : i32
      %dma_start3A_967 = arith.constant 0 : i32
      %dma_start3A_968 = tpu.memref_slice %arg8[%dma_start3A_966, %dma_start3A_967] : memref<160000x16xf32, #tpu.memory_space<hbm>> -> memref<160000x16xf32, #tpu.memory_space<hbm>>
      tpu.enqueue_indirect_dma source(%dma_start3A_968 : memref<160000x16xf32, #tpu.memory_space<hbm>>) target(%dma_start3A_962 : memref<128x16xf32, #tpu.memory_space<vmem>>) offsets(%dma_start3A_965 : memref<128xi32, #tpu.memory_space<vmem>>) semaphore(%arg21 : memref<!tpu.dma_semaphore, #tpu.memory_space<semaphore_mem>>)
      %mul3A_969 = arith.constant 512 : i32
      %mul3A_970 = arith.muli %and3A_413, %mul3A_969 : i32
      %dma_wait3A_971 = arith.constant 0 : i32
      %dma_wait3A_972 = arith.constant 0 : i32
      %dma_wait3A_973 = tpu.memref_slice %arg16[%dma_wait3A_971, %dma_wait3A_972] : memref<512x16xf32, #tpu.memory_space<vmem>> -> memref<128x16xf32, #tpu.memory_space<vmem>>
      %dma_wait3A_974 = arith.constant 0 : i32
      %dma_wait3A_975 = arith.constant 0 : i32
      %dma_wait3A_976 = tpu.memref_slice %arg8[%dma_wait3A_974, %dma_wait3A_975] : memref<160000x16xf32, #tpu.memory_space<hbm>> -> memref<128x16xf32, #tpu.memory_space<hbm>>
      %dma_wait3A_977 = arith.constant 0 : i32
      %dma_wait3A_978 = arith.constant 0 : i32
      %dma_wait3A_979 = tpu.memref_slice %arg16[%dma_wait3A_977, %dma_wait3A_978] : memref<512x16xf32, #tpu.memory_space<vmem>> -> memref<128x16xf32, #tpu.memory_space<vmem>>
      %dma_wait3A_980 = arith.constant 0 : i32
      %dma_wait3A_981 = arith.constant 0 : i32
      %dma_wait3A_982 = tpu.memref_slice %arg8[%dma_wait3A_980, %dma_wait3A_981] : memref<160000x16xf32, #tpu.memory_space<hbm>> -> memref<128x16xf32, #tpu.memory_space<hbm>>
      tpu.wait_dma2 semaphore(%arg21 : memref<!tpu.dma_semaphore, #tpu.memory_space<semaphore_mem>>) src(%dma_wait3A_982 : memref<128x16xf32, #tpu.memory_space<hbm>>) dst(%dma_wait3A_979 : memref<128x16xf32, #tpu.memory_space<vmem>>)
      %scan3A_983 = arith.constant 0 : i32
      %scan3A_984 = arith.constant 0 : i32
      %scan3A_985 = arith.constant 8 : i32
      %scan3A_986 = arith.addi %scan3A_984, %scan3A_985 : i32
      %scan3A_987 = arith.constant 1 : i32
      scf.for %scan3A_1086 = %scan3A_984 to %scan3A_986 step %scan3A_987  : i32 {
        %mul3A_1087 = arith.constant 16 : i32
        %mul3A_1088 = arith.muli %scan3A_1086, %mul3A_1087 : i32
        %add3A_1089 = arith.constant 0 : i32
        %add3A_1090 = arith.addi %add3A_1089, %mul3A_1088 : i32
        %add3A_1091 = vector.broadcast %mul3A_1088 : i32 to vector<16xi32>
        %add3A_1092 = arith.addi %iota3A, %add3A_1091 : vector<16xi32>
        %add3A_1093 = arith.constant 0 : i32
        %add3A_1094 = vector.broadcast %add3A_1093 : i32 to vector<16xi32>
        %add3A_1095 = arith.addi %add3A_1092, %add3A_1094 : vector<16xi32>
        %broadcast_in_dim3A_1096 = arith.constant 0 : i32
        %broadcast_in_dim3A_1097 = vector.broadcast %broadcast_in_dim3A_1096 : i32 to vector<16xi32>
        %gather3A = tpu.vector_load_idx %arg16[%add3A_1095, %broadcast_in_dim3A_1097] : memref<512x16xf32, #tpu.memory_space<vmem>>[vector<16xi32>, vector<16xi32>], vector<16xf32>,
        %broadcast_in_dim3A_1098 = arith.constant 1 : i32
        %broadcast_in_dim3A_1099 = vector.broadcast %broadcast_in_dim3A_1098 : i32 to vector<16xi32>
        %gather3A_1100 = tpu.vector_load_idx %arg16[%add3A_1095, %broadcast_in_dim3A_1099] : memref<512x16xf32, #tpu.memory_space<vmem>>[vector<16xi32>, vector<16xi32>], vector<16xf32>,
        %broadcast_in_dim3A_1101 = arith.constant 2 : i32
        %broadcast_in_dim3A_1102 = vector.broadcast %broadcast_in_dim3A_1101 : i32 to vector<16xi32>
        %gather3A_1103 = tpu.vector_load_idx %arg16[%add3A_1095, %broadcast_in_dim3A_1102] : memref<512x16xf32, #tpu.memory_space<vmem>>[vector<16xi32>, vector<16xi32>], vector<16xf32>,
        %broadcast_in_dim3A_1104 = arith.constant 3 : i32
        %broadcast_in_dim3A_1105 = vector.broadcast %broadcast_in_dim3A_1104 : i32 to vector<16xi32>
        %gather3A_1106 = tpu.vector_load_idx %arg16[%add3A_1095, %broadcast_in_dim3A_1105] : memref<512x16xf32, #tpu.memory_space<vmem>>[vector<16xi32>, vector<16xi32>], vector<16xf32>,
        %broadcast_in_dim3A_1107 = arith.constant 4 : i32
        %broadcast_in_dim3A_1108 = vector.broadcast %broadcast_in_dim3A_1107 : i32 to vector<16xi32>
        %gather3A_1109 = tpu.vector_load_idx %arg16[%add3A_1095, %broadcast_in_dim3A_1108] : memref<512x16xf32, #tpu.memory_space<vmem>>[vector<16xi32>, vector<16xi32>], vector<16xf32>,
        %broadcast_in_dim3A_1110 = arith.constant 5 : i32
        %broadcast_in_dim3A_1111 = vector.broadcast %broadcast_in_dim3A_1110 : i32 to vector<16xi32>
        %gather3A_1112 = tpu.vector_load_idx %arg16[%add3A_1095, %broadcast_in_dim3A_1111] : memref<512x16xf32, #tpu.memory_space<vmem>>[vector<16xi32>, vector<16xi32>], vector<16xf32>,
        %broadcast_in_dim3A_1113 = arith.constant 6 : i32
        %broadcast_in_dim3A_1114 = vector.broadcast %broadcast_in_dim3A_1113 : i32 to vector<16xi32>
        %gather3A_1115 = tpu.vector_load_idx %arg16[%add3A_1095, %broadcast_in_dim3A_1114] : memref<512x16xf32, #tpu.memory_space<vmem>>[vector<16xi32>, vector<16xi32>], vector<16xf32>,
        %get3A = arith.index_cast %add3A_1090 : i32 to index
        %get3A_1116 = tpu.vector_load %arg14[%get3A] {strides = array<i32>} : memref<512xf32, #tpu.memory_space<vmem>>, vector<16xf32>,
        %get3A_1117 = arith.index_cast %add3A_1090 : i32 to index
        %get3A_1118 = tpu.vector_load %arg15[%get3A_1117] {strides = array<i32>} : memref<512xf32, #tpu.memory_space<vmem>>, vector<16xf32>,
        %add3A_1119 = arith.addi %mul3A_970, %add3A_1090 : i32
        %get3A_1120 = arith.index_cast %add3A_1119 : i32 to index
        %get3A_1121 = tpu.vector_load %arg11[%get3A_1120] {strides = array<i32>} : memref<1024xi32, #tpu.memory_space<vmem>>, vector<16xi32>,
        %broadcast_in_dim3A_1122 = arith.constant 1.000000e+00 : f32
        %broadcast_in_dim3A_1123 = vector.broadcast %broadcast_in_dim3A_1122 : f32 to vector<16xf32>
        %broadcast_in_dim3A_1124 = arith.constant 2.000000e+00 : f32
        %broadcast_in_dim3A_1125 = vector.broadcast %broadcast_in_dim3A_1124 : f32 to vector<16xf32>
        %mul3A_1126 = arith.mulf %broadcast_in_dim3A_1125, %get3A_1116 : vector<16xf32>
        %mul3A_1127 = arith.mulf %mul3A_1126, %get3A_1116 : vector<16xf32>
        %sub3A_1128 = arith.subf %mul3A_1127, %broadcast_in_dim3A_1123 : vector<16xf32>
        %mul3A_1129 = arith.mulf %broadcast_in_dim3A_1125, %get3A_1118 : vector<16xf32>
        %mul3A_1130 = arith.mulf %mul3A_1129, %get3A_1116 : vector<16xf32>
        %mul3A_1131 = arith.mulf %broadcast_in_dim3A_1125, %sub3A_1128 : vector<16xf32>
        %sub3A_1132 = arith.subf %mul3A_1131, %broadcast_in_dim3A_1123 : vector<16xf32>
        %mul3A_1133 = arith.mulf %get3A_1116, %sub3A_1132 : vector<16xf32>
        %add3A_1134 = arith.addf %mul3A_1131, %broadcast_in_dim3A_1123 : vector<16xf32>
        %mul3A_1135 = arith.mulf %get3A_1118, %add3A_1134 : vector<16xf32>
        %mul3A_1136 = arith.mulf %gather3A_1100, %get3A_1116 : vector<16xf32>
        %mul3A_1137 = arith.mulf %gather3A_1103, %get3A_1118 : vector<16xf32>
        %add3A_1138 = arith.addf %mul3A_1136, %mul3A_1137 : vector<16xf32>
        %mul3A_1139 = arith.mulf %gather3A_1106, %sub3A_1128 : vector<16xf32>
        %add3A_1140 = arith.addf %add3A_1138, %mul3A_1139 : vector<16xf32>
        %mul3A_1141 = arith.mulf %gather3A_1109, %mul3A_1130 : vector<16xf32>
        %add3A_1142 = arith.addf %add3A_1140, %mul3A_1141 : vector<16xf32>
        %mul3A_1143 = arith.mulf %gather3A_1112, %mul3A_1133 : vector<16xf32>
        %add3A_1144 = arith.addf %add3A_1142, %mul3A_1143 : vector<16xf32>
        %mul3A_1145 = arith.mulf %gather3A_1115, %mul3A_1135 : vector<16xf32>
        %add3A_1146 = arith.addf %add3A_1144, %mul3A_1145 : vector<16xf32>
        %sub3A_1147 = arith.subf %gather3A, %add3A_1146 : vector<16xf32>
        %broadcast_in_dim3A_1148 = arith.constant 1024 : i32
        %broadcast_in_dim3A_1149 = vector.broadcast %broadcast_in_dim3A_1148 : i32 to vector<16xi32>
        %mul3A_1150 = arith.muli %iota3A, %broadcast_in_dim3A_1149 : vector<16xi32>
        %add3A_1151 = arith.addi %mul3A_1150, %get3A_1121 : vector<16xi32>
        tpu.vector_store_idx %arg17[%add3A_1151], %sub3A_1147 {add = true} : memref<16384xf32, #tpu.memory_space<vmem>>[vector<16xi32>], vector<16xf32>,
      }
      %scan3A_988 = arith.constant 8 : i32
      %dma_wait3A_989 = arith.constant 128 : i32
      %dma_wait3A_990 = arith.constant 0 : i32
      %dma_wait3A_991 = tpu.memref_slice %arg16[%dma_wait3A_989, %dma_wait3A_990] : memref<512x16xf32, #tpu.memory_space<vmem>> -> memref<128x16xf32, #tpu.memory_space<vmem>>
      %dma_wait3A_992 = arith.constant 0 : i32
      %dma_wait3A_993 = arith.constant 0 : i32
      %dma_wait3A_994 = tpu.memref_slice %arg8[%dma_wait3A_992, %dma_wait3A_993] : memref<160000x16xf32, #tpu.memory_space<hbm>> -> memref<128x16xf32, #tpu.memory_space<hbm>>
      %dma_wait3A_995 = arith.constant 128 : i32
      %dma_wait3A_996 = arith.constant 0 : i32
      %dma_wait3A_997 = tpu.memref_slice %arg16[%dma_wait3A_995, %dma_wait3A_996] : memref<512x16xf32, #tpu.memory_space<vmem>> -> memref<128x16xf32, #tpu.memory_space<vmem>>
      %dma_wait3A_998 = arith.constant 0 : i32
      %dma_wait3A_999 = arith.constant 0 : i32
      %dma_wait3A_1000 = tpu.memref_slice %arg8[%dma_wait3A_998, %dma_wait3A_999] : memref<160000x16xf32, #tpu.memory_space<hbm>> -> memref<128x16xf32, #tpu.memory_space<hbm>>
      tpu.wait_dma2 semaphore(%arg21 : memref<!tpu.dma_semaphore, #tpu.memory_space<semaphore_mem>>) src(%dma_wait3A_1000 : memref<128x16xf32, #tpu.memory_space<hbm>>) dst(%dma_wait3A_997 : memref<128x16xf32, #tpu.memory_space<vmem>>)
      %scan3A_1001 = arith.constant 0 : i32
      %scan3A_1002 = arith.constant 0 : i32
      %scan3A_1003 = arith.constant 8 : i32
      %scan3A_1004 = arith.addi %scan3A_1002, %scan3A_1003 : i32
      %scan3A_1005 = arith.constant 1 : i32
      scf.for %scan3A_1086 = %scan3A_1002 to %scan3A_1004 step %scan3A_1005  : i32 {
        %mul3A_1087 = arith.constant 16 : i32
        %mul3A_1088 = arith.muli %scan3A_1086, %mul3A_1087 : i32
        %add3A_1089 = arith.constant 128 : i32
        %add3A_1090 = arith.addi %add3A_1089, %mul3A_1088 : i32
        %add3A_1091 = vector.broadcast %mul3A_1088 : i32 to vector<16xi32>
        %add3A_1092 = arith.addi %iota3A, %add3A_1091 : vector<16xi32>
        %add3A_1093 = arith.constant 128 : i32
        %add3A_1094 = vector.broadcast %add3A_1093 : i32 to vector<16xi32>
        %add3A_1095 = arith.addi %add3A_1092, %add3A_1094 : vector<16xi32>
        %broadcast_in_dim3A_1096 = arith.constant 0 : i32
        %broadcast_in_dim3A_1097 = vector.broadcast %broadcast_in_dim3A_1096 : i32 to vector<16xi32>
        %gather3A = tpu.vector_load_idx %arg16[%add3A_1095, %broadcast_in_dim3A_1097] : memref<512x16xf32, #tpu.memory_space<vmem>>[vector<16xi32>, vector<16xi32>], vector<16xf32>,
        %broadcast_in_dim3A_1098 = arith.constant 1 : i32
        %broadcast_in_dim3A_1099 = vector.broadcast %broadcast_in_dim3A_1098 : i32 to vector<16xi32>
        %gather3A_1100 = tpu.vector_load_idx %arg16[%add3A_1095, %broadcast_in_dim3A_1099] : memref<512x16xf32, #tpu.memory_space<vmem>>[vector<16xi32>, vector<16xi32>], vector<16xf32>,
        %broadcast_in_dim3A_1101 = arith.constant 2 : i32
        %broadcast_in_dim3A_1102 = vector.broadcast %broadcast_in_dim3A_1101 : i32 to vector<16xi32>
        %gather3A_1103 = tpu.vector_load_idx %arg16[%add3A_1095, %broadcast_in_dim3A_1102] : memref<512x16xf32, #tpu.memory_space<vmem>>[vector<16xi32>, vector<16xi32>], vector<16xf32>,
        %broadcast_in_dim3A_1104 = arith.constant 3 : i32
        %broadcast_in_dim3A_1105 = vector.broadcast %broadcast_in_dim3A_1104 : i32 to vector<16xi32>
        %gather3A_1106 = tpu.vector_load_idx %arg16[%add3A_1095, %broadcast_in_dim3A_1105] : memref<512x16xf32, #tpu.memory_space<vmem>>[vector<16xi32>, vector<16xi32>], vector<16xf32>,
        %broadcast_in_dim3A_1107 = arith.constant 4 : i32
        %broadcast_in_dim3A_1108 = vector.broadcast %broadcast_in_dim3A_1107 : i32 to vector<16xi32>
        %gather3A_1109 = tpu.vector_load_idx %arg16[%add3A_1095, %broadcast_in_dim3A_1108] : memref<512x16xf32, #tpu.memory_space<vmem>>[vector<16xi32>, vector<16xi32>], vector<16xf32>,
        %broadcast_in_dim3A_1110 = arith.constant 5 : i32
        %broadcast_in_dim3A_1111 = vector.broadcast %broadcast_in_dim3A_1110 : i32 to vector<16xi32>
        %gather3A_1112 = tpu.vector_load_idx %arg16[%add3A_1095, %broadcast_in_dim3A_1111] : memref<512x16xf32, #tpu.memory_space<vmem>>[vector<16xi32>, vector<16xi32>], vector<16xf32>,
        %broadcast_in_dim3A_1113 = arith.constant 6 : i32
        %broadcast_in_dim3A_1114 = vector.broadcast %broadcast_in_dim3A_1113 : i32 to vector<16xi32>
        %gather3A_1115 = tpu.vector_load_idx %arg16[%add3A_1095, %broadcast_in_dim3A_1114] : memref<512x16xf32, #tpu.memory_space<vmem>>[vector<16xi32>, vector<16xi32>], vector<16xf32>,
        %get3A = arith.index_cast %add3A_1090 : i32 to index
        %get3A_1116 = tpu.vector_load %arg14[%get3A] {strides = array<i32>} : memref<512xf32, #tpu.memory_space<vmem>>, vector<16xf32>,
        %get3A_1117 = arith.index_cast %add3A_1090 : i32 to index
        %get3A_1118 = tpu.vector_load %arg15[%get3A_1117] {strides = array<i32>} : memref<512xf32, #tpu.memory_space<vmem>>, vector<16xf32>,
        %add3A_1119 = arith.addi %mul3A_970, %add3A_1090 : i32
        %get3A_1120 = arith.index_cast %add3A_1119 : i32 to index
        %get3A_1121 = tpu.vector_load %arg11[%get3A_1120] {strides = array<i32>} : memref<1024xi32, #tpu.memory_space<vmem>>, vector<16xi32>,
        %broadcast_in_dim3A_1122 = arith.constant 1.000000e+00 : f32
        %broadcast_in_dim3A_1123 = vector.broadcast %broadcast_in_dim3A_1122 : f32 to vector<16xf32>
        %broadcast_in_dim3A_1124 = arith.constant 2.000000e+00 : f32
        %broadcast_in_dim3A_1125 = vector.broadcast %broadcast_in_dim3A_1124 : f32 to vector<16xf32>
        %mul3A_1126 = arith.mulf %broadcast_in_dim3A_1125, %get3A_1116 : vector<16xf32>
        %mul3A_1127 = arith.mulf %mul3A_1126, %get3A_1116 : vector<16xf32>
        %sub3A_1128 = arith.subf %mul3A_1127, %broadcast_in_dim3A_1123 : vector<16xf32>
        %mul3A_1129 = arith.mulf %broadcast_in_dim3A_1125, %get3A_1118 : vector<16xf32>
        %mul3A_1130 = arith.mulf %mul3A_1129, %get3A_1116 : vector<16xf32>
        %mul3A_1131 = arith.mulf %broadcast_in_dim3A_1125, %sub3A_1128 : vector<16xf32>
        %sub3A_1132 = arith.subf %mul3A_1131, %broadcast_in_dim3A_1123 : vector<16xf32>
        %mul3A_1133 = arith.mulf %get3A_1116, %sub3A_1132 : vector<16xf32>
        %add3A_1134 = arith.addf %mul3A_1131, %broadcast_in_dim3A_1123 : vector<16xf32>
        %mul3A_1135 = arith.mulf %get3A_1118, %add3A_1134 : vector<16xf32>
        %mul3A_1136 = arith.mulf %gather3A_1100, %get3A_1116 : vector<16xf32>
        %mul3A_1137 = arith.mulf %gather3A_1103, %get3A_1118 : vector<16xf32>
        %add3A_1138 = arith.addf %mul3A_1136, %mul3A_1137 : vector<16xf32>
        %mul3A_1139 = arith.mulf %gather3A_1106, %sub3A_1128 : vector<16xf32>
        %add3A_1140 = arith.addf %add3A_1138, %mul3A_1139 : vector<16xf32>
        %mul3A_1141 = arith.mulf %gather3A_1109, %mul3A_1130 : vector<16xf32>
        %add3A_1142 = arith.addf %add3A_1140, %mul3A_1141 : vector<16xf32>
        %mul3A_1143 = arith.mulf %gather3A_1112, %mul3A_1133 : vector<16xf32>
        %add3A_1144 = arith.addf %add3A_1142, %mul3A_1143 : vector<16xf32>
        %mul3A_1145 = arith.mulf %gather3A_1115, %mul3A_1135 : vector<16xf32>
        %add3A_1146 = arith.addf %add3A_1144, %mul3A_1145 : vector<16xf32>
        %sub3A_1147 = arith.subf %gather3A, %add3A_1146 : vector<16xf32>
        %broadcast_in_dim3A_1148 = arith.constant 1024 : i32
        %broadcast_in_dim3A_1149 = vector.broadcast %broadcast_in_dim3A_1148 : i32 to vector<16xi32>
        %mul3A_1150 = arith.muli %iota3A, %broadcast_in_dim3A_1149 : vector<16xi32>
        %add3A_1151 = arith.addi %mul3A_1150, %get3A_1121 : vector<16xi32>
        tpu.vector_store_idx %arg17[%add3A_1151], %sub3A_1147 {add = true} : memref<16384xf32, #tpu.memory_space<vmem>>[vector<16xi32>], vector<16xf32>,
      }
      %scan3A_1006 = arith.constant 8 : i32
      %dma_wait3A_1007 = arith.constant 256 : i32
      %dma_wait3A_1008 = arith.constant 0 : i32
      %dma_wait3A_1009 = tpu.memref_slice %arg16[%dma_wait3A_1007, %dma_wait3A_1008] : memref<512x16xf32, #tpu.memory_space<vmem>> -> memref<128x16xf32, #tpu.memory_space<vmem>>
      %dma_wait3A_1010 = arith.constant 0 : i32
      %dma_wait3A_1011 = arith.constant 0 : i32
      %dma_wait3A_1012 = tpu.memref_slice %arg8[%dma_wait3A_1010, %dma_wait3A_1011] : memref<160000x16xf32, #tpu.memory_space<hbm>> -> memref<128x16xf32, #tpu.memory_space<hbm>>
      %dma_wait3A_1013 = arith.constant 256 : i32
      %dma_wait3A_1014 = arith.constant 0 : i32
      %dma_wait3A_1015 = tpu.memref_slice %arg16[%dma_wait3A_1013, %dma_wait3A_1014] : memref<512x16xf32, #tpu.memory_space<vmem>> -> memref<128x16xf32, #tpu.memory_space<vmem>>
      %dma_wait3A_1016 = arith.constant 0 : i32
      %dma_wait3A_1017 = arith.constant 0 : i32
      %dma_wait3A_1018 = tpu.memref_slice %arg8[%dma_wait3A_1016, %dma_wait3A_1017] : memref<160000x16xf32, #tpu.memory_space<hbm>> -> memref<128x16xf32, #tpu.memory_space<hbm>>
      tpu.wait_dma2 semaphore(%arg21 : memref<!tpu.dma_semaphore, #tpu.memory_space<semaphore_mem>>) src(%dma_wait3A_1018 : memref<128x16xf32, #tpu.memory_space<hbm>>) dst(%dma_wait3A_1015 : memref<128x16xf32, #tpu.memory_space<vmem>>)
      %scan3A_1019 = arith.constant 0 : i32
      %scan3A_1020 = arith.constant 0 : i32
      %scan3A_1021 = arith.constant 8 : i32
      %scan3A_1022 = arith.addi %scan3A_1020, %scan3A_1021 : i32
      %scan3A_1023 = arith.constant 1 : i32
      scf.for %scan3A_1086 = %scan3A_1020 to %scan3A_1022 step %scan3A_1023  : i32 {
        %mul3A_1087 = arith.constant 16 : i32
        %mul3A_1088 = arith.muli %scan3A_1086, %mul3A_1087 : i32
        %add3A_1089 = arith.constant 256 : i32
        %add3A_1090 = arith.addi %add3A_1089, %mul3A_1088 : i32
        %add3A_1091 = vector.broadcast %mul3A_1088 : i32 to vector<16xi32>
        %add3A_1092 = arith.addi %iota3A, %add3A_1091 : vector<16xi32>
        %add3A_1093 = arith.constant 256 : i32
        %add3A_1094 = vector.broadcast %add3A_1093 : i32 to vector<16xi32>
        %add3A_1095 = arith.addi %add3A_1092, %add3A_1094 : vector<16xi32>
        %broadcast_in_dim3A_1096 = arith.constant 0 : i32
        %broadcast_in_dim3A_1097 = vector.broadcast %broadcast_in_dim3A_1096 : i32 to vector<16xi32>
        %gather3A = tpu.vector_load_idx %arg16[%add3A_1095, %broadcast_in_dim3A_1097] : memref<512x16xf32, #tpu.memory_space<vmem>>[vector<16xi32>, vector<16xi32>], vector<16xf32>,
        %broadcast_in_dim3A_1098 = arith.constant 1 : i32
        %broadcast_in_dim3A_1099 = vector.broadcast %broadcast_in_dim3A_1098 : i32 to vector<16xi32>
        %gather3A_1100 = tpu.vector_load_idx %arg16[%add3A_1095, %broadcast_in_dim3A_1099] : memref<512x16xf32, #tpu.memory_space<vmem>>[vector<16xi32>, vector<16xi32>], vector<16xf32>,
        %broadcast_in_dim3A_1101 = arith.constant 2 : i32
        %broadcast_in_dim3A_1102 = vector.broadcast %broadcast_in_dim3A_1101 : i32 to vector<16xi32>
        %gather3A_1103 = tpu.vector_load_idx %arg16[%add3A_1095, %broadcast_in_dim3A_1102] : memref<512x16xf32, #tpu.memory_space<vmem>>[vector<16xi32>, vector<16xi32>], vector<16xf32>,
        %broadcast_in_dim3A_1104 = arith.constant 3 : i32
        %broadcast_in_dim3A_1105 = vector.broadcast %broadcast_in_dim3A_1104 : i32 to vector<16xi32>
        %gather3A_1106 = tpu.vector_load_idx %arg16[%add3A_1095, %broadcast_in_dim3A_1105] : memref<512x16xf32, #tpu.memory_space<vmem>>[vector<16xi32>, vector<16xi32>], vector<16xf32>,
        %broadcast_in_dim3A_1107 = arith.constant 4 : i32
        %broadcast_in_dim3A_1108 = vector.broadcast %broadcast_in_dim3A_1107 : i32 to vector<16xi32>
        %gather3A_1109 = tpu.vector_load_idx %arg16[%add3A_1095, %broadcast_in_dim3A_1108] : memref<512x16xf32, #tpu.memory_space<vmem>>[vector<16xi32>, vector<16xi32>], vector<16xf32>,
        %broadcast_in_dim3A_1110 = arith.constant 5 : i32
        %broadcast_in_dim3A_1111 = vector.broadcast %broadcast_in_dim3A_1110 : i32 to vector<16xi32>
        %gather3A_1112 = tpu.vector_load_idx %arg16[%add3A_1095, %broadcast_in_dim3A_1111] : memref<512x16xf32, #tpu.memory_space<vmem>>[vector<16xi32>, vector<16xi32>], vector<16xf32>,
        %broadcast_in_dim3A_1113 = arith.constant 6 : i32
        %broadcast_in_dim3A_1114 = vector.broadcast %broadcast_in_dim3A_1113 : i32 to vector<16xi32>
        %gather3A_1115 = tpu.vector_load_idx %arg16[%add3A_1095, %broadcast_in_dim3A_1114] : memref<512x16xf32, #tpu.memory_space<vmem>>[vector<16xi32>, vector<16xi32>], vector<16xf32>,
        %get3A = arith.index_cast %add3A_1090 : i32 to index
        %get3A_1116 = tpu.vector_load %arg14[%get3A] {strides = array<i32>} : memref<512xf32, #tpu.memory_space<vmem>>, vector<16xf32>,
        %get3A_1117 = arith.index_cast %add3A_1090 : i32 to index
        %get3A_1118 = tpu.vector_load %arg15[%get3A_1117] {strides = array<i32>} : memref<512xf32, #tpu.memory_space<vmem>>, vector<16xf32>,
        %add3A_1119 = arith.addi %mul3A_970, %add3A_1090 : i32
        %get3A_1120 = arith.index_cast %add3A_1119 : i32 to index
        %get3A_1121 = tpu.vector_load %arg11[%get3A_1120] {strides = array<i32>} : memref<1024xi32, #tpu.memory_space<vmem>>, vector<16xi32>,
        %broadcast_in_dim3A_1122 = arith.constant 1.000000e+00 : f32
        %broadcast_in_dim3A_1123 = vector.broadcast %broadcast_in_dim3A_1122 : f32 to vector<16xf32>
        %broadcast_in_dim3A_1124 = arith.constant 2.000000e+00 : f32
        %broadcast_in_dim3A_1125 = vector.broadcast %broadcast_in_dim3A_1124 : f32 to vector<16xf32>
        %mul3A_1126 = arith.mulf %broadcast_in_dim3A_1125, %get3A_1116 : vector<16xf32>
        %mul3A_1127 = arith.mulf %mul3A_1126, %get3A_1116 : vector<16xf32>
        %sub3A_1128 = arith.subf %mul3A_1127, %broadcast_in_dim3A_1123 : vector<16xf32>
        %mul3A_1129 = arith.mulf %broadcast_in_dim3A_1125, %get3A_1118 : vector<16xf32>
        %mul3A_1130 = arith.mulf %mul3A_1129, %get3A_1116 : vector<16xf32>
        %mul3A_1131 = arith.mulf %broadcast_in_dim3A_1125, %sub3A_1128 : vector<16xf32>
        %sub3A_1132 = arith.subf %mul3A_1131, %broadcast_in_dim3A_1123 : vector<16xf32>
        %mul3A_1133 = arith.mulf %get3A_1116, %sub3A_1132 : vector<16xf32>
        %add3A_1134 = arith.addf %mul3A_1131, %broadcast_in_dim3A_1123 : vector<16xf32>
        %mul3A_1135 = arith.mulf %get3A_1118, %add3A_1134 : vector<16xf32>
        %mul3A_1136 = arith.mulf %gather3A_1100, %get3A_1116 : vector<16xf32>
        %mul3A_1137 = arith.mulf %gather3A_1103, %get3A_1118 : vector<16xf32>
        %add3A_1138 = arith.addf %mul3A_1136, %mul3A_1137 : vector<16xf32>
        %mul3A_1139 = arith.mulf %gather3A_1106, %sub3A_1128 : vector<16xf32>
        %add3A_1140 = arith.addf %add3A_1138, %mul3A_1139 : vector<16xf32>
        %mul3A_1141 = arith.mulf %gather3A_1109, %mul3A_1130 : vector<16xf32>
        %add3A_1142 = arith.addf %add3A_1140, %mul3A_1141 : vector<16xf32>
        %mul3A_1143 = arith.mulf %gather3A_1112, %mul3A_1133 : vector<16xf32>
        %add3A_1144 = arith.addf %add3A_1142, %mul3A_1143 : vector<16xf32>
        %mul3A_1145 = arith.mulf %gather3A_1115, %mul3A_1135 : vector<16xf32>
        %add3A_1146 = arith.addf %add3A_1144, %mul3A_1145 : vector<16xf32>
        %sub3A_1147 = arith.subf %gather3A, %add3A_1146 : vector<16xf32>
        %broadcast_in_dim3A_1148 = arith.constant 1024 : i32
        %broadcast_in_dim3A_1149 = vector.broadcast %broadcast_in_dim3A_1148 : i32 to vector<16xi32>
        %mul3A_1150 = arith.muli %iota3A, %broadcast_in_dim3A_1149 : vector<16xi32>
        %add3A_1151 = arith.addi %mul3A_1150, %get3A_1121 : vector<16xi32>
        tpu.vector_store_idx %arg17[%add3A_1151], %sub3A_1147 {add = true} : memref<16384xf32, #tpu.memory_space<vmem>>[vector<16xi32>], vector<16xf32>,
      }
      %scan3A_1024 = arith.constant 8 : i32
      %dma_wait3A_1025 = arith.constant 384 : i32
      %dma_wait3A_1026 = arith.constant 0 : i32
      %dma_wait3A_1027 = tpu.memref_slice %arg16[%dma_wait3A_1025, %dma_wait3A_1026] : memref<512x16xf32, #tpu.memory_space<vmem>> -> memref<128x16xf32, #tpu.memory_space<vmem>>
      %dma_wait3A_1028 = arith.constant 0 : i32
      %dma_wait3A_1029 = arith.constant 0 : i32
      %dma_wait3A_1030 = tpu.memref_slice %arg8[%dma_wait3A_1028, %dma_wait3A_1029] : memref<160000x16xf32, #tpu.memory_space<hbm>> -> memref<128x16xf32, #tpu.memory_space<hbm>>
      %dma_wait3A_1031 = arith.constant 384 : i32
      %dma_wait3A_1032 = arith.constant 0 : i32
      %dma_wait3A_1033 = tpu.memref_slice %arg16[%dma_wait3A_1031, %dma_wait3A_1032] : memref<512x16xf32, #tpu.memory_space<vmem>> -> memref<128x16xf32, #tpu.memory_space<vmem>>
      %dma_wait3A_1034 = arith.constant 0 : i32
      %dma_wait3A_1035 = arith.constant 0 : i32
      %dma_wait3A_1036 = tpu.memref_slice %arg8[%dma_wait3A_1034, %dma_wait3A_1035] : memref<160000x16xf32, #tpu.memory_space<hbm>> -> memref<128x16xf32, #tpu.memory_space<hbm>>
      tpu.wait_dma2 semaphore(%arg21 : memref<!tpu.dma_semaphore, #tpu.memory_space<semaphore_mem>>) src(%dma_wait3A_1036 : memref<128x16xf32, #tpu.memory_space<hbm>>) dst(%dma_wait3A_1033 : memref<128x16xf32, #tpu.memory_space<vmem>>)
      %scan3A_1037 = arith.constant 0 : i32
      %scan3A_1038 = arith.constant 0 : i32
      %scan3A_1039 = arith.constant 8 : i32
      %scan3A_1040 = arith.addi %scan3A_1038, %scan3A_1039 : i32
      %scan3A_1041 = arith.constant 1 : i32
      scf.for %scan3A_1086 = %scan3A_1038 to %scan3A_1040 step %scan3A_1041  : i32 {
        %mul3A_1087 = arith.constant 16 : i32
        %mul3A_1088 = arith.muli %scan3A_1086, %mul3A_1087 : i32
        %add3A_1089 = arith.constant 384 : i32
        %add3A_1090 = arith.addi %add3A_1089, %mul3A_1088 : i32
        %add3A_1091 = vector.broadcast %mul3A_1088 : i32 to vector<16xi32>
        %add3A_1092 = arith.addi %iota3A, %add3A_1091 : vector<16xi32>
        %add3A_1093 = arith.constant 384 : i32
        %add3A_1094 = vector.broadcast %add3A_1093 : i32 to vector<16xi32>
        %add3A_1095 = arith.addi %add3A_1092, %add3A_1094 : vector<16xi32>
        %broadcast_in_dim3A_1096 = arith.constant 0 : i32
        %broadcast_in_dim3A_1097 = vector.broadcast %broadcast_in_dim3A_1096 : i32 to vector<16xi32>
        %gather3A = tpu.vector_load_idx %arg16[%add3A_1095, %broadcast_in_dim3A_1097] : memref<512x16xf32, #tpu.memory_space<vmem>>[vector<16xi32>, vector<16xi32>], vector<16xf32>,
        %broadcast_in_dim3A_1098 = arith.constant 1 : i32
        %broadcast_in_dim3A_1099 = vector.broadcast %broadcast_in_dim3A_1098 : i32 to vector<16xi32>
        %gather3A_1100 = tpu.vector_load_idx %arg16[%add3A_1095, %broadcast_in_dim3A_1099] : memref<512x16xf32, #tpu.memory_space<vmem>>[vector<16xi32>, vector<16xi32>], vector<16xf32>,
        %broadcast_in_dim3A_1101 = arith.constant 2 : i32
        %broadcast_in_dim3A_1102 = vector.broadcast %broadcast_in_dim3A_1101 : i32 to vector<16xi32>
        %gather3A_1103 = tpu.vector_load_idx %arg16[%add3A_1095, %broadcast_in_dim3A_1102] : memref<512x16xf32, #tpu.memory_space<vmem>>[vector<16xi32>, vector<16xi32>], vector<16xf32>,
        %broadcast_in_dim3A_1104 = arith.constant 3 : i32
        %broadcast_in_dim3A_1105 = vector.broadcast %broadcast_in_dim3A_1104 : i32 to vector<16xi32>
        %gather3A_1106 = tpu.vector_load_idx %arg16[%add3A_1095, %broadcast_in_dim3A_1105] : memref<512x16xf32, #tpu.memory_space<vmem>>[vector<16xi32>, vector<16xi32>], vector<16xf32>,
        %broadcast_in_dim3A_1107 = arith.constant 4 : i32
        %broadcast_in_dim3A_1108 = vector.broadcast %broadcast_in_dim3A_1107 : i32 to vector<16xi32>
        %gather3A_1109 = tpu.vector_load_idx %arg16[%add3A_1095, %broadcast_in_dim3A_1108] : memref<512x16xf32, #tpu.memory_space<vmem>>[vector<16xi32>, vector<16xi32>], vector<16xf32>,
        %broadcast_in_dim3A_1110 = arith.constant 5 : i32
        %broadcast_in_dim3A_1111 = vector.broadcast %broadcast_in_dim3A_1110 : i32 to vector<16xi32>
        %gather3A_1112 = tpu.vector_load_idx %arg16[%add3A_1095, %broadcast_in_dim3A_1111] : memref<512x16xf32, #tpu.memory_space<vmem>>[vector<16xi32>, vector<16xi32>], vector<16xf32>,
        %broadcast_in_dim3A_1113 = arith.constant 6 : i32
        %broadcast_in_dim3A_1114 = vector.broadcast %broadcast_in_dim3A_1113 : i32 to vector<16xi32>
        %gather3A_1115 = tpu.vector_load_idx %arg16[%add3A_1095, %broadcast_in_dim3A_1114] : memref<512x16xf32, #tpu.memory_space<vmem>>[vector<16xi32>, vector<16xi32>], vector<16xf32>,
        %get3A = arith.index_cast %add3A_1090 : i32 to index
        %get3A_1116 = tpu.vector_load %arg14[%get3A] {strides = array<i32>} : memref<512xf32, #tpu.memory_space<vmem>>, vector<16xf32>,
        %get3A_1117 = arith.index_cast %add3A_1090 : i32 to index
        %get3A_1118 = tpu.vector_load %arg15[%get3A_1117] {strides = array<i32>} : memref<512xf32, #tpu.memory_space<vmem>>, vector<16xf32>,
        %add3A_1119 = arith.addi %mul3A_970, %add3A_1090 : i32
        %get3A_1120 = arith.index_cast %add3A_1119 : i32 to index
        %get3A_1121 = tpu.vector_load %arg11[%get3A_1120] {strides = array<i32>} : memref<1024xi32, #tpu.memory_space<vmem>>, vector<16xi32>,
        %broadcast_in_dim3A_1122 = arith.constant 1.000000e+00 : f32
        %broadcast_in_dim3A_1123 = vector.broadcast %broadcast_in_dim3A_1122 : f32 to vector<16xf32>
        %broadcast_in_dim3A_1124 = arith.constant 2.000000e+00 : f32
        %broadcast_in_dim3A_1125 = vector.broadcast %broadcast_in_dim3A_1124 : f32 to vector<16xf32>
        %mul3A_1126 = arith.mulf %broadcast_in_dim3A_1125, %get3A_1116 : vector<16xf32>
        %mul3A_1127 = arith.mulf %mul3A_1126, %get3A_1116 : vector<16xf32>
        %sub3A_1128 = arith.subf %mul3A_1127, %broadcast_in_dim3A_1123 : vector<16xf32>
        %mul3A_1129 = arith.mulf %broadcast_in_dim3A_1125, %get3A_1118 : vector<16xf32>
        %mul3A_1130 = arith.mulf %mul3A_1129, %get3A_1116 : vector<16xf32>
        %mul3A_1131 = arith.mulf %broadcast_in_dim3A_1125, %sub3A_1128 : vector<16xf32>
        %sub3A_1132 = arith.subf %mul3A_1131, %broadcast_in_dim3A_1123 : vector<16xf32>
        %mul3A_1133 = arith.mulf %get3A_1116, %sub3A_1132 : vector<16xf32>
        %add3A_1134 = arith.addf %mul3A_1131, %broadcast_in_dim3A_1123 : vector<16xf32>
        %mul3A_1135 = arith.mulf %get3A_1118, %add3A_1134 : vector<16xf32>
        %mul3A_1136 = arith.mulf %gather3A_1100, %get3A_1116 : vector<16xf32>
        %mul3A_1137 = arith.mulf %gather3A_1103, %get3A_1118 : vector<16xf32>
        %add3A_1138 = arith.addf %mul3A_1136, %mul3A_1137 : vector<16xf32>
        %mul3A_1139 = arith.mulf %gather3A_1106, %sub3A_1128 : vector<16xf32>
        %add3A_1140 = arith.addf %add3A_1138, %mul3A_1139 : vector<16xf32>
        %mul3A_1141 = arith.mulf %gather3A_1109, %mul3A_1130 : vector<16xf32>
        %add3A_1142 = arith.addf %add3A_1140, %mul3A_1141 : vector<16xf32>
        %mul3A_1143 = arith.mulf %gather3A_1112, %mul3A_1133 : vector<16xf32>
        %add3A_1144 = arith.addf %add3A_1142, %mul3A_1143 : vector<16xf32>
        %mul3A_1145 = arith.mulf %gather3A_1115, %mul3A_1135 : vector<16xf32>
        %add3A_1146 = arith.addf %add3A_1144, %mul3A_1145 : vector<16xf32>
        %sub3A_1147 = arith.subf %gather3A, %add3A_1146 : vector<16xf32>
        %broadcast_in_dim3A_1148 = arith.constant 1024 : i32
        %broadcast_in_dim3A_1149 = vector.broadcast %broadcast_in_dim3A_1148 : i32 to vector<16xi32>
        %mul3A_1150 = arith.muli %iota3A, %broadcast_in_dim3A_1149 : vector<16xi32>
        %add3A_1151 = arith.addi %mul3A_1150, %get3A_1121 : vector<16xi32>
        tpu.vector_store_idx %arg17[%add3A_1151], %sub3A_1147 {add = true} : memref<16384xf32, #tpu.memory_space<vmem>>[vector<16xi32>], vector<16xf32>,
      }
      %scan3A_1042 = arith.constant 8 : i32
      %add3A_1043 = arith.constant 2 : i32
      %add3A_1044 = arith.addi %scan3A_412, %add3A_1043 : i32
      %mul3A_1045 = arith.constant 512 : i32
      %mul3A_1046 = arith.muli %add3A_1044, %mul3A_1045 : i32
      %add3A_1047 = arith.addi %mul3A_2, %mul3A_1046 : i32
      %mul3A_1048 = arith.constant 2048 : i32
      %mul3A_1049 = arith.muli %and3A_413, %mul3A_1048 : i32
      %add3A_1050 = arith.constant 0 : i32
      %add3A_1051 = arith.addi %mul3A_1049, %add3A_1050 : i32
      %dma_start3A_1052 = tpu.memref_slice %arg10[%add3A_1051] : memref<4096xi32, #tpu.memory_space<vmem>> -> memref<512xi32, #tpu.memory_space<vmem>>
      %dma_start3A_1053 = tpu.memref_slice %arg3[%add3A_1047] : memref<1606656xi32, #tpu.memory_space<hbm>> -> memref<512xi32, #tpu.memory_space<hbm>>
      %dma_start3A_1054 = tpu.memref_slice %arg10[%add3A_1051] : memref<4096xi32, #tpu.memory_space<vmem>> -> memref<512xi32, #tpu.memory_space<vmem>>
      %dma_start3A_1055 = tpu.memref_slice %arg3[%add3A_1047] : memref<1606656xi32, #tpu.memory_space<hbm>> -> memref<512xi32, #tpu.memory_space<hbm>>
      tpu.enqueue_dma source(%dma_start3A_1055 : memref<512xi32, #tpu.memory_space<hbm>>) target(%dma_start3A_1054 : memref<512xi32, #tpu.memory_space<vmem>>) target_semaphore(%arg20 : memref<!tpu.dma_semaphore, #tpu.memory_space<semaphore_mem>>)
      %mul3A_1056 = arith.constant 2048 : i32
      %mul3A_1057 = arith.muli %and3A_413, %mul3A_1056 : i32
      %add3A_1058 = arith.constant 512 : i32
      %add3A_1059 = arith.addi %mul3A_1057, %add3A_1058 : i32
      %dma_start3A_1060 = tpu.memref_slice %arg10[%add3A_1059] : memref<4096xi32, #tpu.memory_space<vmem>> -> memref<512xi32, #tpu.memory_space<vmem>>
      %dma_start3A_1061 = tpu.memref_slice %arg4[%add3A_1047] : memref<1606656xi32, #tpu.memory_space<hbm>> -> memref<512xi32, #tpu.memory_space<hbm>>
      %dma_start3A_1062 = tpu.memref_slice %arg10[%add3A_1059] : memref<4096xi32, #tpu.memory_space<vmem>> -> memref<512xi32, #tpu.memory_space<vmem>>
      %dma_start3A_1063 = tpu.memref_slice %arg4[%add3A_1047] : memref<1606656xi32, #tpu.memory_space<hbm>> -> memref<512xi32, #tpu.memory_space<hbm>>
      tpu.enqueue_dma source(%dma_start3A_1063 : memref<512xi32, #tpu.memory_space<hbm>>) target(%dma_start3A_1062 : memref<512xi32, #tpu.memory_space<vmem>>) target_semaphore(%arg20 : memref<!tpu.dma_semaphore, #tpu.memory_space<semaphore_mem>>)
      %mul3A_1064 = arith.constant 2048 : i32
      %mul3A_1065 = arith.muli %and3A_413, %mul3A_1064 : i32
      %add3A_1066 = arith.constant 1024 : i32
      %add3A_1067 = arith.addi %mul3A_1065, %add3A_1066 : i32
      %dma_start3A_1068 = tpu.memref_slice %arg10[%add3A_1067] : memref<4096xi32, #tpu.memory_space<vmem>> -> memref<512xi32, #tpu.memory_space<vmem>>
      %dma_start3A_1069 = tpu.memref_slice %arg5[%add3A_1047] : memref<1606656xi32, #tpu.memory_space<hbm>> -> memref<512xi32, #tpu.memory_space<hbm>>
      %dma_start3A_1070 = tpu.memref_slice %arg10[%add3A_1067] : memref<4096xi32, #tpu.memory_space<vmem>> -> memref<512xi32, #tpu.memory_space<vmem>>
      %dma_start3A_1071 = tpu.memref_slice %arg5[%add3A_1047] : memref<1606656xi32, #tpu.memory_space<hbm>> -> memref<512xi32, #tpu.memory_space<hbm>>
      tpu.enqueue_dma source(%dma_start3A_1071 : memref<512xi32, #tpu.memory_space<hbm>>) target(%dma_start3A_1070 : memref<512xi32, #tpu.memory_space<vmem>>) target_semaphore(%arg20 : memref<!tpu.dma_semaphore, #tpu.memory_space<semaphore_mem>>)
      %mul3A_1072 = arith.constant 2048 : i32
      %mul3A_1073 = arith.muli %and3A_413, %mul3A_1072 : i32
      %add3A_1074 = arith.constant 1536 : i32
      %add3A_1075 = arith.addi %mul3A_1073, %add3A_1074 : i32
      %dma_start3A_1076 = tpu.memref_slice %arg10[%add3A_1075] : memref<4096xi32, #tpu.memory_space<vmem>> -> memref<512xi32, #tpu.memory_space<vmem>>
      %dma_start3A_1077 = tpu.memref_slice %arg6[%add3A_1047] : memref<1606656xi32, #tpu.memory_space<hbm>> -> memref<512xi32, #tpu.memory_space<hbm>>
      %dma_start3A_1078 = tpu.memref_slice %arg10[%add3A_1075] : memref<4096xi32, #tpu.memory_space<vmem>> -> memref<512xi32, #tpu.memory_space<vmem>>
      %dma_start3A_1079 = tpu.memref_slice %arg6[%add3A_1047] : memref<1606656xi32, #tpu.memory_space<hbm>> -> memref<512xi32, #tpu.memory_space<hbm>>
      tpu.enqueue_dma source(%dma_start3A_1079 : memref<512xi32, #tpu.memory_space<hbm>>) target(%dma_start3A_1078 : memref<512xi32, #tpu.memory_space<vmem>>) target_semaphore(%arg20 : memref<!tpu.dma_semaphore, #tpu.memory_space<semaphore_mem>>)
      %mul3A_1080 = arith.constant 512 : i32
      %mul3A_1081 = arith.muli %and3A_413, %mul3A_1080 : i32
      %dma_start3A_1082 = tpu.memref_slice %arg11[%mul3A_1081] : memref<1024xi32, #tpu.memory_space<vmem>> -> memref<512xi32, #tpu.memory_space<vmem>>
      %dma_start3A_1083 = tpu.memref_slice %arg7[%add3A_1047] : memref<1606656xi32, #tpu.memory_space<hbm>> -> memref<512xi32, #tpu.memory_space<hbm>>
      %dma_start3A_1084 = tpu.memref_slice %arg11[%mul3A_1081] : memref<1024xi32, #tpu.memory_space<vmem>> -> memref<512xi32, #tpu.memory_space<vmem>>
      %dma_start3A_1085 = tpu.memref_slice %arg7[%add3A_1047] : memref<1606656xi32, #tpu.memory_space<hbm>> -> memref<512xi32, #tpu.memory_space<hbm>>
      tpu.enqueue_dma source(%dma_start3A_1085 : memref<512xi32, #tpu.memory_space<hbm>>) target(%dma_start3A_1084 : memref<512xi32, #tpu.memory_space<vmem>>) target_semaphore(%arg20 : memref<!tpu.dma_semaphore, #tpu.memory_space<semaphore_mem>>)
    }
    %scan3A_172 = arith.constant 98 : i32
    %dma_wait3A = arith.constant 0 : i32
    %dma_wait3A_173 = arith.constant 0 : i32
    %dma_wait3A_174 = tpu.memref_slice %arg12[%dma_wait3A, %dma_wait3A_173] : memref<4096x16xf32, #tpu.memory_space<vmem>> -> memref<128x16xf32, #tpu.memory_space<vmem>>
    %dma_wait3A_175 = arith.constant 0 : i32
    %dma_wait3A_176 = arith.constant 0 : i32
    %dma_wait3A_177 = tpu.memref_slice %arg2[%dma_wait3A_175, %dma_wait3A_176] : memref<100000x16xf32, #tpu.memory_space<hbm>> -> memref<128x16xf32, #tpu.memory_space<hbm>>
    %dma_wait3A_178 = arith.constant 0 : i32
    %dma_wait3A_179 = arith.constant 0 : i32
    %dma_wait3A_180 = tpu.memref_slice %arg12[%dma_wait3A_178, %dma_wait3A_179] : memref<4096x16xf32, #tpu.memory_space<vmem>> -> memref<128x16xf32, #tpu.memory_space<vmem>>
    %dma_wait3A_181 = arith.constant 0 : i32
    %dma_wait3A_182 = arith.constant 0 : i32
    %dma_wait3A_183 = tpu.memref_slice %arg2[%dma_wait3A_181, %dma_wait3A_182] : memref<100000x16xf32, #tpu.memory_space<hbm>> -> memref<128x16xf32, #tpu.memory_space<hbm>>
    tpu.wait_dma2 semaphore(%arg19 : memref<!tpu.dma_semaphore, #tpu.memory_space<semaphore_mem>>) src(%dma_wait3A_183 : memref<128x16xf32, #tpu.memory_space<hbm>>) dst(%dma_wait3A_180 : memref<128x16xf32, #tpu.memory_space<vmem>>)
    %dma_wait3A_184 = arith.constant 128 : i32
    %dma_wait3A_185 = arith.constant 0 : i32
    %dma_wait3A_186 = tpu.memref_slice %arg12[%dma_wait3A_184, %dma_wait3A_185] : memref<4096x16xf32, #tpu.memory_space<vmem>> -> memref<128x16xf32, #tpu.memory_space<vmem>>
    %dma_wait3A_187 = arith.constant 0 : i32
    %dma_wait3A_188 = arith.constant 0 : i32
    %dma_wait3A_189 = tpu.memref_slice %arg2[%dma_wait3A_187, %dma_wait3A_188] : memref<100000x16xf32, #tpu.memory_space<hbm>> -> memref<128x16xf32, #tpu.memory_space<hbm>>
    %dma_wait3A_190 = arith.constant 128 : i32
    %dma_wait3A_191 = arith.constant 0 : i32
    %dma_wait3A_192 = tpu.memref_slice %arg12[%dma_wait3A_190, %dma_wait3A_191] : memref<4096x16xf32, #tpu.memory_space<vmem>> -> memref<128x16xf32, #tpu.memory_space<vmem>>
    %dma_wait3A_193 = arith.constant 0 : i32
    %dma_wait3A_194 = arith.constant 0 : i32
    %dma_wait3A_195 = tpu.memref_slice %arg2[%dma_wait3A_193, %dma_wait3A_194] : memref<100000x16xf32, #tpu.memory_space<hbm>> -> memref<128x16xf32, #tpu.memory_space<hbm>>
    tpu.wait_dma2 semaphore(%arg19 : memref<!tpu.dma_semaphore, #tpu.memory_space<semaphore_mem>>) src(%dma_wait3A_195 : memref<128x16xf32, #tpu.memory_space<hbm>>) dst(%dma_wait3A_192 : memref<128x16xf32, #tpu.memory_space<vmem>>)
    %dma_wait3A_196 = arith.constant 256 : i32
    %dma_wait3A_197 = arith.constant 0 : i32
    %dma_wait3A_198 = tpu.memref_slice %arg12[%dma_wait3A_196, %dma_wait3A_197] : memref<4096x16xf32, #tpu.memory_space<vmem>> -> memref<128x16xf32, #tpu.memory_space<vmem>>
    %dma_wait3A_199 = arith.constant 0 : i32
    %dma_wait3A_200 = arith.constant 0 : i32
    %dma_wait3A_201 = tpu.memref_slice %arg2[%dma_wait3A_199, %dma_wait3A_200] : memref<100000x16xf32, #tpu.memory_space<hbm>> -> memref<128x16xf32, #tpu.memory_space<hbm>>
    %dma_wait3A_202 = arith.constant 256 : i32
    %dma_wait3A_203 = arith.constant 0 : i32
    %dma_wait3A_204 = tpu.memref_slice %arg12[%dma_wait3A_202, %dma_wait3A_203] : memref<4096x16xf32, #tpu.memory_space<vmem>> -> memref<128x16xf32, #tpu.memory_space<vmem>>
    %dma_wait3A_205 = arith.constant 0 : i32
    %dma_wait3A_206 = arith.constant 0 : i32
    %dma_wait3A_207 = tpu.memref_slice %arg2[%dma_wait3A_205, %dma_wait3A_206] : memref<100000x16xf32, #tpu.memory_space<hbm>> -> memref<128x16xf32, #tpu.memory_space<hbm>>
    tpu.wait_dma2 semaphore(%arg19 : memref<!tpu.dma_semaphore, #tpu.memory_space<semaphore_mem>>) src(%dma_wait3A_207 : memref<128x16xf32, #tpu.memory_space<hbm>>) dst(%dma_wait3A_204 : memref<128x16xf32, #tpu.memory_space<vmem>>)
    %dma_wait3A_208 = arith.constant 384 : i32
    %dma_wait3A_209 = arith.constant 0 : i32
    %dma_wait3A_210 = tpu.memref_slice %arg12[%dma_wait3A_208, %dma_wait3A_209] : memref<4096x16xf32, #tpu.memory_space<vmem>> -> memref<128x16xf32, #tpu.memory_space<vmem>>
    %dma_wait3A_211 = arith.constant 0 : i32
    %dma_wait3A_212 = arith.constant 0 : i32
    %dma_wait3A_213 = tpu.memref_slice %arg2[%dma_wait3A_211, %dma_wait3A_212] : memref<100000x16xf32, #tpu.memory_space<hbm>> -> memref<128x16xf32, #tpu.memory_space<hbm>>
    %dma_wait3A_214 = arith.constant 384 : i32
    %dma_wait3A_215 = arith.constant 0 : i32
    %dma_wait3A_216 = tpu.memref_slice %arg12[%dma_wait3A_214, %dma_wait3A_215] : memref<4096x16xf32, #tpu.memory_space<vmem>> -> memref<128x16xf32, #tpu.memory_space<vmem>>
    %dma_wait3A_217 = arith.constant 0 : i32
    %dma_wait3A_218 = arith.constant 0 : i32
    %dma_wait3A_219 = tpu.memref_slice %arg2[%dma_wait3A_217, %dma_wait3A_218] : memref<100000x16xf32, #tpu.memory_space<hbm>> -> memref<128x16xf32, #tpu.memory_space<hbm>>
    tpu.wait_dma2 semaphore(%arg19 : memref<!tpu.dma_semaphore, #tpu.memory_space<semaphore_mem>>) src(%dma_wait3A_219 : memref<128x16xf32, #tpu.memory_space<hbm>>) dst(%dma_wait3A_216 : memref<128x16xf32, #tpu.memory_space<vmem>>)
    %dma_wait3A_220 = arith.constant 512 : i32
    %dma_wait3A_221 = arith.constant 0 : i32
    %dma_wait3A_222 = tpu.memref_slice %arg12[%dma_wait3A_220, %dma_wait3A_221] : memref<4096x16xf32, #tpu.memory_space<vmem>> -> memref<128x16xf32, #tpu.memory_space<vmem>>
    %dma_wait3A_223 = arith.constant 0 : i32
    %dma_wait3A_224 = arith.constant 0 : i32
    %dma_wait3A_225 = tpu.memref_slice %arg2[%dma_wait3A_223, %dma_wait3A_224] : memref<100000x16xf32, #tpu.memory_space<hbm>> -> memref<128x16xf32, #tpu.memory_space<hbm>>
    %dma_wait3A_226 = arith.constant 512 : i32
    %dma_wait3A_227 = arith.constant 0 : i32
    %dma_wait3A_228 = tpu.memref_slice %arg12[%dma_wait3A_226, %dma_wait3A_227] : memref<4096x16xf32, #tpu.memory_space<vmem>> -> memref<128x16xf32, #tpu.memory_space<vmem>>
    %dma_wait3A_229 = arith.constant 0 : i32
    %dma_wait3A_230 = arith.constant 0 : i32
    %dma_wait3A_231 = tpu.memref_slice %arg2[%dma_wait3A_229, %dma_wait3A_230] : memref<100000x16xf32, #tpu.memory_space<hbm>> -> memref<128x16xf32, #tpu.memory_space<hbm>>
    tpu.wait_dma2 semaphore(%arg19 : memref<!tpu.dma_semaphore, #tpu.memory_space<semaphore_mem>>) src(%dma_wait3A_231 : memref<128x16xf32, #tpu.memory_space<hbm>>) dst(%dma_wait3A_228 : memref<128x16xf32, #tpu.memory_space<vmem>>)
    %dma_wait3A_232 = arith.constant 640 : i32
    %dma_wait3A_233 = arith.constant 0 : i32
    %dma_wait3A_234 = tpu.memref_slice %arg12[%dma_wait3A_232, %dma_wait3A_233] : memref<4096x16xf32, #tpu.memory_space<vmem>> -> memref<128x16xf32, #tpu.memory_space<vmem>>
    %dma_wait3A_235 = arith.constant 0 : i32
    %dma_wait3A_236 = arith.constant 0 : i32
    %dma_wait3A_237 = tpu.memref_slice %arg2[%dma_wait3A_235, %dma_wait3A_236] : memref<100000x16xf32, #tpu.memory_space<hbm>> -> memref<128x16xf32, #tpu.memory_space<hbm>>
    %dma_wait3A_238 = arith.constant 640 : i32
    %dma_wait3A_239 = arith.constant 0 : i32
    %dma_wait3A_240 = tpu.memref_slice %arg12[%dma_wait3A_238, %dma_wait3A_239] : memref<4096x16xf32, #tpu.memory_space<vmem>> -> memref<128x16xf32, #tpu.memory_space<vmem>>
    %dma_wait3A_241 = arith.constant 0 : i32
    %dma_wait3A_242 = arith.constant 0 : i32
    %dma_wait3A_243 = tpu.memref_slice %arg2[%dma_wait3A_241, %dma_wait3A_242] : memref<100000x16xf32, #tpu.memory_space<hbm>> -> memref<128x16xf32, #tpu.memory_space<hbm>>
    tpu.wait_dma2 semaphore(%arg19 : memref<!tpu.dma_semaphore, #tpu.memory_space<semaphore_mem>>) src(%dma_wait3A_243 : memref<128x16xf32, #tpu.memory_space<hbm>>) dst(%dma_wait3A_240 : memref<128x16xf32, #tpu.memory_space<vmem>>)
    %dma_wait3A_244 = arith.constant 768 : i32
    %dma_wait3A_245 = arith.constant 0 : i32
    %dma_wait3A_246 = tpu.memref_slice %arg12[%dma_wait3A_244, %dma_wait3A_245] : memref<4096x16xf32, #tpu.memory_space<vmem>> -> memref<128x16xf32, #tpu.memory_space<vmem>>
    %dma_wait3A_247 = arith.constant 0 : i32
    %dma_wait3A_248 = arith.constant 0 : i32
    %dma_wait3A_249 = tpu.memref_slice %arg2[%dma_wait3A_247, %dma_wait3A_248] : memref<100000x16xf32, #tpu.memory_space<hbm>> -> memref<128x16xf32, #tpu.memory_space<hbm>>
    %dma_wait3A_250 = arith.constant 768 : i32
    %dma_wait3A_251 = arith.constant 0 : i32
    %dma_wait3A_252 = tpu.memref_slice %arg12[%dma_wait3A_250, %dma_wait3A_251] : memref<4096x16xf32, #tpu.memory_space<vmem>> -> memref<128x16xf32, #tpu.memory_space<vmem>>
    %dma_wait3A_253 = arith.constant 0 : i32
    %dma_wait3A_254 = arith.constant 0 : i32
    %dma_wait3A_255 = tpu.memref_slice %arg2[%dma_wait3A_253, %dma_wait3A_254] : memref<100000x16xf32, #tpu.memory_space<hbm>> -> memref<128x16xf32, #tpu.memory_space<hbm>>
    tpu.wait_dma2 semaphore(%arg19 : memref<!tpu.dma_semaphore, #tpu.memory_space<semaphore_mem>>) src(%dma_wait3A_255 : memref<128x16xf32, #tpu.memory_space<hbm>>) dst(%dma_wait3A_252 : memref<128x16xf32, #tpu.memory_space<vmem>>)
    %dma_wait3A_256 = arith.constant 896 : i32
    %dma_wait3A_257 = arith.constant 0 : i32
    %dma_wait3A_258 = tpu.memref_slice %arg12[%dma_wait3A_256, %dma_wait3A_257] : memref<4096x16xf32, #tpu.memory_space<vmem>> -> memref<128x16xf32, #tpu.memory_space<vmem>>
    %dma_wait3A_259 = arith.constant 0 : i32
    %dma_wait3A_260 = arith.constant 0 : i32
    %dma_wait3A_261 = tpu.memref_slice %arg2[%dma_wait3A_259, %dma_wait3A_260] : memref<100000x16xf32, #tpu.memory_space<hbm>> -> memref<128x16xf32, #tpu.memory_space<hbm>>
    %dma_wait3A_262 = arith.constant 896 : i32
    %dma_wait3A_263 = arith.constant 0 : i32
    %dma_wait3A_264 = tpu.memref_slice %arg12[%dma_wait3A_262, %dma_wait3A_263] : memref<4096x16xf32, #tpu.memory_space<vmem>> -> memref<128x16xf32, #tpu.memory_space<vmem>>
    %dma_wait3A_265 = arith.constant 0 : i32
    %dma_wait3A_266 = arith.constant 0 : i32
    %dma_wait3A_267 = tpu.memref_slice %arg2[%dma_wait3A_265, %dma_wait3A_266] : memref<100000x16xf32, #tpu.memory_space<hbm>> -> memref<128x16xf32, #tpu.memory_space<hbm>>
    tpu.wait_dma2 semaphore(%arg19 : memref<!tpu.dma_semaphore, #tpu.memory_space<semaphore_mem>>) src(%dma_wait3A_267 : memref<128x16xf32, #tpu.memory_space<hbm>>) dst(%dma_wait3A_264 : memref<128x16xf32, #tpu.memory_space<vmem>>)
    %dma_wait3A_268 = arith.constant 1024 : i32
    %dma_wait3A_269 = arith.constant 0 : i32
    %dma_wait3A_270 = tpu.memref_slice %arg12[%dma_wait3A_268, %dma_wait3A_269] : memref<4096x16xf32, #tpu.memory_space<vmem>> -> memref<128x16xf32, #tpu.memory_space<vmem>>
    %dma_wait3A_271 = arith.constant 0 : i32
    %dma_wait3A_272 = arith.constant 0 : i32
    %dma_wait3A_273 = tpu.memref_slice %arg2[%dma_wait3A_271, %dma_wait3A_272] : memref<100000x16xf32, #tpu.memory_space<hbm>> -> memref<128x16xf32, #tpu.memory_space<hbm>>
    %dma_wait3A_274 = arith.constant 1024 : i32
    %dma_wait3A_275 = arith.constant 0 : i32
    %dma_wait3A_276 = tpu.memref_slice %arg12[%dma_wait3A_274, %dma_wait3A_275] : memref<4096x16xf32, #tpu.memory_space<vmem>> -> memref<128x16xf32, #tpu.memory_space<vmem>>
    %dma_wait3A_277 = arith.constant 0 : i32
    %dma_wait3A_278 = arith.constant 0 : i32
    %dma_wait3A_279 = tpu.memref_slice %arg2[%dma_wait3A_277, %dma_wait3A_278] : memref<100000x16xf32, #tpu.memory_space<hbm>> -> memref<128x16xf32, #tpu.memory_space<hbm>>
    tpu.wait_dma2 semaphore(%arg19 : memref<!tpu.dma_semaphore, #tpu.memory_space<semaphore_mem>>) src(%dma_wait3A_279 : memref<128x16xf32, #tpu.memory_space<hbm>>) dst(%dma_wait3A_276 : memref<128x16xf32, #tpu.memory_space<vmem>>)
    %dma_wait3A_280 = arith.constant 1152 : i32
    %dma_wait3A_281 = arith.constant 0 : i32
    %dma_wait3A_282 = tpu.memref_slice %arg12[%dma_wait3A_280, %dma_wait3A_281] : memref<4096x16xf32, #tpu.memory_space<vmem>> -> memref<128x16xf32, #tpu.memory_space<vmem>>
    %dma_wait3A_283 = arith.constant 0 : i32
    %dma_wait3A_284 = arith.constant 0 : i32
    %dma_wait3A_285 = tpu.memref_slice %arg2[%dma_wait3A_283, %dma_wait3A_284] : memref<100000x16xf32, #tpu.memory_space<hbm>> -> memref<128x16xf32, #tpu.memory_space<hbm>>
    %dma_wait3A_286 = arith.constant 1152 : i32
    %dma_wait3A_287 = arith.constant 0 : i32
    %dma_wait3A_288 = tpu.memref_slice %arg12[%dma_wait3A_286, %dma_wait3A_287] : memref<4096x16xf32, #tpu.memory_space<vmem>> -> memref<128x16xf32, #tpu.memory_space<vmem>>
    %dma_wait3A_289 = arith.constant 0 : i32
    %dma_wait3A_290 = arith.constant 0 : i32
    %dma_wait3A_291 = tpu.memref_slice %arg2[%dma_wait3A_289, %dma_wait3A_290] : memref<100000x16xf32, #tpu.memory_space<hbm>> -> memref<128x16xf32, #tpu.memory_space<hbm>>
    tpu.wait_dma2 semaphore(%arg19 : memref<!tpu.dma_semaphore, #tpu.memory_space<semaphore_mem>>) src(%dma_wait3A_291 : memref<128x16xf32, #tpu.memory_space<hbm>>) dst(%dma_wait3A_288 : memref<128x16xf32, #tpu.memory_space<vmem>>)
    %dma_wait3A_292 = arith.constant 1280 : i32
    %dma_wait3A_293 = arith.constant 0 : i32
    %dma_wait3A_294 = tpu.memref_slice %arg12[%dma_wait3A_292, %dma_wait3A_293] : memref<4096x16xf32, #tpu.memory_space<vmem>> -> memref<128x16xf32, #tpu.memory_space<vmem>>
    %dma_wait3A_295 = arith.constant 0 : i32
    %dma_wait3A_296 = arith.constant 0 : i32
    %dma_wait3A_297 = tpu.memref_slice %arg2[%dma_wait3A_295, %dma_wait3A_296] : memref<100000x16xf32, #tpu.memory_space<hbm>> -> memref<128x16xf32, #tpu.memory_space<hbm>>
    %dma_wait3A_298 = arith.constant 1280 : i32
    %dma_wait3A_299 = arith.constant 0 : i32
    %dma_wait3A_300 = tpu.memref_slice %arg12[%dma_wait3A_298, %dma_wait3A_299] : memref<4096x16xf32, #tpu.memory_space<vmem>> -> memref<128x16xf32, #tpu.memory_space<vmem>>
    %dma_wait3A_301 = arith.constant 0 : i32
    %dma_wait3A_302 = arith.constant 0 : i32
    %dma_wait3A_303 = tpu.memref_slice %arg2[%dma_wait3A_301, %dma_wait3A_302] : memref<100000x16xf32, #tpu.memory_space<hbm>> -> memref<128x16xf32, #tpu.memory_space<hbm>>
    tpu.wait_dma2 semaphore(%arg19 : memref<!tpu.dma_semaphore, #tpu.memory_space<semaphore_mem>>) src(%dma_wait3A_303 : memref<128x16xf32, #tpu.memory_space<hbm>>) dst(%dma_wait3A_300 : memref<128x16xf32, #tpu.memory_space<vmem>>)
    %dma_wait3A_304 = arith.constant 1408 : i32
    %dma_wait3A_305 = arith.constant 0 : i32
    %dma_wait3A_306 = tpu.memref_slice %arg12[%dma_wait3A_304, %dma_wait3A_305] : memref<4096x16xf32, #tpu.memory_space<vmem>> -> memref<128x16xf32, #tpu.memory_space<vmem>>
    %dma_wait3A_307 = arith.constant 0 : i32
    %dma_wait3A_308 = arith.constant 0 : i32
    %dma_wait3A_309 = tpu.memref_slice %arg2[%dma_wait3A_307, %dma_wait3A_308] : memref<100000x16xf32, #tpu.memory_space<hbm>> -> memref<128x16xf32, #tpu.memory_space<hbm>>
    %dma_wait3A_310 = arith.constant 1408 : i32
    %dma_wait3A_311 = arith.constant 0 : i32
    %dma_wait3A_312 = tpu.memref_slice %arg12[%dma_wait3A_310, %dma_wait3A_311] : memref<4096x16xf32, #tpu.memory_space<vmem>> -> memref<128x16xf32, #tpu.memory_space<vmem>>
    %dma_wait3A_313 = arith.constant 0 : i32
    %dma_wait3A_314 = arith.constant 0 : i32
    %dma_wait3A_315 = tpu.memref_slice %arg2[%dma_wait3A_313, %dma_wait3A_314] : memref<100000x16xf32, #tpu.memory_space<hbm>> -> memref<128x16xf32, #tpu.memory_space<hbm>>
    tpu.wait_dma2 semaphore(%arg19 : memref<!tpu.dma_semaphore, #tpu.memory_space<semaphore_mem>>) src(%dma_wait3A_315 : memref<128x16xf32, #tpu.memory_space<hbm>>) dst(%dma_wait3A_312 : memref<128x16xf32, #tpu.memory_space<vmem>>)
    %dma_wait3A_316 = arith.constant 1536 : i32
    %dma_wait3A_317 = arith.constant 0 : i32
    %dma_wait3A_318 = tpu.memref_slice %arg12[%dma_wait3A_316, %dma_wait3A_317] : memref<4096x16xf32, #tpu.memory_space<vmem>> -> memref<128x16xf32, #tpu.memory_space<vmem>>
    %dma_wait3A_319 = arith.constant 0 : i32
    %dma_wait3A_320 = arith.constant 0 : i32
    %dma_wait3A_321 = tpu.memref_slice %arg2[%dma_wait3A_319, %dma_wait3A_320] : memref<100000x16xf32, #tpu.memory_space<hbm>> -> memref<128x16xf32, #tpu.memory_space<hbm>>
    %dma_wait3A_322 = arith.constant 1536 : i32
    %dma_wait3A_323 = arith.constant 0 : i32
    %dma_wait3A_324 = tpu.memref_slice %arg12[%dma_wait3A_322, %dma_wait3A_323] : memref<4096x16xf32, #tpu.memory_space<vmem>> -> memref<128x16xf32, #tpu.memory_space<vmem>>
    %dma_wait3A_325 = arith.constant 0 : i32
    %dma_wait3A_326 = arith.constant 0 : i32
    %dma_wait3A_327 = tpu.memref_slice %arg2[%dma_wait3A_325, %dma_wait3A_326] : memref<100000x16xf32, #tpu.memory_space<hbm>> -> memref<128x16xf32, #tpu.memory_space<hbm>>
    tpu.wait_dma2 semaphore(%arg19 : memref<!tpu.dma_semaphore, #tpu.memory_space<semaphore_mem>>) src(%dma_wait3A_327 : memref<128x16xf32, #tpu.memory_space<hbm>>) dst(%dma_wait3A_324 : memref<128x16xf32, #tpu.memory_space<vmem>>)
    %dma_wait3A_328 = arith.constant 1664 : i32
    %dma_wait3A_329 = arith.constant 0 : i32
    %dma_wait3A_330 = tpu.memref_slice %arg12[%dma_wait3A_328, %dma_wait3A_329] : memref<4096x16xf32, #tpu.memory_space<vmem>> -> memref<128x16xf32, #tpu.memory_space<vmem>>
    %dma_wait3A_331 = arith.constant 0 : i32
    %dma_wait3A_332 = arith.constant 0 : i32
    %dma_wait3A_333 = tpu.memref_slice %arg2[%dma_wait3A_331, %dma_wait3A_332] : memref<100000x16xf32, #tpu.memory_space<hbm>> -> memref<128x16xf32, #tpu.memory_space<hbm>>
    %dma_wait3A_334 = arith.constant 1664 : i32
    %dma_wait3A_335 = arith.constant 0 : i32
    %dma_wait3A_336 = tpu.memref_slice %arg12[%dma_wait3A_334, %dma_wait3A_335] : memref<4096x16xf32, #tpu.memory_space<vmem>> -> memref<128x16xf32, #tpu.memory_space<vmem>>
    %dma_wait3A_337 = arith.constant 0 : i32
    %dma_wait3A_338 = arith.constant 0 : i32
    %dma_wait3A_339 = tpu.memref_slice %arg2[%dma_wait3A_337, %dma_wait3A_338] : memref<100000x16xf32, #tpu.memory_space<hbm>> -> memref<128x16xf32, #tpu.memory_space<hbm>>
    tpu.wait_dma2 semaphore(%arg19 : memref<!tpu.dma_semaphore, #tpu.memory_space<semaphore_mem>>) src(%dma_wait3A_339 : memref<128x16xf32, #tpu.memory_space<hbm>>) dst(%dma_wait3A_336 : memref<128x16xf32, #tpu.memory_space<vmem>>)
    %dma_wait3A_340 = arith.constant 1792 : i32
    %dma_wait3A_341 = arith.constant 0 : i32
    %dma_wait3A_342 = tpu.memref_slice %arg12[%dma_wait3A_340, %dma_wait3A_341] : memref<4096x16xf32, #tpu.memory_space<vmem>> -> memref<128x16xf32, #tpu.memory_space<vmem>>
    %dma_wait3A_343 = arith.constant 0 : i32
    %dma_wait3A_344 = arith.constant 0 : i32
    %dma_wait3A_345 = tpu.memref_slice %arg2[%dma_wait3A_343, %dma_wait3A_344] : memref<100000x16xf32, #tpu.memory_space<hbm>> -> memref<128x16xf32, #tpu.memory_space<hbm>>
    %dma_wait3A_346 = arith.constant 1792 : i32
    %dma_wait3A_347 = arith.constant 0 : i32
    %dma_wait3A_348 = tpu.memref_slice %arg12[%dma_wait3A_346, %dma_wait3A_347] : memref<4096x16xf32, #tpu.memory_space<vmem>> -> memref<128x16xf32, #tpu.memory_space<vmem>>
    %dma_wait3A_349 = arith.constant 0 : i32
    %dma_wait3A_350 = arith.constant 0 : i32
    %dma_wait3A_351 = tpu.memref_slice %arg2[%dma_wait3A_349, %dma_wait3A_350] : memref<100000x16xf32, #tpu.memory_space<hbm>> -> memref<128x16xf32, #tpu.memory_space<hbm>>
    tpu.wait_dma2 semaphore(%arg19 : memref<!tpu.dma_semaphore, #tpu.memory_space<semaphore_mem>>) src(%dma_wait3A_351 : memref<128x16xf32, #tpu.memory_space<hbm>>) dst(%dma_wait3A_348 : memref<128x16xf32, #tpu.memory_space<vmem>>)
    %dma_wait3A_352 = arith.constant 1920 : i32
    %dma_wait3A_353 = arith.constant 0 : i32
    %dma_wait3A_354 = tpu.memref_slice %arg12[%dma_wait3A_352, %dma_wait3A_353] : memref<4096x16xf32, #tpu.memory_space<vmem>> -> memref<128x16xf32, #tpu.memory_space<vmem>>
    %dma_wait3A_355 = arith.constant 0 : i32
    %dma_wait3A_356 = arith.constant 0 : i32
    %dma_wait3A_357 = tpu.memref_slice %arg2[%dma_wait3A_355, %dma_wait3A_356] : memref<100000x16xf32, #tpu.memory_space<hbm>> -> memref<128x16xf32, #tpu.memory_space<hbm>>
    %dma_wait3A_358 = arith.constant 1920 : i32
    %dma_wait3A_359 = arith.constant 0 : i32
    %dma_wait3A_360 = tpu.memref_slice %arg12[%dma_wait3A_358, %dma_wait3A_359] : memref<4096x16xf32, #tpu.memory_space<vmem>> -> memref<128x16xf32, #tpu.memory_space<vmem>>
    %dma_wait3A_361 = arith.constant 0 : i32
    %dma_wait3A_362 = arith.constant 0 : i32
    %dma_wait3A_363 = tpu.memref_slice %arg2[%dma_wait3A_361, %dma_wait3A_362] : memref<100000x16xf32, #tpu.memory_space<hbm>> -> memref<128x16xf32, #tpu.memory_space<hbm>>
    tpu.wait_dma2 semaphore(%arg19 : memref<!tpu.dma_semaphore, #tpu.memory_space<semaphore_mem>>) src(%dma_wait3A_363 : memref<128x16xf32, #tpu.memory_space<hbm>>) dst(%dma_wait3A_360 : memref<128x16xf32, #tpu.memory_space<vmem>>)
    %dma_wait3A_364 = arith.constant 0 : i32
    %dma_wait3A_365 = tpu.memref_slice %arg10[%dma_wait3A_364] : memref<4096xi32, #tpu.memory_space<vmem>> -> memref<512xi32, #tpu.memory_space<vmem>>
    %dma_wait3A_366 = arith.constant 0 : i32
    %dma_wait3A_367 = tpu.memref_slice %arg3[%dma_wait3A_366] : memref<1606656xi32, #tpu.memory_space<hbm>> -> memref<512xi32, #tpu.memory_space<hbm>>
    %dma_wait3A_368 = arith.constant 0 : i32
    %dma_wait3A_369 = tpu.memref_slice %arg10[%dma_wait3A_368] : memref<4096xi32, #tpu.memory_space<vmem>> -> memref<512xi32, #tpu.memory_space<vmem>>
    %dma_wait3A_370 = arith.constant 0 : i32
    %dma_wait3A_371 = tpu.memref_slice %arg3[%dma_wait3A_370] : memref<1606656xi32, #tpu.memory_space<hbm>> -> memref<512xi32, #tpu.memory_space<hbm>>
    tpu.wait_dma2 semaphore(%arg20 : memref<!tpu.dma_semaphore, #tpu.memory_space<semaphore_mem>>) src(%dma_wait3A_371 : memref<512xi32, #tpu.memory_space<hbm>>) dst(%dma_wait3A_369 : memref<512xi32, #tpu.memory_space<vmem>>)
    %dma_wait3A_372 = arith.constant 512 : i32
    %dma_wait3A_373 = tpu.memref_slice %arg10[%dma_wait3A_372] : memref<4096xi32, #tpu.memory_space<vmem>> -> memref<512xi32, #tpu.memory_space<vmem>>
    %dma_wait3A_374 = arith.constant 0 : i32
    %dma_wait3A_375 = tpu.memref_slice %arg3[%dma_wait3A_374] : memref<1606656xi32, #tpu.memory_space<hbm>> -> memref<512xi32, #tpu.memory_space<hbm>>
    %dma_wait3A_376 = arith.constant 512 : i32
    %dma_wait3A_377 = tpu.memref_slice %arg10[%dma_wait3A_376] : memref<4096xi32, #tpu.memory_space<vmem>> -> memref<512xi32, #tpu.memory_space<vmem>>
    %dma_wait3A_378 = arith.constant 0 : i32
    %dma_wait3A_379 = tpu.memref_slice %arg3[%dma_wait3A_378] : memref<1606656xi32, #tpu.memory_space<hbm>> -> memref<512xi32, #tpu.memory_space<hbm>>
    tpu.wait_dma2 semaphore(%arg20 : memref<!tpu.dma_semaphore, #tpu.memory_space<semaphore_mem>>) src(%dma_wait3A_379 : memref<512xi32, #tpu.memory_space<hbm>>) dst(%dma_wait3A_377 : memref<512xi32, #tpu.memory_space<vmem>>)
    %dma_wait3A_380 = arith.constant 1024 : i32
    %dma_wait3A_381 = tpu.memref_slice %arg10[%dma_wait3A_380] : memref<4096xi32, #tpu.memory_space<vmem>> -> memref<512xi32, #tpu.memory_space<vmem>>
    %dma_wait3A_382 = arith.constant 0 : i32
    %dma_wait3A_383 = tpu.memref_slice %arg3[%dma_wait3A_382] : memref<1606656xi32, #tpu.memory_space<hbm>> -> memref<512xi32, #tpu.memory_space<hbm>>
    %dma_wait3A_384 = arith.constant 1024 : i32
    %dma_wait3A_385 = tpu.memref_slice %arg10[%dma_wait3A_384] : memref<4096xi32, #tpu.memory_space<vmem>> -> memref<512xi32, #tpu.memory_space<vmem>>
    %dma_wait3A_386 = arith.constant 0 : i32
    %dma_wait3A_387 = tpu.memref_slice %arg3[%dma_wait3A_386] : memref<1606656xi32, #tpu.memory_space<hbm>> -> memref<512xi32, #tpu.memory_space<hbm>>
    tpu.wait_dma2 semaphore(%arg20 : memref<!tpu.dma_semaphore, #tpu.memory_space<semaphore_mem>>) src(%dma_wait3A_387 : memref<512xi32, #tpu.memory_space<hbm>>) dst(%dma_wait3A_385 : memref<512xi32, #tpu.memory_space<vmem>>)
    %dma_wait3A_388 = arith.constant 1536 : i32
    %dma_wait3A_389 = tpu.memref_slice %arg10[%dma_wait3A_388] : memref<4096xi32, #tpu.memory_space<vmem>> -> memref<512xi32, #tpu.memory_space<vmem>>
    %dma_wait3A_390 = arith.constant 0 : i32
    %dma_wait3A_391 = tpu.memref_slice %arg3[%dma_wait3A_390] : memref<1606656xi32, #tpu.memory_space<hbm>> -> memref<512xi32, #tpu.memory_space<hbm>>
    %dma_wait3A_392 = arith.constant 1536 : i32
    %dma_wait3A_393 = tpu.memref_slice %arg10[%dma_wait3A_392] : memref<4096xi32, #tpu.memory_space<vmem>> -> memref<512xi32, #tpu.memory_space<vmem>>
    %dma_wait3A_394 = arith.constant 0 : i32
    %dma_wait3A_395 = tpu.memref_slice %arg3[%dma_wait3A_394] : memref<1606656xi32, #tpu.memory_space<hbm>> -> memref<512xi32, #tpu.memory_space<hbm>>
    tpu.wait_dma2 semaphore(%arg20 : memref<!tpu.dma_semaphore, #tpu.memory_space<semaphore_mem>>) src(%dma_wait3A_395 : memref<512xi32, #tpu.memory_space<hbm>>) dst(%dma_wait3A_393 : memref<512xi32, #tpu.memory_space<vmem>>)
    %dma_wait3A_396 = arith.constant 0 : i32
    %dma_wait3A_397 = tpu.memref_slice %arg11[%dma_wait3A_396] : memref<1024xi32, #tpu.memory_space<vmem>> -> memref<512xi32, #tpu.memory_space<vmem>>
    %dma_wait3A_398 = arith.constant 0 : i32
    %dma_wait3A_399 = tpu.memref_slice %arg7[%dma_wait3A_398] : memref<1606656xi32, #tpu.memory_space<hbm>> -> memref<512xi32, #tpu.memory_space<hbm>>
    %dma_wait3A_400 = arith.constant 0 : i32
    %dma_wait3A_401 = tpu.memref_slice %arg11[%dma_wait3A_400] : memref<1024xi32, #tpu.memory_space<vmem>> -> memref<512xi32, #tpu.memory_space<vmem>>
    %dma_wait3A_402 = arith.constant 0 : i32
    %dma_wait3A_403 = tpu.memref_slice %arg7[%dma_wait3A_402] : memref<1606656xi32, #tpu.memory_space<hbm>> -> memref<512xi32, #tpu.memory_space<hbm>>
    tpu.wait_dma2 semaphore(%arg20 : memref<!tpu.dma_semaphore, #tpu.memory_space<semaphore_mem>>) src(%dma_wait3A_403 : memref<512xi32, #tpu.memory_space<hbm>>) dst(%dma_wait3A_401 : memref<512xi32, #tpu.memory_space<vmem>>)
    %scan3A_404 = arith.constant 0 : i32
    %scan3A_405 = arith.constant 0 : i32
    %scan3A_406 = arith.constant 64 : i32
    %scan3A_407 = arith.addi %scan3A_405, %scan3A_406 : i32
    %scan3A_408 = arith.constant 1 : i32
    scf.for %scan3A_412 = %scan3A_405 to %scan3A_407 step %scan3A_408  : i32 {
      %mul3A_413 = arith.constant 16 : i32
      %mul3A_414 = arith.muli %scan3A_412, %mul3A_413 : i32
      %get3A = arith.index_cast %mul3A_414 : i32 to index
      %get3A_415 = tpu.vector_load %arg17[%get3A] {strides = array<i32>} : memref<16384xf32, #tpu.memory_space<vmem>>, vector<16xf32>,
      %add3A_416 = arith.constant 1024 : i32
      %add3A_417 = arith.addi %add3A_416, %mul3A_414 : i32
      %get3A_418 = arith.index_cast %add3A_417 : i32 to index
      %get3A_419 = tpu.vector_load %arg17[%get3A_418] {strides = array<i32>} : memref<16384xf32, #tpu.memory_space<vmem>>, vector<16xf32>,
      %add3A_420 = arith.addf %get3A_415, %get3A_419 : vector<16xf32>
      %add3A_421 = arith.constant 2048 : i32
      %add3A_422 = arith.addi %add3A_421, %mul3A_414 : i32
      %get3A_423 = arith.index_cast %add3A_422 : i32 to index
      %get3A_424 = tpu.vector_load %arg17[%get3A_423] {strides = array<i32>} : memref<16384xf32, #tpu.memory_space<vmem>>, vector<16xf32>,
      %add3A_425 = arith.addf %add3A_420, %get3A_424 : vector<16xf32>
      %add3A_426 = arith.constant 3072 : i32
      %add3A_427 = arith.addi %add3A_426, %mul3A_414 : i32
      %get3A_428 = arith.index_cast %add3A_427 : i32 to index
      %get3A_429 = tpu.vector_load %arg17[%get3A_428] {strides = array<i32>} : memref<16384xf32, #tpu.memory_space<vmem>>, vector<16xf32>,
      %add3A_430 = arith.addf %add3A_425, %get3A_429 : vector<16xf32>
      %add3A_431 = arith.constant 4096 : i32
      %add3A_432 = arith.addi %add3A_431, %mul3A_414 : i32
      %get3A_433 = arith.index_cast %add3A_432 : i32 to index
      %get3A_434 = tpu.vector_load %arg17[%get3A_433] {strides = array<i32>} : memref<16384xf32, #tpu.memory_space<vmem>>, vector<16xf32>,
      %add3A_435 = arith.addf %add3A_430, %get3A_434 : vector<16xf32>
      %add3A_436 = arith.constant 5120 : i32
      %add3A_437 = arith.addi %add3A_436, %mul3A_414 : i32
      %get3A_438 = arith.index_cast %add3A_437 : i32 to index
      %get3A_439 = tpu.vector_load %arg17[%get3A_438] {strides = array<i32>} : memref<16384xf32, #tpu.memory_space<vmem>>, vector<16xf32>,
      %add3A_440 = arith.addf %add3A_435, %get3A_439 : vector<16xf32>
      %add3A_441 = arith.constant 6144 : i32
      %add3A_442 = arith.addi %add3A_441, %mul3A_414 : i32
      %get3A_443 = arith.index_cast %add3A_442 : i32 to index
      %get3A_444 = tpu.vector_load %arg17[%get3A_443] {strides = array<i32>} : memref<16384xf32, #tpu.memory_space<vmem>>, vector<16xf32>,
      %add3A_445 = arith.addf %add3A_440, %get3A_444 : vector<16xf32>
      %add3A_446 = arith.constant 7168 : i32
      %add3A_447 = arith.addi %add3A_446, %mul3A_414 : i32
      %get3A_448 = arith.index_cast %add3A_447 : i32 to index
      %get3A_449 = tpu.vector_load %arg17[%get3A_448] {strides = array<i32>} : memref<16384xf32, #tpu.memory_space<vmem>>, vector<16xf32>,
      %add3A_450 = arith.addf %add3A_445, %get3A_449 : vector<16xf32>
      %add3A_451 = arith.constant 8192 : i32
      %add3A_452 = arith.addi %add3A_451, %mul3A_414 : i32
      %get3A_453 = arith.index_cast %add3A_452 : i32 to index
      %get3A_454 = tpu.vector_load %arg17[%get3A_453] {strides = array<i32>} : memref<16384xf32, #tpu.memory_space<vmem>>, vector<16xf32>,
      %add3A_455 = arith.addf %add3A_450, %get3A_454 : vector<16xf32>
      %add3A_456 = arith.constant 9216 : i32
      %add3A_457 = arith.addi %add3A_456, %mul3A_414 : i32
      %get3A_458 = arith.index_cast %add3A_457 : i32 to index
      %get3A_459 = tpu.vector_load %arg17[%get3A_458] {strides = array<i32>} : memref<16384xf32, #tpu.memory_space<vmem>>, vector<16xf32>,
      %add3A_460 = arith.addf %add3A_455, %get3A_459 : vector<16xf32>
      %add3A_461 = arith.constant 10240 : i32
      %add3A_462 = arith.addi %add3A_461, %mul3A_414 : i32
      %get3A_463 = arith.index_cast %add3A_462 : i32 to index
      %get3A_464 = tpu.vector_load %arg17[%get3A_463] {strides = array<i32>} : memref<16384xf32, #tpu.memory_space<vmem>>, vector<16xf32>,
      %add3A_465 = arith.addf %add3A_460, %get3A_464 : vector<16xf32>
      %add3A_466 = arith.constant 11264 : i32
      %add3A_467 = arith.addi %add3A_466, %mul3A_414 : i32
      %get3A_468 = arith.index_cast %add3A_467 : i32 to index
      %get3A_469 = tpu.vector_load %arg17[%get3A_468] {strides = array<i32>} : memref<16384xf32, #tpu.memory_space<vmem>>, vector<16xf32>,
      %add3A_470 = arith.addf %add3A_465, %get3A_469 : vector<16xf32>
      %add3A_471 = arith.constant 12288 : i32
      %add3A_472 = arith.addi %add3A_471, %mul3A_414 : i32
      %get3A_473 = arith.index_cast %add3A_472 : i32 to index
      %get3A_474 = tpu.vector_load %arg17[%get3A_473] {strides = array<i32>} : memref<16384xf32, #tpu.memory_space<vmem>>, vector<16xf32>,
      %add3A_475 = arith.addf %add3A_470, %get3A_474 : vector<16xf32>
      %add3A_476 = arith.constant 13312 : i32
      %add3A_477 = arith.addi %add3A_476, %mul3A_414 : i32
      %get3A_478 = arith.index_cast %add3A_477 : i32 to index
      %get3A_479 = tpu.vector_load %arg17[%get3A_478] {strides = array<i32>} : memref<16384xf32, #tpu.memory_space<vmem>>, vector<16xf32>,
      %add3A_480 = arith.addf %add3A_475, %get3A_479 : vector<16xf32>
      %add3A_481 = arith.constant 14336 : i32
      %add3A_482 = arith.addi %add3A_481, %mul3A_414 : i32
      %get3A_483 = arith.index_cast %add3A_482 : i32 to index
      %get3A_484 = tpu.vector_load %arg17[%get3A_483] {strides = array<i32>} : memref<16384xf32, #tpu.memory_space<vmem>>, vector<16xf32>,
      %add3A_485 = arith.addf %add3A_480, %get3A_484 : vector<16xf32>
      %add3A_486 = arith.constant 15360 : i32
      %add3A_487 = arith.addi %add3A_486, %mul3A_414 : i32
      %get3A_488 = arith.index_cast %add3A_487 : i32 to index
      %get3A_489 = tpu.vector_load %arg17[%get3A_488] {strides = array<i32>} : memref<16384xf32, #tpu.memory_space<vmem>>, vector<16xf32>,
      %add3A_490 = arith.addf %add3A_485, %get3A_489 : vector<16xf32>
      %swap3A = arith.index_cast %mul3A_414 : i32 to index
      %swap3A_491 = tpu.vector_load %arg18[%swap3A] {strides = array<i32>} : memref<1024xf32, #tpu.memory_space<vmem>>, vector<16xf32>,
      tpu.vector_store %arg18[%swap3A], %add3A_490 {strides = array<i32>} : memref<1024xf32, #tpu.memory_space<vmem>>, vector<16xf32>,
    }
    %scan3A_409 = arith.constant 64 : i32
    %mul3A_410 = arith.constant 1024 : i32
    %mul3A_411 = arith.muli %add3A, %mul3A_410 : i32
    "tpu.region"() ({
      %run_scoped3A = tpu.sem_alloc : memref<!tpu.dma_semaphore, #tpu.memory_space<semaphore_mem>>
      %dma_start3A_412 = tpu.memref_slice %arg9[%mul3A_411] : memref<32768xf32, #tpu.memory_space<hbm>> -> memref<1024xf32, #tpu.memory_space<hbm>>
      %dma_start3A_413 = tpu.memref_slice %arg9[%mul3A_411] : memref<32768xf32, #tpu.memory_space<hbm>> -> memref<1024xf32, #tpu.memory_space<hbm>>
      tpu.enqueue_dma source(%arg18 : memref<1024xf32, #tpu.memory_space<vmem>>) target(%dma_start3A_413 : memref<1024xf32, #tpu.memory_space<hbm>>) target_semaphore(%run_scoped3A : memref<!tpu.dma_semaphore, #tpu.memory_space<semaphore_mem>>)
      %dma_wait3A_414 = tpu.memref_slice %arg9[%mul3A_411] : memref<32768xf32, #tpu.memory_space<hbm>> -> memref<1024xf32, #tpu.memory_space<hbm>>
      %dma_wait3A_415 = tpu.memref_slice %arg9[%mul3A_411] : memref<32768xf32, #tpu.memory_space<hbm>> -> memref<1024xf32, #tpu.memory_space<hbm>>
      tpu.wait_dma2 semaphore(%run_scoped3A : memref<!tpu.dma_semaphore, #tpu.memory_space<semaphore_mem>>) src(%arg18 : memref<1024xf32, #tpu.memory_space<vmem>>) dst(%dma_wait3A_415 : memref<1024xf32, #tpu.memory_space<hbm>>)
      tpu.yield
    }) : () -> ()
    return
  }
}

module attributes {stable_mosaic.version = 14 : i64} {
  func.func @_prep_body(%arg0: memref<1250x128xf32, #tpu.memory_space<vmem>>, %arg1: memref<1250x128xf32, #tpu.memory_space<vmem>>, %arg2: memref<1250x128xf32, #tpu.memory_space<vmem>>, %arg3: memref<1250x128xf32, #tpu.memory_space<vmem>>, %arg4: memref<1250x128xf32, #tpu.memory_space<vmem>>, %arg5: memref<1250x128xf32, #tpu.memory_space<vmem>>, %arg6: memref<1250x128xf32, #tpu.memory_space<vmem>>, %arg7: memref<1250x128xf32, #tpu.memory_space<vmem>>, %arg8: memref<1250x128xf32, #tpu.memory_space<vmem>>, %arg9: memref<1250x128xf32, #tpu.memory_space<vmem>>, %arg10: memref<1250x128xf32, #tpu.memory_space<vmem>>, %arg11: memref<1250x128xf32, #tpu.memory_space<vmem>>, %arg12: memref<1250x128xf32, #tpu.memory_space<vmem>>) attributes {dimension_semantics = [], scalar_prefetch = 0 : i64, scratch_operands = 0 : i64, tpu.core_type = #tpu.core_type<tc>} {
    %get3A = arith.constant 0 : index
    %get3A_0 = arith.constant 0 : index
    %get3A_1 = vector.load %arg1[%get3A, %get3A_0] : memref<1250x128xf32, #tpu.memory_space<vmem>>, vector<1250x128xf32>
    %get3A_2 = arith.constant 0 : index
    %get3A_3 = arith.constant 0 : index
    %get3A_4 = vector.load %arg3[%get3A_2, %get3A_3] : memref<1250x128xf32, #tpu.memory_space<vmem>>, vector<1250x128xf32>
    %add3A = arith.addf %get3A_1, %get3A_4 : vector<1250x128xf32>
    %get3A_5 = arith.constant 0 : index
    %get3A_6 = arith.constant 0 : index
    %get3A_7 = vector.load %arg5[%get3A_5, %get3A_6] : memref<1250x128xf32, #tpu.memory_space<vmem>>, vector<1250x128xf32>
    %add3A_8 = arith.addf %add3A, %get3A_7 : vector<1250x128xf32>
    %swap3A = arith.constant 0 : index
    %swap3A_9 = arith.constant 0 : index
    %swap3A_10 = vector.load %arg6[%swap3A, %swap3A_9] : memref<1250x128xf32, #tpu.memory_space<vmem>>, vector<1250x128xf32>
    tpu.vector_store %arg6[%swap3A, %swap3A_9], %add3A_8 {strides = array<i32>} : memref<1250x128xf32, #tpu.memory_space<vmem>>, vector<1250x128xf32>,
    %get3A_11 = arith.constant 0 : index
    %get3A_12 = arith.constant 0 : index
    %get3A_13 = vector.load %arg1[%get3A_11, %get3A_12] : memref<1250x128xf32, #tpu.memory_space<vmem>>, vector<1250x128xf32>
    %get3A_14 = arith.constant 0 : index
    %get3A_15 = arith.constant 0 : index
    %get3A_16 = vector.load %arg0[%get3A_14, %get3A_15] : memref<1250x128xf32, #tpu.memory_space<vmem>>, vector<1250x128xf32>
    %cos3A = math.cos %get3A_16 : vector<1250x128xf32>
    %mul3A = arith.mulf %get3A_13, %cos3A : vector<1250x128xf32>
    %swap3A_17 = arith.constant 0 : index
    %swap3A_18 = arith.constant 0 : index
    %swap3A_19 = vector.load %arg7[%swap3A_17, %swap3A_18] : memref<1250x128xf32, #tpu.memory_space<vmem>>, vector<1250x128xf32>
    tpu.vector_store %arg7[%swap3A_17, %swap3A_18], %mul3A {strides = array<i32>} : memref<1250x128xf32, #tpu.memory_space<vmem>>, vector<1250x128xf32>,
    %get3A_20 = arith.constant 0 : index
    %get3A_21 = arith.constant 0 : index
    %get3A_22 = vector.load %arg1[%get3A_20, %get3A_21] : memref<1250x128xf32, #tpu.memory_space<vmem>>, vector<1250x128xf32>
    %get3A_23 = arith.constant 0 : index
    %get3A_24 = arith.constant 0 : index
    %get3A_25 = vector.load %arg0[%get3A_23, %get3A_24] : memref<1250x128xf32, #tpu.memory_space<vmem>>, vector<1250x128xf32>
    %sin3A = math.sin %get3A_25 : vector<1250x128xf32>
    %mul3A_26 = arith.mulf %get3A_22, %sin3A : vector<1250x128xf32>
    %swap3A_27 = arith.constant 0 : index
    %swap3A_28 = arith.constant 0 : index
    %swap3A_29 = vector.load %arg8[%swap3A_27, %swap3A_28] : memref<1250x128xf32, #tpu.memory_space<vmem>>, vector<1250x128xf32>
    tpu.vector_store %arg8[%swap3A_27, %swap3A_28], %mul3A_26 {strides = array<i32>} : memref<1250x128xf32, #tpu.memory_space<vmem>>, vector<1250x128xf32>,
    %get3A_30 = arith.constant 0 : index
    %get3A_31 = arith.constant 0 : index
    %get3A_32 = vector.load %arg3[%get3A_30, %get3A_31] : memref<1250x128xf32, #tpu.memory_space<vmem>>, vector<1250x128xf32>
    %get3A_33 = arith.constant 0 : index
    %get3A_34 = arith.constant 0 : index
    %get3A_35 = vector.load %arg2[%get3A_33, %get3A_34] : memref<1250x128xf32, #tpu.memory_space<vmem>>, vector<1250x128xf32>
    %cos3A_36 = math.cos %get3A_35 : vector<1250x128xf32>
    %mul3A_37 = arith.mulf %get3A_32, %cos3A_36 : vector<1250x128xf32>
    %swap3A_38 = arith.constant 0 : index
    %swap3A_39 = arith.constant 0 : index
    %swap3A_40 = vector.load %arg9[%swap3A_38, %swap3A_39] : memref<1250x128xf32, #tpu.memory_space<vmem>>, vector<1250x128xf32>
    tpu.vector_store %arg9[%swap3A_38, %swap3A_39], %mul3A_37 {strides = array<i32>} : memref<1250x128xf32, #tpu.memory_space<vmem>>, vector<1250x128xf32>,
    %get3A_41 = arith.constant 0 : index
    %get3A_42 = arith.constant 0 : index
    %get3A_43 = vector.load %arg3[%get3A_41, %get3A_42] : memref<1250x128xf32, #tpu.memory_space<vmem>>, vector<1250x128xf32>
    %get3A_44 = arith.constant 0 : index
    %get3A_45 = arith.constant 0 : index
    %get3A_46 = vector.load %arg2[%get3A_44, %get3A_45] : memref<1250x128xf32, #tpu.memory_space<vmem>>, vector<1250x128xf32>
    %sin3A_47 = math.sin %get3A_46 : vector<1250x128xf32>
    %mul3A_48 = arith.mulf %get3A_43, %sin3A_47 : vector<1250x128xf32>
    %swap3A_49 = arith.constant 0 : index
    %swap3A_50 = arith.constant 0 : index
    %swap3A_51 = vector.load %arg10[%swap3A_49, %swap3A_50] : memref<1250x128xf32, #tpu.memory_space<vmem>>, vector<1250x128xf32>
    tpu.vector_store %arg10[%swap3A_49, %swap3A_50], %mul3A_48 {strides = array<i32>} : memref<1250x128xf32, #tpu.memory_space<vmem>>, vector<1250x128xf32>,
    %get3A_52 = arith.constant 0 : index
    %get3A_53 = arith.constant 0 : index
    %get3A_54 = vector.load %arg5[%get3A_52, %get3A_53] : memref<1250x128xf32, #tpu.memory_space<vmem>>, vector<1250x128xf32>
    %get3A_55 = arith.constant 0 : index
    %get3A_56 = arith.constant 0 : index
    %get3A_57 = vector.load %arg4[%get3A_55, %get3A_56] : memref<1250x128xf32, #tpu.memory_space<vmem>>, vector<1250x128xf32>
    %cos3A_58 = math.cos %get3A_57 : vector<1250x128xf32>
    %mul3A_59 = arith.mulf %get3A_54, %cos3A_58 : vector<1250x128xf32>
    %swap3A_60 = arith.constant 0 : index
    %swap3A_61 = arith.constant 0 : index
    %swap3A_62 = vector.load %arg11[%swap3A_60, %swap3A_61] : memref<1250x128xf32, #tpu.memory_space<vmem>>, vector<1250x128xf32>
    tpu.vector_store %arg11[%swap3A_60, %swap3A_61], %mul3A_59 {strides = array<i32>} : memref<1250x128xf32, #tpu.memory_space<vmem>>, vector<1250x128xf32>,
    %get3A_63 = arith.constant 0 : index
    %get3A_64 = arith.constant 0 : index
    %get3A_65 = vector.load %arg5[%get3A_63, %get3A_64] : memref<1250x128xf32, #tpu.memory_space<vmem>>, vector<1250x128xf32>
    %get3A_66 = arith.constant 0 : index
    %get3A_67 = arith.constant 0 : index
    %get3A_68 = vector.load %arg4[%get3A_66, %get3A_67] : memref<1250x128xf32, #tpu.memory_space<vmem>>, vector<1250x128xf32>
    %sin3A_69 = math.sin %get3A_68 : vector<1250x128xf32>
    %mul3A_70 = arith.mulf %get3A_65, %sin3A_69 : vector<1250x128xf32>
    %swap3A_71 = arith.constant 0 : index
    %swap3A_72 = arith.constant 0 : index
    %swap3A_73 = vector.load %arg12[%swap3A_71, %swap3A_72] : memref<1250x128xf32, #tpu.memory_space<vmem>>, vector<1250x128xf32>
    tpu.vector_store %arg12[%swap3A_71, %swap3A_72], %mul3A_70 {strides = array<i32>} : memref<1250x128xf32, #tpu.memory_space<vmem>>, vector<1250x128xf32>,
    return
  }
}

module attributes {stable_mosaic.version = 14 : i64} {
  func.func @_finish_body(%arg0: memref<32x8x128xf32, #tpu.memory_space<vmem>>, %arg1: memref<8x128xf32, #tpu.memory_space<vmem>>) attributes {dimension_semantics = [], scalar_prefetch = 0 : i64, scratch_operands = 0 : i64, tpu.core_type = #tpu.core_type<tc>} {
    %get3A = arith.constant 0 : index
    %get3A_0 = arith.constant 0 : index
    %get3A_1 = arith.constant 0 : index
    %get3A_2 = vector.load %arg0[%get3A, %get3A_0, %get3A_1] : memref<32x8x128xf32, #tpu.memory_space<vmem>>, vector<32x8x128xf32>
    %reduce_sum3A = arith.constant dense<0.000000e+00> : vector<8x128xf32>
    %reduce_sum3A_3 = vector.multi_reduction <add>, %get3A_2, %reduce_sum3A [0] : vector<32x8x128xf32> to vector<8x128xf32>
    %swap3A = arith.constant 0 : index
    %swap3A_4 = arith.constant 0 : index
    %swap3A_5 = vector.load %arg1[%swap3A, %swap3A_4] : memref<8x128xf32, #tpu.memory_space<vmem>>, vector<8x128xf32>
    tpu.vector_store %arg1[%swap3A, %swap3A_4], %reduce_sum3A_3 {strides = array<i32>} : memref<8x128xf32, #tpu.memory_space<vmem>>, vector<8x128xf32>,
    return
  }
}

</mosaic_0001>

<sc_bundles>
// kernel: kernel.6.cloned.1.call-start
scs
__scs_entry_jumppad:
0x0: {  	(pc) =	sbr.rel $0x88, $3  }
0x1: {  	(tag) =	ssettag $0x0;
	lr =	simm.s32 $0x1  }
0x2: {  	[smem:$0x3F97] =	sst lr;
	_ =	strace $0xD0000000  }
0x3: {  	_ = 	snop  }
0x4: {  	_ = 	snop  }
0x5: {  	_ = 	snop  }
0x6: {  	_ = 	snop  }
0x7: {  	_ = 	snop  }
__scs_overlays_trampoline_lowered:
0x8: {  	[smem:$0x3FA6] =	sst s0  }
0x9: {  	[smem:$0x3FA7] =	sst s1  }
0xa: {  	[smem:$0x3FA8] =	sst s2  }
0xb: {  	[smem:$0x3FA9] =	sst s3  }
0xc: {  	[smem:$0x3FAA] =	sst s4  }
0xd: {  	[smem:$0x3FAB] =	sst s5  }
0xe: {  	[smem:$0x3FAC] =	sst s6  }
0xf: {  	[smem:$0x3FAD] =	sst s7  }
0x10: {  	[smem:$0x3FAE] =	sst s8  }
0x11: {  	[smem:$0x3FAF] =	sst s9;
	s0 =	simm.s32 @!p0 $0x0  }
0x12: {  	s1 =	sld [smem:$0x3F95];
	s0 =	simm.s32 @p0 $0x1  }
0x13: {  	[smem:$0x3FB0] =	sst s0;
	s0 =	simm.s32 @!p1 $0x0  }
0x14: {  	s2 =	sld [smem:$0x3F94];
	s0 =	simm.s32 @p1 $0x1  }
0x15: {  	[smem:$0x3FB1] =	sst s0;
	s0 =	simm.s32 @!p2 $0x0  }
0x16: {  	s3 =	sld [smem:$0x3FDB];
	s0 =	simm.s32 @p2 $0x1  }
0x17: {  	s4 =	simm.s32 $0x1BF5;
	[smem:$0x3FB3] =	sst s0  }
0x18: {  	s0 =	sld [smem:$0x3F96];
	_ =	swait.ge [sflag:s4], $0x0  }
0x19: {  	s7 =	sld [smem:$0x3F97]  }
0x1a: {  	s8 =	sadd.s32 $0xFFFFE003, lr  }
0x1b: {  	s9 =	sadd.s32 $0xFFFFFEF7, lr;
	s5 =	simm.s32 $0xFFFFFFFF;
	p2 =	slt.u32 s8, $0xFFFFF086  }
0x1c: {  	p1 =	slt.u32 s9, $0xF7A;
	s5 =	simm.s32 @!p2 $0x0  }
0x1d: {  	s5 =	simm.s32 @p1 $0x1;
	p0 =	seq.s32 s7, s2  }
0x1e: {  	s7 =	smul.u32 @!p0 $0xF7A, s2;
	p2 =	seq.s32 @!p0 s5, $0x0  }
0x1f: {  	s9 =	smul.u32 $0xF7A, s1;
	s8 =	simm.s32 @!p0 $0x1BF5;
	p2 =	por !p2, p0  }
0x20: {  	[sflag:s8] =	ssyncset.s32 @!p0 $0xFFFFF086;
	s6 =	sadd.s32 @!p0 s3, s7;
	s7 =	simm.s32 @!p0 $0x108  }
0x21: {  	s3 =	sadd.s32 s3, s9;
	s6 =	sadd.s32 @!p0 $0x88, s6;
	s7 =	simm.s32 @p2 $0x1082  }
0x22: {  	[simem:s7], [sflag:s8] =	dma.local @!p0 [hbm:s6], $0xF7A  }
0x23: {  	s9 =	sor.u32 $0xD0000000, s2;
	s6 =	simm.s32 $0x108;
	_ =	swait.ge @!p0 [sflag:s8], $0x0  }
0x24: {  	s3 =	sadd.s32 $0x88, s3;
	s6 =	simm.s32 @!p1 $0x1082;
	[sflag:s4] =	ssyncset.s32 $0xFFFFF086  }
0x25: {  	[simem:s6], [sflag:s4] =	dma.local [hbm:s3], $0xF7A  }
0x26: {  	[smem:$0x3F97] =	sst s1;
	(tag) =	ssettag s2;
	_ =	strace s9  }
0x27: {  	s1 =	sld [smem:$0x3FA7]  }
0x28: {  	s2 =	sld [smem:$0x3FA8]  }
0x29: {  	s4 =	sld [smem:$0x3FAA]  }
0x2a: {  	p0 =	seq.s32 s5, $0x0;
	s5 =	sld [smem:$0x3FAB]  }
0x2b: {  	s6 =	sld [smem:$0x3FAC]  }
0x2c: {  	s7 =	sld [smem:$0x3FAD]  }
0x2d: {  	s3 =	simm.s32 $0x108;
	s8 =	sld [smem:$0x3FAE]  }
0x2e: {  	s3 =	simm.s32 @!p0 $0x1082;
	s9 =	sld [smem:$0x3FAF]  }
0x2f: {  	lr =	sadd.s32 s0, s3;
	s0 =	sld [smem:$0x3FA6]  }
0x30: {  	s3 =	sld [smem:$0x3FA9]  }
0x31: {  	[smem:$0x3FB2] =	sst s10  }
0x32: {  	s10 =	sld [smem:$0x3FB0];
	_ =	sdelay $0x3  }
0x33: {  	p0 =	seq.s32 s10, $0x1;
	s10 =	sld [smem:$0x3FB2];
	_ =	sdelay $0x3  }
0x34: {  	[smem:$0x3FB2] =	sst s10  }
0x35: {  	s10 =	sld [smem:$0x3FB1];
	_ =	sdelay $0x3  }
0x36: {  	p1 =	seq.s32 s10, $0x1;
	s10 =	sld [smem:$0x3FB2];
	_ =	sdelay $0x3  }
0x37: {  	[smem:$0x3FB2] =	sst s10  }
0x38: {  	s10 =	sld [smem:$0x3FB3]  }
0x39: {  	_ = 	snop;
	(pc) =	sbr.ind lr, $3  }
0x3a: {  	_ = 	snop  }
0x3b: {  	_ = 	snop  }
0x3c: {  	p2 =	seq.s32 s10, $0x1;
	s10 =	sld [smem:$0x3FB2]  }
0x3d: {  	_ =	shalt  }
0x3e: {  	_ =	shalt  }
0x3f: {  	_ =	shalt  }
0x40: {  	_ =	shalt  }
0x41: {  	_ =	shalt  }
0x42: {  	_ =	shalt  }
0x43: {  	_ =	shalt  }
0x44: {  	_ =	shalt  }
0x45: {  	_ =	shalt  }
0x46: {  	_ =	shalt  }
0x47: {  	_ =	shalt  }
0x48: {  	_ =	shalt  }
0x49: {  	_ =	shalt  }
0x4a: {  	_ =	shalt  }
0x4b: {  	_ =	shalt  }
0x4c: {  	_ =	shalt  }
0x4d: {  	_ =	shalt  }
0x4e: {  	_ =	shalt  }
0x4f: {  	_ =	shalt  }
0x50: {  	_ =	shalt  }
0x51: {  	_ =	shalt  }
0x52: {  	_ =	shalt  }
0x53: {  	_ =	shalt  }
0x54: {  	_ =	shalt  }
0x55: {  	_ =	shalt  }
0x56: {  	_ =	shalt  }
0x57: {  	_ =	shalt  }
0x58: {  	_ =	shalt  }
0x59: {  	_ =	shalt  }
0x5a: {  	_ =	shalt  }
0x5b: {  	_ =	shalt  }
0x5c: {  	_ =	shalt  }
0x5d: {  	_ =	shalt  }
0x5e: {  	_ =	shalt  }
0x5f: {  	_ =	shalt  }
0x60: {  	_ =	shalt  }
0x61: {  	_ =	shalt  }
0x62: {  	_ =	shalt  }
0x63: {  	_ =	shalt  }
0x64: {  	_ =	shalt  }
0x65: {  	_ =	shalt  }
0x66: {  	_ =	shalt  }
0x67: {  	_ =	shalt  }
0x68: {  	_ =	shalt  }
0x69: {  	_ =	shalt  }
0x6a: {  	_ =	shalt  }
0x6b: {  	_ =	shalt  }
0x6c: {  	_ =	shalt  }
0x6d: {  	_ =	shalt  }
0x6e: {  	_ =	shalt  }
0x6f: {  	_ =	shalt  }
0x70: {  	_ =	shalt  }
0x71: {  	_ =	shalt  }
0x72: {  	_ =	shalt  }
0x73: {  	_ =	shalt  }
0x74: {  	_ =	shalt  }
0x75: {  	_ =	shalt  }
0x76: {  	_ =	shalt  }
0x77: {  	_ =	shalt  }
0x78: {  	_ =	shalt  }
0x79: {  	_ =	shalt  }
0x7a: {  	_ =	shalt  }
0x7b: {  	_ =	shalt  }
0x7c: {  	_ =	shalt  }
0x7d: {  	_ =	shalt  }
0x7e: {  	_ =	shalt  }
0x7f: {  	_ =	shalt  }
0x80: {  	_ =	shalt  }
0x81: {  	_ =	shalt  }
0x82: {  	_ =	shalt  }
0x83: {  	_ =	shalt  }
0x84: {  	_ =	shalt  }
0x85: {  	_ =	shalt  }
0x86: {  	_ =	shalt  }
0x87: {  	_ =	shalt  }
.Lfunc_end0:
.L_simem_size_0:
called_computation_lowered:
.L_overlay_start_0:
0x88: {  	s2 =	sld [smem:$0x3FD9]  }
0x89: {  	s3 =	sld [smem:$0x3FFE];
	_ =	sdelay $0x1  }
0x8a: {  	s1 =	srdreg.scid  }
0x8b: {  	s0 =	sand.u32 $0x1, s1  }
0x8c: {  	s17 =	sshll.u32 s0, $0xA;
	s2 =	sadd.s32 s3, s2  }
0x8d: {  	s2 =	sadd.s32 s2, s17  }
0x8e: {  	[smem:$0x3FBE] =	sst s2  }
0x8f: {  	_ = 	snop  }
0x90: {  	s2 =	sld [smem:$0x3FC6];
	(tm) =	ssettm $0x1  }
0x91: {  	s18 =	sld [smem:$0x3FFB];
	_ =	sdelay $0x3  }
0x92: {  	_ =	strace s18  }
0x93: {  	s3 =	sld [smem:$0x3FFC];
	_ =	sdelay $0x3  }
0x94: {  	_ =	strace s3  }
0x95: {  	s3 =	sld [smem:$0x3FFD];
	_ =	sdelay $0x3  }
0x96: {  	_ =	strace s3  }
0x97: {  	_ =	strace $0x8FFFFFFF  }
0x98: {  	s19 =	sld [smem:$0x3FDB];
	_ =	sdelay $0x1  }
0x99: {  	s4 =	simm.s32 $_scs_section_size  }
0x9a: {  	s5 =	simm.s32 $_size__tile_overlayer_lowered;
	s6 =	simm.s32 $_tile_overlayer_lowered  }
0x9b: {  	s22 =	simm.s32 $0x1BFF;
	s21 =	sshll.u32 s6, $0x1;
	s3 =	sadd.s32 s4, s19  }
0x9c: {  	s7 =	simm.s32 $0x0;
	s20 =	sshll.u32 s5, $0x1;
	s5 =	sadd.s32 s21, s3  }
0x9d: {  	[timem:s7], [sflag:s22] =	dma.local [hbm:s5], s20  }
0x9e: {  	_ =	swait.ge [sflag:s22], s20  }
0x9f: {  	s4 =	ssub.s32 $0x0, s20;
	[sflag:s22] =	ssyncset.done $0x0  }
0xa0: {  	[sflag:s22] =	ssyncadd.s32 s4;
	_ =	sdelay $0x1  }
0xa1: {  	s23 =	simm.s32 $0x1B8B  }
0xa2: {  	_ =	swait.ge [sflag:s23], $0x1  }
0xa3: {  	[sflag:s23] =	ssyncset.done $0x0  }
0xa4: {  	s25 =	simm.s32 $0x1B8E;
	s24 =	sld [smem:$0x3FFE];
	[sflag:s23] =	ssyncadd.s32 $0xFFFFFFFF  }
0xa5: {  	s26 =	simm.s32 $execute0_lowered;
	[smem:$0x3FD2] =	sst s25  }
0xa6: {  	s5 =	sshll.u32 s26, $0x1;
	_ =	strace $0x80000046;
	[dreg:$0x1] =	wrdreg $0xFFFFFFFF  }
0xa7: {  	s28 =	simm.s32 $_size_execute0_lowered;
	s3 =	sadd.s32 s3, s5;
	[dreg:$0x0] =	wrdreg $0x0  }
0xa8: {  	s5 =	sshll.u32 s28, $0x1;
	[dreg:$0x2] =	wrdreg s3  }
0xa9: {  	[dreg:$0x3] =	wrdreg s5  }
0xaa: {  	[dreg:$0x4] =	wrdreg $0xC0  }
0xab: {  	_ =	task [dreg:s7], $0x5FFFF  }
0xac: {  	[dreg:$0x1] =	wrdreg $0xFFFFFFFF  }
0xad: {  	[dreg:$0x0] =	wrdreg $0x60  }
0xae: {  	[dreg:$0x2] =	wrdreg s24  }
0xaf: {  	[dreg:$0x3] =	wrdreg s2  }
0xb0: {  	[dreg:$0x4] =	wrdreg $0x9  }
0xb1: {  	_ =	task.clear_ibuf [dreg:s7], $0x5FFFF;
	_ =	strace $0x90000046  }
0xb2: {  	s29 =	simm.s32 $0x9;
	_ =	strace $0x80000048  }
0xb3: {  	_ =	swait.ge [sflag:s29], $0x1  }
0xb4: {  	[sflag:s29] =	ssyncadd.s32 $0xFFFFFFFF  }
0xb5: {  	_ =	strace $0x90000048  }
0xb6: {  	_ =	sfence  }
0xb7: {  	s30 =	sld [smem:$0x0];
	_ =	sdelay $0x2  }
0xb8: {  	s31 =	sshll.u32 s1, $0xD;
	s1 =	sshrl.u32 s1, $0x2  }
0xb9: {  	s3 =	sand.u32 $0x4000, s31;
	s1 =	sadd.s32 s1, s30  }
0xba: {  	s0 =	sor.u32 s3, s0;
	s1 =	sshll.u32 s1, $0x11  }
0xbb: {  	s0 =	sor.u32 s1, s0  }
0xbc: {  	s0 =	sadd.s32 $0x8F2B, s0  }
0xbd: {  	[sflag:s0] =	ssyncadd.remote.s32 $0x1  }
0xbe: {  	_ =	sfence.sel $0xFFFF  }
0xbf: {  	[dreg:$0x0] =	wrdreg $0xFFFFFFFF;
	(pc) =	sbr.abs _section_cstart, $3  }
0xc0: {  	[dreg:$0x1] =	wrdreg $0xFFFFFFFF  }
0xc1: {  	_ =	task.clear_ibuf [dreg:s7], $0x2FFFF;
	_ =	strace $0x9FFFFFFF  }
0xc2: {  	(tm) =	ssettm $0x7FFFFFFF  }
0xc3: {  	_ =	shalt  }
tec
execute0_lowered:
.L_overlay_start_1:
0x0: {  	(tag) =	ssettag $0x1  }
0x1: {  	s0 =	srdreg.scid;
	s3 =	rddreg [dreg:$0x0]  }
0x2: {  	s1 =	stileid.u32;
	s5 =	rddreg [dreg:$0x1]  }
0x3: {  	s24 =	simm.s32 $0x1;
	s28 =	simm.s32 $0x0;
	s0 =	sand.u32 $0x1, s0  }
0x4: {  	s1 =	sshll.u32 s1, $0x1;
	s15 =	sadd.s32 $0x3C00, s3;
	s16 =	sadd.s32 $0x8C00, s3  }
0x5: {  	s17 =	sadd.s32 $0xDC00, s3;
	s18 =	sadd.s32 $0x12C00, s3;
	s1 =	sor.u32 s0, s1  }
0x6: {  	s19 =	sadd.s32 $0x17C00, s3;
	s0 =	ssub.s32 $0x2, s0;
	s2 =	smul.u32 $0xC38, s1  }
0x7: {  	s20 =	sadd.s32 $0x1CC00, s3;
	s1 =	smul.u32 $0x1388, s1;
	s8 =	sshrl.u32 s0, $0x1  }
0x8: {  	s21 =	sadd.s32 $0x21C00, s3;
	s0 =	ssub.s32 s0, s8;
	s4 =	smin.u32 s2, $0x17A60  }
0x9: {  	s2 =	simm.s32 $0x0;
	s1 =	smin.u32 s1, $0x25D70;
	s23 =	smax.u32 s0, $0x1  }
0xa: {  	s6 =	smul.u32 $0x3, s4;
	[smem:$0x7FF] =	sst s2;
	s7 =	sshll.u32 s4, $0x1  }
0xb: {  	s4 =	sshrl.u32 s4, $0x3;
	s25 =	sshrl.u32 s1, $0x3;
	s29 =	sadd.s32 $0x9D0, s1  }
0xc: {  	s1 =	sshll.u32 s1, $0x1;
	_ =	strace $0x80000047;
	s7 =	sadd.s32 s7, s3  }
0xd: {  	s4 =	sadd.s32 s5, s4;
	s8 =	sadd.s32 s16, s25;
	s9 =	sadd.s32 s17, s25  }
0xe: {  	s10 =	sadd.s32 s18, s25;
	s11 =	sadd.s32 s19, s25;
	s12 =	sadd.s32 s20, s25  }
0xf: {  	s13 =	sadd.s32 s21, s25;
	s30 =	sshrl.u32 s29, $0x3;
	s31 =	sshll.u32 s29, $0x1  }
0x10: {  	s6 =	sshrl.u32 s6, $0x3;
	[dreg:$0x4] =	wrdreg s4;
	s26 =	sadd.s32 $0x26C00, s7  }
0x11: {  	s16 =	sadd.s32 s16, s30;
	s17 =	sadd.s32 s17, s30;
	s18 =	sadd.s32 s18, s30  }
0x12: {  	v0 =	vlaneseq.u32;
	v1 =	vimm.s32 $0x52741630;
	v3 =	vimm.s32 $0x63052741;
	s19 =	sadd.s32 s19, s30;
	s20 =	sadd.s32 s20, s30;
	s21 =	sadd.s32 s21, s30  }
0x13: {  	v4 =	vimm.s32 $0x74163052;
	v6 =	vmul.u32 $0x3, v0;
	v2 =	vunpack.c.l.s4.s8 v1;
	s6 =	sadd.s32 s6, s3;
	s3 =	sadd.s32 $0x57A00, s3;
	[dreg:$0x5] =	wrdreg s26  }
0x14: {  	v5 =	vunpack.c.l.s4.s8 v3;
	v7 =	vunpack.c.l.s4.s8 v4;
	v3 =	vmul.u32 $0x10, v0;
	s26 =	simm.s32 $0xD7B0;
	s6 =	sadd.s32 $0x18A600, s6;
	s14 =	sadd.s32 s3, s1  }
0x15: {  	v1 =	vadd.s32 $0x1260, v6;
	v2 =	vunpack.c.0.s8.s32 v2;
	v4 =	vadd.s32 $0x1261, v6;
	s22 =	sadd.s32 s3, s31;
	[dreg:$0x3] =	wrdreg s6;
	s6 =	sadd.s32 $0x27840, s7  }
0x16: {  	v5 =	vunpack.c.0.s8.s32 v5;
	v6 =	vadd.s32 $0x1262, v6;
	v7 =	vunpack.c.0.s8.s32 v7;
	s7 =	sadd.s32 s15, s25;
	s15 =	sadd.s32 s15, s30;
	s25 =	simm.s32 $0x3100  }
.LBB2_1:
0x17: {  	s0 =	rddreg [dreg:$0x3]  }
0x18: {  	[tilespmem:s2], [sflag:$0x1] =	stream.linear.gather [hbm4b:s0+s2], $0x24C0, $0x38;
	[tilespmem:$0x174B0] =	vst v63  }
0x19: {  	v8 =	vor.u32 s2, v0;
	_ =	swait.ge [sflag:s24], $0x24C0  }
0x1a: {  	v9 =	vmul.u32 $0x3, v8;
	[sflag:s24] =	ssyncset.done $0x0  }
0x1b: {  	s0 =	simm.s32 $0x24C0;
	s1 =	rddreg [dreg:$0x4];
	[sflag:s24] =	ssyncadd.s32 $0xFFFFDB40  }
0x1c: {  	[tilespmem:s0], [sflag:$0x1] =	stream.linear.gather [hbm4b:s1+s2], $0xC40, $0x38;
	[tilespmem:$0x174B0] =	vst v63  }
0x1d: {  	_ =	swait.ge [sflag:s24], $0xC40  }
0x1e: {  	[sflag:s24] =	ssyncset.done $0x0  }
0x1f: {  	[sflag:s24] =	ssyncadd.s32 $0xFFFFF3C0  }
0x20: {  	v8 =	vshll.u32 v8, $0x4;
	v10 =	vld.idx.msk [tilespmem:v9+s2+$0x0], $0xffff  }
0x21: {  	v11 =	vadd.s32 $0x1, v9;
	_ =	sdelay $0x3  }
0x22: {  	[tilespmem:v8+s25+$0x0] =	vst.idx.msk $0xffff, v10  }
0x23: {  	v10 =	vld.idx.msk [tilespmem:v11+s2+$0x0], $0xffff;
	v11 =	vor.u32 $0x1, v8  }
0x24: {  	v9 =	vadd.s32 $0x2, v9;
	_ =	sdelay $0x3  }
0x25: {  	[tilespmem:v11+s25+$0x0] =	vst.idx.msk $0xffff, v10  }
0x26: {  	v10 =	vor.u32 $0x2, v8;
	v9 =	vld.idx.msk [tilespmem:v9+s2+$0x0], $0xffff;
	_ =	sdelay $0x4  }
0x27: {  	[tilespmem:v10+s25+$0x0] =	vst.idx.msk $0xffff, v9  }
0x28: {  	s31 =	simm.s32 $0x10;
	v10 =	vld [tilespmem:s0+$0x0]  }
0x29: {  	s1 =	simm.s32 $0x20;
	v9 =	vor.u32 s31, v0  }
.LBB2_2:
0x2a: {  	p0 =	sne.s32 s1, $0x610;
	v11 =	vmul.u32 $0x3, v9;
	v8 =	vor.u32 $0x3, v8;
	_ =	sdelay $0x2  }
0x2b: {  	v10 =	vcvt.s32.f32 v10;
	_ =	sdelay $0x1  }
0x2c: {  	[tilespmem:v8+s25+$0x0] =	vst.idx.msk $0xffff, v10  }
0x2d: {  	v10 =	vld.idx.msk [tilespmem:v11+s2+$0x0], $0xffff  }
0x2e: {  	v8 =	vshll.u32 v9, $0x4  }
0x2f: {  	v9 =	vadd.s32 $0x1, v11;
	_ =	sdelay $0x3  }
0x30: {  	[tilespmem:v8+s25+$0x0] =	vst.idx.msk $0xffff, v10  }
0x31: {  	v9 =	vld.idx.msk [tilespmem:v9+s2+$0x0], $0xffff  }
0x32: {  	v10 =	vor.u32 $0x1, v8  }
0x33: {  	v11 =	vadd.s32 $0x2, v11;
	_ =	sdelay $0x3  }
0x34: {  	[tilespmem:v10+s25+$0x0] =	vst.idx.msk $0xffff, v9  }
0x35: {  	v9 =	vld.idx.msk [tilespmem:v11+s2+$0x0], $0xffff  }
0x36: {  	v10 =	vor.u32 $0x2, v8;
	_ =	sdelay $0x2  }
.Ltmp0:
0x37: {  	(pc) =	sbr.rel @p0 .LBB2_2-.Ltmp0, $4  }
0x38: {  	_ = 	snop  }
0x39: {  	s0 =	sadd.s32 $0x10, s0;
	[tilespmem:v10+s25+$0x0] =	vst.idx.msk $0xffff, v9  }
0x3a: {  	v10 =	vld [tilespmem:s0+$0x0]  }
0x3b: {  	v9 =	vor.u32 s1, v0;
	s1 =	sadd.s32 $0x10, s1  }
0x3c: {  	v11 =	vmul.u32 $0x3, v9;
	v8 =	vor.u32 $0x3, v8;
	_ =	sdelay $0x2  }
0x3d: {  	v10 =	vcvt.s32.f32 v10;
	_ =	sdelay $0x1  }
0x3e: {  	[tilespmem:v8+s25+$0x0] =	vst.idx.msk $0xffff, v10  }
0x3f: {  	v9 =	vshll.u32 v9, $0x4;
	v8 =	vld.idx.msk [tilespmem:v11+s2+$0x0], $0xffff  }
0x40: {  	v10 =	vadd.s32 $0x1, v11;
	_ =	sdelay $0x3  }
0x41: {  	[tilespmem:v9+s25+$0x0] =	vst.idx.msk $0xffff, v8  }
0x42: {  	v8 =	vld.idx.msk [tilespmem:v10+s2+$0x0], $0xffff;
	v10 =	vor.u32 $0x1, v9  }
0x43: {  	v11 =	vadd.s32 $0x2, v11;
	_ =	sdelay $0x3  }
0x44: {  	[tilespmem:v10+s25+$0x0] =	vst.idx.msk $0xffff, v8  }
0x45: {  	v10 =	vor.u32 $0x2, v9;
	v8 =	vld.idx.msk [tilespmem:v11+s2+$0x0], $0xffff;
	_ =	sdelay $0x4  }
0x46: {  	s0 =	sadd.s32 $0x10, s0;
	[tilespmem:v10+s25+$0x0] =	vst.idx.msk $0xffff, v8  }
0x47: {  	v8 =	vld [tilespmem:s0+$0x0]  }
0x48: {  	s29 =	simm.s32 $0x0  }
0x49: {  	v9 =	vor.u32 $0x3, v9;
	v10 =	vmov s29  }
0x4a: {  	v11 =	vmul.u32 $0x3, v10;
	_ =	sdelay $0x1  }
0x4b: {  	v12 =	vadd.s32 v1, v11;
	v8 =	vcvt.s32.f32 v8  }
0x4c: {  	v12 =	vand.u32 $0x3FF8, v12  }
0x4d: {  	s1 =	rddreg [dreg:$0x5];
	[tilespmem:v9+s25+$0x0] =	vst.idx.msk $0xffff, v8;
	v8 =	vor.u32 v2, v12  }
0x4e: {  	[hbm4b:s1+s29] =	stream.linear.scatter [tilespmem:s25], [sflag:$0x1], $0x6200, $0x38;
	[tilespmem:$0x174B0] =	vst v63  }
0x4f: {  	_ =	swait.ge [sflag:s24], $0x6200  }
0x50: {  	[sflag:s24] =	ssyncset.done $0x0  }
0x51: {  	v9 =	vshll.u32 v10, $0x4;
	v10 =	vadd.s32 v4, v11;
	[sflag:s24] =	ssyncadd.s32 $0xFFFF9E00  }
0x52: {  	v9 =	vor.u32 v3, v9;
	v10 =	vand.u32 $0x3FF8, v10;
	v8 =	vld.idx.msk [tilespmem:v8+s2+$0x0], $0xffff  }
0x53: {  	v10 =	vor.u32 v5, v10;
	_ =	sdelay $0x3  }
0x54: {  	[tilespmem:v9+s25+$0x0] =	vst.idx.msk $0xffff, v8;
	v8 =	vadd.s32 v6, v11  }
0x55: {  	v11 =	vor.u32 $0x1, v9;
	v10 =	vld.idx.msk [tilespmem:v10+s2+$0x0], $0xffff;
	v8 =	vand.u32 $0x3FF8, v8  }
0x56: {  	v8 =	vor.u32 v7, v8;
	_ =	sdelay $0x3  }
0x57: {  	[tilespmem:v11+s25+$0x0] =	vst.idx.msk $0xffff, v10  }
0x58: {  	v10 =	vor.u32 $0x2, v9;
	v8 =	vld.idx.msk [tilespmem:v8+s2+$0x0], $0xffff;
	_ =	sdelay $0x2  }
0x59: {  	s30 =	simm.s32 $0x10  }
0x5a: {  	v11 =	vmov s30  }
0x5b: {  	s0 =	simm.s32 $0x2AE0;
	v63 =	vmul.u32 $0x3, v11;
	[tilespmem:v10+s25+$0x0] =	vst.idx.msk $0xffff, v8  }
0x5c: {  	v8 =	vld [tilespmem:s0+$0x0]  }
0x5d: {  	v10 =	vadd.s32 v1, v63  }
0x5e: {  	v9 =	vor.u32 $0x3, v9;
	v10 =	vand.u32 $0x3FF8, v10  }
0x5f: {  	v10 =	vor.u32 v2, v10;
	_ =	sdelay $0x1  }
0x60: {  	v8 =	vcvt.s32.f32 v8;
	_ =	sdelay $0x1  }
0x61: {  	[tilespmem:v9+s25+$0x0] =	vst.idx.msk $0xffff, v8;
	v8 =	vshll.u32 v11, $0x4;
	v9 =	vadd.s32 v4, v63  }
0x62: {  	v10 =	vld.idx.msk [tilespmem:v10+s2+$0x0], $0xffff;
	v8 =	vor.u32 v3, v8;
	v9 =	vand.u32 $0x3FF8, v9  }
0x63: {  	v9 =	vor.u32 v5, v9;
	_ =	sdelay $0x3  }
0x64: {  	[tilespmem:v8+s25+$0x0] =	vst.idx.msk $0xffff, v10;
	v10 =	vadd.s32 v6, v63  }
0x65: {  	v11 =	vor.u32 $0x1, v8;
	v9 =	vld.idx.msk [tilespmem:v9+s2+$0x0], $0xffff;
	v10 =	vand.u32 $0x3FF8, v10  }
0x66: {  	v10 =	vor.u32 v7, v10;
	_ =	sdelay $0x3  }
0x67: {  	[tilespmem:v11+s25+$0x0] =	vst.idx.msk $0xffff, v9  }
0x68: {  	v11 =	vor.u32 $0x2, v8;
	v10 =	vld.idx.msk [tilespmem:v10+s2+$0x0], $0xffff;
	_ =	sdelay $0x2  }
0x69: {  	s31 =	simm.s32 $0x20  }
0x6a: {  	s1 =	simm.s32 $0x30;
	v9 =	vmov s31  }
.LBB2_4:
0x6b: {  	p0 =	sne.s32 s1, $0x610;
	v12 =	vmul.u32 $0x3, v9;
	[tilespmem:v11+s25+$0x0] =	vst.idx.msk $0xffff, v10;
	s0 =	sadd.s32 $0x10, s0  }
0x6c: {  	v10 =	vld [tilespmem:s0+$0x0]  }
0x6d: {  	v11 =	vadd.s32 v1, v12  }
0x6e: {  	v8 =	vor.u32 $0x3, v8;
	v11 =	vand.u32 $0x3FF8, v11  }
0x6f: {  	v11 =	vor.u32 v2, v11;
	_ =	sdelay $0x1  }
0x70: {  	v10 =	vcvt.s32.f32 v10;
	_ =	sdelay $0x1  }
0x71: {  	[tilespmem:v8+s25+$0x0] =	vst.idx.msk $0xffff, v10  }
0x72: {  	v8 =	vshll.u32 v9, $0x4;
	v10 =	vadd.s32 v4, v12;
	v9 =	vld.idx.msk [tilespmem:v11+s2+$0x0], $0xffff  }
0x73: {  	v8 =	vor.u32 v3, v8;
	v10 =	vand.u32 $0x3FF8, v10  }
0x74: {  	v10 =	vor.u32 v5, v10;
	_ =	sdelay $0x3  }
0x75: {  	[tilespmem:v8+s25+$0x0] =	vst.idx.msk $0xffff, v9  }
0x76: {  	v9 =	vld.idx.msk [tilespmem:v10+s2+$0x0], $0xffff;
	v10 =	vadd.s32 v6, v12  }
0x77: {  	v11 =	vor.u32 $0x1, v8;
	v10 =	vand.u32 $0x3FF8, v10  }
0x78: {  	v10 =	vor.u32 v7, v10;
	_ =	sdelay $0x3  }
0x79: {  	[tilespmem:v11+s25+$0x0] =	vst.idx.msk $0xffff, v9  }
0x7a: {  	v10 =	vld.idx.msk [tilespmem:v10+s2+$0x0], $0xffff  }
.Ltmp1:
0x7b: {  	v11 =	vor.u32 $0x2, v8;
	(pc) =	sbr.rel @p0 .LBB2_4-.Ltmp1, $2  }
0x7c: {  	_ =	sdelay $0x2  }
0x7d: {  	v9 =	vmov s1;
	s1 =	sadd.s32 $0x10, s1  }
0x7e: {  	_ =	sdelay $0x3  }
0x7f: {  	v12 =	vmul.u32 $0x3, v9;
	[tilespmem:v11+s25+$0x0] =	vst.idx.msk $0xffff, v10;
	s0 =	sadd.s32 $0x10, s0  }
0x80: {  	v10 =	vld [tilespmem:s0+$0x0]  }
0x81: {  	v11 =	vadd.s32 v1, v12  }
0x82: {  	v8 =	vor.u32 $0x3, v8;
	v11 =	vand.u32 $0x3FF8, v11  }
0x83: {  	v11 =	vor.u32 v2, v11;
	_ =	sdelay $0x1  }
0x84: {  	v10 =	vcvt.s32.f32 v10;
	_ =	sdelay $0x1  }
0x85: {  	[tilespmem:v8+s25+$0x0] =	vst.idx.msk $0xffff, v10;
	v8 =	vshll.u32 v9, $0x4;
	v9 =	vadd.s32 v4, v12  }
0x86: {  	v10 =	vld.idx.msk [tilespmem:v11+s2+$0x0], $0xffff;
	v8 =	vor.u32 v3, v8;
	v9 =	vand.u32 $0x3FF8, v9  }
0x87: {  	v9 =	vor.u32 v5, v9;
	_ =	sdelay $0x3  }
0x88: {  	[tilespmem:v8+s25+$0x0] =	vst.idx.msk $0xffff, v10;
	v10 =	vadd.s32 v6, v12  }
0x89: {  	v11 =	vor.u32 $0x1, v8;
	v9 =	vld.idx.msk [tilespmem:v9+s2+$0x0], $0xffff;
	v10 =	vand.u32 $0x3FF8, v10  }
0x8a: {  	v10 =	vor.u32 v7, v10;
	_ =	sdelay $0x3  }
0x8b: {  	[tilespmem:v11+s25+$0x0] =	vst.idx.msk $0xffff, v9  }
0x8c: {  	v9 =	vld.idx.msk [tilespmem:v10+s2+$0x0], $0xffff;
	v10 =	vor.u32 $0x2, v8;
	_ =	sdelay $0x4  }
0x8d: {  	s0 =	sadd.s32 $0x10, s0;
	[tilespmem:v10+s25+$0x0] =	vst.idx.msk $0xffff, v9  }
0x8e: {  	v9 =	vld [tilespmem:s0+$0x0];
	_ =	sdelay $0x1  }
0x8f: {  	v8 =	vor.u32 $0x3, v8;
	_ =	sdelay $0x2  }
0x90: {  	v9 =	vcvt.s32.f32 v9;
	_ =	sdelay $0x1  }
0x91: {  	s5 =	simm.s32 $0x0;
	[tilespmem:v8+s25+$0x0] =	vst.idx.msk $0xffff, v9  }
0x92: {  	[hbm4b:s6+s5] =	stream.linear.scatter [tilespmem:s25], [sflag:$0x1], $0x6200, $0x38;
	[tilespmem:$0x174B0] =	vst v63  }
0x93: {  	_ =	swait.ge [sflag:s24], $0x6200  }
0x94: {  	[sflag:s24] =	ssyncset.done $0x0  }
0x95: {  	s29 =	simm.s32 $0x9300;
	[sflag:s24] =	ssyncadd.s32 $0xFFFF9E00  }
0x96: {  	[tilespmem:s29], [sflag:$0x1] =	stream.linear.gather [hbm4b:s7+s5], $0x9D0, $0x38;
	[tilespmem:$0x174B0] =	vst v63  }
0x97: {  	_ =	swait.ge [sflag:s24], $0x9D0  }
0x98: {  	[sflag:s24] =	ssyncset.done $0x0  }
0x99: {  	s30 =	simm.s32 $0x9CD0;
	[sflag:s24] =	ssyncadd.s32 $0xFFFFF630  }
0x9a: {  	[tilespmem:s30], [sflag:$0x1] =	stream.linear.gather [hbm4b:s8+s5], $0x9D0, $0x38;
	[tilespmem:$0x174B0] =	vst v63  }
0x9b: {  	_ =	swait.ge [sflag:s24], $0x9D0  }
0x9c: {  	[sflag:s24] =	ssyncset.done $0x0  }
0x9d: {  	s31 =	simm.s32 $0xA6A0;
	[sflag:s24] =	ssyncadd.s32 $0xFFFFF630  }
0x9e: {  	[tilespmem:s31], [sflag:$0x1] =	stream.linear.gather [hbm4b:s9+s5], $0x9D0, $0x38;
	[tilespmem:$0x174B0] =	vst v63  }
0x9f: {  	_ =	swait.ge [sflag:s24], $0x9D0  }
0xa0: {  	[sflag:s24] =	ssyncset.done $0x0  }
0xa1: {  	s1 =	simm.s32 $0xB070;
	[sflag:s24] =	ssyncadd.s32 $0xFFFFF630  }
0xa2: {  	[tilespmem:s1], [sflag:$0x1] =	stream.linear.gather [hbm4b:s10+s5], $0x9D0, $0x38;
	[tilespmem:$0x174B0] =	vst v63  }
0xa3: {  	_ =	swait.ge [sflag:s24], $0x9D0  }
0xa4: {  	[sflag:s24] =	ssyncset.done $0x0  }
0xa5: {  	s0 =	simm.s32 $0xBA40;
	[sflag:s24] =	ssyncadd.s32 $0xFFFFF630  }
0xa6: {  	[tilespmem:s0], [sflag:$0x1] =	stream.linear.gather [hbm4b:s11+s5], $0x9D0, $0x38;
	[tilespmem:$0x174B0] =	vst v63  }
0xa7: {  	_ =	swait.ge [sflag:s24], $0x9D0  }
0xa8: {  	[sflag:s24] =	ssyncset.done $0x0  }
0xa9: {  	s3 =	simm.s32 $0xC410;
	[sflag:s24] =	ssyncadd.s32 $0xFFFFF630  }
0xaa: {  	[tilespmem:s3], [sflag:$0x1] =	stream.linear.gather [hbm4b:s12+s5], $0x9D0, $0x38;
	[tilespmem:$0x174B0] =	vst v63  }
0xab: {  	_ =	swait.ge [sflag:s24], $0x9D0  }
0xac: {  	[sflag:s24] =	ssyncset.done $0x0  }
0xad: {  	s4 =	simm.s32 $0xCDE0;
	[sflag:s24] =	ssyncadd.s32 $0xFFFFF630  }
0xae: {  	[tilespmem:s4], [sflag:$0x1] =	stream.linear.gather [hbm4b:s13+s5], $0x9D0, $0x38;
	[tilespmem:$0x174B0] =	vst v63  }
0xaf: {  	_ =	swait.ge [sflag:s24], $0x9D0  }
0xb0: {  	v8 =	vmov s5;
	[sflag:s24] =	ssyncset.done $0x0  }
0xb1: {  	v8 =	vshll.u32 v8, $0x4;
	[sflag:s24] =	ssyncadd.s32 $0xFFFFF630  }
0xb2: {  	v10 =	vor.u32 v3, v8;
	v9 =	vld [tilespmem:s29+$0x0];
	_ =	sdelay $0x4  }
0xb3: {  	[tilespmem:v10+s26+$0x0] =	vst.idx.msk $0xffff, v9  }
0xb4: {  	v9 =	vor.u32 $0x1, v10;
	v8 =	vld [tilespmem:s30+$0x0];
	_ =	sdelay $0x4  }
0xb5: {  	[tilespmem:v9+s26+$0x0] =	vst.idx.msk $0xffff, v8  }
0xb6: {  	v9 =	vor.u32 $0x2, v10;
	v8 =	vld [tilespmem:s31+$0x0];
	_ =	sdelay $0x4  }
0xb7: {  	[tilespmem:v9+s26+$0x0] =	vst.idx.msk $0xffff, v8  }
0xb8: {  	v9 =	vor.u32 $0x3, v10;
	v8 =	vld [tilespmem:s1+$0x0];
	_ =	sdelay $0x4  }
0xb9: {  	[tilespmem:v9+s26+$0x0] =	vst.idx.msk $0xffff, v8  }
0xba: {  	v9 =	vor.u32 $0x4, v10;
	v8 =	vld [tilespmem:s0+$0x0];
	_ =	sdelay $0x4  }
0xbb: {  	[tilespmem:v9+s26+$0x0] =	vst.idx.msk $0xffff, v8  }
0xbc: {  	v9 =	vor.u32 $0x5, v10;
	v8 =	vld [tilespmem:s3+$0x0];
	_ =	sdelay $0x4  }
0xbd: {  	[tilespmem:v9+s26+$0x0] =	vst.idx.msk $0xffff, v8  }
0xbe: {  	v9 =	vor.u32 $0x6, v10;
	v8 =	vld [tilespmem:s4+$0x0];
	_ =	sdelay $0x2  }
0xbf: {  	s5 =	simm.s32 $0x10  }
0xc0: {  	v10 =	vmov s5;
	s5 =	simm.s32 $0x20  }
.LBB2_6:
0xc1: {  	p0 =	sne.s32 s5, $0x9C0;
	v10 =	vshll.u32 v10, $0x4;
	[tilespmem:v9+s26+$0x0] =	vst.idx.msk $0xffff, v8;
	s29 =	sadd.s32 $0x10, s29  }
0xc2: {  	v8 =	vld [tilespmem:s29+$0x0];
	v9 =	vor.u32 v3, v10;
	_ =	sdelay $0x4  }
0xc3: {  	s30 =	sadd.s32 $0x10, s30;
	[tilespmem:v9+s26+$0x0] =	vst.idx.msk $0xffff, v8  }
0xc4: {  	v10 =	vor.u32 $0x1, v9;
	v8 =	vld [tilespmem:s30+$0x0];
	_ =	sdelay $0x4  }
0xc5: {  	s31 =	sadd.s32 $0x10, s31;
	[tilespmem:v10+s26+$0x0] =	vst.idx.msk $0xffff, v8  }
0xc6: {  	v10 =	vor.u32 $0x2, v9;
	v8 =	vld [tilespmem:s31+$0x0];
	_ =	sdelay $0x4  }
0xc7: {  	s1 =	sadd.s32 $0x10, s1;
	[tilespmem:v10+s26+$0x0] =	vst.idx.msk $0xffff, v8  }
0xc8: {  	v10 =	vor.u32 $0x3, v9;
	v8 =	vld [tilespmem:s1+$0x0];
	_ =	sdelay $0x4  }
0xc9: {  	s0 =	sadd.s32 $0x10, s0;
	[tilespmem:v10+s26+$0x0] =	vst.idx.msk $0xffff, v8  }
0xca: {  	v10 =	vor.u32 $0x4, v9;
	v8 =	vld [tilespmem:s0+$0x0];
	_ =	sdelay $0x4  }
0xcb: {  	s3 =	sadd.s32 $0x10, s3;
	[tilespmem:v10+s26+$0x0] =	vst.idx.msk $0xffff, v8  }
0xcc: {  	v10 =	vor.u32 $0x5, v9;
	v8 =	vld [tilespmem:s3+$0x0];
	_ =	sdelay $0x4  }
0xcd: {  	s4 =	sadd.s32 $0x10, s4;
	[tilespmem:v10+s26+$0x0] =	vst.idx.msk $0xffff, v8  }
.Ltmp2:
0xce: {  	v9 =	vor.u32 $0x6, v9;
	v8 =	vld [tilespmem:s4+$0x0];
	(pc) =	sbr.rel @p0 .LBB2_6-.Ltmp2, $2  }
0xcf: {  	_ =	sdelay $0x2  }
0xd0: {  	v10 =	vmov s5;
	s5 =	sadd.s32 $0x10, s5  }
0xd1: {  	_ =	sdelay $0x3  }
0xd2: {  	v10 =	vshll.u32 v10, $0x4;
	[tilespmem:v9+s26+$0x0] =	vst.idx.msk $0xffff, v8;
	s5 =	sadd.s32 $0x10, s29  }
0xd3: {  	v8 =	vld [tilespmem:s5+$0x0];
	v9 =	vor.u32 v3, v10;
	_ =	sdelay $0x4  }
0xd4: {  	s5 =	sadd.s32 $0x10, s30;
	[tilespmem:v9+s26+$0x0] =	vst.idx.msk $0xffff, v8  }
0xd5: {  	v10 =	vor.u32 $0x1, v9;
	v8 =	vld [tilespmem:s5+$0x0];
	_ =	sdelay $0x4  }
0xd6: {  	s5 =	sadd.s32 $0x10, s31;
	[tilespmem:v10+s26+$0x0] =	vst.idx.msk $0xffff, v8  }
0xd7: {  	v10 =	vor.u32 $0x2, v9;
	v8 =	vld [tilespmem:s5+$0x0];
	_ =	sdelay $0x4  }
0xd8: {  	s1 =	sadd.s32 $0x10, s1;
	[tilespmem:v10+s26+$0x0] =	vst.idx.msk $0xffff, v8  }
0xd9: {  	v10 =	vor.u32 $0x3, v9;
	v8 =	vld [tilespmem:s1+$0x0];
	_ =	sdelay $0x4  }
0xda: {  	s0 =	sadd.s32 $0x10, s0;
	[tilespmem:v10+s26+$0x0] =	vst.idx.msk $0xffff, v8  }
0xdb: {  	v10 =	vor.u32 $0x4, v9;
	v8 =	vld [tilespmem:s0+$0x0];
	_ =	sdelay $0x4  }
0xdc: {  	s3 =	sadd.s32 $0x10, s3;
	[tilespmem:v10+s26+$0x0] =	vst.idx.msk $0xffff, v8  }
0xdd: {  	v10 =	vor.u32 $0x5, v9;
	v8 =	vld [tilespmem:s3+$0x0];
	_ =	sdelay $0x4  }
0xde: {  	s5 =	sadd.s32 $0x10, s4;
	[tilespmem:v10+s26+$0x0] =	vst.idx.msk $0xffff, v8  }
0xdf: {  	v9 =	vor.u32 $0x6, v9;
	v8 =	vld [tilespmem:s5+$0x0];
	_ =	sdelay $0x4  }
0xe0: {  	s5 =	simm.s32 $0x0;
	[tilespmem:v9+s26+$0x0] =	vst.idx.msk $0xffff, v8  }
0xe1: {  	[hbm4b:s14+s5] =	stream.linear.scatter [tilespmem:s26], [sflag:$0x1], $0x9D00, $0x38;
	[tilespmem:$0x174B0] =	vst v63  }
0xe2: {  	_ =	swait.ge [sflag:s24], $0x9D00  }
0xe3: {  	[sflag:s24] =	ssyncset.done $0x0  }
0xe4: {  	s29 =	simm.s32 $0x9300;
	[sflag:s24] =	ssyncadd.s32 $0xFFFF6300  }
0xe5: {  	[tilespmem:s29], [sflag:$0x1] =	stream.linear.gather [hbm4b:s15+s5], $0x9C0, $0x38;
	[tilespmem:$0x174B0] =	vst v63  }
0xe6: {  	_ =	swait.ge [sflag:s24], $0x9C0  }
0xe7: {  	[sflag:s24] =	ssyncset.done $0x0  }
0xe8: {  	s30 =	simm.s32 $0x9CD0;
	[sflag:s24] =	ssyncadd.s32 $0xFFFFF640  }
0xe9: {  	[tilespmem:s30], [sflag:$0x1] =	stream.linear.gather [hbm4b:s16+s5], $0x9C0, $0x38;
	[tilespmem:$0x174B0] =	vst v63  }
0xea: {  	_ =	swait.ge [sflag:s24], $0x9C0  }
0xeb: {  	[sflag:s24] =	ssyncset.done $0x0  }
0xec: {  	s31 =	simm.s32 $0xA6A0;
	[sflag:s24] =	ssyncadd.s32 $0xFFFFF640  }
0xed: {  	[tilespmem:s31], [sflag:$0x1] =	stream.linear.gather [hbm4b:s17+s5], $0x9C0, $0x38;
	[tilespmem:$0x174B0] =	vst v63  }
0xee: {  	_ =	swait.ge [sflag:s24], $0x9C0  }
0xef: {  	[sflag:s24] =	ssyncset.done $0x0  }
0xf0: {  	s1 =	simm.s32 $0xB070;
	[sflag:s24] =	ssyncadd.s32 $0xFFFFF640  }
0xf1: {  	[tilespmem:s1], [sflag:$0x1] =	stream.linear.gather [hbm4b:s18+s5], $0x9C0, $0x38;
	[tilespmem:$0x174B0] =	vst v63  }
0xf2: {  	_ =	swait.ge [sflag:s24], $0x9C0  }
0xf3: {  	[sflag:s24] =	ssyncset.done $0x0  }
0xf4: {  	s0 =	simm.s32 $0xBA40;
	[sflag:s24] =	ssyncadd.s32 $0xFFFFF640  }
0xf5: {  	[tilespmem:s0], [sflag:$0x1] =	stream.linear.gather [hbm4b:s19+s5], $0x9C0, $0x38;
	[tilespmem:$0x174B0] =	vst v63  }
0xf6: {  	_ =	swait.ge [sflag:s24], $0x9C0  }
0xf7: {  	[sflag:s24] =	ssyncset.done $0x0  }
0xf8: {  	s3 =	simm.s32 $0xC410;
	[sflag:s24] =	ssyncadd.s32 $0xFFFFF640  }
0xf9: {  	[tilespmem:s3], [sflag:$0x1] =	stream.linear.gather [hbm4b:s20+s5], $0x9C0, $0x38;
	[tilespmem:$0x174B0] =	vst v63  }
0xfa: {  	_ =	swait.ge [sflag:s24], $0x9C0  }
0xfb: {  	[sflag:s24] =	ssyncset.done $0x0  }
0xfc: {  	s4 =	simm.s32 $0xCDE0;
	[sflag:s24] =	ssyncadd.s32 $0xFFFFF640  }
0xfd: {  	[tilespmem:s4], [sflag:$0x1] =	stream.linear.gather [hbm4b:s21+s5], $0x9C0, $0x38;
	[tilespmem:$0x174B0] =	vst v63  }
0xfe: {  	_ =	swait.ge [sflag:s24], $0x9C0  }
0xff: {  	v8 =	vmov s5;
	[sflag:s24] =	ssyncset.done $0x0  }
0x100: {  	v8 =	vshll.u32 v8, $0x4;
	[sflag:s24] =	ssyncadd.s32 $0xFFFFF640  }
0x101: {  	v10 =	vor.u32 v3, v8;
	v9 =	vld [tilespmem:s29+$0x0];
	_ =	sdelay $0x4  }
0x102: {  	[tilespmem:v10+s26+$0x0] =	vst.idx.msk $0xffff, v9  }
0x103: {  	v9 =	vor.u32 $0x1, v10;
	v8 =	vld [tilespmem:s30+$0x0];
	_ =	sdelay $0x4  }
0x104: {  	[tilespmem:v9+s26+$0x0] =	vst.idx.msk $0xffff, v8  }
0x105: {  	v9 =	vor.u32 $0x2, v10;
	v8 =	vld [tilespmem:s31+$0x0];
	_ =	sdelay $0x4  }
0x106: {  	[tilespmem:v9+s26+$0x0] =	vst.idx.msk $0xffff, v8  }
0x107: {  	v9 =	vor.u32 $0x3, v10;
	v8 =	vld [tilespmem:s1+$0x0];
	_ =	sdelay $0x4  }
0x108: {  	[tilespmem:v9+s26+$0x0] =	vst.idx.msk $0xffff, v8  }
0x109: {  	v9 =	vor.u32 $0x4, v10;
	v8 =	vld [tilespmem:s0+$0x0];
	_ =	sdelay $0x4  }
0x10a: {  	[tilespmem:v9+s26+$0x0] =	vst.idx.msk $0xffff, v8  }
0x10b: {  	v9 =	vor.u32 $0x5, v10;
	v8 =	vld [tilespmem:s3+$0x0];
	_ =	sdelay $0x4  }
0x10c: {  	[tilespmem:v9+s26+$0x0] =	vst.idx.msk $0xffff, v8  }
0x10d: {  	v9 =	vor.u32 $0x6, v10;
	v8 =	vld [tilespmem:s4+$0x0];
	_ =	sdelay $0x2  }
0x10e: {  	s5 =	simm.s32 $0x10  }
0x10f: {  	v10 =	vmov s5;
	s5 =	simm.s32 $0x20  }
.LBB2_8:
0x110: {  	p0 =	sne.s32 s5, $0x9B0;
	v10 =	vshll.u32 v10, $0x4;
	[tilespmem:v9+s26+$0x0] =	vst.idx.msk $0xffff, v8;
	s29 =	sadd.s32 $0x10, s29  }
0x111: {  	v8 =	vld [tilespmem:s29+$0x0];
	v9 =	vor.u32 v3, v10;
	_ =	sdelay $0x4  }
0x112: {  	s30 =	sadd.s32 $0x10, s30;
	[tilespmem:v9+s26+$0x0] =	vst.idx.msk $0xffff, v8  }
0x113: {  	v10 =	vor.u32 $0x1, v9;
	v8 =	vld [tilespmem:s30+$0x0];
	_ =	sdelay $0x4  }
0x114: {  	s31 =	sadd.s32 $0x10, s31;
	[tilespmem:v10+s26+$0x0] =	vst.idx.msk $0xffff, v8  }
0x115: {  	v10 =	vor.u32 $0x2, v9;
	v8 =	vld [tilespmem:s31+$0x0];
	_ =	sdelay $0x4  }
0x116: {  	s1 =	sadd.s32 $0x10, s1;
	[tilespmem:v10+s26+$0x0] =	vst.idx.msk $0xffff, v8  }
0x117: {  	v10 =	vor.u32 $0x3, v9;
	v8 =	vld [tilespmem:s1+$0x0];
	_ =	sdelay $0x4  }
0x118: {  	s0 =	sadd.s32 $0x10, s0;
	[tilespmem:v10+s26+$0x0] =	vst.idx.msk $0xffff, v8  }
0x119: {  	v10 =	vor.u32 $0x4, v9;
	v8 =	vld [tilespmem:s0+$0x0];
	_ =	sdelay $0x4  }
0x11a: {  	s3 =	sadd.s32 $0x10, s3;
	[tilespmem:v10+s26+$0x0] =	vst.idx.msk $0xffff, v8  }
0x11b: {  	v10 =	vor.u32 $0x5, v9;
	v8 =	vld [tilespmem:s3+$0x0];
	_ =	sdelay $0x4  }
0x11c: {  	s4 =	sadd.s32 $0x10, s4;
	[tilespmem:v10+s26+$0x0] =	vst.idx.msk $0xffff, v8  }
.Ltmp3:
0x11d: {  	v9 =	vor.u32 $0x6, v9;
	v8 =	vld [tilespmem:s4+$0x0];
	(pc) =	sbr.rel @p0 .LBB2_8-.Ltmp3, $2  }
0x11e: {  	_ =	sdelay $0x2  }
0x11f: {  	v10 =	vmov s5;
	s5 =	sadd.s32 $0x10, s5  }
0x120: {  	_ =	sdelay $0x3  }
0x121: {  	v10 =	vshll.u32 v10, $0x4;
	[tilespmem:v9+s26+$0x0] =	vst.idx.msk $0xffff, v8;
	s5 =	sadd.s32 $0x10, s29  }
0x122: {  	v8 =	vld [tilespmem:s5+$0x0];
	v59 =	vor.u32 v3, v10;
	_ =	sdelay $0x4  }
0x123: {  	s30 =	sadd.s32 $0x10, s30;
	[tilespmem:v59+s26+$0x0] =	vst.idx.msk $0xffff, v8  }
0x124: {  	v10 =	vor.u32 $0x1, v59;
	v8 =	vld [tilespmem:s30+$0x0];
	_ =	sdelay $0x4  }
0x125: {  	s29 =	sadd.s32 $0x10, s31;
	[tilespmem:v10+s26+$0x0] =	vst.idx.msk $0xffff, v8  }
0x126: {  	v60 =	vor.u32 $0x2, v59;
	v8 =	vld [tilespmem:s29+$0x0];
	_ =	sdelay $0x4  }
0x127: {  	s1 =	sadd.s32 $0x10, s1;
	[tilespmem:v60+s26+$0x0] =	vst.idx.msk $0xffff, v8  }
0x128: {  	v61 =	vor.u32 $0x3, v59;
	v8 =	vld [tilespmem:s1+$0x0];
	_ =	sdelay $0x4  }
0x129: {  	s0 =	sadd.s32 $0x10, s0;
	[tilespmem:v61+s26+$0x0] =	vst.idx.msk $0xffff, v8  }
0x12a: {  	v62 =	vor.u32 $0x4, v59;
	v8 =	vld [tilespmem:s0+$0x0];
	_ =	sdelay $0x4  }
0x12b: {  	s30 =	sadd.s32 $0x10, s3;
	[tilespmem:v62+s26+$0x0] =	vst.idx.msk $0xffff, v8  }
0x12c: {  	v63 =	vor.u32 $0x5, v59;
	v8 =	vld [tilespmem:s30+$0x0];
	_ =	sdelay $0x4  }
0x12d: {  	s31 =	sadd.s32 $0x10, s4;
	[tilespmem:v63+s26+$0x0] =	vst.idx.msk $0xffff, v8  }
0x12e: {  	v9 =	vor.u32 $0x6, v59;
	v8 =	vld [tilespmem:s31+$0x0];
	_ =	sdelay $0x2  }
0x12f: {  	s28 =	sadd.s32 $0x1, s28  }
0x130: {  	p0 =	sne.s32 s28, s23  }
.Ltmp4:
0x131: {  	[tilespmem:v9+s26+$0x0] =	vst.idx.msk $0xffff, v8;
	(pc) =	sbr.rel @p0 .LBB2_1-.Ltmp4, $4  }
0x132: {  	[hbm4b:s22+s2] =	stream.linear.scatter [tilespmem:s26], [sflag:$0x1], $0x9C00, $0x38;
	[tilespmem:$0x174B0] =	vst v63  }
0x133: {  	_ =	swait.ge [sflag:s24], $0x9C00  }
0x134: {  	[sflag:s24] =	ssyncset.done $0x0  }
0x135: {  	[sflag:s24] =	ssyncadd.s32 $0xFFFF6400  }
0x136: {  	_ =	sfence.sel $0x180000  }
0x137: {  	[bflag:$0x0] =	sbarrier.arrive $0xFFFF  }
0x138: {  	_ =	strace $0x90000047  }
0x139: {  	s0 =	stileid.u32;
	[bflag:$0x2] =	sbarrier.arrive $0xFFFF  }
0x13a: {  	p0 =	sne.s32 s0, $0x0;
	s0 =	rddreg [dreg:$0x2]  }
0x13b: {  	s0 =	sadd.s32 @!p0 $0x100000, s0  }
0x13c: {  	[sflag:s0] =	ssyncadd.tile.s32 @!p0 $0x1;
	_ =	shalt  }
.Lfunc_end2:
_tile_overlayer_lowered:
.L_overlay_start_2:
0x13d: {  	(tag) =	ssettag $0x2  }
0x13e: {  	s0 =	rddreg [dreg:$0x0];
	s2 =	stileid.u32  }
0x13f: {  	s1 =	rddreg [dreg:$0x1];
	p0 =	sne.s32 s2, $0x0  }
0x140: {  	s3 =	rddreg [dreg:$0x2];
	[bflag:$0x3] =	sbarrier.arrive $0xFFFF;
	s2 =	simm.s32 @!p0 $0x1C01  }
0x141: {  	[timem:s3], [sflag:s2] =	dma.local @!p0 [hbm:s0], s1  }
0x142: {  	s0 =	simm.s32 @!p0 $0x1  }
0x143: {  	_ =	swait.ge @!p0 [sflag:s0], s1  }
0x144: {  	s1 =	ssub.s32 @!p0 $0x0, s1;
	[sflag:s0] =	ssyncset.done @!p0 $0x0  }
0x145: {  	[sflag:s0] =	ssyncadd.s32 @!p0 s1  }
0x146: {  	[bflag:$0x3] =	sbarrier.arrive $0xFFFF  }
0x147: {  	_ =	shalt  }

// kernel: kernel.9.cloned.1.call-start
scs
__scs_entry_jumppad:
0x0: {  	(pc) =	sbr.rel $0x88, $3  }
0x1: {  	(tag) =	ssettag $0x0;
	lr =	simm.s32 $0x1  }
0x2: {  	[smem:$0x3F97] =	sst lr;
	_ =	strace $0xD0000000  }
0x3: {  	_ = 	snop  }
0x4: {  	_ = 	snop  }
0x5: {  	_ = 	snop  }
0x6: {  	_ = 	snop  }
0x7: {  	_ = 	snop  }
__scs_overlays_trampoline_lowered:
0x8: {  	[smem:$0x3FA6] =	sst s0  }
0x9: {  	[smem:$0x3FA7] =	sst s1  }
0xa: {  	[smem:$0x3FA8] =	sst s2  }
0xb: {  	[smem:$0x3FA9] =	sst s3  }
0xc: {  	[smem:$0x3FAA] =	sst s4  }
0xd: {  	[smem:$0x3FAB] =	sst s5  }
0xe: {  	[smem:$0x3FAC] =	sst s6  }
0xf: {  	[smem:$0x3FAD] =	sst s7  }
0x10: {  	[smem:$0x3FAE] =	sst s8  }
0x11: {  	[smem:$0x3FAF] =	sst s9;
	s0 =	simm.s32 @!p0 $0x0  }
0x12: {  	s1 =	sld [smem:$0x3F95];
	s0 =	simm.s32 @p0 $0x1  }
0x13: {  	[smem:$0x3FB0] =	sst s0;
	s0 =	simm.s32 @!p1 $0x0  }
0x14: {  	s2 =	sld [smem:$0x3F94];
	s0 =	simm.s32 @p1 $0x1  }
0x15: {  	[smem:$0x3FB1] =	sst s0;
	s0 =	simm.s32 @!p2 $0x0  }
0x16: {  	s3 =	sld [smem:$0x3FDB];
	s0 =	simm.s32 @p2 $0x1  }
0x17: {  	s4 =	simm.s32 $0x1BF5;
	[smem:$0x3FB3] =	sst s0  }
0x18: {  	s0 =	sld [smem:$0x3F96];
	_ =	swait.ge [sflag:s4], $0x0  }
0x19: {  	s7 =	sld [smem:$0x3F97]  }
0x1a: {  	s8 =	sadd.s32 $0xFFFFE003, lr  }
0x1b: {  	s9 =	sadd.s32 $0xFFFFFEF7, lr;
	s5 =	simm.s32 $0xFFFFFFFF;
	p2 =	slt.u32 s8, $0xFFFFF086  }
0x1c: {  	p1 =	slt.u32 s9, $0xF7A;
	s5 =	simm.s32 @!p2 $0x0  }
0x1d: {  	s5 =	simm.s32 @p1 $0x1;
	p0 =	seq.s32 s7, s2  }
0x1e: {  	s7 =	smul.u32 @!p0 $0xF7A, s2;
	p2 =	seq.s32 @!p0 s5, $0x0  }
0x1f: {  	s9 =	smul.u32 $0xF7A, s1;
	s8 =	simm.s32 @!p0 $0x1BF5;
	p2 =	por !p2, p0  }
0x20: {  	[sflag:s8] =	ssyncset.s32 @!p0 $0xFFFFF086;
	s6 =	sadd.s32 @!p0 s3, s7;
	s7 =	simm.s32 @!p0 $0x108  }
0x21: {  	s3 =	sadd.s32 s3, s9;
	s6 =	sadd.s32 @!p0 $0x88, s6;
	s7 =	simm.s32 @p2 $0x1082  }
0x22: {  	[simem:s7], [sflag:s8] =	dma.local @!p0 [hbm:s6], $0xF7A  }
0x23: {  	s9 =	sor.u32 $0xD0000000, s2;
	s6 =	simm.s32 $0x108;
	_ =	swait.ge @!p0 [sflag:s8], $0x0  }
0x24: {  	s3 =	sadd.s32 $0x88, s3;
	s6 =	simm.s32 @!p1 $0x1082;
	[sflag:s4] =	ssyncset.s32 $0xFFFFF086  }
0x25: {  	[simem:s6], [sflag:s4] =	dma.local [hbm:s3], $0xF7A  }
0x26: {  	[smem:$0x3F97] =	sst s1;
	(tag) =	ssettag s2;
	_ =	strace s9  }
0x27: {  	s1 =	sld [smem:$0x3FA7]  }
0x28: {  	s2 =	sld [smem:$0x3FA8]  }
0x29: {  	s4 =	sld [smem:$0x3FAA]  }
0x2a: {  	p0 =	seq.s32 s5, $0x0;
	s5 =	sld [smem:$0x3FAB]  }
0x2b: {  	s6 =	sld [smem:$0x3FAC]  }
0x2c: {  	s7 =	sld [smem:$0x3FAD]  }
0x2d: {  	s3 =	simm.s32 $0x108;
	s8 =	sld [smem:$0x3FAE]  }
0x2e: {  	s3 =	simm.s32 @!p0 $0x1082;
	s9 =	sld [smem:$0x3FAF]  }
0x2f: {  	lr =	sadd.s32 s0, s3;
	s0 =	sld [smem:$0x3FA6]  }
0x30: {  	s3 =	sld [smem:$0x3FA9]  }
0x31: {  	[smem:$0x3FB2] =	sst s10  }
0x32: {  	s10 =	sld [smem:$0x3FB0];
	_ =	sdelay $0x3  }
0x33: {  	p0 =	seq.s32 s10, $0x1;
	s10 =	sld [smem:$0x3FB2];
	_ =	sdelay $0x3  }
0x34: {  	[smem:$0x3FB2] =	sst s10  }
0x35: {  	s10 =	sld [smem:$0x3FB1];
	_ =	sdelay $0x3  }
0x36: {  	p1 =	seq.s32 s10, $0x1;
	s10 =	sld [smem:$0x3FB2];
	_ =	sdelay $0x3  }
0x37: {  	[smem:$0x3FB2] =	sst s10  }
0x38: {  	s10 =	sld [smem:$0x3FB3]  }
0x39: {  	_ = 	snop;
	(pc) =	sbr.ind lr, $3  }
0x3a: {  	_ = 	snop  }
0x3b: {  	_ = 	snop  }
0x3c: {  	p2 =	seq.s32 s10, $0x1;
	s10 =	sld [smem:$0x3FB2]  }
0x3d: {  	_ =	shalt  }
0x3e: {  	_ =	shalt  }
0x3f: {  	_ =	shalt  }
0x40: {  	_ =	shalt  }
0x41: {  	_ =	shalt  }
0x42: {  	_ =	shalt  }
0x43: {  	_ =	shalt  }
0x44: {  	_ =	shalt  }
0x45: {  	_ =	shalt  }
0x46: {  	_ =	shalt  }
0x47: {  	_ =	shalt  }
0x48: {  	_ =	shalt  }
0x49: {  	_ =	shalt  }
0x4a: {  	_ =	shalt  }
0x4b: {  	_ =	shalt  }
0x4c: {  	_ =	shalt  }
0x4d: {  	_ =	shalt  }
0x4e: {  	_ =	shalt  }
0x4f: {  	_ =	shalt  }
0x50: {  	_ =	shalt  }
0x51: {  	_ =	shalt  }
0x52: {  	_ =	shalt  }
0x53: {  	_ =	shalt  }
0x54: {  	_ =	shalt  }
0x55: {  	_ =	shalt  }
0x56: {  	_ =	shalt  }
0x57: {  	_ =	shalt  }
0x58: {  	_ =	shalt  }
0x59: {  	_ =	shalt  }
0x5a: {  	_ =	shalt  }
0x5b: {  	_ =	shalt  }
0x5c: {  	_ =	shalt  }
0x5d: {  	_ =	shalt  }
0x5e: {  	_ =	shalt  }
0x5f: {  	_ =	shalt  }
0x60: {  	_ =	shalt  }
0x61: {  	_ =	shalt  }
0x62: {  	_ =	shalt  }
0x63: {  	_ =	shalt  }
0x64: {  	_ =	shalt  }
0x65: {  	_ =	shalt  }
0x66: {  	_ =	shalt  }
0x67: {  	_ =	shalt  }
0x68: {  	_ =	shalt  }
0x69: {  	_ =	shalt  }
0x6a: {  	_ =	shalt  }
0x6b: {  	_ =	shalt  }
0x6c: {  	_ =	shalt  }
0x6d: {  	_ =	shalt  }
0x6e: {  	_ =	shalt  }
0x6f: {  	_ =	shalt  }
0x70: {  	_ =	shalt  }
0x71: {  	_ =	shalt  }
0x72: {  	_ =	shalt  }
0x73: {  	_ =	shalt  }
0x74: {  	_ =	shalt  }
0x75: {  	_ =	shalt  }
0x76: {  	_ =	shalt  }
0x77: {  	_ =	shalt  }
0x78: {  	_ =	shalt  }
0x79: {  	_ =	shalt  }
0x7a: {  	_ =	shalt  }
0x7b: {  	_ =	shalt  }
0x7c: {  	_ =	shalt  }
0x7d: {  	_ =	shalt  }
0x7e: {  	_ =	shalt  }
0x7f: {  	_ =	shalt  }
0x80: {  	_ =	shalt  }
0x81: {  	_ =	shalt  }
0x82: {  	_ =	shalt  }
0x83: {  	_ =	shalt  }
0x84: {  	_ =	shalt  }
0x85: {  	_ =	shalt  }
0x86: {  	_ =	shalt  }
0x87: {  	_ =	shalt  }
.Lfunc_end0:
.L_simem_size_0:
called_computation.1_lowered:
.L_overlay_start_0:
0x88: {  	s2 =	sld [smem:$0x3FD9]  }
0x89: {  	s3 =	sld [smem:$0x3FFE];
	_ =	sdelay $0x1  }
0x8a: {  	s1 =	srdreg.scid  }
0x8b: {  	s0 =	sand.u32 $0x1, s1  }
0x8c: {  	s16 =	sshll.u32 s0, $0xA;
	s2 =	sadd.s32 s3, s2  }
0x8d: {  	s2 =	sadd.s32 s2, s16  }
0x8e: {  	[smem:$0x3FBE] =	sst s2  }
0x8f: {  	_ = 	snop  }
0x90: {  	(tm) =	ssettm $0x1  }
0x91: {  	s17 =	sld [smem:$0x3FFB];
	_ =	sdelay $0x3  }
0x92: {  	_ =	strace s17  }
0x93: {  	s2 =	sld [smem:$0x3FFC];
	_ =	sdelay $0x3  }
0x94: {  	_ =	strace s2  }
0x95: {  	s2 =	sld [smem:$0x3FFD];
	_ =	sdelay $0x3  }
0x96: {  	_ =	strace s2  }
0x97: {  	_ =	strace $0x8FFFFFFF  }
0x98: {  	s18 =	sld [smem:$0x3FDB];
	_ =	sdelay $0x1  }
0x99: {  	s19 =	simm.s32 $_scs_section_size  }
0x9a: {  	s4 =	simm.s32 $_size__tile_overlayer_lowered;
	s5 =	simm.s32 $_tile_overlayer_lowered  }
0x9b: {  	s22 =	simm.s32 $0x1BFF;
	s21 =	sshll.u32 s5, $0x1;
	s2 =	sadd.s32 s19, s18  }
0x9c: {  	s6 =	simm.s32 $0x0;
	s20 =	sshll.u32 s4, $0x1;
	s4 =	sadd.s32 s21, s2  }
0x9d: {  	[timem:s6], [sflag:s22] =	dma.local [hbm:s4], s20  }
0x9e: {  	_ =	swait.ge [sflag:s22], s20  }
0x9f: {  	s3 =	ssub.s32 $0x0, s20;
	[sflag:s22] =	ssyncset.done $0x0  }
0xa0: {  	[sflag:s22] =	ssyncadd.s32 s3;
	_ =	sdelay $0x1  }
0xa1: {  	s23 =	simm.s32 $0x1B8B  }
0xa2: {  	_ =	swait.ge [sflag:s23], $0x1  }
0xa3: {  	[sflag:s23] =	ssyncset.done $0x0  }
0xa4: {  	s25 =	simm.s32 $0x1B8E;
	s24 =	sld [smem:$0x3FFE];
	[sflag:s23] =	ssyncadd.s32 $0xFFFFFFFF  }
0xa5: {  	s26 =	simm.s32 $execute0_lowered;
	[smem:$0x3FD2] =	sst s25  }
0xa6: {  	s4 =	sshll.u32 s26, $0x1;
	_ =	strace $0x80000049;
	[dreg:$0x1] =	wrdreg $0xFFFFFFFF  }
0xa7: {  	s28 =	simm.s32 $_size_execute0_lowered;
	s2 =	sadd.s32 s2, s4;
	[dreg:$0x0] =	wrdreg $0x0  }
0xa8: {  	s4 =	sshll.u32 s28, $0x1;
	[dreg:$0x2] =	wrdreg s2  }
0xa9: {  	[dreg:$0x3] =	wrdreg s4  }
0xaa: {  	[dreg:$0x4] =	wrdreg $0xC0  }
0xab: {  	_ =	task [dreg:s6], $0x5FFFF  }
0xac: {  	[dreg:$0x1] =	wrdreg $0xFFFFFFFF  }
0xad: {  	[dreg:$0x0] =	wrdreg $0x60  }
0xae: {  	[dreg:$0x2] =	wrdreg s24  }
0xaf: {  	[dreg:$0x3] =	wrdreg $0x9  }
0xb0: {  	_ =	task.clear_ibuf [dreg:s6], $0x4FFFF;
	_ =	strace $0x90000049  }
0xb1: {  	s29 =	simm.s32 $0x9;
	_ =	strace $0x8000004B  }
0xb2: {  	_ =	swait.ge [sflag:s29], $0x1  }
0xb3: {  	[sflag:s29] =	ssyncadd.s32 $0xFFFFFFFF  }
0xb4: {  	_ =	strace $0x9000004B  }
0xb5: {  	_ =	sfence  }
0xb6: {  	s30 =	sld [smem:$0x0];
	_ =	sdelay $0x2  }
0xb7: {  	s31 =	sshll.u32 s1, $0xD;
	s1 =	sshrl.u32 s1, $0x2  }
0xb8: {  	s3 =	sand.u32 $0x4000, s31;
	s1 =	sadd.s32 s1, s30  }
0xb9: {  	s0 =	sor.u32 s3, s0;
	s1 =	sshll.u32 s1, $0x11  }
0xba: {  	s0 =	sor.u32 s1, s0  }
0xbb: {  	s0 =	sadd.s32 $0x8F2B, s0  }
0xbc: {  	[sflag:s0] =	ssyncadd.remote.s32 $0x1  }
0xbd: {  	_ =	sfence.sel $0xFFFF  }
0xbe: {  	[dreg:$0x0] =	wrdreg $0xFFFFFFFF;
	(pc) =	sbr.abs _section_cstart, $3  }
0xbf: {  	[dreg:$0x1] =	wrdreg $0xFFFFFFFF  }
0xc0: {  	_ =	task.clear_ibuf [dreg:s6], $0x2FFFF;
	_ =	strace $0x9FFFFFFF  }
0xc1: {  	(tm) =	ssettm $0x7FFFFFFF  }
tec
execute0_lowered:
.L_overlay_start_1:
0x0: {  	(tag) =	ssettag $0x1  }
0x1: {  	s0 =	rddreg [dreg:$0x0];
	s1 =	simm.s32 $0x0;
	s2 =	srdreg.scid  }
0x2: {  	s6 =	stileid.u32;
	s29 =	simm.s32 $0x80;
	[smem:$0x7FF] =	sst s1  }
0x3: {  	s3 =	sadd.s32 $0x26C00, s0;
	s4 =	sadd.s32 $0xA5C00, s0;
	s5 =	sadd.s32 $0xD6E00, s0  }
0x4: {  	s2 =	sand.u32 $0x1, s2;
	s8 =	sshll.u32 s6, $0x1;
	s6 =	sadd.s32 $0x108000, s0  }
0x5: {  	s7 =	sadd.s32 $0x139200, s0;
	s9 =	sadd.s32 $0x57A00, s0;
	s10 =	sor.u32 s2, s8  }
0x6: {  	s2 =	ssub.s32 $0x2, s2;
	s11 =	smul.u32 $0xC400, s10;
	s10 =	sshll.u32 s10, $0x7  }
0x7: {  	s8 =	sadd.s32 $0x193A00, s0;
	s12 =	sshrl.u32 s2, $0x1;
	s0 =	sadd.s32 s10, s0  }
0x8: {  	_ =	strace $0x8000004A;
	s2 =	ssub.s32 s2, s12;
	s0 =	sadd.s32 $0x3C00, s0  }
0x9: {  	s16 =	sshrl.u32 s11, $0x3;
	s26 =	smax.u32 s2, $0x1;
	[dreg:$0xc] =	wrdreg s0  }
0xa: {  	s30 =	simm.s32 $0x1400;
	s17 =	sadd.s32 s4, s16;
	[dreg:$0xd] =	wrdreg s26  }
0xb: {  	s28 =	simm.s32 $0x1;
	s18 =	sadd.s32 s5, s16;
	[dreg:$0x2] =	wrdreg s17  }
0xc: {  	s31 =	simm.s32 $0x2;
	s19 =	sadd.s32 s6, s16;
	[dreg:$0x3] =	wrdreg s18  }
0xd: {  	s13 =	simm.s32 $0x3;
	s20 =	sadd.s32 s7, s16;
	[dreg:$0x4] =	wrdreg s19  }
0xe: {  	s21 =	sadd.s32 s8, s16;
	s10 =	sor.u32 $0x40, s16;
	[dreg:$0x5] =	wrdreg s20  }
0xf: {  	s14 =	simm.s32 $0x13A00;
	[dreg:$0x6] =	wrdreg s21;
	s22 =	sadd.s32 s4, s10  }
0x10: {  	s12 =	simm.s32 $0x13200;
	s23 =	sadd.s32 s5, s10;
	[dreg:$0x7] =	wrdreg s22  }
0x11: {  	s2 =	simm.s32 $0x11A00;
	s24 =	sadd.s32 s6, s10;
	[dreg:$0x8] =	wrdreg s23  }
0x12: {  	s16 =	simm.s32 $0x0;
	s25 =	sadd.s32 s7, s10;
	[dreg:$0x9] =	wrdreg s24  }
0x13: {  	s10 =	sadd.s32 s8, s10;
	s20 =	sadd.s32 $0x400, s11;
	[dreg:$0xa] =	wrdreg s25  }
0x14: {  	v0 =	vimm.f32 $0.0e+00;
	v1 =	vlaneseq.u32;
	s11 =	simm.s32 $0x4;
	[dreg:$0xb] =	wrdreg s10;
	s10 =	simm.s32 $0x0  }
.LBB2_1:
0x15: {  	[dreg:$0xe] =	wrdreg s10;
	s0 =	simm.s32 $0x40;
	s10 =	simm.s32 $0x0  }
.LBB2_2:
0x16: {  	p0 =	sne.s32 s0, $0xFFC0;
	[tilespmem:s10+$0x13A00] =	vst v0;
	s10 =	smov.u32 s0;
	s0 =	sadd.s32 $0x40, s0  }
.Ltmp0:
0x17: {  	(pc) =	sbr.rel @p0 .LBB2_2-.Ltmp0, $2  }
0x18: {  	_ =	sdelay $0x2  }
0x19: {  	s10 =	sshra.s32 s10, $0x2  }
0x1a: {  	[tilespmem:s10+$0x13A00] =	vst v0;
	s0 =	rddreg [dreg:$0x2]  }
0x1b: {  	[tilespmem:s16], [sflag:$0x4] =	stream.linear.gather [hbm4b:s0+s16], $0x200, $0x38;
	[tilespmem:$0x17E00] =	vst v63  }
0x1c: {  	_ =	swait.ge [sflag:s11], $0x200  }
0x1d: {  	[sflag:s11] =	ssyncset.done $0x0  }
0x1e: {  	s10 =	simm.s32 $0x200;
	s17 =	rddreg [dreg:$0x3];
	[sflag:s11] =	ssyncadd.s32 $0xFFFFFE00  }
0x1f: {  	[tilespmem:s10], [sflag:$0x4] =	stream.linear.gather [hbm4b:s17+s16], $0x200, $0x38;
	[tilespmem:$0x17E00] =	vst v63  }
0x20: {  	_ =	swait.ge [sflag:s11], $0x200  }
0x21: {  	[sflag:s11] =	ssyncset.done $0x0  }
0x22: {  	s15 =	simm.s32 $0x400;
	s18 =	rddreg [dreg:$0x4];
	[sflag:s11] =	ssyncadd.s32 $0xFFFFFE00  }
0x23: {  	[tilespmem:s15], [sflag:$0x4] =	stream.linear.gather [hbm4b:s18+s16], $0x200, $0x38;
	[tilespmem:$0x17E00] =	vst v63  }
0x24: {  	_ =	swait.ge [sflag:s11], $0x200  }
0x25: {  	[sflag:s11] =	ssyncset.done $0x0  }
0x26: {  	s17 =	simm.s32 $0x600;
	s19 =	rddreg [dreg:$0x5];
	[sflag:s11] =	ssyncadd.s32 $0xFFFFFE00  }
0x27: {  	[tilespmem:s17], [sflag:$0x4] =	stream.linear.gather [hbm4b:s19+s16], $0x200, $0x38;
	[tilespmem:$0x17E00] =	vst v63  }
0x28: {  	_ =	swait.ge [sflag:s11], $0x200  }
0x29: {  	[sflag:s11] =	ssyncset.done $0x0  }
0x2a: {  	s18 =	simm.s32 $0x1000;
	s21 =	rddreg [dreg:$0x6];
	[sflag:s11] =	ssyncadd.s32 $0xFFFFFE00  }
0x2b: {  	[tilespmem:s18], [sflag:$0x4] =	stream.linear.gather [hbm4b:s21+s16], $0x200, $0x38;
	[tilespmem:$0x17E00] =	vst v63  }
0x2c: {  	_ =	swait.ge [sflag:s11], $0x200  }
0x2d: {  	[sflag:s11] =	ssyncset.done $0x0  }
0x2e: {  	[sflag:s11] =	ssyncadd.s32 $0xFFFFFE00  }
0x2f: {  	[tilespmem:s30], [sflag:$0x1] =	stream.indirect.gather [hbm4b:s3+s29], $0x10, s16, s29, $0xb8;
	[tilespmem:$0x17E00] =	vst v63  }
0x30: {  	s22 =	simm.s32 $0x1C00  }
0x31: {  	[tilespmem:s22], [sflag:$0x1] =	stream.indirect.gather [hbm4b:s3+s29], $0x10, s29, s29, $0xb8;
	[tilespmem:$0x17E00] =	vst v63  }
0x32: {  	s23 =	simm.s32 $0x100;
	s24 =	simm.s32 $0x2400  }
0x33: {  	[tilespmem:s24], [sflag:$0x1] =	stream.indirect.gather [hbm4b:s3+s29], $0x10, s23, s29, $0xb8;
	[tilespmem:$0x17E00] =	vst v63  }
0x34: {  	s25 =	simm.s32 $0x180;
	s26 =	simm.s32 $0x2C00  }
0x35: {  	[tilespmem:s26], [sflag:$0x1] =	stream.indirect.gather [hbm4b:s3+s29], $0x10, s25, s29, $0xb8;
	[tilespmem:$0x17E00] =	vst v63  }
0x36: {  	s18 =	simm.s32 $0x3400  }
0x37: {  	[tilespmem:s18], [sflag:$0x1] =	stream.indirect.gather [hbm4b:s3+s29], $0x10, s10, s29, $0xb8;
	[tilespmem:$0x17E00] =	vst v63  }
0x38: {  	s19 =	simm.s32 $0x280;
	s21 =	simm.s32 $0x3C00  }
0x39: {  	[tilespmem:s21], [sflag:$0x1] =	stream.indirect.gather [hbm4b:s3+s29], $0x10, s19, s29, $0xb8;
	[tilespmem:$0x17E00] =	vst v63  }
0x3a: {  	s22 =	simm.s32 $0x300;
	s23 =	simm.s32 $0x4400  }
0x3b: {  	[tilespmem:s23], [sflag:$0x1] =	stream.indirect.gather [hbm4b:s3+s29], $0x10, s22, s29, $0xb8;
	[tilespmem:$0x17E00] =	vst v63  }
0x3c: {  	s24 =	simm.s32 $0x380;
	s25 =	simm.s32 $0x4C00  }
0x3d: {  	[tilespmem:s25], [sflag:$0x1] =	stream.indirect.gather [hbm4b:s3+s29], $0x10, s24, s29, $0xb8;
	[tilespmem:$0x17E00] =	vst v63  }
0x3e: {  	s26 =	simm.s32 $0x5400  }
0x3f: {  	[tilespmem:s26], [sflag:$0x1] =	stream.indirect.gather [hbm4b:s3+s29], $0x10, s15, s29, $0xb8;
	[tilespmem:$0x17E00] =	vst v63  }
0x40: {  	s11 =	simm.s32 $0x5C00;
	s10 =	simm.s32 $0x480  }
0x41: {  	[tilespmem:s11], [sflag:$0x1] =	stream.indirect.gather [hbm4b:s3+s29], $0x10, s10, s29, $0xb8;
	[tilespmem:$0x17E00] =	vst v63  }
0x42: {  	s18 =	simm.s32 $0x6400;
	s15 =	simm.s32 $0x500  }
0x43: {  	[tilespmem:s18], [sflag:$0x1] =	stream.indirect.gather [hbm4b:s3+s29], $0x10, s15, s29, $0xb8;
	[tilespmem:$0x17E00] =	vst v63  }
0x44: {  	s19 =	simm.s32 $0x580;
	s21 =	simm.s32 $0x6C00  }
0x45: {  	[tilespmem:s21], [sflag:$0x1] =	stream.indirect.gather [hbm4b:s3+s29], $0x10, s19, s29, $0xb8;
	[tilespmem:$0x17E00] =	vst v63  }
0x46: {  	s22 =	simm.s32 $0x7400  }
0x47: {  	[tilespmem:s22], [sflag:$0x1] =	stream.indirect.gather [hbm4b:s3+s29], $0x10, s17, s29, $0xb8;
	[tilespmem:$0x17E00] =	vst v63  }
0x48: {  	s23 =	simm.s32 $0x680;
	s24 =	simm.s32 $0x7C00  }
0x49: {  	[tilespmem:s24], [sflag:$0x1] =	stream.indirect.gather [hbm4b:s3+s29], $0x10, s23, s29, $0xb8;
	[tilespmem:$0x17E00] =	vst v63  }
0x4a: {  	s25 =	simm.s32 $0x700;
	s26 =	simm.s32 $0x8400  }
0x4b: {  	[tilespmem:s26], [sflag:$0x1] =	stream.indirect.gather [hbm4b:s3+s29], $0x10, s25, s29, $0xb8;
	[tilespmem:$0x17E00] =	vst v63  }
0x4c: {  	s10 =	simm.s32 $0x780;
	s11 =	simm.s32 $0x8C00  }
0x4d: {  	[tilespmem:s11], [sflag:$0x1] =	stream.indirect.gather [hbm4b:s3+s29], $0x10, s10, s29, $0xb8;
	[tilespmem:$0x17E00] =	vst v63  }
0x4e: {  	s15 =	rddreg [dreg:$0x7];
	s17 =	simm.s32 $0x800  }
0x4f: {  	[tilespmem:s17], [sflag:$0x2] =	stream.linear.gather [hbm4b:s15+s16], $0x200, $0x38;
	[tilespmem:$0x17E00] =	vst v63  }
0x50: {  	s18 =	rddreg [dreg:$0x8];
	s19 =	simm.s32 $0xA00  }
0x51: {  	[tilespmem:s19], [sflag:$0x2] =	stream.linear.gather [hbm4b:s18+s16], $0x200, $0x38;
	[tilespmem:$0x17E00] =	vst v63  }
0x52: {  	s21 =	rddreg [dreg:$0x9];
	s22 =	simm.s32 $0xC00  }
0x53: {  	[tilespmem:s22], [sflag:$0x2] =	stream.linear.gather [hbm4b:s21+s16], $0x200, $0x38;
	[tilespmem:$0x17E00] =	vst v63  }
0x54: {  	p0 =	por $0x0, $0x0;
	s23 =	rddreg [dreg:$0xa];
	s24 =	simm.s32 $0xE00  }
0x55: {  	[tilespmem:s24], [sflag:$0x2] =	stream.linear.gather [hbm4b:s23+s16], $0x200, $0x38;
	[tilespmem:$0x17E00] =	vst v63  }
0x56: {  	s25 =	rddreg [dreg:$0xb];
	s26 =	simm.s32 $0x1200;
	s17 =	simm.s32 $0x0  }
0x57: {  	[tilespmem:s26], [sflag:$0x2] =	stream.linear.gather [hbm4b:s25+s16], $0x200, $0x38;
	[tilespmem:$0x17E00] =	vst v63  }
.LBB2_4:
0x58: {  	_ =	swait.ge [sflag:s28], $0x800  }
0x59: {  	[sflag:s28] =	ssyncset.done $0x0  }
0x5a: {  	[sflag:s28] =	ssyncadd.s32 $0xFFFFF800  }
0x5b: {  	_ =	swait.ge [sflag:s28], $0x800  }
0x5c: {  	[sflag:s28] =	ssyncset.done $0x0  }
0x5d: {  	[sflag:s28] =	ssyncadd.s32 $0xFFFFF800  }
0x5e: {  	_ =	swait.ge [sflag:s28], $0x800  }
0x5f: {  	[sflag:s28] =	ssyncset.done $0x0  }
0x60: {  	[sflag:s28] =	ssyncadd.s32 $0xFFFFF800  }
0x61: {  	_ =	swait.ge [sflag:s28], $0x800  }
0x62: {  	[sflag:s28] =	ssyncset.done $0x0  }
0x63: {  	[sflag:s28] =	ssyncadd.s32 $0xFFFFF800  }
0x64: {  	_ =	swait.ge [sflag:s28], $0x800  }
0x65: {  	[sflag:s28] =	ssyncset.done $0x0  }
0x66: {  	[sflag:s28] =	ssyncadd.s32 $0xFFFFF800  }
0x67: {  	_ =	swait.ge [sflag:s28], $0x800  }
0x68: {  	[sflag:s28] =	ssyncset.done $0x0  }
0x69: {  	[sflag:s28] =	ssyncadd.s32 $0xFFFFF800  }
0x6a: {  	_ =	swait.ge [sflag:s28], $0x800  }
0x6b: {  	[sflag:s28] =	ssyncset.done $0x0  }
0x6c: {  	[sflag:s28] =	ssyncadd.s32 $0xFFFFF800  }
0x6d: {  	_ =	swait.ge [sflag:s28], $0x800  }
0x6e: {  	[sflag:s28] =	ssyncset.done $0x0  }
0x6f: {  	[sflag:s28] =	ssyncadd.s32 $0xFFFFF800  }
0x70: {  	_ =	swait.ge [sflag:s28], $0x800  }
0x71: {  	[sflag:s28] =	ssyncset.done $0x0  }
0x72: {  	[sflag:s28] =	ssyncadd.s32 $0xFFFFF800  }
0x73: {  	_ =	swait.ge [sflag:s28], $0x800  }
0x74: {  	[sflag:s28] =	ssyncset.done $0x0  }
0x75: {  	[sflag:s28] =	ssyncadd.s32 $0xFFFFF800  }
0x76: {  	_ =	swait.ge [sflag:s28], $0x800  }
0x77: {  	[sflag:s28] =	ssyncset.done $0x0  }
0x78: {  	[sflag:s28] =	ssyncadd.s32 $0xFFFFF800  }
0x79: {  	_ =	swait.ge [sflag:s28], $0x800  }
0x7a: {  	[sflag:s28] =	ssyncset.done $0x0  }
0x7b: {  	[sflag:s28] =	ssyncadd.s32 $0xFFFFF800  }
0x7c: {  	_ =	swait.ge [sflag:s28], $0x800  }
0x7d: {  	[sflag:s28] =	ssyncset.done $0x0  }
0x7e: {  	[sflag:s28] =	ssyncadd.s32 $0xFFFFF800  }
0x7f: {  	_ =	swait.ge [sflag:s28], $0x800  }
0x80: {  	[sflag:s28] =	ssyncset.done $0x0  }
0x81: {  	[sflag:s28] =	ssyncadd.s32 $0xFFFFF800  }
0x82: {  	_ =	swait.ge [sflag:s28], $0x800  }
0x83: {  	[sflag:s28] =	ssyncset.done $0x0  }
0x84: {  	[sflag:s28] =	ssyncadd.s32 $0xFFFFF800  }
0x85: {  	_ =	swait.ge [sflag:s28], $0x800  }
0x86: {  	[sflag:s28] =	ssyncset.done $0x0  }
0x87: {  	[sflag:s28] =	ssyncadd.s32 $0xFFFFF800  }
0x88: {  	_ =	swait.ge [sflag:s31], $0x200  }
0x89: {  	[sflag:s31] =	ssyncset.done $0x0  }
0x8a: {  	[sflag:s31] =	ssyncadd.s32 $0xFFFFFE00  }
0x8b: {  	_ =	swait.ge [sflag:s31], $0x200  }
0x8c: {  	[sflag:s31] =	ssyncset.done $0x0  }
0x8d: {  	[sflag:s31] =	ssyncadd.s32 $0xFFFFFE00  }
0x8e: {  	_ =	swait.ge [sflag:s31], $0x200  }
0x8f: {  	[sflag:s31] =	ssyncset.done $0x0  }
0x90: {  	[sflag:s31] =	ssyncadd.s32 $0xFFFFFE00  }
0x91: {  	_ =	swait.ge [sflag:s31], $0x200  }
0x92: {  	s0 =	sand.u32 $0x1, s17;
	[sflag:s31] =	ssyncset.done $0x0  }
0x93: {  	s18 =	sshll.u32 s0, $0xB;
	[sflag:s31] =	ssyncadd.s32 $0xFFFFFE00  }
0x94: {  	s0 =	sxor.u32 $0x800, s18;
	s24 =	sxor.u32 $0x880, s18;
	_ =	swait.ge [sflag:s31], $0x200  }
0x95: {  	s26 =	sxor.u32 $0x900, s18;
	s10 =	sshll.u32 s0, $0x4;
	[sflag:s31] =	ssyncset.done $0x0  }
0x96: {  	s25 =	sshll.u32 s24, $0x4;
	s10 =	sor.u32 $0x1400, s10;
	[sflag:s31] =	ssyncadd.s32 $0xFFFFFE00  }
0x97: {  	[tilespmem:s10], [sflag:$0x1] =	stream.indirect.gather [hbm4b:s3+s29], $0x10, s0, s29, $0xb8;
	[tilespmem:$0x17E00] =	vst v63  }
0x98: {  	s15 =	sxor.u32 $0x980, s18;
	s11 =	sshll.u32 s26, $0x4;
	s10 =	sor.u32 $0x1400, s25  }
0x99: {  	[tilespmem:s10], [sflag:$0x1] =	stream.indirect.gather [hbm4b:s3+s29], $0x10, s24, s29, $0xb8;
	[tilespmem:$0x17E00] =	vst v63  }
0x9a: {  	s21 =	sxor.u32 $0xA00, s18;
	s19 =	sshll.u32 s15, $0x4;
	s10 =	sadd.s32 $0x1400, s11  }
0x9b: {  	[tilespmem:s10], [sflag:$0x1] =	stream.indirect.gather [hbm4b:s3+s29], $0x10, s26, s29, $0xb8;
	[tilespmem:$0x17E00] =	vst v63  }
0x9c: {  	s23 =	sxor.u32 $0xA80, s18;
	s22 =	sshll.u32 s21, $0x4;
	s10 =	sadd.s32 $0x1400, s19  }
0x9d: {  	[tilespmem:s10], [sflag:$0x1] =	stream.indirect.gather [hbm4b:s3+s29], $0x10, s15, s29, $0xb8;
	[tilespmem:$0x17E00] =	vst v63  }
0x9e: {  	s25 =	sxor.u32 $0xB00, s18;
	s24 =	sshll.u32 s23, $0x4;
	s10 =	sor.u32 $0x1400, s22  }
0x9f: {  	[tilespmem:s10], [sflag:$0x1] =	stream.indirect.gather [hbm4b:s3+s29], $0x10, s21, s29, $0xb8;
	[tilespmem:$0x17E00] =	vst v63  }
0xa0: {  	s11 =	sxor.u32 $0xB80, s18;
	s26 =	sshll.u32 s25, $0x4;
	s10 =	sor.u32 $0x1400, s24  }
0xa1: {  	[tilespmem:s10], [sflag:$0x1] =	stream.indirect.gather [hbm4b:s3+s29], $0x10, s23, s29, $0xb8;
	[tilespmem:$0x17E00] =	vst v63  }
0xa2: {  	s19 =	sxor.u32 $0xC00, s18;
	s15 =	sshll.u32 s11, $0x4;
	s10 =	sadd.s32 $0x1400, s26  }
0xa3: {  	[tilespmem:s10], [sflag:$0x1] =	stream.indirect.gather [hbm4b:s3+s29], $0x10, s25, s29, $0xb8;
	[tilespmem:$0x17E00] =	vst v63  }
0xa4: {  	s22 =	sxor.u32 $0xC80, s18;
	s21 =	sshll.u32 s19, $0x4;
	s10 =	sadd.s32 $0x1400, s15  }
0xa5: {  	[tilespmem:s10], [sflag:$0x1] =	stream.indirect.gather [hbm4b:s3+s29], $0x10, s11, s29, $0xb8;
	[tilespmem:$0x17E00] =	vst v63  }
0xa6: {  	s24 =	sxor.u32 $0xD00, s18;
	s23 =	sshll.u32 s22, $0x4;
	s10 =	sor.u32 $0x1400, s21  }
0xa7: {  	[tilespmem:s10], [sflag:$0x1] =	stream.indirect.gather [hbm4b:s3+s29], $0x10, s19, s29, $0xb8;
	[tilespmem:$0x17E00] =	vst v63  }
0xa8: {  	s26 =	sxor.u32 $0xD80, s18;
	s25 =	sshll.u32 s24, $0x4;
	s10 =	sor.u32 $0x1400, s23  }
0xa9: {  	[tilespmem:s10], [sflag:$0x1] =	stream.indirect.gather [hbm4b:s3+s29], $0x10, s22, s29, $0xb8;
	[tilespmem:$0x17E00] =	vst v63  }
0xaa: {  	s15 =	sxor.u32 $0xE00, s18;
	s11 =	sshll.u32 s26, $0x4;
	s10 =	sadd.s32 $0x1400, s25  }
0xab: {  	[tilespmem:s10], [sflag:$0x1] =	stream.indirect.gather [hbm4b:s3+s29], $0x10, s24, s29, $0xb8;
	[tilespmem:$0x17E00] =	vst v63  }
0xac: {  	s21 =	sxor.u32 $0xE80, s18;
	s19 =	sshll.u32 s15, $0x4;
	s10 =	sadd.s32 $0x1400, s11  }
0xad: {  	v2 =	vmov s18;
	[tilespmem:s10], [sflag:$0x1] =	stream.indirect.gather [hbm4b:s3+s29], $0x10, s26, s29, $0xb8;
	[tilespmem:$0x17E00] =	vst v63  }
0xae: {  	v7 =	vor.u32 s16, v1;
	v5 =	vor.u32 $0x200, v2;
	s23 =	sxor.u32 $0xF00, s18;
	s22 =	sshll.u32 s21, $0x4;
	s10 =	sor.u32 $0x1400, s19  }
0xaf: {  	v3 =	vor.u32 v7, v5;
	[tilespmem:s10], [sflag:$0x1] =	stream.indirect.gather [hbm4b:s3+s29], $0x10, s15, s29, $0xb8;
	[tilespmem:$0x17E00] =	vst v63  }
0xb0: {  	v3 =	vshll.u32 v3, $0x4;
	s25 =	sxor.u32 $0xF80, s18;
	s24 =	sshll.u32 s23, $0x4;
	s10 =	sor.u32 $0x1400, s22  }
0xb1: {  	v6 =	vor.u32 $0x400, v2;
	v8 =	vor.u32 $0x1, v3;
	[tilespmem:s10], [sflag:$0x1] =	stream.indirect.gather [hbm4b:s3+s29], $0x10, s21, s29, $0xb8;
	[tilespmem:$0x17E00] =	vst v63  }
0xb2: {  	v4 =	vor.u32 v7, v6;
	s26 =	sshll.u32 s25, $0x4;
	s10 =	sadd.s32 $0x1400, s24  }
0xb3: {  	v4 =	vshll.u32 v4, $0x4;
	[tilespmem:s10], [sflag:$0x1] =	stream.indirect.gather [hbm4b:s3+s29], $0x10, s23, s29, $0xb8;
	[tilespmem:$0x17E00] =	vst v63  }
0xb4: {  	v9 =	vor.u32 $0x1, v4;
	s10 =	sadd.s32 $0x1400, s26  }
0xb5: {  	v10 =	vor.u32 $0x2, v3;
	[tilespmem:s10], [sflag:$0x1] =	stream.indirect.gather [hbm4b:s3+s29], $0x10, s25, s29, $0xb8;
	[tilespmem:$0x17E00] =	vst v63  }
0xb6: {  	v11 =	vor.u32 $0x2, v4;
	v12 =	vld.idx.msk [tilespmem:v8+s30+$0x0], $0xffff  }
0xb7: {  	v13 =	vld.idx.msk [tilespmem:v3+s30+$0x0], $0xffff  }
0xb8: {  	v14 =	vld.idx.msk [tilespmem:v4+s30+$0x0], $0xffff  }
0xb9: {  	v15 =	vld.idx.msk [tilespmem:v9+s30+$0x0], $0xffff  }
0xba: {  	v10 =	vld.idx.msk [tilespmem:v10+s30+$0x0], $0xffff  }
0xbb: {  	v11 =	vld.idx.msk [tilespmem:v11+s30+$0x0], $0xffff;
	_ =	sdelay $0x2  }
0xbc: {  	v16 =	vsub.f32 v14, v13;
	v17 =	vsub.f32 v15, v12;
	_ =	sdelay $0x1  }
0xbd: {  	v18 =	vsub.f32 v11, v10;
	v8 =	vmul.f32 v16, v16;
	v19 =	vmul.f32 v17, v17;
	_ =	sdelay $0x1  }
0xbe: {  	v9 =	vor.u32 $0x600, v2;
	v46 =	vmul.f32 v18, v18;
	v8 =	vadd.f32 v19, v8  }
0xbf: {  	v20 =	vor.u32 v7, v9  }
0xc0: {  	v21 =	vor.u32 v2, v7;
	v7 =	vshll.u32 v20, $0x4;
	v19 =	vadd.f32 v46, v8  }
0xc1: {  	v20 =	vor.u32 $0x1, v7  }
0xc2: {  	v24 =	vor.u32 $0x2, v7;
	vm0 =	veq.f32 v19, $0.0e+00  }
0xc3: {  	v8 =	vshll.u32 v21, $0x4;
	v22 =	vsel vm0, $0x3F800000, v19  }
0xc4: {  	v23 =	vshra.s32 v22, $0x1;
	v22 =	vmul.f32 $5.000000000e-01, v22  }
0xc5: {  	v27 =	vld.idx.msk [tilespmem:v7+s30+$0x0], $0xffff;
	v21 =	vor.u32 $0x2, v8;
	v23 =	vsub.s32 $0x5F3759DF, v23  }
0xc6: {  	v20 =	vld.idx.msk [tilespmem:v20+s30+$0x0], $0xffff;
	v26 =	vmul.f32 v23, v22  }
0xc7: {  	v24 =	vld.idx.msk [tilespmem:v24+s30+$0x0], $0xffff;
	v25 =	vor.u32 $0x1, v8  }
0xc8: {  	v28 =	vld.idx.msk [tilespmem:v8+s30+$0x0], $0xffff;
	v26 =	vmul.f32 v23, v26;
	_ =	sdelay $0x1  }
0xc9: {  	v21 =	vld.idx.msk [tilespmem:v21+s30+$0x0], $0xffff;
	v26 =	vsub.f32 $1.500000000e+00, v26  }
0xca: {  	v15 =	vsub.f32 v20, v15  }
0xcb: {  	v11 =	vsub.f32 v24, v11;
	v25 =	vld.idx.msk [tilespmem:v25+s30+$0x0], $0xffff;
	v47 =	vmul.f32 v23, v26  }
0xcc: {  	v14 =	vsub.f32 v27, v14;
	v48 =	vmul.f32 v15, v17;
	v13 =	vsub.f32 v28, v13  }
0xcd: {  	v53 =	vmul.f32 v11, v18;
	v26 =	vmul.f32 v47, v22  }
0xce: {  	v10 =	vsub.f32 v21, v10;
	v52 =	vmul.f32 v16, v13;
	v29 =	vmul.f32 v14, v13  }
0xcf: {  	v31 =	vmul.f32 v11, v13;
	v51 =	vmul.f32 v26, v47  }
0xd0: {  	v12 =	vsub.f32 v25, v12;
	v13 =	vmul.f32 v15, v13;
	v49 =	vmul.f32 v15, v10  }
0xd1: {  	v50 =	vmul.f32 v18, v10;
	v27 =	vmul.f32 v14, v10;
	v25 =	vsub.f32 $1.500000000e+00, v51  }
0xd2: {  	v30 =	vmul.f32 v17, v12;
	v54 =	vmul.f32 v14, v12  }
0xd3: {  	v55 =	vmul.f32 v11, v12;
	v20 =	vmul.f32 v25, v47  }
0xd4: {  	v12 =	vmul.f32 v15, v12;
	v14 =	vmul.f32 v14, v16  }
0xd5: {  	v56 =	vsub.f32 v27, v31;
	v13 =	vsub.f32 v13, v54;
	v22 =	vmul.f32 v20, v22  }
0xd6: {  	v10 =	vmul.f32 v11, v10;
	v11 =	vadd.f32 v12, v29;
	v14 =	vadd.f32 v48, v14  }
0xd7: {  	v57 =	vsub.f32 v55, v49;
	v26 =	vadd.f32 v30, v52;
	v58 =	vmul.f32 v22, v20  }
0xd8: {  	v15 =	vmul.f32 v56, v17;
	v10 =	vadd.f32 v10, v11;
	v60 =	vadd.f32 v53, v14  }
0xd9: {  	s0 =	simm.s32 $0x1;
	v11 =	vmul.f32 v57, v16;
	v59 =	vadd.f32 v50, v26;
	v61 =	vsub.f32 $1.500000000e+00, v58  }
0xda: {  	s0 =	simm.s32 @!p0 $0x0;
	v13 =	vmul.f32 v13, v18;
	v62 =	vmul.f32 v10, v19  }
0xdb: {  	s0 =	sshll.u32 s0, $0x9;
	v11 =	vadd.f32 v15, v11;
	v12 =	vmul.f32 v60, v59;
	v14 =	vmul.f32 v61, v20  }
0xdc: {  	s11 =	simm.s32 $0x10;
	s19 =	sor.u32 $0x1180, s0  }
0xdd: {  	s22 =	sor.u32 $0x1080, s0;
	s15 =	sor.u32 $0x1000, s0;
	s21 =	sor.u32 $0x1100, s0;
	v11 =	vadd.f32 v11, v13;
	v12 =	vsub.f32 v62, v12;
	v63 =	vmul.f32 v14, v19  }
0xde: {  	s24 =	simm.s32 $0x11600;
	s0 =	simm.s32 $0x11800;
	s26 =	simm.s32 $0x11800  }
0xdf: {  	s23 =	simm.s32 $0x11400;
	s25 =	simm.s32 $0x11600;
	s10 =	simm.s32 $0x11400;
	v10 =	vsel vm0, v10, v12;
	v11 =	vmul.f32 v63, v11  }
.LBB2_5:
0xe0: {  	s25 =	sadd.s32 $0x10, s25;
	s26 =	sadd.s32 $0x10, s26;
	s10 =	sadd.s32 $0x10, s10  }
0xe1: {  	v12 =	vor.u32 s11, v1;
	p1 =	sne.s32 s11, $0x70;
	s11 =	sadd.s32 $0x10, s11;
	v13 =	vmul.f32 v10, v10;
	v11 =	vsel vm0, $0x0, v11  }
0xe2: {  	v14 =	vor.u32 v12, v5;
	v15 =	vor.u32 v12, v6;
	v16 =	vmul.f32 v11, v11  }
0xe3: {  	v14 =	vshll.u32 v14, $0x4;
	v15 =	vshll.u32 v15, $0x4  }
0xe4: {  	v17 =	vor.u32 $0x1, v14;
	v18 =	vor.u32 $0x1, v15;
	v13 =	vadd.f32 v16, v13  }
0xe5: {  	v19 =	vor.u32 $0x2, v15;
	v16 =	vor.u32 v2, v12;
	v12 =	vor.u32 v12, v9  }
0xe6: {  	v20 =	vor.u32 $0x2, v14;
	v16 =	vshll.u32 v16, $0x4;
	vm0 =	veq.f32 v13, $0.0e+00  }
0xe7: {  	v12 =	vshll.u32 v12, $0x4;
	v21 =	vor.u32 $0x2, v16;
	v13 =	vsel vm0, $0x3F800000, v13  }
0xe8: {  	v22 =	vor.u32 $0x1, v12;
	v23 =	vor.u32 $0x2, v12;
	v24 =	vshra.s32 v13, $0x1  }
0xe9: {  	v25 =	vor.u32 $0x1, v16;
	v13 =	vmul.f32 $5.000000000e-01, v13  }
0xea: {  	v24 =	vsub.s32 $0x5F3759DF, v24  }
0xeb: {  	v26 =	vmul.f32 v24, v13;
	_ =	sdelay $0x1  }
0xec: {  	v26 =	vmul.f32 v24, v26;
	_ =	sdelay $0x1  }
0xed: {  	v26 =	vsub.f32 $1.500000000e+00, v26;
	_ =	sdelay $0x1  }
0xee: {  	v27 =	vor.u32 $0x3, v8;
	v8 =	vmov v16;
	v24 =	vmul.f32 v24, v26;
	_ =	sdelay $0x1  }
0xef: {  	v16 =	vor.u32 $0x3, v3;
	v3 =	vmov v14;
	v26 =	vmul.f32 v24, v13;
	_ =	sdelay $0x1  }
0xf0: {  	v14 =	vmul.f32 v26, v24  }
0xf1: {  	v26 =	vld.idx.msk [tilespmem:v27+s30+$0x0], $0xffff;
	v27 =	vor.u32 $0x3, v4;
	v4 =	vmov v15  }
0xf2: {  	v14 =	vsub.f32 $1.500000000e+00, v14  }
0xf3: {  	v15 =	vld.idx.msk [tilespmem:v16+s30+$0x0], $0xffff  }
0xf4: {  	v16 =	vor.u32 $0x3, v7;
	v14 =	vmul.f32 v14, v24;
	v7 =	vmov v12;
	_ =	sdelay $0x1  }
0xf5: {  	v13 =	vmul.f32 v14, v13;
	v12 =	vld.idx.msk [tilespmem:v27+s30+$0x0], $0xffff  }
0xf6: {  	v24 =	vtrunc.f32 v26  }
0xf7: {  	v24 =	vcvt.f32.s32 v24;
	v13 =	vmul.f32 v13, v14  }
0xf8: {  	v15 =	vtrunc.f32 v15;
	v16 =	vld.idx.msk [tilespmem:v16+s30+$0x0], $0xffff  }
0xf9: {  	v15 =	vcvt.f32.s32 v15;
	v13 =	vsub.f32 $1.500000000e+00, v13;
	v24 =	vmul.u32 $0x14, v24;
	_ =	sdelay $0x1  }
0xfa: {  	v12 =	vtrunc.f32 v12;
	v13 =	vmul.f32 v13, v14;
	v14 =	vadd.s32 v15, v24  }
0xfb: {  	v12 =	vcvt.f32.s32 v12;
	v14 =	vmul.u32 $0x14, v14  }
0xfc: {  	v10 =	vmul.f32 v13, v10;
	v11 =	vmul.f32 v13, v11  }
0xfd: {  	v13 =	vtrunc.f32 v16;
	v12 =	vadd.s32 v12, v14  }
0xfe: {  	v10 =	vsel vm0, $0x3F800000, v10;
	v11 =	vsel vm0, $0x0, v11;
	v12 =	vmul.u32 $0x14, v12  }
0xff: {  	v13 =	vcvt.f32.s32 v13;
	[tilespmem:s24+$0x0] =	vst v10;
	s24 =	smov.u32 s25  }
0x100: {  	[tilespmem:s0+$0x0] =	vst v11;
	s0 =	smov.u32 s26  }
0x101: {  	v10 =	vadd.s32 v13, v12  }
0x102: {  	[tilespmem:s23+$0x0] =	vst v10;
	s23 =	smov.u32 s10  }
0x103: {  	v10 =	vld.idx.msk [tilespmem:v20+s30+$0x0], $0xffff  }
0x104: {  	v11 =	vld.idx.msk [tilespmem:v17+s30+$0x0], $0xffff  }
0x105: {  	v12 =	vld.idx.msk [tilespmem:v21+s30+$0x0], $0xffff  }
0x106: {  	v13 =	vld.idx.msk [tilespmem:v3+s30+$0x0], $0xffff  }
0x107: {  	v14 =	vld.idx.msk [tilespmem:v7+s30+$0x0], $0xffff  }
0x108: {  	v15 =	vld.idx.msk [tilespmem:v4+s30+$0x0], $0xffff  }
0x109: {  	v16 =	vld.idx.msk [tilespmem:v18+s30+$0x0], $0xffff  }
0x10a: {  	v17 =	vld.idx.msk [tilespmem:v22+s30+$0x0], $0xffff  }
0x10b: {  	v18 =	vld.idx.msk [tilespmem:v19+s30+$0x0], $0xffff  }
0x10c: {  	v19 =	vld.idx.msk [tilespmem:v8+s30+$0x0], $0xffff  }
0x10d: {  	v20 =	vld.idx.msk [tilespmem:v25+s30+$0x0], $0xffff  }
0x10e: {  	v12 =	vsub.f32 v12, v10;
	v21 =	vld.idx.msk [tilespmem:v23+s30+$0x0], $0xffff  }
0x10f: {  	v22 =	vsub.f32 v15, v13;
	v23 =	vsub.f32 v16, v11  }
0x110: {  	v16 =	vsub.f32 v17, v16  }
0x111: {  	v17 =	vmul.f32 v22, v22;
	v10 =	vsub.f32 v18, v10;
	v24 =	vmul.f32 v23, v23  }
0x112: {  	v14 =	vsub.f32 v14, v15;
	v15 =	vmul.f32 v16, v23;
	v25 =	vmul.f32 v16, v12  }
0x113: {  	v13 =	vsub.f32 v19, v13;
	v17 =	vadd.f32 v24, v17;
	v19 =	vmul.f32 v10, v10  }
0x114: {  	v24 =	vmul.f32 v14, v12;
	v18 =	vsub.f32 v21, v18;
	v21 =	vmul.f32 v10, v12  }
0x115: {  	v11 =	vsub.f32 v20, v11;
	v17 =	vadd.f32 v19, v17;
	v19 =	vmul.f32 v22, v13  }
0x116: {  	v26 =	vmul.f32 v14, v13;
	v20 =	vmul.f32 v18, v10  }
0x117: {  	v27 =	vmul.f32 v23, v11;
	v28 =	vmul.f32 v18, v13;
	vm0 =	veq.f32 v17, $0.0e+00  }
0x118: {  	v29 =	vmul.f32 v14, v11;
	v13 =	vmul.f32 v16, v13;
	v30 =	vsel vm0, $0x3F800000, v17  }
0x119: {  	v19 =	vadd.f32 v27, v19;
	v27 =	vshra.s32 v30, $0x1;
	v30 =	vmul.f32 $5.000000000e-01, v30  }
0x11a: {  	v31 =	vmul.f32 v18, v11;
	v24 =	vsub.f32 v24, v28;
	v27 =	vsub.s32 $0x5F3759DF, v27  }
0x11b: {  	v11 =	vmul.f32 v16, v11;
	v13 =	vsub.f32 v13, v29;
	v16 =	vmul.f32 v27, v30  }
0x11c: {  	v14 =	vmul.f32 v14, v22;
	v25 =	vsub.f32 v31, v25;
	v23 =	vmul.f32 v24, v23  }
0x11d: {  	v12 =	vmul.f32 v18, v12;
	v16 =	vmul.f32 v27, v16  }
0x11e: {  	v14 =	vadd.f32 v15, v14;
	v11 =	vadd.f32 v11, v26;
	v15 =	vmul.f32 v25, v22  }
0x11f: {  	v18 =	vadd.f32 v21, v19;
	v13 =	vmul.f32 v13, v10;
	v10 =	vsub.f32 $1.500000000e+00, v16  }
0x120: {  	v14 =	vadd.f32 v20, v14;
	v11 =	vadd.f32 v12, v11  }
0x121: {  	v12 =	vadd.f32 v23, v15;
	v15 =	vmul.f32 v27, v10  }
0x122: {  	v14 =	vmul.f32 v14, v18;
	v10 =	vmul.f32 v11, v17  }
0x123: {  	v16 =	vmul.f32 v15, v30  }
0x124: {  	v10 =	vsub.f32 v10, v14  }
0x125: {  	v14 =	vmul.f32 v16, v15  }
0x126: {  	v10 =	vsel vm0, v11, v10  }
0x127: {  	v11 =	vsub.f32 $1.500000000e+00, v14;
	_ =	sdelay $0x1  }
0x128: {  	v11 =	vmul.f32 v11, v15;
	_ =	sdelay $0x1  }
0x129: {  	v14 =	vmul.f32 v11, v30;
	_ =	sdelay $0x1  }
0x12a: {  	v14 =	vmul.f32 v14, v11;
	_ =	sdelay $0x1  }
0x12b: {  	v14 =	vsub.f32 $1.500000000e+00, v14;
	_ =	sdelay $0x1  }
.Ltmp1:
0x12c: {  	v11 =	vmul.f32 v14, v11;
	(pc) =	sbr.rel @p1 .LBB2_5-.Ltmp1, $3  }
0x12d: {  	_ = 	snop  }
0x12e: {  	v12 =	vadd.f32 v12, v13;
	v11 =	vmul.f32 v11, v17;
	_ =	sdelay $0x1  }
0x12f: {  	v11 =	vmul.f32 v11, v12  }
0x130: {  	_ = 	snop  }
0x131: {  	v5 =	vsel vm0, $0x0, v11  }
0x132: {  	v6 =	vmul.f32 v10, v10;
	v9 =	vmul.f32 v5, v5;
	_ =	sdelay $0x1  }
0x133: {  	v6 =	vadd.f32 v9, v6;
	_ =	sdelay $0x1  }
0x134: {  	vm0 =	veq.f32 v6, $0.0e+00  }
0x135: {  	v6 =	vsel vm0, $0x3F800000, v6  }
0x136: {  	v9 =	vshra.s32 v6, $0x1;
	v6 =	vmul.f32 $5.000000000e-01, v6  }
0x137: {  	v9 =	vsub.s32 $0x5F3759DF, v9  }
0x138: {  	v11 =	vmul.f32 v9, v6;
	_ =	sdelay $0x1  }
0x139: {  	v11 =	vmul.f32 v9, v11;
	_ =	sdelay $0x1  }
0x13a: {  	v11 =	vsub.f32 $1.500000000e+00, v11;
	_ =	sdelay $0x1  }
0x13b: {  	v8 =	vor.u32 $0x3, v8;
	v9 =	vmul.f32 v9, v11;
	_ =	sdelay $0x1  }
0x13c: {  	v3 =	vor.u32 $0x3, v3;
	v11 =	vmul.f32 v9, v6;
	_ =	sdelay $0x1  }
0x13d: {  	v11 =	vmul.f32 v11, v9  }
0x13e: {  	v4 =	vor.u32 $0x3, v4;
	v8 =	vld.idx.msk [tilespmem:v8+s30+$0x0], $0xffff  }
0x13f: {  	v11 =	vsub.f32 $1.500000000e+00, v11  }
0x140: {  	v3 =	vld.idx.msk [tilespmem:v3+s30+$0x0], $0xffff  }
0x141: {  	v9 =	vmul.f32 v11, v9  }
0x142: {  	v7 =	vor.u32 $0x3, v7  }
0x143: {  	v4 =	vld.idx.msk [tilespmem:v4+s30+$0x0], $0xffff;
	v8 =	vtrunc.f32 v8;
	v6 =	vmul.f32 v9, v6  }
0x144: {  	v8 =	vcvt.f32.s32 v8  }
0x145: {  	v3 =	vtrunc.f32 v3;
	v6 =	vmul.f32 v6, v9  }
0x146: {  	v3 =	vcvt.f32.s32 v3;
	v8 =	vmul.u32 $0x14, v8  }
0x147: {  	v7 =	vld.idx.msk [tilespmem:v7+s30+$0x0], $0xffff;
	v6 =	vsub.f32 $1.500000000e+00, v6  }
0x148: {  	v4 =	vtrunc.f32 v4;
	v3 =	vadd.s32 v3, v8  }
0x149: {  	v4 =	vcvt.f32.s32 v4;
	v3 =	vmul.u32 $0x14, v3;
	v6 =	vmul.f32 v6, v9  }
0x14a: {  	s10 =	simm.s32 $0x0  }
0x14b: {  	v3 =	vadd.s32 v4, v3;
	v11 =	vor.u32 s10, v1;
	v8 =	vmul.f32 v6, v10  }
0x14c: {  	v9 =	vmul.f32 v6, v5;
	v5 =	vor.u32 $0x280, v2;
	v6 =	vtrunc.f32 v7  }
0x14d: {  	v4 =	vor.u32 v11, v5;
	v7 =	vsel vm0, $0x3F800000, v8;
	v8 =	vmul.u32 $0x14, v3  }
0x14e: {  	v3 =	vshll.u32 v4, $0x4;
	v4 =	vcvt.f32.s32 v6;
	v6 =	vor.u32 $0x480, v2  }
0x14f: {  	v9 =	vsel vm0, $0x0, v9;
	v10 =	vor.u32 $0x1, v3;
	[tilespmem:s24+$0x0] =	vst v7;
	v7 =	vor.u32 v11, v6  }
0x150: {  	[tilespmem:s0+$0x0] =	vst v9;
	v8 =	vadd.s32 v4, v8;
	v4 =	vshll.u32 v7, $0x4  }
0x151: {  	s26 =	simm.s32 $0x11400;
	[tilespmem:s23+$0x0] =	vst v8;
	v7 =	vor.u32 $0x1, v4  }
0x152: {  	v8 =	vor.u32 $0x2, v3;
	[tilespmem:s2], [sflag:$0x3] =	stream.indirect.gather [hbm4b:s9+s29], $0x10, s26, s29, $0xb8;
	[tilespmem:$0x17E00] =	vst v63  }
0x153: {  	v9 =	vor.u32 $0x2, v4;
	v13 =	vld.idx.msk [tilespmem:v3+s30+$0x0], $0xffff  }
0x154: {  	v12 =	vld.idx.msk [tilespmem:v10+s30+$0x0], $0xffff  }
0x155: {  	v14 =	vld.idx.msk [tilespmem:v4+s30+$0x0], $0xffff  }
0x156: {  	v15 =	vld.idx.msk [tilespmem:v7+s30+$0x0], $0xffff  }
0x157: {  	v16 =	vld.idx.msk [tilespmem:v8+s30+$0x0], $0xffff  }
0x158: {  	v17 =	vld.idx.msk [tilespmem:v9+s30+$0x0], $0xffff;
	_ =	sdelay $0x2  }
0x159: {  	v18 =	vsub.f32 v14, v13;
	v19 =	vsub.f32 v15, v12;
	_ =	sdelay $0x1  }
0x15a: {  	v20 =	vsub.f32 v17, v16;
	v7 =	vmul.f32 v18, v18;
	v8 =	vmul.f32 v19, v19;
	_ =	sdelay $0x1  }
0x15b: {  	v9 =	vor.u32 $0x680, v2;
	v21 =	vmul.f32 v20, v20;
	v8 =	vadd.f32 v8, v7  }
0x15c: {  	v10 =	vor.u32 $0x80, v2;
	v7 =	vor.u32 v11, v9  }
0x15d: {  	v11 =	vor.u32 v11, v10;
	v7 =	vshll.u32 v7, $0x4;
	v21 =	vadd.f32 v21, v8  }
0x15e: {  	v8 =	vshll.u32 v11, $0x4;
	v11 =	vor.u32 $0x1, v7  }
0x15f: {  	vm0 =	veq.f32 v21, $0.0e+00  }
0x160: {  	v25 =	vor.u32 $0x2, v7;
	v23 =	vsel vm0, $0x3F800000, v21  }
0x161: {  	v24 =	vshra.s32 v23, $0x1;
	v23 =	vmul.f32 $5.000000000e-01, v23  }
0x162: {  	v22 =	vor.u32 $0x2, v8;
	v28 =	vld.idx.msk [tilespmem:v7+s30+$0x0], $0xffff;
	v24 =	vsub.s32 $0x5F3759DF, v24  }
0x163: {  	v11 =	vld.idx.msk [tilespmem:v11+s30+$0x0], $0xffff;
	v27 =	vmul.f32 v24, v23  }
0x164: {  	v26 =	vor.u32 $0x1, v8;
	v29 =	vld.idx.msk [tilespmem:v8+s30+$0x0], $0xffff  }
0x165: {  	v25 =	vld.idx.msk [tilespmem:v25+s30+$0x0], $0xffff;
	v27 =	vmul.f32 v24, v27;
	_ =	sdelay $0x1  }
0x166: {  	v22 =	vld.idx.msk [tilespmem:v22+s30+$0x0], $0xffff;
	v27 =	vsub.f32 $1.500000000e+00, v27  }
0x167: {  	v11 =	vsub.f32 v11, v15  }
0x168: {  	v26 =	vld.idx.msk [tilespmem:v26+s30+$0x0], $0xffff;
	v13 =	vsub.f32 v29, v13;
	v50 =	vmul.f32 v24, v27  }
0x169: {  	v14 =	vsub.f32 v28, v14;
	v17 =	vsub.f32 v25, v17;
	v51 =	vmul.f32 v11, v19  }
0x16a: {  	v55 =	vmul.f32 v18, v13;
	v27 =	vmul.f32 v50, v23  }
0x16b: {  	v15 =	vsub.f32 v22, v16;
	v56 =	vmul.f32 v17, v20;
	v30 =	vmul.f32 v14, v13  }
0x16c: {  	v32 =	vmul.f32 v17, v13;
	v54 =	vmul.f32 v27, v50  }
0x16d: {  	v12 =	vsub.f32 v26, v12;
	v13 =	vmul.f32 v11, v13;
	v52 =	vmul.f32 v11, v15  }
0x16e: {  	v53 =	vmul.f32 v20, v15;
	v28 =	vmul.f32 v14, v15;
	v26 =	vsub.f32 $1.500000000e+00, v54  }
0x16f: {  	v31 =	vmul.f32 v19, v12;
	v57 =	vmul.f32 v14, v12  }
0x170: {  	v58 =	vmul.f32 v17, v12;
	v16 =	vmul.f32 v26, v50  }
0x171: {  	v11 =	vmul.f32 v11, v12;
	v14 =	vmul.f32 v14, v18  }
0x172: {  	v12 =	vsub.f32 v28, v32;
	v13 =	vsub.f32 v13, v57;
	v23 =	vmul.f32 v16, v23  }
0x173: {  	v15 =	vmul.f32 v17, v15;
	v11 =	vadd.f32 v11, v30;
	v14 =	vadd.f32 v51, v14  }
0x174: {  	v59 =	vsub.f32 v58, v52;
	v27 =	vadd.f32 v31, v55;
	v60 =	vmul.f32 v23, v16  }
0x175: {  	v12 =	vmul.f32 v12, v19;
	v11 =	vadd.f32 v15, v11;
	v14 =	vadd.f32 v56, v14  }
0x176: {  	v15 =	vmul.f32 v59, v18;
	v61 =	vadd.f32 v53, v27;
	v62 =	vsub.f32 $1.500000000e+00, v60  }
0x177: {  	v13 =	vmul.f32 v13, v20;
	v63 =	vmul.f32 v11, v21  }
0x178: {  	v12 =	vadd.f32 v12, v15;
	v14 =	vmul.f32 v14, v61;
	v15 =	vmul.f32 v62, v16;
	_ =	sdelay $0x1  }
0x179: {  	s25 =	simm.s32 $0x11880;
	v12 =	vadd.f32 v12, v13;
	v14 =	vsub.f32 v63, v14;
	v13 =	vmul.f32 v15, v21  }
0x17a: {  	s11 =	simm.s32 $0x10;
	s10 =	simm.s32 $0x11480;
	s24 =	simm.s32 $0x11680  }
0x17b: {  	s0 =	simm.s32 $0x11880;
	s23 =	simm.s32 $0x11480;
	s26 =	simm.s32 $0x11680;
	v11 =	vsel vm0, v11, v14;
	v12 =	vmul.f32 v13, v12  }
.LBB2_7:
0x17c: {  	s25 =	sadd.s32 $0x10, s25;
	s26 =	sadd.s32 $0x10, s26;
	s10 =	sadd.s32 $0x10, s10  }
0x17d: {  	v13 =	vor.u32 s11, v1;
	p1 =	sne.s32 s11, $0x70;
	s11 =	sadd.s32 $0x10, s11;
	v14 =	vmul.f32 v11, v11;
	v12 =	vsel vm0, $0x0, v12  }
0x17e: {  	v15 =	vor.u32 v13, v5;
	v16 =	vor.u32 v13, v6;
	v17 =	vmul.f32 v12, v12  }
0x17f: {  	v15 =	vshll.u32 v15, $0x4;
	v16 =	vshll.u32 v16, $0x4  }
0x180: {  	v18 =	vor.u32 $0x1, v15;
	v19 =	vor.u32 $0x1, v16;
	v14 =	vadd.f32 v17, v14  }
0x181: {  	v20 =	vor.u32 $0x2, v16;
	v17 =	vor.u32 v13, v10;
	v13 =	vor.u32 v13, v9  }
0x182: {  	v21 =	vor.u32 $0x2, v15;
	v17 =	vshll.u32 v17, $0x4;
	vm0 =	veq.f32 v14, $0.0e+00  }
0x183: {  	v13 =	vshll.u32 v13, $0x4;
	v22 =	vor.u32 $0x2, v17;
	v14 =	vsel vm0, $0x3F800000, v14  }
0x184: {  	v23 =	vor.u32 $0x1, v13;
	v24 =	vor.u32 $0x2, v13;
	v25 =	vshra.s32 v14, $0x1  }
0x185: {  	v26 =	vor.u32 $0x1, v17;
	v14 =	vmul.f32 $5.000000000e-01, v14  }
0x186: {  	v25 =	vsub.s32 $0x5F3759DF, v25  }
0x187: {  	v27 =	vmul.f32 v25, v14;
	_ =	sdelay $0x1  }
0x188: {  	v27 =	vmul.f32 v25, v27;
	_ =	sdelay $0x1  }
0x189: {  	v27 =	vsub.f32 $1.500000000e+00, v27;
	_ =	sdelay $0x1  }
0x18a: {  	v28 =	vor.u32 $0x3, v8;
	v8 =	vmov v17;
	v25 =	vmul.f32 v25, v27;
	_ =	sdelay $0x1  }
0x18b: {  	v17 =	vor.u32 $0x3, v3;
	v3 =	vmov v15;
	v27 =	vmul.f32 v25, v14;
	_ =	sdelay $0x1  }
0x18c: {  	v15 =	vmul.f32 v27, v25  }
0x18d: {  	v27 =	vld.idx.msk [tilespmem:v28+s30+$0x0], $0xffff;
	v28 =	vor.u32 $0x3, v4;
	v4 =	vmov v16  }
0x18e: {  	v15 =	vsub.f32 $1.500000000e+00, v15  }
0x18f: {  	v16 =	vld.idx.msk [tilespmem:v17+s30+$0x0], $0xffff  }
0x190: {  	v17 =	vor.u32 $0x3, v7;
	v15 =	vmul.f32 v15, v25;
	v7 =	vmov v13;
	_ =	sdelay $0x1  }
0x191: {  	v14 =	vmul.f32 v15, v14;
	v13 =	vld.idx.msk [tilespmem:v28+s30+$0x0], $0xffff  }
0x192: {  	v25 =	vtrunc.f32 v27  }
0x193: {  	v25 =	vcvt.f32.s32 v25;
	v14 =	vmul.f32 v14, v15  }
0x194: {  	v16 =	vtrunc.f32 v16;
	v17 =	vld.idx.msk [tilespmem:v17+s30+$0x0], $0xffff  }
0x195: {  	v16 =	vcvt.f32.s32 v16;
	v14 =	vsub.f32 $1.500000000e+00, v14;
	v25 =	vmul.u32 $0x14, v25;
	_ =	sdelay $0x1  }
0x196: {  	v13 =	vtrunc.f32 v13;
	v14 =	vmul.f32 v14, v15;
	v15 =	vadd.s32 v16, v25  }
0x197: {  	v13 =	vcvt.f32.s32 v13;
	v15 =	vmul.u32 $0x14, v15  }
0x198: {  	v11 =	vmul.f32 v14, v11;
	v12 =	vmul.f32 v14, v12  }
0x199: {  	v14 =	vtrunc.f32 v17;
	v13 =	vadd.s32 v13, v15  }
0x19a: {  	v11 =	vsel vm0, $0x3F800000, v11;
	v12 =	vsel vm0, $0x0, v12;
	v13 =	vmul.u32 $0x14, v13  }
0x19b: {  	v14 =	vcvt.f32.s32 v14;
	[tilespmem:s24+$0x0] =	vst v11;
	s24 =	smov.u32 s26  }
0x19c: {  	[tilespmem:s0+$0x0] =	vst v12;
	s0 =	smov.u32 s25  }
0x19d: {  	v11 =	vadd.s32 v14, v13  }
0x19e: {  	[tilespmem:s23+$0x0] =	vst v11;
	s23 =	smov.u32 s10  }
0x19f: {  	v11 =	vld.idx.msk [tilespmem:v21+s30+$0x0], $0xffff  }
0x1a0: {  	v12 =	vld.idx.msk [tilespmem:v18+s30+$0x0], $0xffff  }
0x1a1: {  	v13 =	vld.idx.msk [tilespmem:v22+s30+$0x0], $0xffff  }
0x1a2: {  	v14 =	vld.idx.msk [tilespmem:v3+s30+$0x0], $0xffff  }
0x1a3: {  	v15 =	vld.idx.msk [tilespmem:v7+s30+$0x0], $0xffff  }
0x1a4: {  	v16 =	vld.idx.msk [tilespmem:v4+s30+$0x0], $0xffff  }
0x1a5: {  	v17 =	vld.idx.msk [tilespmem:v19+s30+$0x0], $0xffff  }
0x1a6: {  	v18 =	vld.idx.msk [tilespmem:v23+s30+$0x0], $0xffff  }
0x1a7: {  	v19 =	vld.idx.msk [tilespmem:v20+s30+$0x0], $0xffff  }
0x1a8: {  	v20 =	vld.idx.msk [tilespmem:v8+s30+$0x0], $0xffff  }
0x1a9: {  	v21 =	vld.idx.msk [tilespmem:v26+s30+$0x0], $0xffff  }
0x1aa: {  	v13 =	vsub.f32 v13, v11;
	v22 =	vld.idx.msk [tilespmem:v24+s30+$0x0], $0xffff  }
0x1ab: {  	v23 =	vsub.f32 v16, v14;
	v24 =	vsub.f32 v17, v12  }
0x1ac: {  	v17 =	vsub.f32 v18, v17  }
0x1ad: {  	v18 =	vmul.f32 v23, v23;
	v11 =	vsub.f32 v19, v11;
	v25 =	vmul.f32 v24, v24  }
0x1ae: {  	v15 =	vsub.f32 v15, v16;
	v16 =	vmul.f32 v17, v24;
	v26 =	vmul.f32 v17, v13  }
0x1af: {  	v14 =	vsub.f32 v20, v14;
	v18 =	vadd.f32 v25, v18;
	v20 =	vmul.f32 v11, v11  }
0x1b0: {  	v25 =	vmul.f32 v15, v13;
	v19 =	vsub.f32 v22, v19;
	v22 =	vmul.f32 v11, v13  }
0x1b1: {  	v12 =	vsub.f32 v21, v12;
	v18 =	vadd.f32 v20, v18;
	v20 =	vmul.f32 v23, v14  }
0x1b2: {  	v27 =	vmul.f32 v15, v14;
	v21 =	vmul.f32 v19, v11  }
0x1b3: {  	v28 =	vmul.f32 v24, v12;
	v29 =	vmul.f32 v19, v14;
	vm0 =	veq.f32 v18, $0.0e+00  }
0x1b4: {  	v30 =	vmul.f32 v15, v12;
	v14 =	vmul.f32 v17, v14;
	v31 =	vsel vm0, $0x3F800000, v18  }
0x1b5: {  	v20 =	vadd.f32 v28, v20;
	v28 =	vshra.s32 v31, $0x1;
	v31 =	vmul.f32 $5.000000000e-01, v31  }
0x1b6: {  	v32 =	vmul.f32 v19, v12;
	v25 =	vsub.f32 v25, v29;
	v28 =	vsub.s32 $0x5F3759DF, v28  }
0x1b7: {  	v12 =	vmul.f32 v17, v12;
	v14 =	vsub.f32 v14, v30;
	v17 =	vmul.f32 v28, v31  }
0x1b8: {  	v15 =	vmul.f32 v15, v23;
	v26 =	vsub.f32 v32, v26;
	v24 =	vmul.f32 v25, v24  }
0x1b9: {  	v13 =	vmul.f32 v19, v13;
	v17 =	vmul.f32 v28, v17  }
0x1ba: {  	v15 =	vadd.f32 v16, v15;
	v12 =	vadd.f32 v12, v27;
	v16 =	vmul.f32 v26, v23  }
0x1bb: {  	v19 =	vadd.f32 v22, v20;
	v14 =	vmul.f32 v14, v11;
	v11 =	vsub.f32 $1.500000000e+00, v17  }
0x1bc: {  	v15 =	vadd.f32 v21, v15;
	v12 =	vadd.f32 v13, v12  }
0x1bd: {  	v13 =	vadd.f32 v24, v16;
	v16 =	vmul.f32 v28, v11  }
0x1be: {  	v15 =	vmul.f32 v15, v19;
	v11 =	vmul.f32 v12, v18  }
0x1bf: {  	v17 =	vmul.f32 v16, v31  }
0x1c0: {  	v11 =	vsub.f32 v11, v15  }
0x1c1: {  	v15 =	vmul.f32 v17, v16  }
0x1c2: {  	v11 =	vsel vm0, v12, v11  }
0x1c3: {  	v12 =	vsub.f32 $1.500000000e+00, v15;
	_ =	sdelay $0x1  }
0x1c4: {  	v12 =	vmul.f32 v12, v16;
	_ =	sdelay $0x1  }
0x1c5: {  	v15 =	vmul.f32 v12, v31;
	_ =	sdelay $0x1  }
0x1c6: {  	v15 =	vmul.f32 v15, v12;
	_ =	sdelay $0x1  }
0x1c7: {  	v15 =	vsub.f32 $1.500000000e+00, v15;
	_ =	sdelay $0x1  }
.Ltmp2:
0x1c8: {  	v12 =	vmul.f32 v15, v12;
	(pc) =	sbr.rel @p1 .LBB2_7-.Ltmp2, $3  }
0x1c9: {  	_ = 	snop  }
0x1ca: {  	v13 =	vadd.f32 v13, v14;
	v12 =	vmul.f32 v12, v18;
	_ =	sdelay $0x1  }
0x1cb: {  	v12 =	vmul.f32 v12, v13  }
0x1cc: {  	_ = 	snop  }
0x1cd: {  	v5 =	vsel vm0, $0x0, v12  }
0x1ce: {  	v6 =	vmul.f32 v11, v11;
	v9 =	vmul.f32 v5, v5;
	_ =	sdelay $0x1  }
0x1cf: {  	v6 =	vadd.f32 v9, v6;
	_ =	sdelay $0x1  }
0x1d0: {  	vm0 =	veq.f32 v6, $0.0e+00  }
0x1d1: {  	v6 =	vsel vm0, $0x3F800000, v6  }
0x1d2: {  	v9 =	vshra.s32 v6, $0x1;
	v6 =	vmul.f32 $5.000000000e-01, v6  }
0x1d3: {  	v9 =	vsub.s32 $0x5F3759DF, v9  }
0x1d4: {  	v10 =	vmul.f32 v9, v6;
	_ =	sdelay $0x1  }
0x1d5: {  	v10 =	vmul.f32 v9, v10;
	_ =	sdelay $0x1  }
0x1d6: {  	v10 =	vsub.f32 $1.500000000e+00, v10;
	_ =	sdelay $0x1  }
0x1d7: {  	v8 =	vor.u32 $0x3, v8;
	v9 =	vmul.f32 v9, v10;
	_ =	sdelay $0x1  }
0x1d8: {  	v3 =	vor.u32 $0x3, v3;
	v10 =	vmul.f32 v9, v6;
	_ =	sdelay $0x1  }
0x1d9: {  	v10 =	vmul.f32 v10, v9  }
0x1da: {  	v4 =	vor.u32 $0x3, v4;
	v8 =	vld.idx.msk [tilespmem:v8+s30+$0x0], $0xffff  }
0x1db: {  	v10 =	vsub.f32 $1.500000000e+00, v10  }
0x1dc: {  	v3 =	vld.idx.msk [tilespmem:v3+s30+$0x0], $0xffff  }
0x1dd: {  	v9 =	vmul.f32 v10, v9  }
0x1de: {  	v7 =	vor.u32 $0x3, v7  }
0x1df: {  	v4 =	vld.idx.msk [tilespmem:v4+s30+$0x0], $0xffff;
	v8 =	vtrunc.f32 v8;
	v6 =	vmul.f32 v9, v6  }
0x1e0: {  	v8 =	vcvt.f32.s32 v8  }
0x1e1: {  	v3 =	vtrunc.f32 v3;
	v6 =	vmul.f32 v6, v9  }
0x1e2: {  	v3 =	vcvt.f32.s32 v3;
	v8 =	vmul.u32 $0x14, v8  }
0x1e3: {  	v7 =	vld.idx.msk [tilespmem:v7+s30+$0x0], $0xffff;
	v6 =	vsub.f32 $1.500000000e+00, v6  }
0x1e4: {  	v4 =	vtrunc.f32 v4;
	v3 =	vadd.s32 v3, v8  }
0x1e5: {  	v4 =	vcvt.f32.s32 v4;
	v3 =	vmul.u32 $0x14, v3;
	v6 =	vmul.f32 v6, v9;
	_ =	sdelay $0x1  }
0x1e6: {  	s10 =	simm.s32 $0x0;
	v3 =	vadd.s32 v4, v3;
	v8 =	vmul.f32 v6, v11;
	v9 =	vmul.f32 v6, v5  }
0x1e7: {  	v5 =	vor.u32 $0x300, v2;
	v11 =	vor.u32 s10, v1;
	v6 =	vtrunc.f32 v7  }
0x1e8: {  	v4 =	vor.u32 v11, v5;
	v7 =	vsel vm0, $0x3F800000, v8;
	v8 =	vmul.u32 $0x14, v3  }
0x1e9: {  	v3 =	vshll.u32 v4, $0x4;
	v4 =	vcvt.f32.s32 v6;
	v6 =	vor.u32 $0x500, v2  }
0x1ea: {  	v9 =	vsel vm0, $0x0, v9;
	v10 =	vor.u32 $0x1, v3;
	[tilespmem:s24+$0x0] =	vst v7;
	v7 =	vor.u32 v11, v6  }
0x1eb: {  	[tilespmem:s0+$0x0] =	vst v9;
	v8 =	vadd.s32 v4, v8;
	v4 =	vshll.u32 v7, $0x4  }
0x1ec: {  	s25 =	simm.s32 $0x11480;
	s26 =	simm.s32 $0x12200;
	[tilespmem:s23+$0x0] =	vst v8;
	v7 =	vor.u32 $0x1, v4  }
0x1ed: {  	v8 =	vor.u32 $0x2, v3;
	[tilespmem:s26], [sflag:$0x3] =	stream.indirect.gather [hbm4b:s9+s29], $0x10, s25, s29, $0xb8;
	[tilespmem:$0x17E00] =	vst v63  }
0x1ee: {  	v9 =	vor.u32 $0x2, v4;
	v13 =	vld.idx.msk [tilespmem:v3+s30+$0x0], $0xffff  }
0x1ef: {  	v12 =	vld.idx.msk [tilespmem:v10+s30+$0x0], $0xffff  }
0x1f0: {  	v14 =	vld.idx.msk [tilespmem:v4+s30+$0x0], $0xffff  }
0x1f1: {  	v15 =	vld.idx.msk [tilespmem:v7+s30+$0x0], $0xffff  }
0x1f2: {  	v16 =	vld.idx.msk [tilespmem:v8+s30+$0x0], $0xffff  }
0x1f3: {  	v17 =	vld.idx.msk [tilespmem:v9+s30+$0x0], $0xffff;
	_ =	sdelay $0x2  }
0x1f4: {  	v18 =	vsub.f32 v14, v13;
	v19 =	vsub.f32 v15, v12;
	_ =	sdelay $0x1  }
0x1f5: {  	v20 =	vsub.f32 v17, v16;
	v7 =	vmul.f32 v18, v18;
	v8 =	vmul.f32 v19, v19;
	_ =	sdelay $0x1  }
0x1f6: {  	v9 =	vor.u32 $0x700, v2;
	v21 =	vmul.f32 v20, v20;
	v8 =	vadd.f32 v8, v7  }
0x1f7: {  	v10 =	vor.u32 $0x100, v2;
	v7 =	vor.u32 v11, v9  }
0x1f8: {  	v11 =	vor.u32 v11, v10;
	v7 =	vshll.u32 v7, $0x4;
	v21 =	vadd.f32 v21, v8  }
0x1f9: {  	v8 =	vshll.u32 v11, $0x4;
	v11 =	vor.u32 $0x1, v7  }
0x1fa: {  	vm0 =	veq.f32 v21, $0.0e+00  }
0x1fb: {  	v25 =	vor.u32 $0x2, v7;
	v23 =	vsel vm0, $0x3F800000, v21  }
0x1fc: {  	v24 =	vshra.s32 v23, $0x1;
	v23 =	vmul.f32 $5.000000000e-01, v23  }
0x1fd: {  	v22 =	vor.u32 $0x2, v8;
	v28 =	vld.idx.msk [tilespmem:v7+s30+$0x0], $0xffff;
	v24 =	vsub.s32 $0x5F3759DF, v24  }
0x1fe: {  	v11 =	vld.idx.msk [tilespmem:v11+s30+$0x0], $0xffff;
	v27 =	vmul.f32 v24, v23  }
0x1ff: {  	v26 =	vor.u32 $0x1, v8;
	v29 =	vld.idx.msk [tilespmem:v8+s30+$0x0], $0xffff  }
0x200: {  	v25 =	vld.idx.msk [tilespmem:v25+s30+$0x0], $0xffff;
	v27 =	vmul.f32 v24, v27;
	_ =	sdelay $0x1  }
0x201: {  	v22 =	vld.idx.msk [tilespmem:v22+s30+$0x0], $0xffff;
	v27 =	vsub.f32 $1.500000000e+00, v27  }
0x202: {  	v11 =	vsub.f32 v11, v15  }
0x203: {  	v26 =	vld.idx.msk [tilespmem:v26+s30+$0x0], $0xffff;
	v13 =	vsub.f32 v29, v13;
	v50 =	vmul.f32 v24, v27  }
0x204: {  	v14 =	vsub.f32 v28, v14;
	v17 =	vsub.f32 v25, v17;
	v51 =	vmul.f32 v11, v19  }
0x205: {  	v55 =	vmul.f32 v18, v13;
	v27 =	vmul.f32 v50, v23  }
0x206: {  	v15 =	vsub.f32 v22, v16;
	v56 =	vmul.f32 v17, v20;
	v30 =	vmul.f32 v14, v13  }
0x207: {  	v32 =	vmul.f32 v17, v13;
	v54 =	vmul.f32 v27, v50  }
0x208: {  	v12 =	vsub.f32 v26, v12;
	v13 =	vmul.f32 v11, v13;
	v52 =	vmul.f32 v11, v15  }
0x209: {  	v53 =	vmul.f32 v20, v15;
	v28 =	vmul.f32 v14, v15;
	v26 =	vsub.f32 $1.500000000e+00, v54  }
0x20a: {  	v31 =	vmul.f32 v19, v12;
	v57 =	vmul.f32 v14, v12  }
0x20b: {  	v58 =	vmul.f32 v17, v12;
	v16 =	vmul.f32 v26, v50  }
0x20c: {  	v11 =	vmul.f32 v11, v12;
	v14 =	vmul.f32 v14, v18  }
0x20d: {  	v12 =	vsub.f32 v28, v32;
	v13 =	vsub.f32 v13, v57;
	v23 =	vmul.f32 v16, v23  }
0x20e: {  	v15 =	vmul.f32 v17, v15;
	v11 =	vadd.f32 v11, v30;
	v14 =	vadd.f32 v51, v14  }
0x20f: {  	v59 =	vsub.f32 v58, v52;
	v27 =	vadd.f32 v31, v55;
	v60 =	vmul.f32 v23, v16  }
0x210: {  	v12 =	vmul.f32 v12, v19;
	v11 =	vadd.f32 v15, v11;
	v14 =	vadd.f32 v56, v14  }
0x211: {  	v15 =	vmul.f32 v59, v18;
	v61 =	vadd.f32 v53, v27;
	v62 =	vsub.f32 $1.500000000e+00, v60  }
0x212: {  	v13 =	vmul.f32 v13, v20;
	v63 =	vmul.f32 v11, v21  }
0x213: {  	v12 =	vadd.f32 v12, v15;
	v14 =	vmul.f32 v14, v61;
	v15 =	vmul.f32 v62, v16;
	_ =	sdelay $0x1  }
0x214: {  	s11 =	simm.s32 $0x10;
	v12 =	vadd.f32 v12, v13;
	v14 =	vsub.f32 v63, v14;
	v13 =	vmul.f32 v15, v21  }
0x215: {  	s10 =	simm.s32 $0x11500;
	s24 =	simm.s32 $0x11700;
	s0 =	simm.s32 $0x11900  }
0x216: {  	s23 =	simm.s32 $0x11500;
	s25 =	simm.s32 $0x11900;
	s26 =	simm.s32 $0x11700;
	v11 =	vsel vm0, v11, v14;
	v12 =	vmul.f32 v13, v12  }
.LBB2_9:
0x217: {  	s25 =	sadd.s32 $0x10, s25;
	s26 =	sadd.s32 $0x10, s26;
	s10 =	sadd.s32 $0x10, s10  }
0x218: {  	v13 =	vor.u32 s11, v1;
	p1 =	sne.s32 s11, $0x70;
	s11 =	sadd.s32 $0x10, s11;
	v14 =	vmul.f32 v11, v11;
	v12 =	vsel vm0, $0x0, v12  }
0x219: {  	v15 =	vor.u32 v13, v5;
	v16 =	vor.u32 v13, v6;
	v17 =	vmul.f32 v12, v12  }
0x21a: {  	v15 =	vshll.u32 v15, $0x4;
	v16 =	vshll.u32 v16, $0x4  }
0x21b: {  	v18 =	vor.u32 $0x1, v15;
	v19 =	vor.u32 $0x1, v16;
	v14 =	vadd.f32 v17, v14  }
0x21c: {  	v20 =	vor.u32 $0x2, v16;
	v17 =	vor.u32 v13, v10;
	v13 =	vor.u32 v13, v9  }
0x21d: {  	v21 =	vor.u32 $0x2, v15;
	v17 =	vshll.u32 v17, $0x4;
	vm0 =	veq.f32 v14, $0.0e+00  }
0x21e: {  	v13 =	vshll.u32 v13, $0x4;
	v22 =	vor.u32 $0x2, v17;
	v14 =	vsel vm0, $0x3F800000, v14  }
0x21f: {  	v23 =	vor.u32 $0x1, v13;
	v24 =	vor.u32 $0x2, v13;
	v25 =	vshra.s32 v14, $0x1  }
0x220: {  	v26 =	vor.u32 $0x1, v17;
	v14 =	vmul.f32 $5.000000000e-01, v14  }
0x221: {  	v25 =	vsub.s32 $0x5F3759DF, v25  }
0x222: {  	v27 =	vmul.f32 v25, v14;
	_ =	sdelay $0x1  }
0x223: {  	v27 =	vmul.f32 v25, v27;
	_ =	sdelay $0x1  }
0x224: {  	v27 =	vsub.f32 $1.500000000e+00, v27;
	_ =	sdelay $0x1  }
0x225: {  	v28 =	vor.u32 $0x3, v8;
	v8 =	vmov v17;
	v25 =	vmul.f32 v25, v27;
	_ =	sdelay $0x1  }
0x226: {  	v17 =	vor.u32 $0x3, v3;
	v3 =	vmov v15;
	v27 =	vmul.f32 v25, v14;
	_ =	sdelay $0x1  }
0x227: {  	v15 =	vmul.f32 v27, v25  }
0x228: {  	v27 =	vld.idx.msk [tilespmem:v28+s30+$0x0], $0xffff;
	v28 =	vor.u32 $0x3, v4;
	v4 =	vmov v16  }
0x229: {  	v15 =	vsub.f32 $1.500000000e+00, v15  }
0x22a: {  	v16 =	vld.idx.msk [tilespmem:v17+s30+$0x0], $0xffff  }
0x22b: {  	v17 =	vor.u32 $0x3, v7;
	v15 =	vmul.f32 v15, v25;
	v7 =	vmov v13;
	_ =	sdelay $0x1  }
0x22c: {  	v14 =	vmul.f32 v15, v14;
	v13 =	vld.idx.msk [tilespmem:v28+s30+$0x0], $0xffff  }
0x22d: {  	v25 =	vtrunc.f32 v27  }
0x22e: {  	v25 =	vcvt.f32.s32 v25;
	v14 =	vmul.f32 v14, v15  }
0x22f: {  	v16 =	vtrunc.f32 v16;
	v17 =	vld.idx.msk [tilespmem:v17+s30+$0x0], $0xffff  }
0x230: {  	v16 =	vcvt.f32.s32 v16;
	v14 =	vsub.f32 $1.500000000e+00, v14;
	v25 =	vmul.u32 $0x14, v25;
	_ =	sdelay $0x1  }
0x231: {  	v13 =	vtrunc.f32 v13;
	v14 =	vmul.f32 v14, v15;
	v15 =	vadd.s32 v16, v25  }
0x232: {  	v13 =	vcvt.f32.s32 v13;
	v15 =	vmul.u32 $0x14, v15  }
0x233: {  	v11 =	vmul.f32 v14, v11;
	v12 =	vmul.f32 v14, v12  }
0x234: {  	v14 =	vtrunc.f32 v17;
	v13 =	vadd.s32 v13, v15  }
0x235: {  	v11 =	vsel vm0, $0x3F800000, v11;
	v12 =	vsel vm0, $0x0, v12;
	v13 =	vmul.u32 $0x14, v13  }
0x236: {  	v14 =	vcvt.f32.s32 v14;
	[tilespmem:s24+$0x0] =	vst v11;
	s24 =	smov.u32 s26  }
0x237: {  	[tilespmem:s0+$0x0] =	vst v12;
	s0 =	smov.u32 s25  }
0x238: {  	v11 =	vadd.s32 v14, v13  }
0x239: {  	[tilespmem:s23+$0x0] =	vst v11;
	s23 =	smov.u32 s10  }
0x23a: {  	v11 =	vld.idx.msk [tilespmem:v21+s30+$0x0], $0xffff  }
0x23b: {  	v12 =	vld.idx.msk [tilespmem:v18+s30+$0x0], $0xffff  }
0x23c: {  	v13 =	vld.idx.msk [tilespmem:v22+s30+$0x0], $0xffff  }
0x23d: {  	v14 =	vld.idx.msk [tilespmem:v3+s30+$0x0], $0xffff  }
0x23e: {  	v15 =	vld.idx.msk [tilespmem:v7+s30+$0x0], $0xffff  }
0x23f: {  	v16 =	vld.idx.msk [tilespmem:v4+s30+$0x0], $0xffff  }
0x240: {  	v17 =	vld.idx.msk [tilespmem:v19+s30+$0x0], $0xffff  }
0x241: {  	v18 =	vld.idx.msk [tilespmem:v23+s30+$0x0], $0xffff  }
0x242: {  	v19 =	vld.idx.msk [tilespmem:v20+s30+$0x0], $0xffff  }
0x243: {  	v20 =	vld.idx.msk [tilespmem:v8+s30+$0x0], $0xffff  }
0x244: {  	v21 =	vld.idx.msk [tilespmem:v26+s30+$0x0], $0xffff  }
0x245: {  	v13 =	vsub.f32 v13, v11;
	v22 =	vld.idx.msk [tilespmem:v24+s30+$0x0], $0xffff  }
0x246: {  	v23 =	vsub.f32 v16, v14;
	v24 =	vsub.f32 v17, v12  }
0x247: {  	v17 =	vsub.f32 v18, v17  }
0x248: {  	v18 =	vmul.f32 v23, v23;
	v11 =	vsub.f32 v19, v11;
	v25 =	vmul.f32 v24, v24  }
0x249: {  	v15 =	vsub.f32 v15, v16;
	v16 =	vmul.f32 v17, v24;
	v26 =	vmul.f32 v17, v13  }
0x24a: {  	v14 =	vsub.f32 v20, v14;
	v18 =	vadd.f32 v25, v18;
	v20 =	vmul.f32 v11, v11  }
0x24b: {  	v25 =	vmul.f32 v15, v13;
	v19 =	vsub.f32 v22, v19;
	v22 =	vmul.f32 v11, v13  }
0x24c: {  	v12 =	vsub.f32 v21, v12;
	v18 =	vadd.f32 v20, v18;
	v20 =	vmul.f32 v23, v14  }
0x24d: {  	v27 =	vmul.f32 v15, v14;
	v21 =	vmul.f32 v19, v11  }
0x24e: {  	v28 =	vmul.f32 v24, v12;
	v29 =	vmul.f32 v19, v14;
	vm0 =	veq.f32 v18, $0.0e+00  }
0x24f: {  	v30 =	vmul.f32 v15, v12;
	v14 =	vmul.f32 v17, v14;
	v31 =	vsel vm0, $0x3F800000, v18  }
0x250: {  	v20 =	vadd.f32 v28, v20;
	v28 =	vshra.s32 v31, $0x1;
	v31 =	vmul.f32 $5.000000000e-01, v31  }
0x251: {  	v32 =	vmul.f32 v19, v12;
	v25 =	vsub.f32 v25, v29;
	v28 =	vsub.s32 $0x5F3759DF, v28  }
0x252: {  	v12 =	vmul.f32 v17, v12;
	v14 =	vsub.f32 v14, v30;
	v17 =	vmul.f32 v28, v31  }
0x253: {  	v15 =	vmul.f32 v15, v23;
	v26 =	vsub.f32 v32, v26;
	v24 =	vmul.f32 v25, v24  }
0x254: {  	v13 =	vmul.f32 v19, v13;
	v17 =	vmul.f32 v28, v17  }
0x255: {  	v15 =	vadd.f32 v16, v15;
	v12 =	vadd.f32 v12, v27;
	v16 =	vmul.f32 v26, v23  }
0x256: {  	v19 =	vadd.f32 v22, v20;
	v14 =	vmul.f32 v14, v11;
	v11 =	vsub.f32 $1.500000000e+00, v17  }
0x257: {  	v15 =	vadd.f32 v21, v15;
	v12 =	vadd.f32 v13, v12  }
0x258: {  	v13 =	vadd.f32 v24, v16;
	v16 =	vmul.f32 v28, v11  }
0x259: {  	v15 =	vmul.f32 v15, v19;
	v11 =	vmul.f32 v12, v18  }
0x25a: {  	v17 =	vmul.f32 v16, v31  }
0x25b: {  	v11 =	vsub.f32 v11, v15  }
0x25c: {  	v15 =	vmul.f32 v17, v16  }
0x25d: {  	v11 =	vsel vm0, v12, v11  }
0x25e: {  	v12 =	vsub.f32 $1.500000000e+00, v15;
	_ =	sdelay $0x1  }
0x25f: {  	v12 =	vmul.f32 v12, v16;
	_ =	sdelay $0x1  }
0x260: {  	v15 =	vmul.f32 v12, v31;
	_ =	sdelay $0x1  }
0x261: {  	v15 =	vmul.f32 v15, v12;
	_ =	sdelay $0x1  }
0x262: {  	v15 =	vsub.f32 $1.500000000e+00, v15;
	_ =	sdelay $0x1  }
.Ltmp3:
0x263: {  	v12 =	vmul.f32 v15, v12;
	(pc) =	sbr.rel @p1 .LBB2_9-.Ltmp3, $3  }
0x264: {  	_ = 	snop  }
0x265: {  	v13 =	vadd.f32 v13, v14;
	v12 =	vmul.f32 v12, v18;
	_ =	sdelay $0x1  }
0x266: {  	v12 =	vmul.f32 v12, v13  }
0x267: {  	_ = 	snop  }
0x268: {  	v5 =	vsel vm0, $0x0, v12  }
0x269: {  	v6 =	vmul.f32 v11, v11;
	v9 =	vmul.f32 v5, v5;
	_ =	sdelay $0x1  }
0x26a: {  	v6 =	vadd.f32 v9, v6;
	_ =	sdelay $0x1  }
0x26b: {  	vm0 =	veq.f32 v6, $0.0e+00  }
0x26c: {  	v6 =	vsel vm0, $0x3F800000, v6  }
0x26d: {  	v9 =	vshra.s32 v6, $0x1;
	v6 =	vmul.f32 $5.000000000e-01, v6  }
0x26e: {  	v9 =	vsub.s32 $0x5F3759DF, v9  }
0x26f: {  	v10 =	vmul.f32 v9, v6;
	_ =	sdelay $0x1  }
0x270: {  	v10 =	vmul.f32 v9, v10;
	_ =	sdelay $0x1  }
0x271: {  	v10 =	vsub.f32 $1.500000000e+00, v10;
	_ =	sdelay $0x1  }
0x272: {  	v8 =	vor.u32 $0x3, v8;
	v9 =	vmul.f32 v9, v10;
	_ =	sdelay $0x1  }
0x273: {  	v3 =	vor.u32 $0x3, v3;
	v10 =	vmul.f32 v9, v6;
	_ =	sdelay $0x1  }
0x274: {  	v10 =	vmul.f32 v10, v9  }
0x275: {  	v4 =	vor.u32 $0x3, v4;
	v8 =	vld.idx.msk [tilespmem:v8+s30+$0x0], $0xffff  }
0x276: {  	v10 =	vsub.f32 $1.500000000e+00, v10  }
0x277: {  	v3 =	vld.idx.msk [tilespmem:v3+s30+$0x0], $0xffff  }
0x278: {  	v9 =	vmul.f32 v10, v9  }
0x279: {  	v7 =	vor.u32 $0x3, v7  }
0x27a: {  	v4 =	vld.idx.msk [tilespmem:v4+s30+$0x0], $0xffff;
	v8 =	vtrunc.f32 v8;
	v6 =	vmul.f32 v9, v6  }
0x27b: {  	v8 =	vcvt.f32.s32 v8  }
0x27c: {  	v3 =	vtrunc.f32 v3;
	v6 =	vmul.f32 v6, v9  }
0x27d: {  	v3 =	vcvt.f32.s32 v3;
	v8 =	vmul.u32 $0x14, v8  }
0x27e: {  	v7 =	vld.idx.msk [tilespmem:v7+s30+$0x0], $0xffff;
	v6 =	vsub.f32 $1.500000000e+00, v6  }
0x27f: {  	v4 =	vtrunc.f32 v4;
	v3 =	vadd.s32 v3, v8  }
0x280: {  	v4 =	vcvt.f32.s32 v4;
	v3 =	vmul.u32 $0x14, v3;
	v6 =	vmul.f32 v6, v9  }
0x281: {  	s10 =	simm.s32 $0x0  }
0x282: {  	v3 =	vadd.s32 v4, v3;
	v10 =	vor.u32 s10, v1;
	v8 =	vmul.f32 v6, v11  }
0x283: {  	v9 =	vmul.f32 v6, v5;
	v5 =	vor.u32 $0x380, v2;
	v6 =	vtrunc.f32 v7  }
0x284: {  	v4 =	vor.u32 v10, v5;
	v7 =	vsel vm0, $0x3F800000, v8;
	v8 =	vmul.u32 $0x14, v3  }
0x285: {  	v3 =	vshll.u32 v4, $0x4;
	v4 =	vcvt.f32.s32 v6;
	v6 =	vor.u32 $0x580, v2  }
0x286: {  	v9 =	vsel vm0, $0x0, v9;
	v11 =	vor.u32 $0x1, v3;
	[tilespmem:s24+$0x0] =	vst v7;
	v7 =	vor.u32 v10, v6  }
0x287: {  	[tilespmem:s0+$0x0] =	vst v9;
	v8 =	vadd.s32 v4, v8;
	v4 =	vshll.u32 v7, $0x4  }
0x288: {  	s25 =	simm.s32 $0x11500;
	s26 =	simm.s32 $0x12A00;
	[tilespmem:s23+$0x0] =	vst v8;
	v7 =	vor.u32 $0x1, v4  }
0x289: {  	v8 =	vor.u32 $0x2, v3;
	[tilespmem:s26], [sflag:$0x3] =	stream.indirect.gather [hbm4b:s9+s29], $0x10, s25, s29, $0xb8;
	[tilespmem:$0x17E00] =	vst v63  }
0x28a: {  	v9 =	vor.u32 $0x2, v4;
	v45 =	vld.idx.msk [tilespmem:v3+s30+$0x0], $0xffff  }
0x28b: {  	v11 =	vld.idx.msk [tilespmem:v11+s30+$0x0], $0xffff  }
0x28c: {  	v13 =	vld.idx.msk [tilespmem:v4+s30+$0x0], $0xffff  }
0x28d: {  	v14 =	vld.idx.msk [tilespmem:v7+s30+$0x0], $0xffff  }
0x28e: {  	v15 =	vld.idx.msk [tilespmem:v8+s30+$0x0], $0xffff  }
0x28f: {  	v16 =	vld.idx.msk [tilespmem:v9+s30+$0x0], $0xffff;
	_ =	sdelay $0x2  }
0x290: {  	v17 =	vsub.f32 v13, v45;
	v18 =	vsub.f32 v14, v11;
	_ =	sdelay $0x1  }
0x291: {  	v19 =	vsub.f32 v16, v15;
	v7 =	vmul.f32 v17, v17;
	v9 =	vmul.f32 v18, v18;
	_ =	sdelay $0x1  }
0x292: {  	v8 =	vor.u32 $0x780, v2;
	v20 =	vmul.f32 v19, v19;
	v7 =	vadd.f32 v9, v7  }
0x293: {  	v9 =	vor.u32 $0x180, v2;
	v2 =	vor.u32 v10, v8  }
0x294: {  	v10 =	vor.u32 v10, v9;
	v2 =	vshll.u32 v2, $0x4;
	v20 =	vadd.f32 v20, v7  }
0x295: {  	v7 =	vshll.u32 v10, $0x4;
	v10 =	vor.u32 $0x1, v2  }
0x296: {  	vm0 =	veq.f32 v20, $0.0e+00  }
0x297: {  	v24 =	vor.u32 $0x2, v2;
	v22 =	vsel vm0, $0x3F800000, v20  }
0x298: {  	v23 =	vshra.s32 v22, $0x1;
	v22 =	vmul.f32 $5.000000000e-01, v22  }
0x299: {  	v21 =	vor.u32 $0x2, v7;
	v27 =	vld.idx.msk [tilespmem:v2+s30+$0x0], $0xffff;
	v23 =	vsub.s32 $0x5F3759DF, v23  }
0x29a: {  	v10 =	vld.idx.msk [tilespmem:v10+s30+$0x0], $0xffff;
	v26 =	vmul.f32 v23, v22  }
0x29b: {  	v25 =	vor.u32 $0x1, v7;
	v28 =	vld.idx.msk [tilespmem:v7+s30+$0x0], $0xffff  }
0x29c: {  	v24 =	vld.idx.msk [tilespmem:v24+s30+$0x0], $0xffff;
	v26 =	vmul.f32 v23, v26;
	_ =	sdelay $0x1  }
0x29d: {  	v21 =	vld.idx.msk [tilespmem:v21+s30+$0x0], $0xffff;
	v26 =	vsub.f32 $1.500000000e+00, v26  }
0x29e: {  	v10 =	vsub.f32 v10, v14  }
0x29f: {  	v25 =	vld.idx.msk [tilespmem:v25+s30+$0x0], $0xffff;
	v12 =	vsub.f32 v28, v45;
	v47 =	vmul.f32 v23, v26  }
0x2a0: {  	v13 =	vsub.f32 v27, v13;
	v16 =	vsub.f32 v24, v16;
	v48 =	vmul.f32 v10, v18  }
0x2a1: {  	v52 =	vmul.f32 v17, v12;
	v26 =	vmul.f32 v47, v22  }
0x2a2: {  	v46 =	vsub.f32 v21, v15;
	v53 =	vmul.f32 v16, v19;
	v29 =	vmul.f32 v13, v12  }
0x2a3: {  	v31 =	vmul.f32 v16, v12;
	v51 =	vmul.f32 v26, v47  }
0x2a4: {  	v11 =	vsub.f32 v25, v11;
	v12 =	vmul.f32 v10, v12;
	v49 =	vmul.f32 v10, v46  }
0x2a5: {  	v50 =	vmul.f32 v19, v46;
	v27 =	vmul.f32 v13, v46;
	v25 =	vsub.f32 $1.500000000e+00, v51  }
0x2a6: {  	v30 =	vmul.f32 v18, v11;
	v54 =	vmul.f32 v13, v11  }
0x2a7: {  	v55 =	vmul.f32 v16, v11;
	v15 =	vmul.f32 v25, v47  }
0x2a8: {  	v10 =	vmul.f32 v10, v11;
	v13 =	vmul.f32 v13, v17  }
0x2a9: {  	v11 =	vsub.f32 v27, v31;
	v12 =	vsub.f32 v12, v54;
	v22 =	vmul.f32 v15, v22  }
0x2aa: {  	v14 =	vmul.f32 v16, v46;
	v10 =	vadd.f32 v10, v29;
	v13 =	vadd.f32 v48, v13  }
0x2ab: {  	v56 =	vsub.f32 v55, v49;
	v26 =	vadd.f32 v30, v52;
	v57 =	vmul.f32 v22, v15  }
0x2ac: {  	v11 =	vmul.f32 v11, v18;
	v10 =	vadd.f32 v14, v10;
	v13 =	vadd.f32 v53, v13  }
0x2ad: {  	v59 =	vmul.f32 v56, v17;
	v58 =	vadd.f32 v50, v26;
	v60 =	vsub.f32 $1.500000000e+00, v57  }
0x2ae: {  	v12 =	vmul.f32 v12, v19;
	v61 =	vmul.f32 v10, v20  }
0x2af: {  	v11 =	vadd.f32 v11, v59;
	v13 =	vmul.f32 v13, v58;
	v62 =	vmul.f32 v60, v15;
	_ =	sdelay $0x1  }
0x2b0: {  	s11 =	simm.s32 $0x10;
	v11 =	vadd.f32 v11, v12;
	v13 =	vsub.f32 v61, v13;
	v63 =	vmul.f32 v62, v20  }
0x2b1: {  	s10 =	simm.s32 $0x11580;
	s24 =	simm.s32 $0x11980;
	s0 =	simm.s32 $0x11580  }
0x2b2: {  	s23 =	simm.s32 $0x11780;
	s25 =	simm.s32 $0x11980;
	s26 =	simm.s32 $0x11780;
	v10 =	vsel vm0, v10, v13;
	v11 =	vmul.f32 v63, v11  }
.LBB2_11:
0x2b3: {  	s25 =	sadd.s32 $0x10, s25;
	s26 =	sadd.s32 $0x10, s26;
	s10 =	sadd.s32 $0x10, s10  }
0x2b4: {  	v12 =	vor.u32 s11, v1;
	p1 =	sne.s32 s11, $0x70;
	s11 =	sadd.s32 $0x10, s11;
	v13 =	vmul.f32 v10, v10;
	v11 =	vsel vm0, $0x0, v11  }
0x2b5: {  	v14 =	vor.u32 v12, v5;
	v15 =	vor.u32 v12, v6;
	v16 =	vmul.f32 v11, v11  }
0x2b6: {  	v14 =	vshll.u32 v14, $0x4;
	v15 =	vshll.u32 v15, $0x4  }
0x2b7: {  	v17 =	vor.u32 $0x1, v14;
	v18 =	vor.u32 $0x1, v15;
	v13 =	vadd.f32 v16, v13  }
0x2b8: {  	v19 =	vor.u32 $0x2, v15;
	v16 =	vor.u32 v12, v9;
	v12 =	vor.u32 v12, v8  }
0x2b9: {  	v20 =	vor.u32 $0x2, v14;
	v16 =	vshll.u32 v16, $0x4;
	vm0 =	veq.f32 v13, $0.0e+00  }
0x2ba: {  	v12 =	vshll.u32 v12, $0x4;
	v21 =	vor.u32 $0x2, v16;
	v13 =	vsel vm0, $0x3F800000, v13  }
0x2bb: {  	v22 =	vor.u32 $0x1, v12;
	v23 =	vor.u32 $0x2, v12;
	v24 =	vshra.s32 v13, $0x1  }
0x2bc: {  	v25 =	vor.u32 $0x1, v16;
	v13 =	vmul.f32 $5.000000000e-01, v13  }
0x2bd: {  	v24 =	vsub.s32 $0x5F3759DF, v24  }
0x2be: {  	v26 =	vmul.f32 v24, v13;
	_ =	sdelay $0x1  }
0x2bf: {  	v26 =	vmul.f32 v24, v26;
	_ =	sdelay $0x1  }
0x2c0: {  	v26 =	vsub.f32 $1.500000000e+00, v26;
	_ =	sdelay $0x1  }
0x2c1: {  	v27 =	vor.u32 $0x3, v7;
	v7 =	vmov v16;
	v24 =	vmul.f32 v24, v26;
	_ =	sdelay $0x1  }
0x2c2: {  	v16 =	vor.u32 $0x3, v3;
	v3 =	vmov v14;
	v26 =	vmul.f32 v24, v13;
	_ =	sdelay $0x1  }
0x2c3: {  	v14 =	vmul.f32 v26, v24  }
0x2c4: {  	v26 =	vld.idx.msk [tilespmem:v27+s30+$0x0], $0xffff;
	v27 =	vor.u32 $0x3, v4;
	v4 =	vmov v15  }
0x2c5: {  	v14 =	vsub.f32 $1.500000000e+00, v14  }
0x2c6: {  	v15 =	vld.idx.msk [tilespmem:v16+s30+$0x0], $0xffff  }
0x2c7: {  	v16 =	vor.u32 $0x3, v2;
	v14 =	vmul.f32 v14, v24;
	v2 =	vmov v12;
	_ =	sdelay $0x1  }
0x2c8: {  	v13 =	vmul.f32 v14, v13;
	v12 =	vld.idx.msk [tilespmem:v27+s30+$0x0], $0xffff  }
0x2c9: {  	v24 =	vtrunc.f32 v26  }
0x2ca: {  	v24 =	vcvt.f32.s32 v24;
	v13 =	vmul.f32 v13, v14  }
0x2cb: {  	v15 =	vtrunc.f32 v15;
	v16 =	vld.idx.msk [tilespmem:v16+s30+$0x0], $0xffff  }
0x2cc: {  	v15 =	vcvt.f32.s32 v15;
	v13 =	vsub.f32 $1.500000000e+00, v13;
	v24 =	vmul.u32 $0x14, v24;
	_ =	sdelay $0x1  }
0x2cd: {  	v12 =	vtrunc.f32 v12;
	v13 =	vmul.f32 v13, v14;
	v14 =	vadd.s32 v15, v24  }
0x2ce: {  	v12 =	vcvt.f32.s32 v12;
	v14 =	vmul.u32 $0x14, v14  }
0x2cf: {  	v10 =	vmul.f32 v13, v10;
	v11 =	vmul.f32 v13, v11  }
0x2d0: {  	v13 =	vtrunc.f32 v16;
	v12 =	vadd.s32 v12, v14  }
0x2d1: {  	v10 =	vsel vm0, $0x3F800000, v10;
	v11 =	vsel vm0, $0x0, v11;
	v12 =	vmul.u32 $0x14, v12  }
0x2d2: {  	v13 =	vcvt.f32.s32 v13;
	[tilespmem:s23+$0x0] =	vst v10;
	s23 =	smov.u32 s26  }
0x2d3: {  	[tilespmem:s24+$0x0] =	vst v11;
	s24 =	smov.u32 s25  }
0x2d4: {  	v10 =	vadd.s32 v13, v12  }
0x2d5: {  	[tilespmem:s0+$0x0] =	vst v10;
	s0 =	smov.u32 s10  }
0x2d6: {  	v10 =	vld.idx.msk [tilespmem:v20+s30+$0x0], $0xffff  }
0x2d7: {  	v11 =	vld.idx.msk [tilespmem:v17+s30+$0x0], $0xffff  }
0x2d8: {  	v12 =	vld.idx.msk [tilespmem:v21+s30+$0x0], $0xffff  }
0x2d9: {  	v13 =	vld.idx.msk [tilespmem:v3+s30+$0x0], $0xffff  }
0x2da: {  	v14 =	vld.idx.msk [tilespmem:v2+s30+$0x0], $0xffff  }
0x2db: {  	v15 =	vld.idx.msk [tilespmem:v4+s30+$0x0], $0xffff  }
0x2dc: {  	v16 =	vld.idx.msk [tilespmem:v18+s30+$0x0], $0xffff  }
0x2dd: {  	v17 =	vld.idx.msk [tilespmem:v22+s30+$0x0], $0xffff  }
0x2de: {  	v18 =	vld.idx.msk [tilespmem:v19+s30+$0x0], $0xffff  }
0x2df: {  	v19 =	vld.idx.msk [tilespmem:v7+s30+$0x0], $0xffff  }
0x2e0: {  	v20 =	vld.idx.msk [tilespmem:v25+s30+$0x0], $0xffff  }
0x2e1: {  	v12 =	vsub.f32 v12, v10;
	v21 =	vld.idx.msk [tilespmem:v23+s30+$0x0], $0xffff  }
0x2e2: {  	v22 =	vsub.f32 v15, v13;
	v23 =	vsub.f32 v16, v11  }
0x2e3: {  	v16 =	vsub.f32 v17, v16  }
0x2e4: {  	v17 =	vmul.f32 v22, v22;
	v10 =	vsub.f32 v18, v10;
	v24 =	vmul.f32 v23, v23  }
0x2e5: {  	v14 =	vsub.f32 v14, v15;
	v15 =	vmul.f32 v16, v23;
	v25 =	vmul.f32 v16, v12  }
0x2e6: {  	v13 =	vsub.f32 v19, v13;
	v17 =	vadd.f32 v24, v17;
	v19 =	vmul.f32 v10, v10  }
0x2e7: {  	v24 =	vmul.f32 v14, v12;
	v18 =	vsub.f32 v21, v18;
	v21 =	vmul.f32 v10, v12  }
0x2e8: {  	v11 =	vsub.f32 v20, v11;
	v17 =	vadd.f32 v19, v17;
	v19 =	vmul.f32 v22, v13  }
0x2e9: {  	v26 =	vmul.f32 v14, v13;
	v20 =	vmul.f32 v18, v10  }
0x2ea: {  	v27 =	vmul.f32 v23, v11;
	v28 =	vmul.f32 v18, v13;
	vm0 =	veq.f32 v17, $0.0e+00  }
0x2eb: {  	v29 =	vmul.f32 v14, v11;
	v13 =	vmul.f32 v16, v13;
	v30 =	vsel vm0, $0x3F800000, v17  }
0x2ec: {  	v19 =	vadd.f32 v27, v19;
	v27 =	vshra.s32 v30, $0x1;
	v30 =	vmul.f32 $5.000000000e-01, v30  }
0x2ed: {  	v31 =	vmul.f32 v18, v11;
	v24 =	vsub.f32 v24, v28;
	v27 =	vsub.s32 $0x5F3759DF, v27  }
0x2ee: {  	v11 =	vmul.f32 v16, v11;
	v13 =	vsub.f32 v13, v29;
	v16 =	vmul.f32 v27, v30  }
0x2ef: {  	v14 =	vmul.f32 v14, v22;
	v25 =	vsub.f32 v31, v25;
	v23 =	vmul.f32 v24, v23  }
0x2f0: {  	v12 =	vmul.f32 v18, v12;
	v16 =	vmul.f32 v27, v16  }
0x2f1: {  	v14 =	vadd.f32 v15, v14;
	v11 =	vadd.f32 v11, v26;
	v15 =	vmul.f32 v25, v22  }
0x2f2: {  	v18 =	vadd.f32 v21, v19;
	v13 =	vmul.f32 v13, v10;
	v10 =	vsub.f32 $1.500000000e+00, v16  }
0x2f3: {  	v14 =	vadd.f32 v20, v14;
	v11 =	vadd.f32 v12, v11  }
0x2f4: {  	v12 =	vadd.f32 v23, v15;
	v15 =	vmul.f32 v27, v10  }
0x2f5: {  	v14 =	vmul.f32 v14, v18;
	v10 =	vmul.f32 v11, v17  }
0x2f6: {  	v16 =	vmul.f32 v15, v30  }
0x2f7: {  	v10 =	vsub.f32 v10, v14  }
0x2f8: {  	v14 =	vmul.f32 v16, v15  }
0x2f9: {  	v10 =	vsel vm0, v11, v10  }
0x2fa: {  	v11 =	vsub.f32 $1.500000000e+00, v14;
	_ =	sdelay $0x1  }
0x2fb: {  	v11 =	vmul.f32 v11, v15;
	_ =	sdelay $0x1  }
0x2fc: {  	v14 =	vmul.f32 v11, v30;
	_ =	sdelay $0x1  }
0x2fd: {  	v14 =	vmul.f32 v14, v11;
	_ =	sdelay $0x1  }
0x2fe: {  	v14 =	vsub.f32 $1.500000000e+00, v14;
	_ =	sdelay $0x1  }
.Ltmp4:
0x2ff: {  	v11 =	vmul.f32 v14, v11;
	(pc) =	sbr.rel @p1 .LBB2_11-.Ltmp4, $3  }
0x300: {  	_ = 	snop  }
0x301: {  	v12 =	vadd.f32 v12, v13;
	v11 =	vmul.f32 v11, v17;
	_ =	sdelay $0x1  }
0x302: {  	v11 =	vmul.f32 v11, v12  }
0x303: {  	_ = 	snop  }
0x304: {  	v5 =	vsel vm0, $0x0, v11  }
0x305: {  	v6 =	vmul.f32 v10, v10;
	v8 =	vmul.f32 v5, v5;
	_ =	sdelay $0x1  }
0x306: {  	v6 =	vadd.f32 v8, v6;
	_ =	sdelay $0x1  }
0x307: {  	vm15 =	veq.f32 v6, $0.0e+00  }
0x308: {  	v6 =	vsel vm15, $0x3F800000, v6  }
0x309: {  	v8 =	vshra.s32 v6, $0x1;
	v6 =	vmul.f32 $5.000000000e-01, v6  }
0x30a: {  	v8 =	vsub.s32 $0x5F3759DF, v8  }
0x30b: {  	v9 =	vmul.f32 v8, v6;
	_ =	sdelay $0x1  }
0x30c: {  	v9 =	vmul.f32 v8, v9;
	_ =	sdelay $0x1  }
0x30d: {  	v9 =	vsub.f32 $1.500000000e+00, v9;
	_ =	sdelay $0x1  }
0x30e: {  	v8 =	vmul.f32 v8, v9  }
0x30f: {  	v7 =	vor.u32 $0x3, v7  }
0x310: {  	v9 =	vmul.f32 v8, v6  }
0x311: {  	v3 =	vor.u32 $0x3, v3  }
0x312: {  	v9 =	vmul.f32 v9, v8;
	_ =	sdelay $0x1  }
0x313: {  	v4 =	vor.u32 $0x3, v4;
	v7 =	vld.idx.msk [tilespmem:v7+s30+$0x0], $0xffff;
	v9 =	vsub.f32 $1.500000000e+00, v9;
	_ =	sdelay $0x1  }
0x314: {  	v3 =	vld.idx.msk [tilespmem:v3+s30+$0x0], $0xffff;
	v8 =	vmul.f32 v9, v8  }
0x315: {  	v2 =	vor.u32 $0x3, v2  }
0x316: {  	v6 =	vmul.f32 v8, v6  }
0x317: {  	v4 =	vld.idx.msk [tilespmem:v4+s30+$0x0], $0xffff;
	v7 =	vtrunc.f32 v7  }
0x318: {  	v7 =	vcvt.f32.s32 v7;
	v6 =	vmul.f32 v6, v8  }
0x319: {  	v3 =	vtrunc.f32 v3  }
0x31a: {  	v2 =	vld.idx.msk [tilespmem:v2+s30+$0x0], $0xffff;
	v3 =	vcvt.f32.s32 v3;
	v7 =	vmul.u32 $0x14, v7;
	v6 =	vsub.f32 $1.500000000e+00, v6;
	_ =	sdelay $0x1  }
0x31b: {  	v4 =	vtrunc.f32 v4;
	v3 =	vadd.s32 v3, v7;
	v6 =	vmul.f32 v6, v8  }
0x31c: {  	v4 =	vcvt.f32.s32 v4;
	v3 =	vmul.u32 $0x14, v3  }
0x31d: {  	v7 =	vmul.f32 v6, v10  }
0x31e: {  	v2 =	vtrunc.f32 v2;
	v3 =	vadd.s32 v4, v3;
	v5 =	vmul.f32 v6, v5  }
0x31f: {  	v2 =	vcvt.f32.s32 v2;
	v3 =	vmul.u32 $0x14, v3;
	v4 =	vsel vm15, $0x3F800000, v7  }
0x320: {  	v5 =	vsel vm15, $0x0, v5;
	[tilespmem:s23+$0x0] =	vst v4  }
0x321: {  	v2 =	vadd.s32 v2, v3;
	[tilespmem:s24+$0x0] =	vst v5  }
0x322: {  	s25 =	simm.s32 $0x0;
	s10 =	simm.s32 $0x11580;
	[tilespmem:s0+$0x0] =	vst v2  }
0x323: {  	[tilespmem:s12], [sflag:$0x3] =	stream.indirect.gather [hbm4b:s9+s29], $0x10, s10, s29, $0xb8;
	[tilespmem:$0x17E00] =	vst v63  }
0x324: {  	v3 =	vmul.u32 $0x10, v1;
	v2 =	vmov s25;
	_ =	swait.ge [sflag:s13], $0x800  }
0x325: {  	v2 =	vshll.u32 v2, $0x4;
	[sflag:s13] =	ssyncset.done $0x0  }
0x326: {  	s10 =	simm.s32 $0x11600;
	v2 =	vor.u32 v3, v2;
	[sflag:s13] =	ssyncadd.s32 $0xFFFFF800  }
0x327: {  	v4 =	vor.u32 $0x1, v2;
	v5 =	vld [tilespmem:s10+$0x0]  }
0x328: {  	v6 =	vor.u32 $0x2, v2;
	_ =	sdelay $0x1  }
0x329: {  	s0 =	simm.s32 $0x11800;
	v7 =	vor.u32 $0x3, v2  }
0x32a: {  	v8 =	vor.u32 $0x4, v2;
	v60 =	vld [tilespmem:s0+$0x0]  }
0x32b: {  	v4 =	vld.idx.msk [tilespmem:v4+s2+$0x0], $0xffff;
	v61 =	vadd.f32 v5, v5  }
0x32c: {  	v6 =	vld.idx.msk [tilespmem:v6+s2+$0x0], $0xffff  }
0x32d: {  	v62 =	vor.u32 $0x5, v2;
	v10 =	vmul.f32 v61, v5  }
0x32e: {  	v7 =	vld.idx.msk [tilespmem:v7+s2+$0x0], $0xffff  }
0x32f: {  	v12 =	vor.u32 $0x6, v2;
	v8 =	vld.idx.msk [tilespmem:v8+s2+$0x0], $0xffff;
	v10 =	vadd.f32 $-1.000000000e+00, v10  }
0x330: {  	v13 =	vadd.f32 v60, v60  }
0x331: {  	v4 =	vmul.f32 v5, v4;
	v6 =	vmul.f32 v60, v6;
	v14 =	vadd.f32 v10, v10  }
0x332: {  	v11 =	vld.idx.msk [tilespmem:v62+s2+$0x0], $0xffff;
	v13 =	vmul.f32 v13, v5  }
0x333: {  	v4 =	vadd.f32 v6, v4;
	v6 =	vmul.f32 v10, v7;
	v15 =	vadd.f32 $-1.000000000e+00, v14  }
0x334: {  	v8 =	vmul.f32 v13, v8;
	v7 =	vld.idx.msk [tilespmem:v12+s2+$0x0], $0xffff  }
0x335: {  	v63 =	vadd.f32 $1.000000000e+00, v14;
	v4 =	vadd.f32 v6, v4;
	v5 =	vmul.f32 v15, v5  }
0x336: {  	v6 =	vld [tilespmem:s15+$0x0]  }
0x337: {  	v9 =	vmul.f32 v63, v60;
	v4 =	vadd.f32 v4, v8;
	v5 =	vmul.f32 v5, v11;
	_ =	sdelay $0x1  }
0x338: {  	v8 =	vld.idx.msk [tilespmem:v2+s2+$0x0], $0xffff;
	v2 =	vmul.u32 $0x400, v1;
	v4 =	vadd.f32 v5, v4;
	v5 =	vmul.f32 v9, v7;
	_ =	sdelay $0x1  }
0x339: {  	s11 =	simm.s32 $0x10;
	v9 =	vadd.f32 v4, v5;
	v5 =	vadd.s32 v2, v6  }
0x33a: {  	v7 =	vmov s11  }
0x33b: {  	s26 =	sshrl.u32 s18, $0x2;
	v4 =	vshll.u32 v7, $0x4  }
0x33c: {  	s23 =	sor.u32 $0x1000, s26;
	s11 =	simm.s32 $0x20;
	v4 =	vor.u32 v3, v4;
	v6 =	vsub.f32 v8, v9  }
.LBB2_13:
0x33d: {  	p1 =	sne.s32 s11, $0x70;
	v7 =	vor.u32 $0x1, v4  }
0x33e: {  	v8 =	vor.u32 $0x2, v4;
	s10 =	sadd.s32 $0x10, s10;
	[tilespmem:v5+s14+$0x0] =	vst.idx.add.f32.msk $0xffff, v6  }
0x33f: {  	v5 =	vld [tilespmem:s10+$0x0];
	_ =	sdelay $0x1  }
0x340: {  	v6 =	vor.u32 $0x3, v4  }
0x341: {  	v9 =	vor.u32 $0x4, v4;
	v7 =	vld.idx.msk [tilespmem:v7+s2+$0x0], $0xffff  }
0x342: {  	s0 =	sadd.s32 $0x10, s0;
	v8 =	vld.idx.msk [tilespmem:v8+s2+$0x0], $0xffff  }
0x343: {  	v10 =	vld [tilespmem:s0+$0x0];
	v11 =	vadd.f32 v5, v5  }
0x344: {  	v12 =	vor.u32 $0x5, v4  }
0x345: {  	v6 =	vld.idx.msk [tilespmem:v6+s2+$0x0], $0xffff;
	v11 =	vmul.f32 v11, v5  }
0x346: {  	v13 =	vor.u32 $0x6, v4;
	v9 =	vld.idx.msk [tilespmem:v9+s2+$0x0], $0xffff  }
0x347: {  	v11 =	vadd.f32 $-1.000000000e+00, v11  }
0x348: {  	v14 =	vadd.f32 v10, v10  }
0x349: {  	v7 =	vmul.f32 v5, v7;
	v8 =	vmul.f32 v10, v8;
	v12 =	vld.idx.msk [tilespmem:v12+s2+$0x0], $0xffff;
	v15 =	vadd.f32 v11, v11  }
0x34a: {  	v14 =	vmul.f32 v14, v5  }
0x34b: {  	v7 =	vadd.f32 v8, v7;
	v6 =	vmul.f32 v11, v6;
	v13 =	vld.idx.msk [tilespmem:v13+s2+$0x0], $0xffff;
	v16 =	vadd.f32 $-1.000000000e+00, v15  }
0x34c: {  	s15 =	sadd.s32 $0x10, s15;
	v8 =	vmul.f32 v14, v9  }
0x34d: {  	v11 =	vadd.f32 $1.000000000e+00, v15;
	v6 =	vadd.f32 v6, v7;
	v9 =	vld [tilespmem:s15+$0x0];
	v5 =	vmul.f32 v16, v5;
	_ =	sdelay $0x1  }
0x34e: {  	v6 =	vadd.f32 v6, v8;
	v7 =	vld.idx.msk [tilespmem:v4+s2+$0x0], $0xffff;
	v4 =	vmul.f32 v11, v10;
	v5 =	vmul.f32 v5, v12;
	_ =	sdelay $0x1  }
.Ltmp5:
0x34f: {  	v6 =	vadd.f32 v5, v6;
	v4 =	vmul.f32 v4, v13;
	(pc) =	sbr.rel @p1 .LBB2_13-.Ltmp5, $4  }
0x350: {  	v5 =	vadd.s32 v2, v9  }
0x351: {  	v8 =	vmov s11;
	v6 =	vadd.f32 v6, v4  }
0x352: {  	v4 =	vshll.u32 v8, $0x4  }
0x353: {  	s11 =	sadd.s32 $0x10, s11;
	v4 =	vor.u32 v3, v4;
	v6 =	vsub.f32 v7, v6  }
0x354: {  	_ =	sdelay $0x3  }
0x355: {  	s10 =	sadd.s32 $0x10, s10;
	[tilespmem:v5+s14+$0x0] =	vst.idx.add.f32.msk $0xffff, v6  }
0x356: {  	v7 =	vor.u32 $0x1, v4;
	v5 =	vld [tilespmem:s10+$0x0]  }
0x357: {  	v6 =	vor.u32 $0x2, v4;
	_ =	sdelay $0x1  }
0x358: {  	v8 =	vor.u32 $0x3, v4;
	s0 =	sadd.s32 $0x10, s0  }
0x359: {  	v9 =	vor.u32 $0x4, v4;
	v10 =	vld [tilespmem:s0+$0x0]  }
0x35a: {  	v7 =	vld.idx.msk [tilespmem:v7+s2+$0x0], $0xffff;
	v11 =	vadd.f32 v5, v5  }
0x35b: {  	v6 =	vld.idx.msk [tilespmem:v6+s2+$0x0], $0xffff  }
0x35c: {  	v12 =	vor.u32 $0x5, v4;
	v11 =	vmul.f32 v11, v5  }
0x35d: {  	v8 =	vld.idx.msk [tilespmem:v8+s2+$0x0], $0xffff  }
0x35e: {  	v13 =	vor.u32 $0x6, v4;
	v9 =	vld.idx.msk [tilespmem:v9+s2+$0x0], $0xffff;
	v11 =	vadd.f32 $-1.000000000e+00, v11  }
0x35f: {  	v14 =	vadd.f32 v10, v10  }
0x360: {  	v7 =	vmul.f32 v5, v7;
	v6 =	vmul.f32 v10, v6;
	v15 =	vadd.f32 v11, v11  }
0x361: {  	v12 =	vld.idx.msk [tilespmem:v12+s2+$0x0], $0xffff;
	v14 =	vmul.f32 v14, v5  }
0x362: {  	v6 =	vadd.f32 v6, v7;
	v7 =	vmul.f32 v11, v8;
	v16 =	vadd.f32 $-1.000000000e+00, v15  }
0x363: {  	s25 =	sadd.s32 $0x10, s15;
	v9 =	vmul.f32 v14, v9;
	v8 =	vld.idx.msk [tilespmem:v13+s2+$0x0], $0xffff  }
0x364: {  	v51 =	vld [tilespmem:s25+$0x0];
	v52 =	vadd.f32 $1.000000000e+00, v15;
	v6 =	vadd.f32 v7, v6;
	v5 =	vmul.f32 v16, v5;
	_ =	sdelay $0x1  }
0x365: {  	v7 =	vmul.f32 v52, v10;
	v6 =	vadd.f32 v6, v9;
	v5 =	vmul.f32 v5, v12  }
0x366: {  	v4 =	vld.idx.msk [tilespmem:v4+s2+$0x0], $0xffff  }
0x367: {  	v5 =	vadd.f32 v5, v6;
	v6 =	vmul.f32 v7, v8  }
0x368: {  	v7 =	vadd.s32 v2, v51  }
0x369: {  	v5 =	vadd.f32 v5, v6;
	_ =	sdelay $0x1  }
0x36a: {  	v4 =	vsub.f32 v4, v5;
	_ =	sdelay $0x1  }
0x36b: {  	s26 =	simm.s32 $0x0;
	[tilespmem:v7+s14+$0x0] =	vst.idx.add.f32.msk $0xffff, v4  }
0x36c: {  	v4 =	vmov s26;
	_ =	swait.ge [sflag:s13], $0x800  }
0x36d: {  	v5 =	vshll.u32 v4, $0x4;
	v4 =	vor.u32 $0x800, v3;
	[sflag:s13] =	ssyncset.done $0x0  }
0x36e: {  	s10 =	simm.s32 $0x11680;
	v5 =	vor.u32 v4, v5;
	[sflag:s13] =	ssyncadd.s32 $0xFFFFF800  }
0x36f: {  	v6 =	vor.u32 $0x1, v5;
	v7 =	vld [tilespmem:s10+$0x0]  }
0x370: {  	v8 =	vor.u32 $0x2, v5;
	_ =	sdelay $0x1  }
0x371: {  	s0 =	simm.s32 $0x11880;
	v53 =	vor.u32 $0x3, v5  }
0x372: {  	v54 =	vor.u32 $0x4, v5;
	v55 =	vld [tilespmem:s0+$0x0]  }
0x373: {  	v6 =	vld.idx.msk [tilespmem:v6+s2+$0x0], $0xffff;
	v56 =	vadd.f32 v7, v7  }
0x374: {  	v8 =	vld.idx.msk [tilespmem:v8+s2+$0x0], $0xffff  }
0x375: {  	v57 =	vor.u32 $0x5, v5;
	v12 =	vmul.f32 v56, v7  }
0x376: {  	v9 =	vld.idx.msk [tilespmem:v53+s2+$0x0], $0xffff  }
0x377: {  	v58 =	vor.u32 $0x6, v5;
	v10 =	vld.idx.msk [tilespmem:v54+s2+$0x0], $0xffff;
	v12 =	vadd.f32 $-1.000000000e+00, v12  }
0x378: {  	v59 =	vadd.f32 v55, v55  }
0x379: {  	v6 =	vmul.f32 v7, v6;
	v8 =	vmul.f32 v55, v8;
	v60 =	vadd.f32 v12, v12  }
0x37a: {  	v13 =	vld.idx.msk [tilespmem:v57+s2+$0x0], $0xffff;
	v15 =	vmul.f32 v59, v7  }
0x37b: {  	v6 =	vadd.f32 v8, v6;
	v8 =	vmul.f32 v12, v9;
	v17 =	vadd.f32 $-1.000000000e+00, v60  }
0x37c: {  	v61 =	vld.idx.msk [tilespmem:v58+s2+$0x0], $0xffff;
	v10 =	vmul.f32 v15, v10  }
0x37d: {  	v62 =	vadd.f32 $1.000000000e+00, v60;
	v6 =	vadd.f32 v8, v6;
	v7 =	vmul.f32 v17, v7  }
0x37e: {  	v8 =	vld [tilespmem:s22+$0x0]  }
0x37f: {  	v11 =	vmul.f32 v62, v55;
	v6 =	vadd.f32 v6, v10;
	v7 =	vmul.f32 v7, v13;
	_ =	sdelay $0x1  }
0x380: {  	v63 =	vld.idx.msk [tilespmem:v5+s2+$0x0], $0xffff;
	v5 =	vadd.f32 v7, v6;
	v6 =	vmul.f32 v11, v61;
	_ =	sdelay $0x1  }
0x381: {  	s11 =	simm.s32 $0x10;
	v9 =	vadd.f32 v5, v6;
	v6 =	vadd.s32 v2, v8  }
0x382: {  	v7 =	vmov s11  }
0x383: {  	v5 =	vshll.u32 v7, $0x4  }
0x384: {  	s11 =	simm.s32 $0x20;
	v5 =	vor.u32 v4, v5;
	v7 =	vsub.f32 v63, v9  }
.LBB2_15:
0x385: {  	p1 =	sne.s32 s11, $0x70;
	v8 =	vor.u32 $0x1, v5  }
0x386: {  	v9 =	vor.u32 $0x2, v5;
	s10 =	sadd.s32 $0x10, s10;
	[tilespmem:v6+s14+$0x0] =	vst.idx.add.f32.msk $0xffff, v7  }
0x387: {  	v6 =	vld [tilespmem:s10+$0x0];
	_ =	sdelay $0x1  }
0x388: {  	v7 =	vor.u32 $0x3, v5  }
0x389: {  	v10 =	vor.u32 $0x4, v5;
	v8 =	vld.idx.msk [tilespmem:v8+s2+$0x0], $0xffff  }
0x38a: {  	s0 =	sadd.s32 $0x10, s0;
	v9 =	vld.idx.msk [tilespmem:v9+s2+$0x0], $0xffff  }
0x38b: {  	v11 =	vld [tilespmem:s0+$0x0];
	v12 =	vadd.f32 v6, v6  }
0x38c: {  	v13 =	vor.u32 $0x5, v5  }
0x38d: {  	v7 =	vld.idx.msk [tilespmem:v7+s2+$0x0], $0xffff;
	v12 =	vmul.f32 v12, v6  }
0x38e: {  	v14 =	vor.u32 $0x6, v5;
	v10 =	vld.idx.msk [tilespmem:v10+s2+$0x0], $0xffff  }
0x38f: {  	v12 =	vadd.f32 $-1.000000000e+00, v12  }
0x390: {  	v15 =	vadd.f32 v11, v11  }
0x391: {  	v8 =	vmul.f32 v6, v8;
	v9 =	vmul.f32 v11, v9;
	v13 =	vld.idx.msk [tilespmem:v13+s2+$0x0], $0xffff;
	v16 =	vadd.f32 v12, v12  }
0x392: {  	v15 =	vmul.f32 v15, v6  }
0x393: {  	v8 =	vadd.f32 v9, v8;
	v7 =	vmul.f32 v12, v7;
	v14 =	vld.idx.msk [tilespmem:v14+s2+$0x0], $0xffff;
	v17 =	vadd.f32 $-1.000000000e+00, v16  }
0x394: {  	s22 =	sadd.s32 $0x10, s22;
	v9 =	vmul.f32 v15, v10  }
0x395: {  	v12 =	vadd.f32 $1.000000000e+00, v16;
	v7 =	vadd.f32 v7, v8;
	v10 =	vld [tilespmem:s22+$0x0];
	v6 =	vmul.f32 v17, v6;
	_ =	sdelay $0x1  }
0x396: {  	v7 =	vadd.f32 v7, v9;
	v8 =	vld.idx.msk [tilespmem:v5+s2+$0x0], $0xffff;
	v5 =	vmul.f32 v12, v11;
	v6 =	vmul.f32 v6, v13;
	_ =	sdelay $0x1  }
.Ltmp6:
0x397: {  	v7 =	vadd.f32 v6, v7;
	v5 =	vmul.f32 v5, v14;
	(pc) =	sbr.rel @p1 .LBB2_15-.Ltmp6, $4  }
0x398: {  	v6 =	vadd.s32 v2, v10  }
0x399: {  	v9 =	vmov s11;
	v7 =	vadd.f32 v7, v5  }
0x39a: {  	v5 =	vshll.u32 v9, $0x4  }
0x39b: {  	s11 =	sadd.s32 $0x10, s11;
	v5 =	vor.u32 v4, v5;
	v7 =	vsub.f32 v8, v7  }
0x39c: {  	_ =	sdelay $0x3  }
0x39d: {  	s10 =	sadd.s32 $0x10, s10;
	[tilespmem:v6+s14+$0x0] =	vst.idx.add.f32.msk $0xffff, v7  }
0x39e: {  	v4 =	vor.u32 $0x1, v5;
	v6 =	vld [tilespmem:s10+$0x0]  }
0x39f: {  	v7 =	vor.u32 $0x2, v5;
	_ =	sdelay $0x1  }
0x3a0: {  	v8 =	vor.u32 $0x3, v5;
	s0 =	sadd.s32 $0x10, s0  }
0x3a1: {  	v9 =	vor.u32 $0x4, v5;
	v10 =	vld [tilespmem:s0+$0x0]  }
0x3a2: {  	v4 =	vld.idx.msk [tilespmem:v4+s2+$0x0], $0xffff;
	v11 =	vadd.f32 v6, v6  }
0x3a3: {  	v7 =	vld.idx.msk [tilespmem:v7+s2+$0x0], $0xffff  }
0x3a4: {  	v12 =	vor.u32 $0x5, v5;
	v11 =	vmul.f32 v11, v6  }
0x3a5: {  	v8 =	vld.idx.msk [tilespmem:v8+s2+$0x0], $0xffff  }
0x3a6: {  	v13 =	vor.u32 $0x6, v5;
	v9 =	vld.idx.msk [tilespmem:v9+s2+$0x0], $0xffff;
	v11 =	vadd.f32 $-1.000000000e+00, v11  }
0x3a7: {  	v14 =	vadd.f32 v10, v10  }
0x3a8: {  	v4 =	vmul.f32 v6, v4;
	v7 =	vmul.f32 v10, v7;
	v15 =	vadd.f32 v11, v11  }
0x3a9: {  	v12 =	vld.idx.msk [tilespmem:v12+s2+$0x0], $0xffff;
	v14 =	vmul.f32 v14, v6  }
0x3aa: {  	v4 =	vadd.f32 v7, v4;
	v7 =	vmul.f32 v11, v8;
	v16 =	vadd.f32 $-1.000000000e+00, v15  }
0x3ab: {  	s25 =	sadd.s32 $0x10, s22;
	v9 =	vmul.f32 v14, v9;
	v8 =	vld.idx.msk [tilespmem:v13+s2+$0x0], $0xffff  }
0x3ac: {  	v51 =	vld [tilespmem:s25+$0x0];
	v52 =	vadd.f32 $1.000000000e+00, v15;
	v4 =	vadd.f32 v7, v4;
	v6 =	vmul.f32 v16, v6;
	_ =	sdelay $0x1  }
0x3ad: {  	v7 =	vmul.f32 v52, v10;
	v4 =	vadd.f32 v4, v9;
	v6 =	vmul.f32 v6, v12  }
0x3ae: {  	v5 =	vld.idx.msk [tilespmem:v5+s2+$0x0], $0xffff  }
0x3af: {  	v4 =	vadd.f32 v6, v4;
	v6 =	vmul.f32 v7, v8  }
0x3b0: {  	v7 =	vadd.s32 v2, v51  }
0x3b1: {  	v4 =	vadd.f32 v4, v6;
	_ =	sdelay $0x1  }
0x3b2: {  	v4 =	vsub.f32 v5, v4;
	_ =	sdelay $0x1  }
0x3b3: {  	s26 =	simm.s32 $0x0;
	[tilespmem:v7+s14+$0x0] =	vst.idx.add.f32.msk $0xffff, v4  }
0x3b4: {  	v4 =	vmov s26;
	_ =	swait.ge [sflag:s13], $0x800  }
0x3b5: {  	v5 =	vshll.u32 v4, $0x4;
	v4 =	vor.u32 $0x1000, v3;
	[sflag:s13] =	ssyncset.done $0x0  }
0x3b6: {  	s10 =	simm.s32 $0x11700;
	v5 =	vor.u32 v4, v5;
	[sflag:s13] =	ssyncadd.s32 $0xFFFFF800  }
0x3b7: {  	v6 =	vor.u32 $0x1, v5;
	v7 =	vld [tilespmem:s10+$0x0]  }
0x3b8: {  	v8 =	vor.u32 $0x2, v5;
	_ =	sdelay $0x1  }
0x3b9: {  	s0 =	simm.s32 $0x11900;
	v53 =	vor.u32 $0x3, v5  }
0x3ba: {  	v54 =	vor.u32 $0x4, v5;
	v55 =	vld [tilespmem:s0+$0x0]  }
0x3bb: {  	v6 =	vld.idx.msk [tilespmem:v6+s2+$0x0], $0xffff;
	v56 =	vadd.f32 v7, v7  }
0x3bc: {  	v8 =	vld.idx.msk [tilespmem:v8+s2+$0x0], $0xffff  }
0x3bd: {  	v57 =	vor.u32 $0x5, v5;
	v12 =	vmul.f32 v56, v7  }
0x3be: {  	v9 =	vld.idx.msk [tilespmem:v53+s2+$0x0], $0xffff  }
0x3bf: {  	v58 =	vor.u32 $0x6, v5;
	v10 =	vld.idx.msk [tilespmem:v54+s2+$0x0], $0xffff;
	v12 =	vadd.f32 $-1.000000000e+00, v12  }
0x3c0: {  	v59 =	vadd.f32 v55, v55  }
0x3c1: {  	v6 =	vmul.f32 v7, v6;
	v8 =	vmul.f32 v55, v8;
	v60 =	vadd.f32 v12, v12  }
0x3c2: {  	v13 =	vld.idx.msk [tilespmem:v57+s2+$0x0], $0xffff;
	v15 =	vmul.f32 v59, v7  }
0x3c3: {  	v6 =	vadd.f32 v8, v6;
	v8 =	vmul.f32 v12, v9;
	v17 =	vadd.f32 $-1.000000000e+00, v60  }
0x3c4: {  	v61 =	vld.idx.msk [tilespmem:v58+s2+$0x0], $0xffff;
	v10 =	vmul.f32 v15, v10  }
0x3c5: {  	v62 =	vadd.f32 $1.000000000e+00, v60;
	v6 =	vadd.f32 v8, v6;
	v7 =	vmul.f32 v17, v7  }
0x3c6: {  	v8 =	vld [tilespmem:s21+$0x0]  }
0x3c7: {  	v11 =	vmul.f32 v62, v55;
	v6 =	vadd.f32 v6, v10;
	v7 =	vmul.f32 v7, v13;
	_ =	sdelay $0x1  }
0x3c8: {  	v63 =	vld.idx.msk [tilespmem:v5+s2+$0x0], $0xffff;
	v5 =	vadd.f32 v7, v6;
	v6 =	vmul.f32 v11, v61;
	_ =	sdelay $0x1  }
0x3c9: {  	s11 =	simm.s32 $0x10;
	v9 =	vadd.f32 v5, v6;
	v6 =	vadd.s32 v2, v8  }
0x3ca: {  	v7 =	vmov s11  }
0x3cb: {  	v5 =	vshll.u32 v7, $0x4  }
0x3cc: {  	s11 =	simm.s32 $0x20;
	v5 =	vor.u32 v4, v5;
	v7 =	vsub.f32 v63, v9  }
.LBB2_17:
0x3cd: {  	p1 =	sne.s32 s11, $0x70;
	v8 =	vor.u32 $0x1, v5  }
0x3ce: {  	v9 =	vor.u32 $0x2, v5;
	s10 =	sadd.s32 $0x10, s10;
	[tilespmem:v6+s14+$0x0] =	vst.idx.add.f32.msk $0xffff, v7  }
0x3cf: {  	v6 =	vld [tilespmem:s10+$0x0];
	_ =	sdelay $0x1  }
0x3d0: {  	v7 =	vor.u32 $0x3, v5  }
0x3d1: {  	v10 =	vor.u32 $0x4, v5;
	v8 =	vld.idx.msk [tilespmem:v8+s2+$0x0], $0xffff  }
0x3d2: {  	s0 =	sadd.s32 $0x10, s0;
	v9 =	vld.idx.msk [tilespmem:v9+s2+$0x0], $0xffff  }
0x3d3: {  	v11 =	vld [tilespmem:s0+$0x0];
	v12 =	vadd.f32 v6, v6  }
0x3d4: {  	v13 =	vor.u32 $0x5, v5  }
0x3d5: {  	v7 =	vld.idx.msk [tilespmem:v7+s2+$0x0], $0xffff;
	v12 =	vmul.f32 v12, v6  }
0x3d6: {  	v14 =	vor.u32 $0x6, v5;
	v10 =	vld.idx.msk [tilespmem:v10+s2+$0x0], $0xffff  }
0x3d7: {  	v12 =	vadd.f32 $-1.000000000e+00, v12  }
0x3d8: {  	v15 =	vadd.f32 v11, v11  }
0x3d9: {  	v8 =	vmul.f32 v6, v8;
	v9 =	vmul.f32 v11, v9;
	v13 =	vld.idx.msk [tilespmem:v13+s2+$0x0], $0xffff;
	v16 =	vadd.f32 v12, v12  }
0x3da: {  	v15 =	vmul.f32 v15, v6  }
0x3db: {  	v8 =	vadd.f32 v9, v8;
	v7 =	vmul.f32 v12, v7;
	v14 =	vld.idx.msk [tilespmem:v14+s2+$0x0], $0xffff;
	v17 =	vadd.f32 $-1.000000000e+00, v16  }
0x3dc: {  	s21 =	sadd.s32 $0x10, s21;
	v9 =	vmul.f32 v15, v10  }
0x3dd: {  	v12 =	vadd.f32 $1.000000000e+00, v16;
	v7 =	vadd.f32 v7, v8;
	v10 =	vld [tilespmem:s21+$0x0];
	v6 =	vmul.f32 v17, v6;
	_ =	sdelay $0x1  }
0x3de: {  	v7 =	vadd.f32 v7, v9;
	v8 =	vld.idx.msk [tilespmem:v5+s2+$0x0], $0xffff;
	v5 =	vmul.f32 v12, v11;
	v6 =	vmul.f32 v6, v13;
	_ =	sdelay $0x1  }
.Ltmp7:
0x3df: {  	v7 =	vadd.f32 v6, v7;
	v5 =	vmul.f32 v5, v14;
	(pc) =	sbr.rel @p1 .LBB2_17-.Ltmp7, $4  }
0x3e0: {  	v6 =	vadd.s32 v2, v10  }
0x3e1: {  	v9 =	vmov s11;
	v7 =	vadd.f32 v7, v5  }
0x3e2: {  	v5 =	vshll.u32 v9, $0x4  }
0x3e3: {  	s11 =	sadd.s32 $0x10, s11;
	v5 =	vor.u32 v4, v5;
	v7 =	vsub.f32 v8, v7  }
0x3e4: {  	_ =	sdelay $0x3  }
0x3e5: {  	s10 =	sadd.s32 $0x10, s10;
	[tilespmem:v6+s14+$0x0] =	vst.idx.add.f32.msk $0xffff, v7  }
0x3e6: {  	v4 =	vor.u32 $0x1, v5;
	v6 =	vld [tilespmem:s10+$0x0]  }
0x3e7: {  	v7 =	vor.u32 $0x2, v5;
	_ =	sdelay $0x1  }
0x3e8: {  	v8 =	vor.u32 $0x3, v5;
	s0 =	sadd.s32 $0x10, s0  }
0x3e9: {  	v9 =	vor.u32 $0x4, v5;
	v10 =	vld [tilespmem:s0+$0x0]  }
0x3ea: {  	v4 =	vld.idx.msk [tilespmem:v4+s2+$0x0], $0xffff;
	v11 =	vadd.f32 v6, v6  }
0x3eb: {  	v7 =	vld.idx.msk [tilespmem:v7+s2+$0x0], $0xffff  }
0x3ec: {  	v12 =	vor.u32 $0x5, v5;
	v11 =	vmul.f32 v11, v6  }
0x3ed: {  	v8 =	vld.idx.msk [tilespmem:v8+s2+$0x0], $0xffff  }
0x3ee: {  	v13 =	vor.u32 $0x6, v5;
	v9 =	vld.idx.msk [tilespmem:v9+s2+$0x0], $0xffff;
	v11 =	vadd.f32 $-1.000000000e+00, v11  }
0x3ef: {  	v14 =	vadd.f32 v10, v10  }
0x3f0: {  	v4 =	vmul.f32 v6, v4;
	v7 =	vmul.f32 v10, v7;
	v15 =	vadd.f32 v11, v11  }
0x3f1: {  	v12 =	vld.idx.msk [tilespmem:v12+s2+$0x0], $0xffff;
	v14 =	vmul.f32 v14, v6  }
0x3f2: {  	v4 =	vadd.f32 v7, v4;
	v7 =	vmul.f32 v11, v8;
	v16 =	vadd.f32 $-1.000000000e+00, v15  }
0x3f3: {  	s25 =	sadd.s32 $0x10, s21;
	v9 =	vmul.f32 v14, v9;
	v8 =	vld.idx.msk [tilespmem:v13+s2+$0x0], $0xffff  }
0x3f4: {  	v52 =	vld [tilespmem:s25+$0x0];
	v53 =	vadd.f32 $1.000000000e+00, v15;
	v4 =	vadd.f32 v7, v4;
	v6 =	vmul.f32 v16, v6;
	_ =	sdelay $0x1  }
0x3f5: {  	v7 =	vmul.f32 v53, v10;
	v4 =	vadd.f32 v4, v9;
	v6 =	vmul.f32 v6, v12  }
0x3f6: {  	v5 =	vld.idx.msk [tilespmem:v5+s2+$0x0], $0xffff  }
0x3f7: {  	v4 =	vadd.f32 v6, v4;
	v6 =	vmul.f32 v7, v8  }
0x3f8: {  	v7 =	vadd.s32 v2, v52  }
0x3f9: {  	v4 =	vadd.f32 v4, v6;
	_ =	sdelay $0x1  }
0x3fa: {  	v4 =	vsub.f32 v5, v4;
	_ =	sdelay $0x1  }
0x3fb: {  	s26 =	simm.s32 $0x0;
	[tilespmem:v7+s14+$0x0] =	vst.idx.add.f32.msk $0xffff, v4  }
0x3fc: {  	v4 =	vmov s26;
	_ =	swait.ge [sflag:s13], $0x800  }
0x3fd: {  	v3 =	vor.u32 $0x1800, v3;
	v4 =	vshll.u32 v4, $0x4;
	[sflag:s13] =	ssyncset.done $0x0  }
0x3fe: {  	s10 =	simm.s32 $0x11780;
	v4 =	vor.u32 v3, v4;
	[sflag:s13] =	ssyncadd.s32 $0xFFFFF800  }
0x3ff: {  	v5 =	vor.u32 $0x1, v4;
	v6 =	vld [tilespmem:s10+$0x0]  }
0x400: {  	v7 =	vor.u32 $0x2, v4;
	_ =	sdelay $0x1  }
0x401: {  	s0 =	simm.s32 $0x11980;
	v8 =	vor.u32 $0x3, v4  }
0x402: {  	v54 =	vor.u32 $0x4, v4;
	v55 =	vld [tilespmem:s0+$0x0]  }
0x403: {  	v5 =	vld.idx.msk [tilespmem:v5+s2+$0x0], $0xffff;
	v56 =	vadd.f32 v6, v6  }
0x404: {  	v7 =	vld.idx.msk [tilespmem:v7+s2+$0x0], $0xffff  }
0x405: {  	v57 =	vor.u32 $0x5, v4;
	v11 =	vmul.f32 v56, v6  }
0x406: {  	v8 =	vld.idx.msk [tilespmem:v8+s2+$0x0], $0xffff  }
0x407: {  	v58 =	vor.u32 $0x6, v4;
	v9 =	vld.idx.msk [tilespmem:v54+s2+$0x0], $0xffff;
	v11 =	vadd.f32 $-1.000000000e+00, v11  }
0x408: {  	v59 =	vadd.f32 v55, v55  }
0x409: {  	v5 =	vmul.f32 v6, v5;
	v7 =	vmul.f32 v55, v7;
	v60 =	vadd.f32 v11, v11  }
0x40a: {  	v12 =	vld.idx.msk [tilespmem:v57+s2+$0x0], $0xffff;
	v14 =	vmul.f32 v59, v6  }
0x40b: {  	v5 =	vadd.f32 v7, v5;
	v7 =	vmul.f32 v11, v8;
	v61 =	vadd.f32 $-1.000000000e+00, v60  }
0x40c: {  	v9 =	vmul.f32 v14, v9;
	v8 =	vld.idx.msk [tilespmem:v58+s2+$0x0], $0xffff  }
0x40d: {  	v62 =	vadd.f32 $1.000000000e+00, v60;
	v5 =	vadd.f32 v7, v5;
	v6 =	vmul.f32 v61, v6  }
0x40e: {  	v7 =	vld [tilespmem:s19+$0x0]  }
0x40f: {  	v10 =	vmul.f32 v62, v55;
	v5 =	vadd.f32 v5, v9;
	v6 =	vmul.f32 v6, v12;
	_ =	sdelay $0x1  }
0x410: {  	v63 =	vld.idx.msk [tilespmem:v4+s2+$0x0], $0xffff;
	v4 =	vadd.f32 v6, v5;
	v5 =	vmul.f32 v10, v8;
	_ =	sdelay $0x1  }
0x411: {  	s11 =	simm.s32 $0x10;
	v8 =	vadd.f32 v4, v5;
	v5 =	vadd.s32 v2, v7  }
0x412: {  	v6 =	vmov s11  }
0x413: {  	v4 =	vshll.u32 v6, $0x4  }
0x414: {  	s11 =	simm.s32 $0x20;
	v4 =	vor.u32 v3, v4;
	v6 =	vsub.f32 v63, v8  }
.LBB2_19:
0x415: {  	p1 =	sne.s32 s11, $0x70;
	v7 =	vor.u32 $0x1, v4  }
0x416: {  	v8 =	vor.u32 $0x2, v4;
	s10 =	sadd.s32 $0x10, s10;
	[tilespmem:v5+s14+$0x0] =	vst.idx.add.f32.msk $0xffff, v6  }
0x417: {  	v5 =	vld [tilespmem:s10+$0x0];
	_ =	sdelay $0x1  }
0x418: {  	v6 =	vor.u32 $0x3, v4  }
0x419: {  	v9 =	vor.u32 $0x4, v4;
	v7 =	vld.idx.msk [tilespmem:v7+s2+$0x0], $0xffff  }
0x41a: {  	s0 =	sadd.s32 $0x10, s0;
	v8 =	vld.idx.msk [tilespmem:v8+s2+$0x0], $0xffff  }
0x41b: {  	v10 =	vld [tilespmem:s0+$0x0];
	v11 =	vadd.f32 v5, v5  }
0x41c: {  	v12 =	vor.u32 $0x5, v4  }
0x41d: {  	v6 =	vld.idx.msk [tilespmem:v6+s2+$0x0], $0xffff;
	v11 =	vmul.f32 v11, v5  }
0x41e: {  	v13 =	vor.u32 $0x6, v4;
	v9 =	vld.idx.msk [tilespmem:v9+s2+$0x0], $0xffff  }
0x41f: {  	v11 =	vadd.f32 $-1.000000000e+00, v11  }
0x420: {  	v14 =	vadd.f32 v10, v10  }
0x421: {  	v7 =	vmul.f32 v5, v7;
	v8 =	vmul.f32 v10, v8;
	v12 =	vld.idx.msk [tilespmem:v12+s2+$0x0], $0xffff;
	v15 =	vadd.f32 v11, v11  }
0x422: {  	v14 =	vmul.f32 v14, v5  }
0x423: {  	v7 =	vadd.f32 v8, v7;
	v6 =	vmul.f32 v11, v6;
	v13 =	vld.idx.msk [tilespmem:v13+s2+$0x0], $0xffff;
	v16 =	vadd.f32 $-1.000000000e+00, v15  }
0x424: {  	s19 =	sadd.s32 $0x10, s19;
	v8 =	vmul.f32 v14, v9  }
0x425: {  	v11 =	vadd.f32 $1.000000000e+00, v15;
	v6 =	vadd.f32 v6, v7;
	v9 =	vld [tilespmem:s19+$0x0];
	v5 =	vmul.f32 v16, v5;
	_ =	sdelay $0x1  }
0x426: {  	v6 =	vadd.f32 v6, v8;
	v7 =	vld.idx.msk [tilespmem:v4+s2+$0x0], $0xffff;
	v4 =	vmul.f32 v11, v10;
	v5 =	vmul.f32 v5, v12;
	_ =	sdelay $0x1  }
.Ltmp8:
0x427: {  	v6 =	vadd.f32 v5, v6;
	v4 =	vmul.f32 v4, v13;
	(pc) =	sbr.rel @p1 .LBB2_19-.Ltmp8, $4  }
0x428: {  	v5 =	vadd.s32 v2, v9  }
0x429: {  	v8 =	vmov s11;
	v6 =	vadd.f32 v6, v4  }
0x42a: {  	v4 =	vshll.u32 v8, $0x4  }
0x42b: {  	s11 =	sadd.s32 $0x10, s11;
	v4 =	vor.u32 v3, v4;
	v6 =	vsub.f32 v7, v6  }
0x42c: {  	_ =	sdelay $0x3  }
0x42d: {  	s10 =	sadd.s32 $0x10, s10;
	[tilespmem:v5+s14+$0x0] =	vst.idx.add.f32.msk $0xffff, v6  }
0x42e: {  	v3 =	vor.u32 $0x1, v4;
	v5 =	vld [tilespmem:s10+$0x0]  }
0x42f: {  	v56 =	vor.u32 $0x2, v4;
	_ =	sdelay $0x1  }
0x430: {  	v7 =	vor.u32 $0x3, v4;
	s0 =	sadd.s32 $0x10, s0  }
0x431: {  	v8 =	vor.u32 $0x4, v4;
	v9 =	vld [tilespmem:s0+$0x0]  }
0x432: {  	v3 =	vld.idx.msk [tilespmem:v3+s2+$0x0], $0xffff;
	v10 =	vadd.f32 v5, v5  }
0x433: {  	v6 =	vld.idx.msk [tilespmem:v56+s2+$0x0], $0xffff  }
0x434: {  	v11 =	vor.u32 $0x5, v4;
	v10 =	vmul.f32 v10, v5  }
0x435: {  	v7 =	vld.idx.msk [tilespmem:v7+s2+$0x0], $0xffff  }
0x436: {  	v12 =	vor.u32 $0x6, v4;
	v8 =	vld.idx.msk [tilespmem:v8+s2+$0x0], $0xffff;
	v10 =	vadd.f32 $-1.000000000e+00, v10  }
0x437: {  	v13 =	vadd.f32 v9, v9  }
0x438: {  	v3 =	vmul.f32 v5, v3;
	v6 =	vmul.f32 v9, v6;
	v14 =	vadd.f32 v10, v10  }
0x439: {  	v11 =	vld.idx.msk [tilespmem:v11+s2+$0x0], $0xffff;
	v13 =	vmul.f32 v13, v5  }
0x43a: {  	v3 =	vadd.f32 v6, v3;
	v57 =	vmul.f32 v10, v7;
	v15 =	vadd.f32 $-1.000000000e+00, v14  }
0x43b: {  	s11 =	sadd.s32 $0x10, s19;
	v58 =	vld.idx.msk [tilespmem:v12+s2+$0x0], $0xffff;
	v8 =	vmul.f32 v13, v8  }
0x43c: {  	v59 =	vld [tilespmem:s11+$0x0];
	v60 =	vadd.f32 $1.000000000e+00, v14;
	v3 =	vadd.f32 v57, v3;
	v5 =	vmul.f32 v15, v5;
	_ =	sdelay $0x1  }
0x43d: {  	v61 =	vmul.f32 v60, v9;
	v3 =	vadd.f32 v3, v8;
	v5 =	vmul.f32 v5, v11  }
0x43e: {  	v62 =	vld.idx.msk [tilespmem:v4+s2+$0x0], $0xffff  }
0x43f: {  	v63 =	vmul.f32 v61, v58;
	v3 =	vadd.f32 v5, v3  }
0x440: {  	v2 =	vadd.s32 v2, v59  }
0x441: {  	v3 =	vadd.f32 v3, v63  }
0x442: {  	s15 =	sshll.u32 s17, $0x9  }
0x443: {  	s0 =	sadd.s32 s15, s20;
	v3 =	vsub.f32 v62, v3  }
0x444: {  	s0 =	sshrl.u32 s0, $0x3  }
0x445: {  	s19 =	sadd.s32 s4, s0;
	[tilespmem:v2+s14+$0x0] =	vst.idx.add.f32.msk $0xffff, v3  }
0x446: {  	[tilespmem:s18], [sflag:$0x2] =	stream.linear.gather [hbm4b:s19+s1], $0x200, $0x38;
	[tilespmem:$0x17E00] =	vst v63  }
0x447: {  	s21 =	sor.u32 $0x200, s18;
	s17 =	sadd.s32 $0x1, s17;
	s11 =	sadd.s32 s5, s0  }
0x448: {  	[tilespmem:s21], [sflag:$0x2] =	stream.linear.gather [hbm4b:s11+s1], $0x200, $0x38;
	[tilespmem:$0x17E00] =	vst v63  }
0x449: {  	s22 =	sor.u32 $0x400, s18;
	p1 =	sne.s32 s17, $0x62;
	s24 =	sadd.s32 s6, s0  }
0x44a: {  	[tilespmem:s22], [sflag:$0x2] =	stream.linear.gather [hbm4b:s24+s1], $0x200, $0x38;
	[tilespmem:$0x17E00] =	vst v63  }
.Ltmp9:
0x44b: {  	_ = 	snop;
	(pc) =	sbr.rel @p1 .LBB2_4-.Ltmp9, $4  }
0x44c: {  	s25 =	sor.u32 $0x600, s18;
	s26 =	sadd.s32 s7, s0  }
0x44d: {  	[tilespmem:s25], [sflag:$0x2] =	stream.linear.gather [hbm4b:s26+s1], $0x200, $0x38;
	[tilespmem:$0x17E00] =	vst v63  }
0x44e: {  	p0 =	por !p0, !p0;
	s0 =	sadd.s32 s8, s0  }
0x44f: {  	[tilespmem:s23], [sflag:$0x2] =	stream.linear.gather [hbm4b:s0+s1], $0x200, $0x38;
	[tilespmem:$0x17E00] =	vst v63  }
0x450: {  	_ =	swait.ge [sflag:s28], $0x800  }
0x451: {  	[sflag:s28] =	ssyncset.done $0x0  }
0x452: {  	[sflag:s28] =	ssyncadd.s32 $0xFFFFF800  }
0x453: {  	_ =	swait.ge [sflag:s28], $0x800  }
0x454: {  	[sflag:s28] =	ssyncset.done $0x0  }
0x455: {  	[sflag:s28] =	ssyncadd.s32 $0xFFFFF800  }
0x456: {  	_ =	swait.ge [sflag:s28], $0x800  }
0x457: {  	[sflag:s28] =	ssyncset.done $0x0  }
0x458: {  	[sflag:s28] =	ssyncadd.s32 $0xFFFFF800  }
0x459: {  	_ =	swait.ge [sflag:s28], $0x800  }
0x45a: {  	[sflag:s28] =	ssyncset.done $0x0  }
0x45b: {  	[sflag:s28] =	ssyncadd.s32 $0xFFFFF800  }
0x45c: {  	_ =	swait.ge [sflag:s28], $0x800  }
0x45d: {  	[sflag:s28] =	ssyncset.done $0x0  }
0x45e: {  	[sflag:s28] =	ssyncadd.s32 $0xFFFFF800  }
0x45f: {  	_ =	swait.ge [sflag:s28], $0x800  }
0x460: {  	[sflag:s28] =	ssyncset.done $0x0  }
0x461: {  	[sflag:s28] =	ssyncadd.s32 $0xFFFFF800  }
0x462: {  	_ =	swait.ge [sflag:s28], $0x800  }
0x463: {  	[sflag:s28] =	ssyncset.done $0x0  }
0x464: {  	[sflag:s28] =	ssyncadd.s32 $0xFFFFF800  }
0x465: {  	_ =	swait.ge [sflag:s28], $0x800  }
0x466: {  	[sflag:s28] =	ssyncset.done $0x0  }
0x467: {  	[sflag:s28] =	ssyncadd.s32 $0xFFFFF800  }
0x468: {  	_ =	swait.ge [sflag:s28], $0x800  }
0x469: {  	[sflag:s28] =	ssyncset.done $0x0  }
0x46a: {  	[sflag:s28] =	ssyncadd.s32 $0xFFFFF800  }
0x46b: {  	_ =	swait.ge [sflag:s28], $0x800  }
0x46c: {  	[sflag:s28] =	ssyncset.done $0x0  }
0x46d: {  	[sflag:s28] =	ssyncadd.s32 $0xFFFFF800  }
0x46e: {  	_ =	swait.ge [sflag:s28], $0x800  }
0x46f: {  	[sflag:s28] =	ssyncset.done $0x0  }
0x470: {  	[sflag:s28] =	ssyncadd.s32 $0xFFFFF800  }
0x471: {  	_ =	swait.ge [sflag:s28], $0x800  }
0x472: {  	[sflag:s28] =	ssyncset.done $0x0  }
0x473: {  	[sflag:s28] =	ssyncadd.s32 $0xFFFFF800  }
0x474: {  	_ =	swait.ge [sflag:s28], $0x800  }
0x475: {  	[sflag:s28] =	ssyncset.done $0x0  }
0x476: {  	[sflag:s28] =	ssyncadd.s32 $0xFFFFF800  }
0x477: {  	_ =	swait.ge [sflag:s28], $0x800  }
0x478: {  	[sflag:s28] =	ssyncset.done $0x0  }
0x479: {  	[sflag:s28] =	ssyncadd.s32 $0xFFFFF800  }
0x47a: {  	_ =	swait.ge [sflag:s28], $0x800  }
0x47b: {  	[sflag:s28] =	ssyncset.done $0x0  }
0x47c: {  	[sflag:s28] =	ssyncadd.s32 $0xFFFFF800  }
0x47d: {  	_ =	swait.ge [sflag:s28], $0x800  }
0x47e: {  	[sflag:s28] =	ssyncset.done $0x0  }
0x47f: {  	[sflag:s28] =	ssyncadd.s32 $0xFFFFF800  }
0x480: {  	_ =	swait.ge [sflag:s31], $0x200  }
0x481: {  	[sflag:s31] =	ssyncset.done $0x0  }
0x482: {  	[sflag:s31] =	ssyncadd.s32 $0xFFFFFE00  }
0x483: {  	_ =	swait.ge [sflag:s31], $0x200  }
0x484: {  	[sflag:s31] =	ssyncset.done $0x0  }
0x485: {  	[sflag:s31] =	ssyncadd.s32 $0xFFFFFE00  }
0x486: {  	_ =	swait.ge [sflag:s31], $0x200  }
0x487: {  	[sflag:s31] =	ssyncset.done $0x0  }
0x488: {  	[sflag:s31] =	ssyncadd.s32 $0xFFFFFE00  }
0x489: {  	_ =	swait.ge [sflag:s31], $0x200  }
0x48a: {  	[sflag:s31] =	ssyncset.done $0x0  }
0x48b: {  	[sflag:s31] =	ssyncadd.s32 $0xFFFFFE00  }
0x48c: {  	_ =	swait.ge [sflag:s31], $0x200  }
0x48d: {  	[sflag:s31] =	ssyncset.done $0x0  }
0x48e: {  	s10 =	simm.s32 $0x0;
	[sflag:s31] =	ssyncadd.s32 $0xFFFFFE00  }
0x48f: {  	v2 =	vld [tilespmem:s10+$0x13A00]  }
0x490: {  	v3 =	vld [tilespmem:s10+$0x13E00];
	_ =	sdelay $0x1  }
0x491: {  	v4 =	vld [tilespmem:s10+$0x14200];
	_ =	sdelay $0x1  }
0x492: {  	v5 =	vld [tilespmem:s10+$0x14600]  }
0x493: {  	v2 =	vadd.f32 v3, v2  }
0x494: {  	v3 =	vld [tilespmem:s10+$0x14A00]  }
0x495: {  	v2 =	vadd.f32 v4, v2  }
0x496: {  	v4 =	vld [tilespmem:s10+$0x14E00]  }
0x497: {  	v2 =	vadd.f32 v5, v2  }
0x498: {  	v5 =	vld [tilespmem:s10+$0x15200]  }
0x499: {  	v2 =	vadd.f32 v3, v2  }
0x49a: {  	v3 =	vld [tilespmem:s10+$0x15600]  }
0x49b: {  	s0 =	simm.s32 $0x10;
	v6 =	vld [tilespmem:s10+$0x15A00];
	v2 =	vadd.f32 v4, v2  }
0x49c: {  	v7 =	vld [tilespmem:s0+$0x13A00]  }
0x49d: {  	v4 =	vld [tilespmem:s10+$0x15E00];
	v2 =	vadd.f32 v5, v2  }
0x49e: {  	v5 =	vld [tilespmem:s0+$0x13E00]  }
0x49f: {  	v8 =	vld [tilespmem:s0+$0x14200];
	v2 =	vadd.f32 v3, v2  }
0x4a0: {  	v3 =	vld [tilespmem:s10+$0x16200]  }
0x4a1: {  	v9 =	vld [tilespmem:s0+$0x14600];
	v2 =	vadd.f32 v6, v2  }
0x4a2: {  	v6 =	vld [tilespmem:s10+$0x16600]  }
0x4a3: {  	v5 =	vadd.f32 v5, v7;
	v7 =	vld [tilespmem:s0+$0x14A00];
	v2 =	vadd.f32 v4, v2  }
0x4a4: {  	v4 =	vld [tilespmem:s10+$0x16A00]  }
0x4a5: {  	v5 =	vadd.f32 v8, v5;
	v8 =	vld [tilespmem:s0+$0x14E00];
	v2 =	vadd.f32 v3, v2  }
0x4a6: {  	v3 =	vld [tilespmem:s10+$0x16E00]  }
0x4a7: {  	v10 =	vld [tilespmem:s0+$0x15200];
	v5 =	vadd.f32 v9, v5;
	v2 =	vadd.f32 v6, v2  }
0x4a8: {  	v9 =	vld [tilespmem:s10+$0x17200]  }
0x4a9: {  	v6 =	vadd.f32 v7, v5;
	v5 =	vld [tilespmem:s0+$0x15600];
	v7 =	vadd.f32 v4, v2  }
0x4aa: {  	v4 =	vld [tilespmem:s10+$0x17600]  }
0x4ab: {  	v2 =	vld [tilespmem:s0+$0x15E00];
	v8 =	vadd.f32 v8, v6;
	v11 =	vadd.f32 v3, v7  }
0x4ac: {  	s11 =	simm.s32 $0x20;
	v6 =	vld [tilespmem:s0+$0x15A00]  }
0x4ad: {  	s15 =	simm.s32 $0xC0;
	v3 =	vld [tilespmem:s11+$0x13A00];
	v7 =	vadd.f32 v10, v8;
	v8 =	vadd.f32 v9, v11  }
.LBB2_22:
0x4ae: {  	p0 =	sne.s32 s15, $0xFC0;
	v9 =	vld [tilespmem:s11+$0x13E00]  }
0x4af: {  	v5 =	vadd.f32 v5, v7;
	v7 =	vld [tilespmem:s0+$0x16200];
	v4 =	vadd.f32 v4, v8  }
0x4b0: {  	v8 =	vld [tilespmem:s11+$0x14200]  }
0x4b1: {  	v5 =	vadd.f32 v6, v5;
	v6 =	vld [tilespmem:s0+$0x16600];
	[tilespmem:s10+$0x17A00] =	vst v4;
	s10 =	smov.u32 s0;
	s0 =	smov.u32 s11  }
0x4b2: {  	v4 =	vld [tilespmem:s0+$0x14600]  }
0x4b3: {  	v3 =	vadd.f32 v9, v3;
	v2 =	vadd.f32 v2, v5;
	v5 =	vld [tilespmem:s10+$0x16A00]  }
0x4b4: {  	v9 =	vld [tilespmem:s0+$0x14A00]  }
0x4b5: {  	v3 =	vadd.f32 v8, v3;
	v2 =	vadd.f32 v7, v2;
	v7 =	vld [tilespmem:s10+$0x16E00]  }
0x4b6: {  	v8 =	vld [tilespmem:s0+$0x14E00]  }
0x4b7: {  	v3 =	vadd.f32 v4, v3;
	v2 =	vadd.f32 v6, v2;
	v10 =	vld [tilespmem:s10+$0x17200]  }
0x4b8: {  	v11 =	vld [tilespmem:s0+$0x15200]  }
.Ltmp10:
0x4b9: {  	v3 =	vadd.f32 v9, v3;
	v6 =	vadd.f32 v5, v2;
	v4 =	vld [tilespmem:s10+$0x17600];
	(pc) =	sbr.rel @p0 .LBB2_22-.Ltmp10, $4  }
0x4ba: {  	v5 =	vld [tilespmem:s0+$0x15600]  }
0x4bb: {  	v8 =	vadd.f32 v8, v3;
	v2 =	vld [tilespmem:s0+$0x15E00];
	v9 =	vadd.f32 v7, v6  }
0x4bc: {  	s11 =	sshra.s32 s15, $0x2;
	v6 =	vld [tilespmem:s0+$0x15A00]  }
0x4bd: {  	s15 =	sadd.s32 $0x40, s15;
	v3 =	vld [tilespmem:s11+$0x13A00];
	v7 =	vadd.f32 v11, v8;
	v8 =	vadd.f32 v10, v9  }
0x4be: {  	v9 =	vld [tilespmem:s11+$0x13E00]  }
0x4bf: {  	v10 =	vld [tilespmem:s0+$0x16200];
	v4 =	vadd.f32 v4, v8  }
0x4c0: {  	v49 =	vld [tilespmem:s11+$0x14200]  }
0x4c1: {  	v11 =	vld [tilespmem:s0+$0x16600];
	v5 =	vadd.f32 v5, v7;
	[tilespmem:s10+$0x17A00] =	vst v4  }
0x4c2: {  	v4 =	vld [tilespmem:s11+$0x14600]  }
0x4c3: {  	v5 =	vadd.f32 v6, v5;
	v3 =	vadd.f32 v9, v3  }
0x4c4: {  	v50 =	vld [tilespmem:s11+$0x14A00]  }
0x4c5: {  	v51 =	vld [tilespmem:s0+$0x16A00];
	v2 =	vadd.f32 v2, v5;
	v3 =	vadd.f32 v49, v3  }
0x4c6: {  	v52 =	vld [tilespmem:s11+$0x14E00]  }
0x4c7: {  	v53 =	vld [tilespmem:s0+$0x16E00];
	v2 =	vadd.f32 v10, v2;
	v3 =	vadd.f32 v4, v3  }
0x4c8: {  	v54 =	vld [tilespmem:s11+$0x15200]  }
0x4c9: {  	v55 =	vld [tilespmem:s0+$0x17200];
	v2 =	vadd.f32 v11, v2;
	v3 =	vadd.f32 v50, v3  }
0x4ca: {  	v56 =	vld [tilespmem:s11+$0x15600]  }
0x4cb: {  	v57 =	vld [tilespmem:s0+$0x17600];
	v2 =	vadd.f32 v51, v2;
	v3 =	vadd.f32 v52, v3  }
0x4cc: {  	v58 =	vld [tilespmem:s11+$0x15A00]  }
0x4cd: {  	v2 =	vadd.f32 v53, v2;
	v3 =	vadd.f32 v54, v3  }
0x4ce: {  	v59 =	vld [tilespmem:s11+$0x15E00]  }
0x4cf: {  	v2 =	vadd.f32 v55, v2;
	v3 =	vadd.f32 v56, v3  }
0x4d0: {  	v60 =	vld [tilespmem:s11+$0x16200]  }
0x4d1: {  	v2 =	vadd.f32 v57, v2;
	v3 =	vadd.f32 v58, v3  }
0x4d2: {  	v61 =	vld [tilespmem:s11+$0x16600]  }
0x4d3: {  	[tilespmem:s0+$0x17A00] =	vst v2;
	v2 =	vadd.f32 v59, v3  }
0x4d4: {  	v3 =	vld [tilespmem:s11+$0x16A00]  }
0x4d5: {  	v2 =	vadd.f32 v60, v2  }
0x4d6: {  	v62 =	vld [tilespmem:s11+$0x16E00]  }
0x4d7: {  	v2 =	vadd.f32 v61, v2  }
0x4d8: {  	v63 =	vld [tilespmem:s11+$0x17200]  }
0x4d9: {  	v2 =	vadd.f32 v3, v2  }
0x4da: {  	v3 =	vld [tilespmem:s11+$0x17600]  }
0x4db: {  	v2 =	vadd.f32 v62, v2;
	_ =	sdelay $0x1  }
0x4dc: {  	v2 =	vadd.f32 v63, v2;
	_ =	sdelay $0x1  }
0x4dd: {  	v2 =	vadd.f32 v3, v2;
	_ =	sdelay $0x1  }
0x4de: {  	s23 =	rddreg [dreg:$0xc];
	s24 =	simm.s32 $0x17A00;
	[tilespmem:s11+$0x17A00] =	vst v2;
	s11 =	simm.s32 $0x4  }
0x4df: {  	[hbm4b:s23+s1] =	stream.linear.scatter [tilespmem:s24], [sflag:$0x4], $0x400, $0x38;
	[tilespmem:$0x17E00] =	vst v63  }
0x4e0: {  	_ =	swait.ge [sflag:s11], $0x400  }
0x4e1: {  	s25 =	rddreg [dreg:$0xe]  }
0x4e2: {  	s26 =	rddreg [dreg:$0xd];
	s10 =	sadd.s32 $0x1, s25  }
0x4e3: {  	p0 =	sne.s32 s10, s26  }
.Ltmp11:
0x4e4: {  	_ = 	snop;
	(pc) =	sbr.rel @p0 .LBB2_1-.Ltmp11, $3  }
0x4e5: {  	_ =	sdelay $0x1  }
0x4e6: {  	[sflag:s11] =	ssyncset.done $0x0  }
0x4e7: {  	[sflag:s11] =	ssyncadd.s32 $0xFFFFFC00  }
0x4e8: {  	_ =	sfence.sel $0x180000  }
0x4e9: {  	[bflag:$0x0] =	sbarrier.arrive $0xFFFF  }
0x4ea: {  	_ =	strace $0x9000004A  }
0x4eb: {  	s0 =	stileid.u32;
	[bflag:$0x2] =	sbarrier.arrive $0xFFFF  }
0x4ec: {  	p0 =	sne.s32 s0, $0x0;
	s0 =	rddreg [dreg:$0x1]  }
0x4ed: {  	s0 =	sadd.s32 @!p0 $0x100000, s0  }
0x4ee: {  	[sflag:s0] =	ssyncadd.tile.s32 @!p0 $0x1;
	_ =	shalt  }
.Lfunc_end2:
_tile_overlayer_lowered:
.L_overlay_start_2:
0x4ef: {  	(tag) =	ssettag $0x2  }
0x4f0: {  	s0 =	rddreg [dreg:$0x0];
	s2 =	stileid.u32  }
0x4f1: {  	s1 =	rddreg [dreg:$0x1];
	p0 =	sne.s32 s2, $0x0  }
0x4f2: {  	s3 =	rddreg [dreg:$0x2];
	[bflag:$0x3] =	sbarrier.arrive $0xFFFF;
	s2 =	simm.s32 @!p0 $0x1C04  }
0x4f3: {  	[timem:s3], [sflag:s2] =	dma.local @!p0 [hbm:s0], s1  }
0x4f4: {  	s0 =	simm.s32 @!p0 $0x4  }
0x4f5: {  	_ =	swait.ge @!p0 [sflag:s0], s1  }
0x4f6: {  	s1 =	ssub.s32 @!p0 $0x0, s1;
	[sflag:s0] =	ssyncset.done @!p0 $0x0  }
0x4f7: {  	[sflag:s0] =	ssyncadd.s32 @!p0 s1  }
0x4f8: {  	[bflag:$0x3] =	sbarrier.arrive $0xFFFF  }
0x4f9: {  	_ =	shalt  }

</sc_bundles>
